<compile_context>
chip_gen: v7x
topology: tpu7x:2x2x1
jax: 0.10.2.dev20260603
libtpu: 0.0.44.dev20260713+nightly
codegen_flags: <defaults>
</compile_context>

<pallas_src>
import functools

import jax
import jax.numpy as jnp
from jax import lax
from jax.experimental import pallas as pl
from jax.experimental.pallas import tpu as pltpu
from jax.experimental.pallas import tpu_sc as plsc

N = 50000
K = 32
B = 4
F = 3
EMB = 6
ROW = 16
NW = 32
CH = 40
ECH = CH * K
NCHUNKS = N // CH
TPW = -(-NCHUNKS // NW)
assert TPW % 2 == 0


def _f_table_tc(x, emb_t, fc_weight, fc_bias):
    bn = 1920

    def body(x_ref, e_ref, w_ref, b_ref, o_ref):
        w = w_ref[...]
        s = jnp.sum(w, axis=1)
        svec = jnp.concatenate([s] * B + [jnp.zeros((ROW - B * F,), jnp.float32)])
        b_i = lax.broadcasted_iota(jnp.int32, (B, ROW), 0)
        c_i = lax.broadcasted_iota(jnp.int32, (B, ROW), 1)
        sel = jnp.where((c_i // F == b_i) & (c_i < B * F), 1.0, 0.0)
        smat = sel * svec[None, :]
        wt = jnp.concatenate([w.T] * B + [jnp.zeros((EMB, ROW - B * F),
                                                    jnp.float32)], axis=1)
        bvec = jnp.concatenate([b_ref[...]] * B +
                               [jnp.zeros((ROW - B * F,), jnp.float32)])
        fx = lax.dot_general(x_ref[...], smat, (((0,), (0,)), ((), ())),
                             preferred_element_type=jnp.float32)
        fe = lax.dot_general(e_ref[...], wt, (((0,), (0,)), ((), ())),
                             preferred_element_type=jnp.float32)
        o = fx + fe + bvec[None, :]
        o_ref[...] = jnp.where(o >= 0, o, 0.2 * o)

    return pl.pallas_call(
        body,
        grid=(pl.cdiv(N, bn),),
        in_specs=[
            pl.BlockSpec((B, bn), lambda i: (0, i)),
            pl.BlockSpec((EMB, bn), lambda i: (0, i)),
            pl.BlockSpec((F, EMB), lambda i: (0, 0)),
            pl.BlockSpec((F,), lambda i: (0,)),
        ],
        out_specs=pl.BlockSpec((bn, ROW), lambda i: (i, 0)),
        out_shape=jax.ShapeDtypeStruct((N, ROW), jnp.float32),
    )(x, emb_t, fc_weight, fc_bias)


def _make_sc_kernel():
    mesh = plsc.VectorSubcoreMesh(core_axis_name="c", subcore_axis_name="s")

    @functools.partial(
        pl.kernel,
        mesh=mesh,
        out_type=jax.ShapeDtypeStruct((N, K), jnp.float32),
        scratch_types=[
            [pltpu.VMEM((CH, K), jnp.int32)] * 2,
            [pltpu.VMEM((ECH, ROW), jnp.float32)] * 2,
            [pltpu.VMEM((CH, ROW), jnp.float32)] * 2,
            [pltpu.VMEM((CH, K), jnp.float32)] * 2,
            [pltpu.SemaphoreType.DMA] * 2,
            [pltpu.SemaphoreType.DMA] * 2,
            [pltpu.SemaphoreType.DMA] * 2,
        ],
        compiler_params=pltpu.CompilerParams(
            use_tc_tiling_on_sc=False, needs_layout_passes=False),
    )
    def sc_kernel(f_hbm, nl_hbm, out_hbm, idx_v, nb_v, self_v, outb_v,
                  ssem, gsem, osem):
        wid = lax.axis_index("s") * 2 + lax.axis_index("c")
        iota = lax.iota(jnp.int32, 16)

        def stage(t, ph):
            cid = wid + t * NW

            @pl.when(cid < NCHUNKS)
            def _():
                nbase = cid * CH
                pltpu.async_copy(nl_hbm.at[pl.ds(nbase, CH)], idx_v[ph],
                                 ssem[ph])
                pltpu.async_copy(f_hbm.at[pl.ds(nbase, CH)], self_v[ph],
                                 ssem[ph])

        def fire(t, ph):
            cid = wid + t * NW

            @pl.when(cid < NCHUNKS)
            def _():
                pltpu.make_async_copy(
                    nl_hbm.at[pl.ds(0, CH)], idx_v[ph], ssem[ph]).wait()
                pltpu.make_async_copy(
                    f_hbm.at[pl.ds(0, CH)], self_v[ph], ssem[ph]).wait()
                for i in range(CH):
                    pltpu.async_copy(
                        f_hbm.at[idx_v[ph].at[i]],
                        nb_v[ph].at[pl.ds(i * K, K)],
                        gsem[ph],
                    )

        def compute(t, ph):
            cid = wid + t * NW

            @pl.when(cid < NCHUNKS)
            def _():
                pltpu.make_async_copy(
                    f_hbm.at[pl.ds(0, ECH)], nb_v[ph], gsem[ph]).wait()

                @pl.when(t >= 2)
                def _():
                    pltpu.make_async_copy(
                        outb_v[ph], out_hbm.at[pl.ds(0, CH)], osem[ph]).wait()

                def node_body(i, _):
                    e0 = i * K
                    self_row = self_v[ph][i]
                    for g in range(K // 16):
                        grp = nb_v[ph].at[pl.ds(e0 + g * 16, 16), :]
                        wsum = None
                        for b in range(B):
                            acc = None
                            for j in range(F):
                                c = b * F + j
                                col = jnp.full((16,), c, jnp.int32)
                                nb_c = plsc.load_gather(grp, [iota, col])
                                d = nb_c - self_row[c]
                                acc = d * d if acc is None else acc + d * d
                            e = jnp.exp(-acc)
                            wsum = e if wsum is None else wsum + e
                        outb_v[ph][i, pl.ds(g * 16, 16)] = wsum * 0.25
                    return 0

                lax.fori_loop(0, CH, node_body, 0)
                pltpu.async_copy(outb_v[ph], out_hbm.at[pl.ds(cid * CH, CH)],
                                 osem[ph])

        stage(0, 0)
        fire(0, 0)
        stage(1, 1)

        def pair_body(it, _):
            t0 = it * 2
            fire(t0 + 1, 1)
            compute(t0, 0)
            stage(t0 + 2, 0)
            compute(t0 + 1, 1)
            fire(t0 + 2, 0)
            stage(t0 + 3, 1)
            return 0

        lax.fori_loop(0, TPW // 2, pair_body, 0)

        for tt, ph in ((TPW - 2, 0), (TPW - 1, 1)):
            cid = wid + tt * NW

            @pl.when(cid < NCHUNKS)
            def _():
                pltpu.make_async_copy(
                    outb_v[ph], out_hbm.at[pl.ds(0, CH)], osem[ph]).wait()

    return sc_kernel


@jax.jit
def kernel(x, neighbor_list, node_embeddings, fc_weight, fc_bias):
    f_table = _f_table_tc(x, node_embeddings.T, fc_weight, fc_bias)

    return _make_sc_kernel()(f_table, neighbor_list)

# --- scband reference (transcript-rebuilt; emitter-appended) ---
"""Pipeline reference for scband-graph-learning-module-53626961658417 (READ-ONLY COPY).

The authoritative reference and input builder live on the scoring server;
editing this copy changes nothing except your own understanding.
"""

import jax, jax.numpy as jnp
import numpy as np

NUM_NODES = 50000
NUM_NEIGHBORS = 32
EMB_DIM = 6
FEATURE_DIM = 3
THETA = 0.5
BATCH = 4


def setup_inputs(seed: int = 0) -> dict:
    key = jax.random.key(seed)
    k1, k2, k3, k4, k5 = jax.random.split(key, 5)
    x = jax.random.normal(k1, (BATCH, NUM_NODES), dtype=jnp.float32)
    neighbor_list = jax.random.randint(k2, (NUM_NODES, NUM_NEIGHBORS), 0, NUM_NODES, dtype=jnp.int32)
    node_embeddings = jax.random.normal(k3, (NUM_NODES, EMB_DIM), dtype=jnp.float32)
    fc_weight = jax.random.normal(k4, (FEATURE_DIM, EMB_DIM), dtype=jnp.float32) * (1.0 / np.sqrt(EMB_DIM))
    fc_bias = jax.random.normal(k5, (FEATURE_DIM,), dtype=jnp.float32) * 0.01
    return {"x": x, "neighbor_list": neighbor_list, "node_embeddings": node_embeddings, "fc_weight": fc_weight, "fc_bias": fc_bias}


def reference(x, neighbor_list, node_embeddings, fc_weight, fc_bias):
    B = x.shape[0]
    # e: (B, N, emb_dim)
    e = x[:, :, None] + node_embeddings[None, :, :]
    # f: (B, N, feature_dim) via linear layer
    f = jnp.einsum('bne,fe->bnf', e, fc_weight) + fc_bias
    # LeakyReLU(0.2)
    f = jnp.where(f >= 0, f, 0.2 * f)
    # gather neighbor features: (B, N, K, feature_dim)
    flat_idx = neighbor_list.reshape(-1)
    nb = jnp.take(f, flat_idx, axis=1).reshape(B, NUM_NODES, NUM_NEIGHBORS, FEATURE_DIM)
    df = f[:, :, None, :] - nb
    w = jnp.exp(-jnp.sum(df ** 2, axis=-1) / (2.0 * THETA)).mean(axis=0)
    neighbor_mask = (neighbor_list >= 0).astype(jnp.float32)
    w = w * neighbor_mask
    return w

if __name__ == "__main__":
    import jax
    _d = setup_inputs()
    print(jax.jit(kernel)(*tuple(_d.values())))

</pallas_src>

<mosaic_0001>
#map = affine_map<(d0, d1) -> (0, 0)>
module attributes {stable_mosaic.version = 14 : i64} {
  func.func @sc_kernel(%arg0: i32, %arg1: i32, %arg2: memref<50000x16xf32, #tpu.memory_space<hbm>>, %arg3: memref<50000x32xi32, #tpu.memory_space<hbm>>, %arg4: memref<50000x32xf32, #tpu.memory_space<hbm>>, %arg5: memref<40x32xi32, #tpu.memory_space<vmem>>, %arg6: memref<40x32xi32, #tpu.memory_space<vmem>>, %arg7: memref<1280x16xf32, #tpu.memory_space<vmem>>, %arg8: memref<1280x16xf32, #tpu.memory_space<vmem>>, %arg9: memref<40x16xf32, #tpu.memory_space<vmem>>, %arg10: memref<40x16xf32, #tpu.memory_space<vmem>>, %arg11: memref<40x32xf32, #tpu.memory_space<vmem>>, %arg12: memref<40x32xf32, #tpu.memory_space<vmem>>, %arg13: memref<!tpu.dma_semaphore, #tpu.memory_space<semaphore_mem>>, %arg14: memref<!tpu.dma_semaphore, #tpu.memory_space<semaphore_mem>>, %arg15: memref<!tpu.dma_semaphore, #tpu.memory_space<semaphore_mem>>, %arg16: memref<!tpu.dma_semaphore, #tpu.memory_space<semaphore_mem>>, %arg17: memref<!tpu.dma_semaphore, #tpu.memory_space<semaphore_mem>>, %arg18: memref<!tpu.dma_semaphore, #tpu.memory_space<semaphore_mem>>) attributes {dimension_semantics = [#tpu.dimension_semantics<core_parallel>, #tpu.dimension_semantics<subcore_parallel>], iteration_bounds = array<i64: 2, 16>, scalar_prefetch = 0 : i64, scratch_operands = 14 : i64, tpu.core_type = #tpu.core_type<sc_vector_subcore>, window_params = [{transform_indices = #map}, {transform_indices = #map}, {transform_indices = #map}]} {
    %mul3A = arith.constant 2 : i32
    %mul3A_0 = arith.muli %arg1, %mul3A : i32
    %add3A = arith.addi %mul3A_0, %arg0 : i32
    %iota3A = tpu.iota {dimensions = array<i32: 0>} : vector<16xi32>
    %add3A_1 = arith.constant 0 : i32
    %add3A_2 = arith.addi %add3A, %add3A_1 : i32
    %lt3A = arith.constant 1250 : i32
    %lt3A_3 = arith.cmpi slt, %add3A_2, %lt3A : i32
    %convert_element_type3A = arith.extui %lt3A_3 : i1 to i32
    %cond3A = arith.constant 0 : i32
    %cond3A_4 = arith.cmpi ne, %convert_element_type3A, %cond3A : i32
    scf.if %cond3A_4 {
      %mul3A_39 = arith.constant 40 : i32
      %mul3A_40 = arith.muli %add3A_2, %mul3A_39 : i32
      %dma_start3A = arith.constant 0 : i32
      %dma_start3A_41 = tpu.memref_slice %arg3[%mul3A_40, %dma_start3A] : memref<50000x32xi32, #tpu.memory_space<hbm>> -> memref<40x32xi32, #tpu.memory_space<hbm>>
      %dma_start3A_42 = arith.constant 0 : i32
      %dma_start3A_43 = tpu.memref_slice %arg3[%mul3A_40, %dma_start3A_42] : memref<50000x32xi32, #tpu.memory_space<hbm>> -> memref<40x32xi32, #tpu.memory_space<hbm>>
      tpu.enqueue_dma source(%dma_start3A_43 : memref<40x32xi32, #tpu.memory_space<hbm>>) target(%arg5 : memref<40x32xi32, #tpu.memory_space<vmem>>) target_semaphore(%arg13 : memref<!tpu.dma_semaphore, #tpu.memory_space<semaphore_mem>>)
      %dma_start3A_44 = arith.constant 0 : i32
      %dma_start3A_45 = tpu.memref_slice %arg2[%mul3A_40, %dma_start3A_44] : memref<50000x16xf32, #tpu.memory_space<hbm>> -> memref<40x16xf32, #tpu.memory_space<hbm>>
      %dma_start3A_46 = arith.constant 0 : i32
      %dma_start3A_47 = tpu.memref_slice %arg2[%mul3A_40, %dma_start3A_46] : memref<50000x16xf32, #tpu.memory_space<hbm>> -> memref<40x16xf32, #tpu.memory_space<hbm>>
      tpu.enqueue_dma source(%dma_start3A_47 : memref<40x16xf32, #tpu.memory_space<hbm>>) target(%arg9 : memref<40x16xf32, #tpu.memory_space<vmem>>) target_semaphore(%arg13 : memref<!tpu.dma_semaphore, #tpu.memory_space<semaphore_mem>>)
    } else {
    }
    %add3A_5 = arith.constant 0 : i32
    %add3A_6 = arith.addi %add3A, %add3A_5 : i32
    %lt3A_7 = arith.constant 1250 : i32
    %lt3A_8 = arith.cmpi slt, %add3A_6, %lt3A_7 : i32
    %convert_element_type3A_9 = arith.extui %lt3A_8 : i1 to i32
    %cond3A_10 = arith.constant 0 : i32
    %cond3A_11 = arith.cmpi ne, %convert_element_type3A_9, %cond3A_10 : i32
    scf.if %cond3A_11 {
      %dma_wait3A = arith.constant 0 : i32
      %dma_wait3A_39 = arith.constant 0 : i32
      %dma_wait3A_40 = tpu.memref_slice %arg3[%dma_wait3A, %dma_wait3A_39] : memref<50000x32xi32, #tpu.memory_space<hbm>> -> memref<40x32xi32, #tpu.memory_space<hbm>>
      %dma_wait3A_41 = arith.constant 0 : i32
      %dma_wait3A_42 = arith.constant 0 : i32
      %dma_wait3A_43 = tpu.memref_slice %arg3[%dma_wait3A_41, %dma_wait3A_42] : memref<50000x32xi32, #tpu.memory_space<hbm>> -> memref<40x32xi32, #tpu.memory_space<hbm>>
      tpu.wait_dma2 semaphore(%arg13 : memref<!tpu.dma_semaphore, #tpu.memory_space<semaphore_mem>>) src(%dma_wait3A_43 : memref<40x32xi32, #tpu.memory_space<hbm>>) dst(%arg5 : memref<40x32xi32, #tpu.memory_space<vmem>>)
      %dma_wait3A_44 = arith.constant 0 : i32
      %dma_wait3A_45 = arith.constant 0 : i32
      %dma_wait3A_46 = tpu.memref_slice %arg2[%dma_wait3A_44, %dma_wait3A_45] : memref<50000x16xf32, #tpu.memory_space<hbm>> -> memref<40x16xf32, #tpu.memory_space<hbm>>
      %dma_wait3A_47 = arith.constant 0 : i32
      %dma_wait3A_48 = arith.constant 0 : i32
      %dma_wait3A_49 = tpu.memref_slice %arg2[%dma_wait3A_47, %dma_wait3A_48] : memref<50000x16xf32, #tpu.memory_space<hbm>> -> memref<40x16xf32, #tpu.memory_space<hbm>>
      tpu.wait_dma2 semaphore(%arg13 : memref<!tpu.dma_semaphore, #tpu.memory_space<semaphore_mem>>) src(%dma_wait3A_49 : memref<40x16xf32, #tpu.memory_space<hbm>>) dst(%arg9 : memref<40x16xf32, #tpu.memory_space<vmem>>)
      %dma_start3A = arith.constant 0 : i32
      %dma_start3A_50 = arith.constant 0 : i32
      %dma_start3A_51 = arith.constant 0 : i32
      %dma_start3A_52 = tpu.memref_slice %arg7[%dma_start3A_50, %dma_start3A_51] : memref<1280x16xf32, #tpu.memory_space<vmem>> -> memref<32x16xf32, #tpu.memory_space<vmem>>
      %dma_start3A_53 = arith.constant 0 : i32
      %dma_start3A_54 = tpu.memref_slice %arg5[%dma_start3A, %dma_start3A_53] : memref<40x32xi32, #tpu.memory_space<vmem>> -> memref<1x32xi32, #tpu.memory_space<vmem>>
      %dma_start3A_55 = tpu.memref_squeeze %dma_start3A_54 : memref<1x32xi32, #tpu.memory_space<vmem>> -> memref<32xi32, #tpu.memory_space<vmem>>
      %dma_start3A_56 = arith.constant 0 : i32
      %dma_start3A_57 = arith.constant 0 : i32
      %dma_start3A_58 = tpu.memref_slice %arg2[%dma_start3A_56, %dma_start3A_57] : memref<50000x16xf32, #tpu.memory_space<hbm>> -> memref<50000x16xf32, #tpu.memory_space<hbm>>
      tpu.enqueue_indirect_dma source(%dma_start3A_58 : memref<50000x16xf32, #tpu.memory_space<hbm>>) target(%dma_start3A_52 : memref<32x16xf32, #tpu.memory_space<vmem>>) offsets(%dma_start3A_55 : memref<32xi32, #tpu.memory_space<vmem>>) semaphore(%arg15 : memref<!tpu.dma_semaphore, #tpu.memory_space<semaphore_mem>>)
      %dma_start3A_59 = arith.constant 1 : i32
      %dma_start3A_60 = arith.constant 32 : i32
      %dma_start3A_61 = arith.constant 0 : i32
      %dma_start3A_62 = tpu.memref_slice %arg7[%dma_start3A_60, %dma_start3A_61] : memref<1280x16xf32, #tpu.memory_space<vmem>> -> memref<32x16xf32, #tpu.memory_space<vmem>>
      %dma_start3A_63 = arith.constant 0 : i32
      %dma_start3A_64 = tpu.memref_slice %arg5[%dma_start3A_59, %dma_start3A_63] : memref<40x32xi32, #tpu.memory_space<vmem>> -> memref<1x32xi32, #tpu.memory_space<vmem>>
      %dma_start3A_65 = tpu.memref_squeeze %dma_start3A_64 : memref<1x32xi32, #tpu.memory_space<vmem>> -> memref<32xi32, #tpu.memory_space<vmem>>
      %dma_start3A_66 = arith.constant 0 : i32
      %dma_start3A_67 = arith.constant 0 : i32
      %dma_start3A_68 = tpu.memref_slice %arg2[%dma_start3A_66, %dma_start3A_67] : memref<50000x16xf32, #tpu.memory_space<hbm>> -> memref<50000x16xf32, #tpu.memory_space<hbm>>
      tpu.enqueue_indirect_dma source(%dma_start3A_68 : memref<50000x16xf32, #tpu.memory_space<hbm>>) target(%dma_start3A_62 : memref<32x16xf32, #tpu.memory_space<vmem>>) offsets(%dma_start3A_65 : memref<32xi32, #tpu.memory_space<vmem>>) semaphore(%arg15 : memref<!tpu.dma_semaphore, #tpu.memory_space<semaphore_mem>>)
      %dma_start3A_69 = arith.constant 2 : i32
      %dma_start3A_70 = arith.constant 64 : i32
      %dma_start3A_71 = arith.constant 0 : i32
      %dma_start3A_72 = tpu.memref_slice %arg7[%dma_start3A_70, %dma_start3A_71] : memref<1280x16xf32, #tpu.memory_space<vmem>> -> memref<32x16xf32, #tpu.memory_space<vmem>>
      %dma_start3A_73 = arith.constant 0 : i32
      %dma_start3A_74 = tpu.memref_slice %arg5[%dma_start3A_69, %dma_start3A_73] : memref<40x32xi32, #tpu.memory_space<vmem>> -> memref<1x32xi32, #tpu.memory_space<vmem>>
      %dma_start3A_75 = tpu.memref_squeeze %dma_start3A_74 : memref<1x32xi32, #tpu.memory_space<vmem>> -> memref<32xi32, #tpu.memory_space<vmem>>
      %dma_start3A_76 = arith.constant 0 : i32
      %dma_start3A_77 = arith.constant 0 : i32
      %dma_start3A_78 = tpu.memref_slice %arg2[%dma_start3A_76, %dma_start3A_77] : memref<50000x16xf32, #tpu.memory_space<hbm>> -> memref<50000x16xf32, #tpu.memory_space<hbm>>
      tpu.enqueue_indirect_dma source(%dma_start3A_78 : memref<50000x16xf32, #tpu.memory_space<hbm>>) target(%dma_start3A_72 : memref<32x16xf32, #tpu.memory_space<vmem>>) offsets(%dma_start3A_75 : memref<32xi32, #tpu.memory_space<vmem>>) semaphore(%arg15 : memref<!tpu.dma_semaphore, #tpu.memory_space<semaphore_mem>>)
      %dma_start3A_79 = arith.constant 3 : i32
      %dma_start3A_80 = arith.constant 96 : i32
      %dma_start3A_81 = arith.constant 0 : i32
      %dma_start3A_82 = tpu.memref_slice %arg7[%dma_start3A_80, %dma_start3A_81] : memref<1280x16xf32, #tpu.memory_space<vmem>> -> memref<32x16xf32, #tpu.memory_space<vmem>>
      %dma_start3A_83 = arith.constant 0 : i32
      %dma_start3A_84 = tpu.memref_slice %arg5[%dma_start3A_79, %dma_start3A_83] : memref<40x32xi32, #tpu.memory_space<vmem>> -> memref<1x32xi32, #tpu.memory_space<vmem>>
      %dma_start3A_85 = tpu.memref_squeeze %dma_start3A_84 : memref<1x32xi32, #tpu.memory_space<vmem>> -> memref<32xi32, #tpu.memory_space<vmem>>
      %dma_start3A_86 = arith.constant 0 : i32
      %dma_start3A_87 = arith.constant 0 : i32
      %dma_start3A_88 = tpu.memref_slice %arg2[%dma_start3A_86, %dma_start3A_87] : memref<50000x16xf32, #tpu.memory_space<hbm>> -> memref<50000x16xf32, #tpu.memory_space<hbm>>
      tpu.enqueue_indirect_dma source(%dma_start3A_88 : memref<50000x16xf32, #tpu.memory_space<hbm>>) target(%dma_start3A_82 : memref<32x16xf32, #tpu.memory_space<vmem>>) offsets(%dma_start3A_85 : memref<32xi32, #tpu.memory_space<vmem>>) semaphore(%arg15 : memref<!tpu.dma_semaphore, #tpu.memory_space<semaphore_mem>>)
      %dma_start3A_89 = arith.constant 4 : i32
      %dma_start3A_90 = arith.constant 128 : i32
      %dma_start3A_91 = arith.constant 0 : i32
      %dma_start3A_92 = tpu.memref_slice %arg7[%dma_start3A_90, %dma_start3A_91] : memref<1280x16xf32, #tpu.memory_space<vmem>> -> memref<32x16xf32, #tpu.memory_space<vmem>>
      %dma_start3A_93 = arith.constant 0 : i32
      %dma_start3A_94 = tpu.memref_slice %arg5[%dma_start3A_89, %dma_start3A_93] : memref<40x32xi32, #tpu.memory_space<vmem>> -> memref<1x32xi32, #tpu.memory_space<vmem>>
      %dma_start3A_95 = tpu.memref_squeeze %dma_start3A_94 : memref<1x32xi32, #tpu.memory_space<vmem>> -> memref<32xi32, #tpu.memory_space<vmem>>
      %dma_start3A_96 = arith.constant 0 : i32
      %dma_start3A_97 = arith.constant 0 : i32
      %dma_start3A_98 = tpu.memref_slice %arg2[%dma_start3A_96, %dma_start3A_97] : memref<50000x16xf32, #tpu.memory_space<hbm>> -> memref<50000x16xf32, #tpu.memory_space<hbm>>
      tpu.enqueue_indirect_dma source(%dma_start3A_98 : memref<50000x16xf32, #tpu.memory_space<hbm>>) target(%dma_start3A_92 : memref<32x16xf32, #tpu.memory_space<vmem>>) offsets(%dma_start3A_95 : memref<32xi32, #tpu.memory_space<vmem>>) semaphore(%arg15 : memref<!tpu.dma_semaphore, #tpu.memory_space<semaphore_mem>>)
      %dma_start3A_99 = arith.constant 5 : i32
      %dma_start3A_100 = arith.constant 160 : i32
      %dma_start3A_101 = arith.constant 0 : i32
      %dma_start3A_102 = tpu.memref_slice %arg7[%dma_start3A_100, %dma_start3A_101] : memref<1280x16xf32, #tpu.memory_space<vmem>> -> memref<32x16xf32, #tpu.memory_space<vmem>>
      %dma_start3A_103 = arith.constant 0 : i32
      %dma_start3A_104 = tpu.memref_slice %arg5[%dma_start3A_99, %dma_start3A_103] : memref<40x32xi32, #tpu.memory_space<vmem>> -> memref<1x32xi32, #tpu.memory_space<vmem>>
      %dma_start3A_105 = tpu.memref_squeeze %dma_start3A_104 : memref<1x32xi32, #tpu.memory_space<vmem>> -> memref<32xi32, #tpu.memory_space<vmem>>
      %dma_start3A_106 = arith.constant 0 : i32
      %dma_start3A_107 = arith.constant 0 : i32
      %dma_start3A_108 = tpu.memref_slice %arg2[%dma_start3A_106, %dma_start3A_107] : memref<50000x16xf32, #tpu.memory_space<hbm>> -> memref<50000x16xf32, #tpu.memory_space<hbm>>
      tpu.enqueue_indirect_dma source(%dma_start3A_108 : memref<50000x16xf32, #tpu.memory_space<hbm>>) target(%dma_start3A_102 : memref<32x16xf32, #tpu.memory_space<vmem>>) offsets(%dma_start3A_105 : memref<32xi32, #tpu.memory_space<vmem>>) semaphore(%arg15 : memref<!tpu.dma_semaphore, #tpu.memory_space<semaphore_mem>>)
      %dma_start3A_109 = arith.constant 6 : i32
      %dma_start3A_110 = arith.constant 192 : i32
      %dma_start3A_111 = arith.constant 0 : i32
      %dma_start3A_112 = tpu.memref_slice %arg7[%dma_start3A_110, %dma_start3A_111] : memref<1280x16xf32, #tpu.memory_space<vmem>> -> memref<32x16xf32, #tpu.memory_space<vmem>>
      %dma_start3A_113 = arith.constant 0 : i32
      %dma_start3A_114 = tpu.memref_slice %arg5[%dma_start3A_109, %dma_start3A_113] : memref<40x32xi32, #tpu.memory_space<vmem>> -> memref<1x32xi32, #tpu.memory_space<vmem>>
      %dma_start3A_115 = tpu.memref_squeeze %dma_start3A_114 : memref<1x32xi32, #tpu.memory_space<vmem>> -> memref<32xi32, #tpu.memory_space<vmem>>
      %dma_start3A_116 = arith.constant 0 : i32
      %dma_start3A_117 = arith.constant 0 : i32
      %dma_start3A_118 = tpu.memref_slice %arg2[%dma_start3A_116, %dma_start3A_117] : memref<50000x16xf32, #tpu.memory_space<hbm>> -> memref<50000x16xf32, #tpu.memory_space<hbm>>
      tpu.enqueue_indirect_dma source(%dma_start3A_118 : memref<50000x16xf32, #tpu.memory_space<hbm>>) target(%dma_start3A_112 : memref<32x16xf32, #tpu.memory_space<vmem>>) offsets(%dma_start3A_115 : memref<32xi32, #tpu.memory_space<vmem>>) semaphore(%arg15 : memref<!tpu.dma_semaphore, #tpu.memory_space<semaphore_mem>>)
      %dma_start3A_119 = arith.constant 7 : i32
      %dma_start3A_120 = arith.constant 224 : i32
      %dma_start3A_121 = arith.constant 0 : i32
      %dma_start3A_122 = tpu.memref_slice %arg7[%dma_start3A_120, %dma_start3A_121] : memref<1280x16xf32, #tpu.memory_space<vmem>> -> memref<32x16xf32, #tpu.memory_space<vmem>>
      %dma_start3A_123 = arith.constant 0 : i32
      %dma_start3A_124 = tpu.memref_slice %arg5[%dma_start3A_119, %dma_start3A_123] : memref<40x32xi32, #tpu.memory_space<vmem>> -> memref<1x32xi32, #tpu.memory_space<vmem>>
      %dma_start3A_125 = tpu.memref_squeeze %dma_start3A_124 : memref<1x32xi32, #tpu.memory_space<vmem>> -> memref<32xi32, #tpu.memory_space<vmem>>
      %dma_start3A_126 = arith.constant 0 : i32
      %dma_start3A_127 = arith.constant 0 : i32
      %dma_start3A_128 = tpu.memref_slice %arg2[%dma_start3A_126, %dma_start3A_127] : memref<50000x16xf32, #tpu.memory_space<hbm>> -> memref<50000x16xf32, #tpu.memory_space<hbm>>
      tpu.enqueue_indirect_dma source(%dma_start3A_128 : memref<50000x16xf32, #tpu.memory_space<hbm>>) target(%dma_start3A_122 : memref<32x16xf32, #tpu.memory_space<vmem>>) offsets(%dma_start3A_125 : memref<32xi32, #tpu.memory_space<vmem>>) semaphore(%arg15 : memref<!tpu.dma_semaphore, #tpu.memory_space<semaphore_mem>>)
      %dma_start3A_129 = arith.constant 8 : i32
      %dma_start3A_130 = arith.constant 256 : i32
      %dma_start3A_131 = arith.constant 0 : i32
      %dma_start3A_132 = tpu.memref_slice %arg7[%dma_start3A_130, %dma_start3A_131] : memref<1280x16xf32, #tpu.memory_space<vmem>> -> memref<32x16xf32, #tpu.memory_space<vmem>>
      %dma_start3A_133 = arith.constant 0 : i32
      %dma_start3A_134 = tpu.memref_slice %arg5[%dma_start3A_129, %dma_start3A_133] : memref<40x32xi32, #tpu.memory_space<vmem>> -> memref<1x32xi32, #tpu.memory_space<vmem>>
      %dma_start3A_135 = tpu.memref_squeeze %dma_start3A_134 : memref<1x32xi32, #tpu.memory_space<vmem>> -> memref<32xi32, #tpu.memory_space<vmem>>
      %dma_start3A_136 = arith.constant 0 : i32
      %dma_start3A_137 = arith.constant 0 : i32
      %dma_start3A_138 = tpu.memref_slice %arg2[%dma_start3A_136, %dma_start3A_137] : memref<50000x16xf32, #tpu.memory_space<hbm>> -> memref<50000x16xf32, #tpu.memory_space<hbm>>
      tpu.enqueue_indirect_dma source(%dma_start3A_138 : memref<50000x16xf32, #tpu.memory_space<hbm>>) target(%dma_start3A_132 : memref<32x16xf32, #tpu.memory_space<vmem>>) offsets(%dma_start3A_135 : memref<32xi32, #tpu.memory_space<vmem>>) semaphore(%arg15 : memref<!tpu.dma_semaphore, #tpu.memory_space<semaphore_mem>>)
      %dma_start3A_139 = arith.constant 9 : i32
      %dma_start3A_140 = arith.constant 288 : i32
      %dma_start3A_141 = arith.constant 0 : i32
      %dma_start3A_142 = tpu.memref_slice %arg7[%dma_start3A_140, %dma_start3A_141] : memref<1280x16xf32, #tpu.memory_space<vmem>> -> memref<32x16xf32, #tpu.memory_space<vmem>>
      %dma_start3A_143 = arith.constant 0 : i32
      %dma_start3A_144 = tpu.memref_slice %arg5[%dma_start3A_139, %dma_start3A_143] : memref<40x32xi32, #tpu.memory_space<vmem>> -> memref<1x32xi32, #tpu.memory_space<vmem>>
      %dma_start3A_145 = tpu.memref_squeeze %dma_start3A_144 : memref<1x32xi32, #tpu.memory_space<vmem>> -> memref<32xi32, #tpu.memory_space<vmem>>
      %dma_start3A_146 = arith.constant 0 : i32
      %dma_start3A_147 = arith.constant 0 : i32
      %dma_start3A_148 = tpu.memref_slice %arg2[%dma_start3A_146, %dma_start3A_147] : memref<50000x16xf32, #tpu.memory_space<hbm>> -> memref<50000x16xf32, #tpu.memory_space<hbm>>
      tpu.enqueue_indirect_dma source(%dma_start3A_148 : memref<50000x16xf32, #tpu.memory_space<hbm>>) target(%dma_start3A_142 : memref<32x16xf32, #tpu.memory_space<vmem>>) offsets(%dma_start3A_145 : memref<32xi32, #tpu.memory_space<vmem>>) semaphore(%arg15 : memref<!tpu.dma_semaphore, #tpu.memory_space<semaphore_mem>>)
      %dma_start3A_149 = arith.constant 10 : i32
      %dma_start3A_150 = arith.constant 320 : i32
      %dma_start3A_151 = arith.constant 0 : i32
      %dma_start3A_152 = tpu.memref_slice %arg7[%dma_start3A_150, %dma_start3A_151] : memref<1280x16xf32, #tpu.memory_space<vmem>> -> memref<32x16xf32, #tpu.memory_space<vmem>>
      %dma_start3A_153 = arith.constant 0 : i32
      %dma_start3A_154 = tpu.memref_slice %arg5[%dma_start3A_149, %dma_start3A_153] : memref<40x32xi32, #tpu.memory_space<vmem>> -> memref<1x32xi32, #tpu.memory_space<vmem>>
      %dma_start3A_155 = tpu.memref_squeeze %dma_start3A_154 : memref<1x32xi32, #tpu.memory_space<vmem>> -> memref<32xi32, #tpu.memory_space<vmem>>
      %dma_start3A_156 = arith.constant 0 : i32
      %dma_start3A_157 = arith.constant 0 : i32
      %dma_start3A_158 = tpu.memref_slice %arg2[%dma_start3A_156, %dma_start3A_157] : memref<50000x16xf32, #tpu.memory_space<hbm>> -> memref<50000x16xf32, #tpu.memory_space<hbm>>
      tpu.enqueue_indirect_dma source(%dma_start3A_158 : memref<50000x16xf32, #tpu.memory_space<hbm>>) target(%dma_start3A_152 : memref<32x16xf32, #tpu.memory_space<vmem>>) offsets(%dma_start3A_155 : memref<32xi32, #tpu.memory_space<vmem>>) semaphore(%arg15 : memref<!tpu.dma_semaphore, #tpu.memory_space<semaphore_mem>>)
      %dma_start3A_159 = arith.constant 11 : i32
      %dma_start3A_160 = arith.constant 352 : i32
      %dma_start3A_161 = arith.constant 0 : i32
      %dma_start3A_162 = tpu.memref_slice %arg7[%dma_start3A_160, %dma_start3A_161] : memref<1280x16xf32, #tpu.memory_space<vmem>> -> memref<32x16xf32, #tpu.memory_space<vmem>>
      %dma_start3A_163 = arith.constant 0 : i32
      %dma_start3A_164 = tpu.memref_slice %arg5[%dma_start3A_159, %dma_start3A_163] : memref<40x32xi32, #tpu.memory_space<vmem>> -> memref<1x32xi32, #tpu.memory_space<vmem>>
      %dma_start3A_165 = tpu.memref_squeeze %dma_start3A_164 : memref<1x32xi32, #tpu.memory_space<vmem>> -> memref<32xi32, #tpu.memory_space<vmem>>
      %dma_start3A_166 = arith.constant 0 : i32
      %dma_start3A_167 = arith.constant 0 : i32
      %dma_start3A_168 = tpu.memref_slice %arg2[%dma_start3A_166, %dma_start3A_167] : memref<50000x16xf32, #tpu.memory_space<hbm>> -> memref<50000x16xf32, #tpu.memory_space<hbm>>
      tpu.enqueue_indirect_dma source(%dma_start3A_168 : memref<50000x16xf32, #tpu.memory_space<hbm>>) target(%dma_start3A_162 : memref<32x16xf32, #tpu.memory_space<vmem>>) offsets(%dma_start3A_165 : memref<32xi32, #tpu.memory_space<vmem>>) semaphore(%arg15 : memref<!tpu.dma_semaphore, #tpu.memory_space<semaphore_mem>>)
      %dma_start3A_169 = arith.constant 12 : i32
      %dma_start3A_170 = arith.constant 384 : i32
      %dma_start3A_171 = arith.constant 0 : i32
      %dma_start3A_172 = tpu.memref_slice %arg7[%dma_start3A_170, %dma_start3A_171] : memref<1280x16xf32, #tpu.memory_space<vmem>> -> memref<32x16xf32, #tpu.memory_space<vmem>>
      %dma_start3A_173 = arith.constant 0 : i32
      %dma_start3A_174 = tpu.memref_slice %arg5[%dma_start3A_169, %dma_start3A_173] : memref<40x32xi32, #tpu.memory_space<vmem>> -> memref<1x32xi32, #tpu.memory_space<vmem>>
      %dma_start3A_175 = tpu.memref_squeeze %dma_start3A_174 : memref<1x32xi32, #tpu.memory_space<vmem>> -> memref<32xi32, #tpu.memory_space<vmem>>
      %dma_start3A_176 = arith.constant 0 : i32
      %dma_start3A_177 = arith.constant 0 : i32
      %dma_start3A_178 = tpu.memref_slice %arg2[%dma_start3A_176, %dma_start3A_177] : memref<50000x16xf32, #tpu.memory_space<hbm>> -> memref<50000x16xf32, #tpu.memory_space<hbm>>
      tpu.enqueue_indirect_dma source(%dma_start3A_178 : memref<50000x16xf32, #tpu.memory_space<hbm>>) target(%dma_start3A_172 : memref<32x16xf32, #tpu.memory_space<vmem>>) offsets(%dma_start3A_175 : memref<32xi32, #tpu.memory_space<vmem>>) semaphore(%arg15 : memref<!tpu.dma_semaphore, #tpu.memory_space<semaphore_mem>>)
      %dma_start3A_179 = arith.constant 13 : i32
      %dma_start3A_180 = arith.constant 416 : i32
      %dma_start3A_181 = arith.constant 0 : i32
      %dma_start3A_182 = tpu.memref_slice %arg7[%dma_start3A_180, %dma_start3A_181] : memref<1280x16xf32, #tpu.memory_space<vmem>> -> memref<32x16xf32, #tpu.memory_space<vmem>>
      %dma_start3A_183 = arith.constant 0 : i32
      %dma_start3A_184 = tpu.memref_slice %arg5[%dma_start3A_179, %dma_start3A_183] : memref<40x32xi32, #tpu.memory_space<vmem>> -> memref<1x32xi32, #tpu.memory_space<vmem>>
      %dma_start3A_185 = tpu.memref_squeeze %dma_start3A_184 : memref<1x32xi32, #tpu.memory_space<vmem>> -> memref<32xi32, #tpu.memory_space<vmem>>
      %dma_start3A_186 = arith.constant 0 : i32
      %dma_start3A_187 = arith.constant 0 : i32
      %dma_start3A_188 = tpu.memref_slice %arg2[%dma_start3A_186, %dma_start3A_187] : memref<50000x16xf32, #tpu.memory_space<hbm>> -> memref<50000x16xf32, #tpu.memory_space<hbm>>
      tpu.enqueue_indirect_dma source(%dma_start3A_188 : memref<50000x16xf32, #tpu.memory_space<hbm>>) target(%dma_start3A_182 : memref<32x16xf32, #tpu.memory_space<vmem>>) offsets(%dma_start3A_185 : memref<32xi32, #tpu.memory_space<vmem>>) semaphore(%arg15 : memref<!tpu.dma_semaphore, #tpu.memory_space<semaphore_mem>>)
      %dma_start3A_189 = arith.constant 14 : i32
      %dma_start3A_190 = arith.constant 448 : i32
      %dma_start3A_191 = arith.constant 0 : i32
      %dma_start3A_192 = tpu.memref_slice %arg7[%dma_start3A_190, %dma_start3A_191] : memref<1280x16xf32, #tpu.memory_space<vmem>> -> memref<32x16xf32, #tpu.memory_space<vmem>>
      %dma_start3A_193 = arith.constant 0 : i32
      %dma_start3A_194 = tpu.memref_slice %arg5[%dma_start3A_189, %dma_start3A_193] : memref<40x32xi32, #tpu.memory_space<vmem>> -> memref<1x32xi32, #tpu.memory_space<vmem>>
      %dma_start3A_195 = tpu.memref_squeeze %dma_start3A_194 : memref<1x32xi32, #tpu.memory_space<vmem>> -> memref<32xi32, #tpu.memory_space<vmem>>
      %dma_start3A_196 = arith.constant 0 : i32
      %dma_start3A_197 = arith.constant 0 : i32
      %dma_start3A_198 = tpu.memref_slice %arg2[%dma_start3A_196, %dma_start3A_197] : memref<50000x16xf32, #tpu.memory_space<hbm>> -> memref<50000x16xf32, #tpu.memory_space<hbm>>
      tpu.enqueue_indirect_dma source(%dma_start3A_198 : memref<50000x16xf32, #tpu.memory_space<hbm>>) target(%dma_start3A_192 : memref<32x16xf32, #tpu.memory_space<vmem>>) offsets(%dma_start3A_195 : memref<32xi32, #tpu.memory_space<vmem>>) semaphore(%arg15 : memref<!tpu.dma_semaphore, #tpu.memory_space<semaphore_mem>>)
      %dma_start3A_199 = arith.constant 15 : i32
      %dma_start3A_200 = arith.constant 480 : i32
      %dma_start3A_201 = arith.constant 0 : i32
      %dma_start3A_202 = tpu.memref_slice %arg7[%dma_start3A_200, %dma_start3A_201] : memref<1280x16xf32, #tpu.memory_space<vmem>> -> memref<32x16xf32, #tpu.memory_space<vmem>>
      %dma_start3A_203 = arith.constant 0 : i32
      %dma_start3A_204 = tpu.memref_slice %arg5[%dma_start3A_199, %dma_start3A_203] : memref<40x32xi32, #tpu.memory_space<vmem>> -> memref<1x32xi32, #tpu.memory_space<vmem>>
      %dma_start3A_205 = tpu.memref_squeeze %dma_start3A_204 : memref<1x32xi32, #tpu.memory_space<vmem>> -> memref<32xi32, #tpu.memory_space<vmem>>
      %dma_start3A_206 = arith.constant 0 : i32
      %dma_start3A_207 = arith.constant 0 : i32
      %dma_start3A_208 = tpu.memref_slice %arg2[%dma_start3A_206, %dma_start3A_207] : memref<50000x16xf32, #tpu.memory_space<hbm>> -> memref<50000x16xf32, #tpu.memory_space<hbm>>
      tpu.enqueue_indirect_dma source(%dma_start3A_208 : memref<50000x16xf32, #tpu.memory_space<hbm>>) target(%dma_start3A_202 : memref<32x16xf32, #tpu.memory_space<vmem>>) offsets(%dma_start3A_205 : memref<32xi32, #tpu.memory_space<vmem>>) semaphore(%arg15 : memref<!tpu.dma_semaphore, #tpu.memory_space<semaphore_mem>>)
      %dma_start3A_209 = arith.constant 16 : i32
      %dma_start3A_210 = arith.constant 512 : i32
      %dma_start3A_211 = arith.constant 0 : i32
      %dma_start3A_212 = tpu.memref_slice %arg7[%dma_start3A_210, %dma_start3A_211] : memref<1280x16xf32, #tpu.memory_space<vmem>> -> memref<32x16xf32, #tpu.memory_space<vmem>>
      %dma_start3A_213 = arith.constant 0 : i32
      %dma_start3A_214 = tpu.memref_slice %arg5[%dma_start3A_209, %dma_start3A_213] : memref<40x32xi32, #tpu.memory_space<vmem>> -> memref<1x32xi32, #tpu.memory_space<vmem>>
      %dma_start3A_215 = tpu.memref_squeeze %dma_start3A_214 : memref<1x32xi32, #tpu.memory_space<vmem>> -> memref<32xi32, #tpu.memory_space<vmem>>
      %dma_start3A_216 = arith.constant 0 : i32
      %dma_start3A_217 = arith.constant 0 : i32
      %dma_start3A_218 = tpu.memref_slice %arg2[%dma_start3A_216, %dma_start3A_217] : memref<50000x16xf32, #tpu.memory_space<hbm>> -> memref<50000x16xf32, #tpu.memory_space<hbm>>
      tpu.enqueue_indirect_dma source(%dma_start3A_218 : memref<50000x16xf32, #tpu.memory_space<hbm>>) target(%dma_start3A_212 : memref<32x16xf32, #tpu.memory_space<vmem>>) offsets(%dma_start3A_215 : memref<32xi32, #tpu.memory_space<vmem>>) semaphore(%arg15 : memref<!tpu.dma_semaphore, #tpu.memory_space<semaphore_mem>>)
      %dma_start3A_219 = arith.constant 17 : i32
      %dma_start3A_220 = arith.constant 544 : i32
      %dma_start3A_221 = arith.constant 0 : i32
      %dma_start3A_222 = tpu.memref_slice %arg7[%dma_start3A_220, %dma_start3A_221] : memref<1280x16xf32, #tpu.memory_space<vmem>> -> memref<32x16xf32, #tpu.memory_space<vmem>>
      %dma_start3A_223 = arith.constant 0 : i32
      %dma_start3A_224 = tpu.memref_slice %arg5[%dma_start3A_219, %dma_start3A_223] : memref<40x32xi32, #tpu.memory_space<vmem>> -> memref<1x32xi32, #tpu.memory_space<vmem>>
      %dma_start3A_225 = tpu.memref_squeeze %dma_start3A_224 : memref<1x32xi32, #tpu.memory_space<vmem>> -> memref<32xi32, #tpu.memory_space<vmem>>
      %dma_start3A_226 = arith.constant 0 : i32
      %dma_start3A_227 = arith.constant 0 : i32
      %dma_start3A_228 = tpu.memref_slice %arg2[%dma_start3A_226, %dma_start3A_227] : memref<50000x16xf32, #tpu.memory_space<hbm>> -> memref<50000x16xf32, #tpu.memory_space<hbm>>
      tpu.enqueue_indirect_dma source(%dma_start3A_228 : memref<50000x16xf32, #tpu.memory_space<hbm>>) target(%dma_start3A_222 : memref<32x16xf32, #tpu.memory_space<vmem>>) offsets(%dma_start3A_225 : memref<32xi32, #tpu.memory_space<vmem>>) semaphore(%arg15 : memref<!tpu.dma_semaphore, #tpu.memory_space<semaphore_mem>>)
      %dma_start3A_229 = arith.constant 18 : i32
      %dma_start3A_230 = arith.constant 576 : i32
      %dma_start3A_231 = arith.constant 0 : i32
      %dma_start3A_232 = tpu.memref_slice %arg7[%dma_start3A_230, %dma_start3A_231] : memref<1280x16xf32, #tpu.memory_space<vmem>> -> memref<32x16xf32, #tpu.memory_space<vmem>>
      %dma_start3A_233 = arith.constant 0 : i32
      %dma_start3A_234 = tpu.memref_slice %arg5[%dma_start3A_229, %dma_start3A_233] : memref<40x32xi32, #tpu.memory_space<vmem>> -> memref<1x32xi32, #tpu.memory_space<vmem>>
      %dma_start3A_235 = tpu.memref_squeeze %dma_start3A_234 : memref<1x32xi32, #tpu.memory_space<vmem>> -> memref<32xi32, #tpu.memory_space<vmem>>
      %dma_start3A_236 = arith.constant 0 : i32
      %dma_start3A_237 = arith.constant 0 : i32
      %dma_start3A_238 = tpu.memref_slice %arg2[%dma_start3A_236, %dma_start3A_237] : memref<50000x16xf32, #tpu.memory_space<hbm>> -> memref<50000x16xf32, #tpu.memory_space<hbm>>
      tpu.enqueue_indirect_dma source(%dma_start3A_238 : memref<50000x16xf32, #tpu.memory_space<hbm>>) target(%dma_start3A_232 : memref<32x16xf32, #tpu.memory_space<vmem>>) offsets(%dma_start3A_235 : memref<32xi32, #tpu.memory_space<vmem>>) semaphore(%arg15 : memref<!tpu.dma_semaphore, #tpu.memory_space<semaphore_mem>>)
      %dma_start3A_239 = arith.constant 19 : i32
      %dma_start3A_240 = arith.constant 608 : i32
      %dma_start3A_241 = arith.constant 0 : i32
      %dma_start3A_242 = tpu.memref_slice %arg7[%dma_start3A_240, %dma_start3A_241] : memref<1280x16xf32, #tpu.memory_space<vmem>> -> memref<32x16xf32, #tpu.memory_space<vmem>>
      %dma_start3A_243 = arith.constant 0 : i32
      %dma_start3A_244 = tpu.memref_slice %arg5[%dma_start3A_239, %dma_start3A_243] : memref<40x32xi32, #tpu.memory_space<vmem>> -> memref<1x32xi32, #tpu.memory_space<vmem>>
      %dma_start3A_245 = tpu.memref_squeeze %dma_start3A_244 : memref<1x32xi32, #tpu.memory_space<vmem>> -> memref<32xi32, #tpu.memory_space<vmem>>
      %dma_start3A_246 = arith.constant 0 : i32
      %dma_start3A_247 = arith.constant 0 : i32
      %dma_start3A_248 = tpu.memref_slice %arg2[%dma_start3A_246, %dma_start3A_247] : memref<50000x16xf32, #tpu.memory_space<hbm>> -> memref<50000x16xf32, #tpu.memory_space<hbm>>
      tpu.enqueue_indirect_dma source(%dma_start3A_248 : memref<50000x16xf32, #tpu.memory_space<hbm>>) target(%dma_start3A_242 : memref<32x16xf32, #tpu.memory_space<vmem>>) offsets(%dma_start3A_245 : memref<32xi32, #tpu.memory_space<vmem>>) semaphore(%arg15 : memref<!tpu.dma_semaphore, #tpu.memory_space<semaphore_mem>>)
      %dma_start3A_249 = arith.constant 20 : i32
      %dma_start3A_250 = arith.constant 640 : i32
      %dma_start3A_251 = arith.constant 0 : i32
      %dma_start3A_252 = tpu.memref_slice %arg7[%dma_start3A_250, %dma_start3A_251] : memref<1280x16xf32, #tpu.memory_space<vmem>> -> memref<32x16xf32, #tpu.memory_space<vmem>>
      %dma_start3A_253 = arith.constant 0 : i32
      %dma_start3A_254 = tpu.memref_slice %arg5[%dma_start3A_249, %dma_start3A_253] : memref<40x32xi32, #tpu.memory_space<vmem>> -> memref<1x32xi32, #tpu.memory_space<vmem>>
      %dma_start3A_255 = tpu.memref_squeeze %dma_start3A_254 : memref<1x32xi32, #tpu.memory_space<vmem>> -> memref<32xi32, #tpu.memory_space<vmem>>
      %dma_start3A_256 = arith.constant 0 : i32
      %dma_start3A_257 = arith.constant 0 : i32
      %dma_start3A_258 = tpu.memref_slice %arg2[%dma_start3A_256, %dma_start3A_257] : memref<50000x16xf32, #tpu.memory_space<hbm>> -> memref<50000x16xf32, #tpu.memory_space<hbm>>
      tpu.enqueue_indirect_dma source(%dma_start3A_258 : memref<50000x16xf32, #tpu.memory_space<hbm>>) target(%dma_start3A_252 : memref<32x16xf32, #tpu.memory_space<vmem>>) offsets(%dma_start3A_255 : memref<32xi32, #tpu.memory_space<vmem>>) semaphore(%arg15 : memref<!tpu.dma_semaphore, #tpu.memory_space<semaphore_mem>>)
      %dma_start3A_259 = arith.constant 21 : i32
      %dma_start3A_260 = arith.constant 672 : i32
      %dma_start3A_261 = arith.constant 0 : i32
      %dma_start3A_262 = tpu.memref_slice %arg7[%dma_start3A_260, %dma_start3A_261] : memref<1280x16xf32, #tpu.memory_space<vmem>> -> memref<32x16xf32, #tpu.memory_space<vmem>>
      %dma_start3A_263 = arith.constant 0 : i32
      %dma_start3A_264 = tpu.memref_slice %arg5[%dma_start3A_259, %dma_start3A_263] : memref<40x32xi32, #tpu.memory_space<vmem>> -> memref<1x32xi32, #tpu.memory_space<vmem>>
      %dma_start3A_265 = tpu.memref_squeeze %dma_start3A_264 : memref<1x32xi32, #tpu.memory_space<vmem>> -> memref<32xi32, #tpu.memory_space<vmem>>
      %dma_start3A_266 = arith.constant 0 : i32
      %dma_start3A_267 = arith.constant 0 : i32
      %dma_start3A_268 = tpu.memref_slice %arg2[%dma_start3A_266, %dma_start3A_267] : memref<50000x16xf32, #tpu.memory_space<hbm>> -> memref<50000x16xf32, #tpu.memory_space<hbm>>
      tpu.enqueue_indirect_dma source(%dma_start3A_268 : memref<50000x16xf32, #tpu.memory_space<hbm>>) target(%dma_start3A_262 : memref<32x16xf32, #tpu.memory_space<vmem>>) offsets(%dma_start3A_265 : memref<32xi32, #tpu.memory_space<vmem>>) semaphore(%arg15 : memref<!tpu.dma_semaphore, #tpu.memory_space<semaphore_mem>>)
      %dma_start3A_269 = arith.constant 22 : i32
      %dma_start3A_270 = arith.constant 704 : i32
      %dma_start3A_271 = arith.constant 0 : i32
      %dma_start3A_272 = tpu.memref_slice %arg7[%dma_start3A_270, %dma_start3A_271] : memref<1280x16xf32, #tpu.memory_space<vmem>> -> memref<32x16xf32, #tpu.memory_space<vmem>>
      %dma_start3A_273 = arith.constant 0 : i32
      %dma_start3A_274 = tpu.memref_slice %arg5[%dma_start3A_269, %dma_start3A_273] : memref<40x32xi32, #tpu.memory_space<vmem>> -> memref<1x32xi32, #tpu.memory_space<vmem>>
      %dma_start3A_275 = tpu.memref_squeeze %dma_start3A_274 : memref<1x32xi32, #tpu.memory_space<vmem>> -> memref<32xi32, #tpu.memory_space<vmem>>
      %dma_start3A_276 = arith.constant 0 : i32
      %dma_start3A_277 = arith.constant 0 : i32
      %dma_start3A_278 = tpu.memref_slice %arg2[%dma_start3A_276, %dma_start3A_277] : memref<50000x16xf32, #tpu.memory_space<hbm>> -> memref<50000x16xf32, #tpu.memory_space<hbm>>
      tpu.enqueue_indirect_dma source(%dma_start3A_278 : memref<50000x16xf32, #tpu.memory_space<hbm>>) target(%dma_start3A_272 : memref<32x16xf32, #tpu.memory_space<vmem>>) offsets(%dma_start3A_275 : memref<32xi32, #tpu.memory_space<vmem>>) semaphore(%arg15 : memref<!tpu.dma_semaphore, #tpu.memory_space<semaphore_mem>>)
      %dma_start3A_279 = arith.constant 23 : i32
      %dma_start3A_280 = arith.constant 736 : i32
      %dma_start3A_281 = arith.constant 0 : i32
      %dma_start3A_282 = tpu.memref_slice %arg7[%dma_start3A_280, %dma_start3A_281] : memref<1280x16xf32, #tpu.memory_space<vmem>> -> memref<32x16xf32, #tpu.memory_space<vmem>>
      %dma_start3A_283 = arith.constant 0 : i32
      %dma_start3A_284 = tpu.memref_slice %arg5[%dma_start3A_279, %dma_start3A_283] : memref<40x32xi32, #tpu.memory_space<vmem>> -> memref<1x32xi32, #tpu.memory_space<vmem>>
      %dma_start3A_285 = tpu.memref_squeeze %dma_start3A_284 : memref<1x32xi32, #tpu.memory_space<vmem>> -> memref<32xi32, #tpu.memory_space<vmem>>
      %dma_start3A_286 = arith.constant 0 : i32
      %dma_start3A_287 = arith.constant 0 : i32
      %dma_start3A_288 = tpu.memref_slice %arg2[%dma_start3A_286, %dma_start3A_287] : memref<50000x16xf32, #tpu.memory_space<hbm>> -> memref<50000x16xf32, #tpu.memory_space<hbm>>
      tpu.enqueue_indirect_dma source(%dma_start3A_288 : memref<50000x16xf32, #tpu.memory_space<hbm>>) target(%dma_start3A_282 : memref<32x16xf32, #tpu.memory_space<vmem>>) offsets(%dma_start3A_285 : memref<32xi32, #tpu.memory_space<vmem>>) semaphore(%arg15 : memref<!tpu.dma_semaphore, #tpu.memory_space<semaphore_mem>>)
      %dma_start3A_289 = arith.constant 24 : i32
      %dma_start3A_290 = arith.constant 768 : i32
      %dma_start3A_291 = arith.constant 0 : i32
      %dma_start3A_292 = tpu.memref_slice %arg7[%dma_start3A_290, %dma_start3A_291] : memref<1280x16xf32, #tpu.memory_space<vmem>> -> memref<32x16xf32, #tpu.memory_space<vmem>>
      %dma_start3A_293 = arith.constant 0 : i32
      %dma_start3A_294 = tpu.memref_slice %arg5[%dma_start3A_289, %dma_start3A_293] : memref<40x32xi32, #tpu.memory_space<vmem>> -> memref<1x32xi32, #tpu.memory_space<vmem>>
      %dma_start3A_295 = tpu.memref_squeeze %dma_start3A_294 : memref<1x32xi32, #tpu.memory_space<vmem>> -> memref<32xi32, #tpu.memory_space<vmem>>
      %dma_start3A_296 = arith.constant 0 : i32
      %dma_start3A_297 = arith.constant 0 : i32
      %dma_start3A_298 = tpu.memref_slice %arg2[%dma_start3A_296, %dma_start3A_297] : memref<50000x16xf32, #tpu.memory_space<hbm>> -> memref<50000x16xf32, #tpu.memory_space<hbm>>
      tpu.enqueue_indirect_dma source(%dma_start3A_298 : memref<50000x16xf32, #tpu.memory_space<hbm>>) target(%dma_start3A_292 : memref<32x16xf32, #tpu.memory_space<vmem>>) offsets(%dma_start3A_295 : memref<32xi32, #tpu.memory_space<vmem>>) semaphore(%arg15 : memref<!tpu.dma_semaphore, #tpu.memory_space<semaphore_mem>>)
      %dma_start3A_299 = arith.constant 25 : i32
      %dma_start3A_300 = arith.constant 800 : i32
      %dma_start3A_301 = arith.constant 0 : i32
      %dma_start3A_302 = tpu.memref_slice %arg7[%dma_start3A_300, %dma_start3A_301] : memref<1280x16xf32, #tpu.memory_space<vmem>> -> memref<32x16xf32, #tpu.memory_space<vmem>>
      %dma_start3A_303 = arith.constant 0 : i32
      %dma_start3A_304 = tpu.memref_slice %arg5[%dma_start3A_299, %dma_start3A_303] : memref<40x32xi32, #tpu.memory_space<vmem>> -> memref<1x32xi32, #tpu.memory_space<vmem>>
      %dma_start3A_305 = tpu.memref_squeeze %dma_start3A_304 : memref<1x32xi32, #tpu.memory_space<vmem>> -> memref<32xi32, #tpu.memory_space<vmem>>
      %dma_start3A_306 = arith.constant 0 : i32
      %dma_start3A_307 = arith.constant 0 : i32
      %dma_start3A_308 = tpu.memref_slice %arg2[%dma_start3A_306, %dma_start3A_307] : memref<50000x16xf32, #tpu.memory_space<hbm>> -> memref<50000x16xf32, #tpu.memory_space<hbm>>
      tpu.enqueue_indirect_dma source(%dma_start3A_308 : memref<50000x16xf32, #tpu.memory_space<hbm>>) target(%dma_start3A_302 : memref<32x16xf32, #tpu.memory_space<vmem>>) offsets(%dma_start3A_305 : memref<32xi32, #tpu.memory_space<vmem>>) semaphore(%arg15 : memref<!tpu.dma_semaphore, #tpu.memory_space<semaphore_mem>>)
      %dma_start3A_309 = arith.constant 26 : i32
      %dma_start3A_310 = arith.constant 832 : i32
      %dma_start3A_311 = arith.constant 0 : i32
      %dma_start3A_312 = tpu.memref_slice %arg7[%dma_start3A_310, %dma_start3A_311] : memref<1280x16xf32, #tpu.memory_space<vmem>> -> memref<32x16xf32, #tpu.memory_space<vmem>>
      %dma_start3A_313 = arith.constant 0 : i32
      %dma_start3A_314 = tpu.memref_slice %arg5[%dma_start3A_309, %dma_start3A_313] : memref<40x32xi32, #tpu.memory_space<vmem>> -> memref<1x32xi32, #tpu.memory_space<vmem>>
      %dma_start3A_315 = tpu.memref_squeeze %dma_start3A_314 : memref<1x32xi32, #tpu.memory_space<vmem>> -> memref<32xi32, #tpu.memory_space<vmem>>
      %dma_start3A_316 = arith.constant 0 : i32
      %dma_start3A_317 = arith.constant 0 : i32
      %dma_start3A_318 = tpu.memref_slice %arg2[%dma_start3A_316, %dma_start3A_317] : memref<50000x16xf32, #tpu.memory_space<hbm>> -> memref<50000x16xf32, #tpu.memory_space<hbm>>
      tpu.enqueue_indirect_dma source(%dma_start3A_318 : memref<50000x16xf32, #tpu.memory_space<hbm>>) target(%dma_start3A_312 : memref<32x16xf32, #tpu.memory_space<vmem>>) offsets(%dma_start3A_315 : memref<32xi32, #tpu.memory_space<vmem>>) semaphore(%arg15 : memref<!tpu.dma_semaphore, #tpu.memory_space<semaphore_mem>>)
      %dma_start3A_319 = arith.constant 27 : i32
      %dma_start3A_320 = arith.constant 864 : i32
      %dma_start3A_321 = arith.constant 0 : i32
      %dma_start3A_322 = tpu.memref_slice %arg7[%dma_start3A_320, %dma_start3A_321] : memref<1280x16xf32, #tpu.memory_space<vmem>> -> memref<32x16xf32, #tpu.memory_space<vmem>>
      %dma_start3A_323 = arith.constant 0 : i32
      %dma_start3A_324 = tpu.memref_slice %arg5[%dma_start3A_319, %dma_start3A_323] : memref<40x32xi32, #tpu.memory_space<vmem>> -> memref<1x32xi32, #tpu.memory_space<vmem>>
      %dma_start3A_325 = tpu.memref_squeeze %dma_start3A_324 : memref<1x32xi32, #tpu.memory_space<vmem>> -> memref<32xi32, #tpu.memory_space<vmem>>
      %dma_start3A_326 = arith.constant 0 : i32
      %dma_start3A_327 = arith.constant 0 : i32
      %dma_start3A_328 = tpu.memref_slice %arg2[%dma_start3A_326, %dma_start3A_327] : memref<50000x16xf32, #tpu.memory_space<hbm>> -> memref<50000x16xf32, #tpu.memory_space<hbm>>
      tpu.enqueue_indirect_dma source(%dma_start3A_328 : memref<50000x16xf32, #tpu.memory_space<hbm>>) target(%dma_start3A_322 : memref<32x16xf32, #tpu.memory_space<vmem>>) offsets(%dma_start3A_325 : memref<32xi32, #tpu.memory_space<vmem>>) semaphore(%arg15 : memref<!tpu.dma_semaphore, #tpu.memory_space<semaphore_mem>>)
      %dma_start3A_329 = arith.constant 28 : i32
      %dma_start3A_330 = arith.constant 896 : i32
      %dma_start3A_331 = arith.constant 0 : i32
      %dma_start3A_332 = tpu.memref_slice %arg7[%dma_start3A_330, %dma_start3A_331] : memref<1280x16xf32, #tpu.memory_space<vmem>> -> memref<32x16xf32, #tpu.memory_space<vmem>>
      %dma_start3A_333 = arith.constant 0 : i32
      %dma_start3A_334 = tpu.memref_slice %arg5[%dma_start3A_329, %dma_start3A_333] : memref<40x32xi32, #tpu.memory_space<vmem>> -> memref<1x32xi32, #tpu.memory_space<vmem>>
      %dma_start3A_335 = tpu.memref_squeeze %dma_start3A_334 : memref<1x32xi32, #tpu.memory_space<vmem>> -> memref<32xi32, #tpu.memory_space<vmem>>
      %dma_start3A_336 = arith.constant 0 : i32
      %dma_start3A_337 = arith.constant 0 : i32
      %dma_start3A_338 = tpu.memref_slice %arg2[%dma_start3A_336, %dma_start3A_337] : memref<50000x16xf32, #tpu.memory_space<hbm>> -> memref<50000x16xf32, #tpu.memory_space<hbm>>
      tpu.enqueue_indirect_dma source(%dma_start3A_338 : memref<50000x16xf32, #tpu.memory_space<hbm>>) target(%dma_start3A_332 : memref<32x16xf32, #tpu.memory_space<vmem>>) offsets(%dma_start3A_335 : memref<32xi32, #tpu.memory_space<vmem>>) semaphore(%arg15 : memref<!tpu.dma_semaphore, #tpu.memory_space<semaphore_mem>>)
      %dma_start3A_339 = arith.constant 29 : i32
      %dma_start3A_340 = arith.constant 928 : i32
      %dma_start3A_341 = arith.constant 0 : i32
      %dma_start3A_342 = tpu.memref_slice %arg7[%dma_start3A_340, %dma_start3A_341] : memref<1280x16xf32, #tpu.memory_space<vmem>> -> memref<32x16xf32, #tpu.memory_space<vmem>>
      %dma_start3A_343 = arith.constant 0 : i32
      %dma_start3A_344 = tpu.memref_slice %arg5[%dma_start3A_339, %dma_start3A_343] : memref<40x32xi32, #tpu.memory_space<vmem>> -> memref<1x32xi32, #tpu.memory_space<vmem>>
      %dma_start3A_345 = tpu.memref_squeeze %dma_start3A_344 : memref<1x32xi32, #tpu.memory_space<vmem>> -> memref<32xi32, #tpu.memory_space<vmem>>
      %dma_start3A_346 = arith.constant 0 : i32
      %dma_start3A_347 = arith.constant 0 : i32
      %dma_start3A_348 = tpu.memref_slice %arg2[%dma_start3A_346, %dma_start3A_347] : memref<50000x16xf32, #tpu.memory_space<hbm>> -> memref<50000x16xf32, #tpu.memory_space<hbm>>
      tpu.enqueue_indirect_dma source(%dma_start3A_348 : memref<50000x16xf32, #tpu.memory_space<hbm>>) target(%dma_start3A_342 : memref<32x16xf32, #tpu.memory_space<vmem>>) offsets(%dma_start3A_345 : memref<32xi32, #tpu.memory_space<vmem>>) semaphore(%arg15 : memref<!tpu.dma_semaphore, #tpu.memory_space<semaphore_mem>>)
      %dma_start3A_349 = arith.constant 30 : i32
      %dma_start3A_350 = arith.constant 960 : i32
      %dma_start3A_351 = arith.constant 0 : i32
      %dma_start3A_352 = tpu.memref_slice %arg7[%dma_start3A_350, %dma_start3A_351] : memref<1280x16xf32, #tpu.memory_space<vmem>> -> memref<32x16xf32, #tpu.memory_space<vmem>>
      %dma_start3A_353 = arith.constant 0 : i32
      %dma_start3A_354 = tpu.memref_slice %arg5[%dma_start3A_349, %dma_start3A_353] : memref<40x32xi32, #tpu.memory_space<vmem>> -> memref<1x32xi32, #tpu.memory_space<vmem>>
      %dma_start3A_355 = tpu.memref_squeeze %dma_start3A_354 : memref<1x32xi32, #tpu.memory_space<vmem>> -> memref<32xi32, #tpu.memory_space<vmem>>
      %dma_start3A_356 = arith.constant 0 : i32
      %dma_start3A_357 = arith.constant 0 : i32
      %dma_start3A_358 = tpu.memref_slice %arg2[%dma_start3A_356, %dma_start3A_357] : memref<50000x16xf32, #tpu.memory_space<hbm>> -> memref<50000x16xf32, #tpu.memory_space<hbm>>
      tpu.enqueue_indirect_dma source(%dma_start3A_358 : memref<50000x16xf32, #tpu.memory_space<hbm>>) target(%dma_start3A_352 : memref<32x16xf32, #tpu.memory_space<vmem>>) offsets(%dma_start3A_355 : memref<32xi32, #tpu.memory_space<vmem>>) semaphore(%arg15 : memref<!tpu.dma_semaphore, #tpu.memory_space<semaphore_mem>>)
      %dma_start3A_359 = arith.constant 31 : i32
      %dma_start3A_360 = arith.constant 992 : i32
      %dma_start3A_361 = arith.constant 0 : i32
      %dma_start3A_362 = tpu.memref_slice %arg7[%dma_start3A_360, %dma_start3A_361] : memref<1280x16xf32, #tpu.memory_space<vmem>> -> memref<32x16xf32, #tpu.memory_space<vmem>>
      %dma_start3A_363 = arith.constant 0 : i32
      %dma_start3A_364 = tpu.memref_slice %arg5[%dma_start3A_359, %dma_start3A_363] : memref<40x32xi32, #tpu.memory_space<vmem>> -> memref<1x32xi32, #tpu.memory_space<vmem>>
      %dma_start3A_365 = tpu.memref_squeeze %dma_start3A_364 : memref<1x32xi32, #tpu.memory_space<vmem>> -> memref<32xi32, #tpu.memory_space<vmem>>
      %dma_start3A_366 = arith.constant 0 : i32
      %dma_start3A_367 = arith.constant 0 : i32
      %dma_start3A_368 = tpu.memref_slice %arg2[%dma_start3A_366, %dma_start3A_367] : memref<50000x16xf32, #tpu.memory_space<hbm>> -> memref<50000x16xf32, #tpu.memory_space<hbm>>
      tpu.enqueue_indirect_dma source(%dma_start3A_368 : memref<50000x16xf32, #tpu.memory_space<hbm>>) target(%dma_start3A_362 : memref<32x16xf32, #tpu.memory_space<vmem>>) offsets(%dma_start3A_365 : memref<32xi32, #tpu.memory_space<vmem>>) semaphore(%arg15 : memref<!tpu.dma_semaphore, #tpu.memory_space<semaphore_mem>>)
      %dma_start3A_369 = arith.constant 32 : i32
      %dma_start3A_370 = arith.constant 1024 : i32
      %dma_start3A_371 = arith.constant 0 : i32
      %dma_start3A_372 = tpu.memref_slice %arg7[%dma_start3A_370, %dma_start3A_371] : memref<1280x16xf32, #tpu.memory_space<vmem>> -> memref<32x16xf32, #tpu.memory_space<vmem>>
      %dma_start3A_373 = arith.constant 0 : i32
      %dma_start3A_374 = tpu.memref_slice %arg5[%dma_start3A_369, %dma_start3A_373] : memref<40x32xi32, #tpu.memory_space<vmem>> -> memref<1x32xi32, #tpu.memory_space<vmem>>
      %dma_start3A_375 = tpu.memref_squeeze %dma_start3A_374 : memref<1x32xi32, #tpu.memory_space<vmem>> -> memref<32xi32, #tpu.memory_space<vmem>>
      %dma_start3A_376 = arith.constant 0 : i32
      %dma_start3A_377 = arith.constant 0 : i32
      %dma_start3A_378 = tpu.memref_slice %arg2[%dma_start3A_376, %dma_start3A_377] : memref<50000x16xf32, #tpu.memory_space<hbm>> -> memref<50000x16xf32, #tpu.memory_space<hbm>>
      tpu.enqueue_indirect_dma source(%dma_start3A_378 : memref<50000x16xf32, #tpu.memory_space<hbm>>) target(%dma_start3A_372 : memref<32x16xf32, #tpu.memory_space<vmem>>) offsets(%dma_start3A_375 : memref<32xi32, #tpu.memory_space<vmem>>) semaphore(%arg15 : memref<!tpu.dma_semaphore, #tpu.memory_space<semaphore_mem>>)
      %dma_start3A_379 = arith.constant 33 : i32
      %dma_start3A_380 = arith.constant 1056 : i32
      %dma_start3A_381 = arith.constant 0 : i32
      %dma_start3A_382 = tpu.memref_slice %arg7[%dma_start3A_380, %dma_start3A_381] : memref<1280x16xf32, #tpu.memory_space<vmem>> -> memref<32x16xf32, #tpu.memory_space<vmem>>
      %dma_start3A_383 = arith.constant 0 : i32
      %dma_start3A_384 = tpu.memref_slice %arg5[%dma_start3A_379, %dma_start3A_383] : memref<40x32xi32, #tpu.memory_space<vmem>> -> memref<1x32xi32, #tpu.memory_space<vmem>>
      %dma_start3A_385 = tpu.memref_squeeze %dma_start3A_384 : memref<1x32xi32, #tpu.memory_space<vmem>> -> memref<32xi32, #tpu.memory_space<vmem>>
      %dma_start3A_386 = arith.constant 0 : i32
      %dma_start3A_387 = arith.constant 0 : i32
      %dma_start3A_388 = tpu.memref_slice %arg2[%dma_start3A_386, %dma_start3A_387] : memref<50000x16xf32, #tpu.memory_space<hbm>> -> memref<50000x16xf32, #tpu.memory_space<hbm>>
      tpu.enqueue_indirect_dma source(%dma_start3A_388 : memref<50000x16xf32, #tpu.memory_space<hbm>>) target(%dma_start3A_382 : memref<32x16xf32, #tpu.memory_space<vmem>>) offsets(%dma_start3A_385 : memref<32xi32, #tpu.memory_space<vmem>>) semaphore(%arg15 : memref<!tpu.dma_semaphore, #tpu.memory_space<semaphore_mem>>)
      %dma_start3A_389 = arith.constant 34 : i32
      %dma_start3A_390 = arith.constant 1088 : i32
      %dma_start3A_391 = arith.constant 0 : i32
      %dma_start3A_392 = tpu.memref_slice %arg7[%dma_start3A_390, %dma_start3A_391] : memref<1280x16xf32, #tpu.memory_space<vmem>> -> memref<32x16xf32, #tpu.memory_space<vmem>>
      %dma_start3A_393 = arith.constant 0 : i32
      %dma_start3A_394 = tpu.memref_slice %arg5[%dma_start3A_389, %dma_start3A_393] : memref<40x32xi32, #tpu.memory_space<vmem>> -> memref<1x32xi32, #tpu.memory_space<vmem>>
      %dma_start3A_395 = tpu.memref_squeeze %dma_start3A_394 : memref<1x32xi32, #tpu.memory_space<vmem>> -> memref<32xi32, #tpu.memory_space<vmem>>
      %dma_start3A_396 = arith.constant 0 : i32
      %dma_start3A_397 = arith.constant 0 : i32
      %dma_start3A_398 = tpu.memref_slice %arg2[%dma_start3A_396, %dma_start3A_397] : memref<50000x16xf32, #tpu.memory_space<hbm>> -> memref<50000x16xf32, #tpu.memory_space<hbm>>
      tpu.enqueue_indirect_dma source(%dma_start3A_398 : memref<50000x16xf32, #tpu.memory_space<hbm>>) target(%dma_start3A_392 : memref<32x16xf32, #tpu.memory_space<vmem>>) offsets(%dma_start3A_395 : memref<32xi32, #tpu.memory_space<vmem>>) semaphore(%arg15 : memref<!tpu.dma_semaphore, #tpu.memory_space<semaphore_mem>>)
      %dma_start3A_399 = arith.constant 35 : i32
      %dma_start3A_400 = arith.constant 1120 : i32
      %dma_start3A_401 = arith.constant 0 : i32
      %dma_start3A_402 = tpu.memref_slice %arg7[%dma_start3A_400, %dma_start3A_401] : memref<1280x16xf32, #tpu.memory_space<vmem>> -> memref<32x16xf32, #tpu.memory_space<vmem>>
      %dma_start3A_403 = arith.constant 0 : i32
      %dma_start3A_404 = tpu.memref_slice %arg5[%dma_start3A_399, %dma_start3A_403] : memref<40x32xi32, #tpu.memory_space<vmem>> -> memref<1x32xi32, #tpu.memory_space<vmem>>
      %dma_start3A_405 = tpu.memref_squeeze %dma_start3A_404 : memref<1x32xi32, #tpu.memory_space<vmem>> -> memref<32xi32, #tpu.memory_space<vmem>>
      %dma_start3A_406 = arith.constant 0 : i32
      %dma_start3A_407 = arith.constant 0 : i32
      %dma_start3A_408 = tpu.memref_slice %arg2[%dma_start3A_406, %dma_start3A_407] : memref<50000x16xf32, #tpu.memory_space<hbm>> -> memref<50000x16xf32, #tpu.memory_space<hbm>>
      tpu.enqueue_indirect_dma source(%dma_start3A_408 : memref<50000x16xf32, #tpu.memory_space<hbm>>) target(%dma_start3A_402 : memref<32x16xf32, #tpu.memory_space<vmem>>) offsets(%dma_start3A_405 : memref<32xi32, #tpu.memory_space<vmem>>) semaphore(%arg15 : memref<!tpu.dma_semaphore, #tpu.memory_space<semaphore_mem>>)
      %dma_start3A_409 = arith.constant 36 : i32
      %dma_start3A_410 = arith.constant 1152 : i32
      %dma_start3A_411 = arith.constant 0 : i32
      %dma_start3A_412 = tpu.memref_slice %arg7[%dma_start3A_410, %dma_start3A_411] : memref<1280x16xf32, #tpu.memory_space<vmem>> -> memref<32x16xf32, #tpu.memory_space<vmem>>
      %dma_start3A_413 = arith.constant 0 : i32
      %dma_start3A_414 = tpu.memref_slice %arg5[%dma_start3A_409, %dma_start3A_413] : memref<40x32xi32, #tpu.memory_space<vmem>> -> memref<1x32xi32, #tpu.memory_space<vmem>>
      %dma_start3A_415 = tpu.memref_squeeze %dma_start3A_414 : memref<1x32xi32, #tpu.memory_space<vmem>> -> memref<32xi32, #tpu.memory_space<vmem>>
      %dma_start3A_416 = arith.constant 0 : i32
      %dma_start3A_417 = arith.constant 0 : i32
      %dma_start3A_418 = tpu.memref_slice %arg2[%dma_start3A_416, %dma_start3A_417] : memref<50000x16xf32, #tpu.memory_space<hbm>> -> memref<50000x16xf32, #tpu.memory_space<hbm>>
      tpu.enqueue_indirect_dma source(%dma_start3A_418 : memref<50000x16xf32, #tpu.memory_space<hbm>>) target(%dma_start3A_412 : memref<32x16xf32, #tpu.memory_space<vmem>>) offsets(%dma_start3A_415 : memref<32xi32, #tpu.memory_space<vmem>>) semaphore(%arg15 : memref<!tpu.dma_semaphore, #tpu.memory_space<semaphore_mem>>)
      %dma_start3A_419 = arith.constant 37 : i32
      %dma_start3A_420 = arith.constant 1184 : i32
      %dma_start3A_421 = arith.constant 0 : i32
      %dma_start3A_422 = tpu.memref_slice %arg7[%dma_start3A_420, %dma_start3A_421] : memref<1280x16xf32, #tpu.memory_space<vmem>> -> memref<32x16xf32, #tpu.memory_space<vmem>>
      %dma_start3A_423 = arith.constant 0 : i32
      %dma_start3A_424 = tpu.memref_slice %arg5[%dma_start3A_419, %dma_start3A_423] : memref<40x32xi32, #tpu.memory_space<vmem>> -> memref<1x32xi32, #tpu.memory_space<vmem>>
      %dma_start3A_425 = tpu.memref_squeeze %dma_start3A_424 : memref<1x32xi32, #tpu.memory_space<vmem>> -> memref<32xi32, #tpu.memory_space<vmem>>
      %dma_start3A_426 = arith.constant 0 : i32
      %dma_start3A_427 = arith.constant 0 : i32
      %dma_start3A_428 = tpu.memref_slice %arg2[%dma_start3A_426, %dma_start3A_427] : memref<50000x16xf32, #tpu.memory_space<hbm>> -> memref<50000x16xf32, #tpu.memory_space<hbm>>
      tpu.enqueue_indirect_dma source(%dma_start3A_428 : memref<50000x16xf32, #tpu.memory_space<hbm>>) target(%dma_start3A_422 : memref<32x16xf32, #tpu.memory_space<vmem>>) offsets(%dma_start3A_425 : memref<32xi32, #tpu.memory_space<vmem>>) semaphore(%arg15 : memref<!tpu.dma_semaphore, #tpu.memory_space<semaphore_mem>>)
      %dma_start3A_429 = arith.constant 38 : i32
      %dma_start3A_430 = arith.constant 1216 : i32
      %dma_start3A_431 = arith.constant 0 : i32
      %dma_start3A_432 = tpu.memref_slice %arg7[%dma_start3A_430, %dma_start3A_431] : memref<1280x16xf32, #tpu.memory_space<vmem>> -> memref<32x16xf32, #tpu.memory_space<vmem>>
      %dma_start3A_433 = arith.constant 0 : i32
      %dma_start3A_434 = tpu.memref_slice %arg5[%dma_start3A_429, %dma_start3A_433] : memref<40x32xi32, #tpu.memory_space<vmem>> -> memref<1x32xi32, #tpu.memory_space<vmem>>
      %dma_start3A_435 = tpu.memref_squeeze %dma_start3A_434 : memref<1x32xi32, #tpu.memory_space<vmem>> -> memref<32xi32, #tpu.memory_space<vmem>>
      %dma_start3A_436 = arith.constant 0 : i32
      %dma_start3A_437 = arith.constant 0 : i32
      %dma_start3A_438 = tpu.memref_slice %arg2[%dma_start3A_436, %dma_start3A_437] : memref<50000x16xf32, #tpu.memory_space<hbm>> -> memref<50000x16xf32, #tpu.memory_space<hbm>>
      tpu.enqueue_indirect_dma source(%dma_start3A_438 : memref<50000x16xf32, #tpu.memory_space<hbm>>) target(%dma_start3A_432 : memref<32x16xf32, #tpu.memory_space<vmem>>) offsets(%dma_start3A_435 : memref<32xi32, #tpu.memory_space<vmem>>) semaphore(%arg15 : memref<!tpu.dma_semaphore, #tpu.memory_space<semaphore_mem>>)
      %dma_start3A_439 = arith.constant 39 : i32
      %dma_start3A_440 = arith.constant 1248 : i32
      %dma_start3A_441 = arith.constant 0 : i32
      %dma_start3A_442 = tpu.memref_slice %arg7[%dma_start3A_440, %dma_start3A_441] : memref<1280x16xf32, #tpu.memory_space<vmem>> -> memref<32x16xf32, #tpu.memory_space<vmem>>
      %dma_start3A_443 = arith.constant 0 : i32
      %dma_start3A_444 = tpu.memref_slice %arg5[%dma_start3A_439, %dma_start3A_443] : memref<40x32xi32, #tpu.memory_space<vmem>> -> memref<1x32xi32, #tpu.memory_space<vmem>>
      %dma_start3A_445 = tpu.memref_squeeze %dma_start3A_444 : memref<1x32xi32, #tpu.memory_space<vmem>> -> memref<32xi32, #tpu.memory_space<vmem>>
      %dma_start3A_446 = arith.constant 0 : i32
      %dma_start3A_447 = arith.constant 0 : i32
      %dma_start3A_448 = tpu.memref_slice %arg2[%dma_start3A_446, %dma_start3A_447] : memref<50000x16xf32, #tpu.memory_space<hbm>> -> memref<50000x16xf32, #tpu.memory_space<hbm>>
      tpu.enqueue_indirect_dma source(%dma_start3A_448 : memref<50000x16xf32, #tpu.memory_space<hbm>>) target(%dma_start3A_442 : memref<32x16xf32, #tpu.memory_space<vmem>>) offsets(%dma_start3A_445 : memref<32xi32, #tpu.memory_space<vmem>>) semaphore(%arg15 : memref<!tpu.dma_semaphore, #tpu.memory_space<semaphore_mem>>)
    } else {
    }
    %add3A_12 = arith.constant 32 : i32
    %add3A_13 = arith.addi %add3A, %add3A_12 : i32
    %lt3A_14 = arith.constant 1250 : i32
    %lt3A_15 = arith.cmpi slt, %add3A_13, %lt3A_14 : i32
    %convert_element_type3A_16 = arith.extui %lt3A_15 : i1 to i32
    %cond3A_17 = arith.constant 0 : i32
    %cond3A_18 = arith.cmpi ne, %convert_element_type3A_16, %cond3A_17 : i32
    scf.if %cond3A_18 {
      %mul3A_39 = arith.constant 40 : i32
      %mul3A_40 = arith.muli %add3A_13, %mul3A_39 : i32
      %dma_start3A = arith.constant 0 : i32
      %dma_start3A_41 = tpu.memref_slice %arg3[%mul3A_40, %dma_start3A] : memref<50000x32xi32, #tpu.memory_space<hbm>> -> memref<40x32xi32, #tpu.memory_space<hbm>>
      %dma_start3A_42 = arith.constant 0 : i32
      %dma_start3A_43 = tpu.memref_slice %arg3[%mul3A_40, %dma_start3A_42] : memref<50000x32xi32, #tpu.memory_space<hbm>> -> memref<40x32xi32, #tpu.memory_space<hbm>>
      tpu.enqueue_dma source(%dma_start3A_43 : memref<40x32xi32, #tpu.memory_space<hbm>>) target(%arg6 : memref<40x32xi32, #tpu.memory_space<vmem>>) target_semaphore(%arg14 : memref<!tpu.dma_semaphore, #tpu.memory_space<semaphore_mem>>)
      %dma_start3A_44 = arith.constant 0 : i32
      %dma_start3A_45 = tpu.memref_slice %arg2[%mul3A_40, %dma_start3A_44] : memref<50000x16xf32, #tpu.memory_space<hbm>> -> memref<40x16xf32, #tpu.memory_space<hbm>>
      %dma_start3A_46 = arith.constant 0 : i32
      %dma_start3A_47 = tpu.memref_slice %arg2[%mul3A_40, %dma_start3A_46] : memref<50000x16xf32, #tpu.memory_space<hbm>> -> memref<40x16xf32, #tpu.memory_space<hbm>>
      tpu.enqueue_dma source(%dma_start3A_47 : memref<40x16xf32, #tpu.memory_space<hbm>>) target(%arg10 : memref<40x16xf32, #tpu.memory_space<vmem>>) target_semaphore(%arg14 : memref<!tpu.dma_semaphore, #tpu.memory_space<semaphore_mem>>)
    } else {
    }
    %scan3A = arith.constant 0 : i32
    %scan3A_19 = arith.constant 0 : i32
    %scan3A_20 = arith.constant 20 : i32
    %scan3A_21 = arith.addi %scan3A_19, %scan3A_20 : i32
    %scan3A_22 = arith.constant 1 : i32
    %scan3A_23 = scf.for %scan3A_39 = %scan3A_19 to %scan3A_21 step %scan3A_22 iter_args(%scan3A_40 = %scan3A) -> (i32)  : i32 {
      %mul3A_41 = arith.constant 2 : i32
      %mul3A_42 = arith.muli %scan3A_39, %mul3A_41 : i32
      %add3A_43 = arith.constant 1 : i32
      %add3A_44 = arith.addi %mul3A_42, %add3A_43 : i32
      %mul3A_45 = arith.constant 32 : i32
      %mul3A_46 = arith.muli %add3A_44, %mul3A_45 : i32
      %add3A_47 = arith.addi %add3A, %mul3A_46 : i32
      %lt3A_48 = arith.constant 1250 : i32
      %lt3A_49 = arith.cmpi slt, %add3A_47, %lt3A_48 : i32
      %convert_element_type3A_50 = arith.extui %lt3A_49 : i1 to i32
      %cond3A_51 = arith.constant 0 : i32
      %cond3A_52 = arith.cmpi ne, %convert_element_type3A_50, %cond3A_51 : i32
      scf.if %cond3A_52 {
        %dma_wait3A = arith.constant 0 : i32
        %dma_wait3A_102 = arith.constant 0 : i32
        %dma_wait3A_103 = tpu.memref_slice %arg3[%dma_wait3A, %dma_wait3A_102] : memref<50000x32xi32, #tpu.memory_space<hbm>> -> memref<40x32xi32, #tpu.memory_space<hbm>>
        %dma_wait3A_104 = arith.constant 0 : i32
        %dma_wait3A_105 = arith.constant 0 : i32
        %dma_wait3A_106 = tpu.memref_slice %arg3[%dma_wait3A_104, %dma_wait3A_105] : memref<50000x32xi32, #tpu.memory_space<hbm>> -> memref<40x32xi32, #tpu.memory_space<hbm>>
        tpu.wait_dma2 semaphore(%arg14 : memref<!tpu.dma_semaphore, #tpu.memory_space<semaphore_mem>>) src(%dma_wait3A_106 : memref<40x32xi32, #tpu.memory_space<hbm>>) dst(%arg6 : memref<40x32xi32, #tpu.memory_space<vmem>>)
        %dma_wait3A_107 = arith.constant 0 : i32
        %dma_wait3A_108 = arith.constant 0 : i32
        %dma_wait3A_109 = tpu.memref_slice %arg2[%dma_wait3A_107, %dma_wait3A_108] : memref<50000x16xf32, #tpu.memory_space<hbm>> -> memref<40x16xf32, #tpu.memory_space<hbm>>
        %dma_wait3A_110 = arith.constant 0 : i32
        %dma_wait3A_111 = arith.constant 0 : i32
        %dma_wait3A_112 = tpu.memref_slice %arg2[%dma_wait3A_110, %dma_wait3A_111] : memref<50000x16xf32, #tpu.memory_space<hbm>> -> memref<40x16xf32, #tpu.memory_space<hbm>>
        tpu.wait_dma2 semaphore(%arg14 : memref<!tpu.dma_semaphore, #tpu.memory_space<semaphore_mem>>) src(%dma_wait3A_112 : memref<40x16xf32, #tpu.memory_space<hbm>>) dst(%arg10 : memref<40x16xf32, #tpu.memory_space<vmem>>)
        %dma_start3A = arith.constant 0 : i32
        %dma_start3A_113 = arith.constant 0 : i32
        %dma_start3A_114 = arith.constant 0 : i32
        %dma_start3A_115 = tpu.memref_slice %arg8[%dma_start3A_113, %dma_start3A_114] : memref<1280x16xf32, #tpu.memory_space<vmem>> -> memref<32x16xf32, #tpu.memory_space<vmem>>
        %dma_start3A_116 = arith.constant 0 : i32
        %dma_start3A_117 = tpu.memref_slice %arg6[%dma_start3A, %dma_start3A_116] : memref<40x32xi32, #tpu.memory_space<vmem>> -> memref<1x32xi32, #tpu.memory_space<vmem>>
        %dma_start3A_118 = tpu.memref_squeeze %dma_start3A_117 : memref<1x32xi32, #tpu.memory_space<vmem>> -> memref<32xi32, #tpu.memory_space<vmem>>
        %dma_start3A_119 = arith.constant 0 : i32
        %dma_start3A_120 = arith.constant 0 : i32
        %dma_start3A_121 = tpu.memref_slice %arg2[%dma_start3A_119, %dma_start3A_120] : memref<50000x16xf32, #tpu.memory_space<hbm>> -> memref<50000x16xf32, #tpu.memory_space<hbm>>
        tpu.enqueue_indirect_dma source(%dma_start3A_121 : memref<50000x16xf32, #tpu.memory_space<hbm>>) target(%dma_start3A_115 : memref<32x16xf32, #tpu.memory_space<vmem>>) offsets(%dma_start3A_118 : memref<32xi32, #tpu.memory_space<vmem>>) semaphore(%arg16 : memref<!tpu.dma_semaphore, #tpu.memory_space<semaphore_mem>>)
        %dma_start3A_122 = arith.constant 1 : i32
        %dma_start3A_123 = arith.constant 32 : i32
        %dma_start3A_124 = arith.constant 0 : i32
        %dma_start3A_125 = tpu.memref_slice %arg8[%dma_start3A_123, %dma_start3A_124] : memref<1280x16xf32, #tpu.memory_space<vmem>> -> memref<32x16xf32, #tpu.memory_space<vmem>>
        %dma_start3A_126 = arith.constant 0 : i32
        %dma_start3A_127 = tpu.memref_slice %arg6[%dma_start3A_122, %dma_start3A_126] : memref<40x32xi32, #tpu.memory_space<vmem>> -> memref<1x32xi32, #tpu.memory_space<vmem>>
        %dma_start3A_128 = tpu.memref_squeeze %dma_start3A_127 : memref<1x32xi32, #tpu.memory_space<vmem>> -> memref<32xi32, #tpu.memory_space<vmem>>
        %dma_start3A_129 = arith.constant 0 : i32
        %dma_start3A_130 = arith.constant 0 : i32
        %dma_start3A_131 = tpu.memref_slice %arg2[%dma_start3A_129, %dma_start3A_130] : memref<50000x16xf32, #tpu.memory_space<hbm>> -> memref<50000x16xf32, #tpu.memory_space<hbm>>
        tpu.enqueue_indirect_dma source(%dma_start3A_131 : memref<50000x16xf32, #tpu.memory_space<hbm>>) target(%dma_start3A_125 : memref<32x16xf32, #tpu.memory_space<vmem>>) offsets(%dma_start3A_128 : memref<32xi32, #tpu.memory_space<vmem>>) semaphore(%arg16 : memref<!tpu.dma_semaphore, #tpu.memory_space<semaphore_mem>>)
        %dma_start3A_132 = arith.constant 2 : i32
        %dma_start3A_133 = arith.constant 64 : i32
        %dma_start3A_134 = arith.constant 0 : i32
        %dma_start3A_135 = tpu.memref_slice %arg8[%dma_start3A_133, %dma_start3A_134] : memref<1280x16xf32, #tpu.memory_space<vmem>> -> memref<32x16xf32, #tpu.memory_space<vmem>>
        %dma_start3A_136 = arith.constant 0 : i32
        %dma_start3A_137 = tpu.memref_slice %arg6[%dma_start3A_132, %dma_start3A_136] : memref<40x32xi32, #tpu.memory_space<vmem>> -> memref<1x32xi32, #tpu.memory_space<vmem>>
        %dma_start3A_138 = tpu.memref_squeeze %dma_start3A_137 : memref<1x32xi32, #tpu.memory_space<vmem>> -> memref<32xi32, #tpu.memory_space<vmem>>
        %dma_start3A_139 = arith.constant 0 : i32
        %dma_start3A_140 = arith.constant 0 : i32
        %dma_start3A_141 = tpu.memref_slice %arg2[%dma_start3A_139, %dma_start3A_140] : memref<50000x16xf32, #tpu.memory_space<hbm>> -> memref<50000x16xf32, #tpu.memory_space<hbm>>
        tpu.enqueue_indirect_dma source(%dma_start3A_141 : memref<50000x16xf32, #tpu.memory_space<hbm>>) target(%dma_start3A_135 : memref<32x16xf32, #tpu.memory_space<vmem>>) offsets(%dma_start3A_138 : memref<32xi32, #tpu.memory_space<vmem>>) semaphore(%arg16 : memref<!tpu.dma_semaphore, #tpu.memory_space<semaphore_mem>>)
        %dma_start3A_142 = arith.constant 3 : i32
        %dma_start3A_143 = arith.constant 96 : i32
        %dma_start3A_144 = arith.constant 0 : i32
        %dma_start3A_145 = tpu.memref_slice %arg8[%dma_start3A_143, %dma_start3A_144] : memref<1280x16xf32, #tpu.memory_space<vmem>> -> memref<32x16xf32, #tpu.memory_space<vmem>>
        %dma_start3A_146 = arith.constant 0 : i32
        %dma_start3A_147 = tpu.memref_slice %arg6[%dma_start3A_142, %dma_start3A_146] : memref<40x32xi32, #tpu.memory_space<vmem>> -> memref<1x32xi32, #tpu.memory_space<vmem>>
        %dma_start3A_148 = tpu.memref_squeeze %dma_start3A_147 : memref<1x32xi32, #tpu.memory_space<vmem>> -> memref<32xi32, #tpu.memory_space<vmem>>
        %dma_start3A_149 = arith.constant 0 : i32
        %dma_start3A_150 = arith.constant 0 : i32
        %dma_start3A_151 = tpu.memref_slice %arg2[%dma_start3A_149, %dma_start3A_150] : memref<50000x16xf32, #tpu.memory_space<hbm>> -> memref<50000x16xf32, #tpu.memory_space<hbm>>
        tpu.enqueue_indirect_dma source(%dma_start3A_151 : memref<50000x16xf32, #tpu.memory_space<hbm>>) target(%dma_start3A_145 : memref<32x16xf32, #tpu.memory_space<vmem>>) offsets(%dma_start3A_148 : memref<32xi32, #tpu.memory_space<vmem>>) semaphore(%arg16 : memref<!tpu.dma_semaphore, #tpu.memory_space<semaphore_mem>>)
        %dma_start3A_152 = arith.constant 4 : i32
        %dma_start3A_153 = arith.constant 128 : i32
        %dma_start3A_154 = arith.constant 0 : i32
        %dma_start3A_155 = tpu.memref_slice %arg8[%dma_start3A_153, %dma_start3A_154] : memref<1280x16xf32, #tpu.memory_space<vmem>> -> memref<32x16xf32, #tpu.memory_space<vmem>>
        %dma_start3A_156 = arith.constant 0 : i32
        %dma_start3A_157 = tpu.memref_slice %arg6[%dma_start3A_152, %dma_start3A_156] : memref<40x32xi32, #tpu.memory_space<vmem>> -> memref<1x32xi32, #tpu.memory_space<vmem>>
        %dma_start3A_158 = tpu.memref_squeeze %dma_start3A_157 : memref<1x32xi32, #tpu.memory_space<vmem>> -> memref<32xi32, #tpu.memory_space<vmem>>
        %dma_start3A_159 = arith.constant 0 : i32
        %dma_start3A_160 = arith.constant 0 : i32
        %dma_start3A_161 = tpu.memref_slice %arg2[%dma_start3A_159, %dma_start3A_160] : memref<50000x16xf32, #tpu.memory_space<hbm>> -> memref<50000x16xf32, #tpu.memory_space<hbm>>
        tpu.enqueue_indirect_dma source(%dma_start3A_161 : memref<50000x16xf32, #tpu.memory_space<hbm>>) target(%dma_start3A_155 : memref<32x16xf32, #tpu.memory_space<vmem>>) offsets(%dma_start3A_158 : memref<32xi32, #tpu.memory_space<vmem>>) semaphore(%arg16 : memref<!tpu.dma_semaphore, #tpu.memory_space<semaphore_mem>>)
        %dma_start3A_162 = arith.constant 5 : i32
        %dma_start3A_163 = arith.constant 160 : i32
        %dma_start3A_164 = arith.constant 0 : i32
        %dma_start3A_165 = tpu.memref_slice %arg8[%dma_start3A_163, %dma_start3A_164] : memref<1280x16xf32, #tpu.memory_space<vmem>> -> memref<32x16xf32, #tpu.memory_space<vmem>>
        %dma_start3A_166 = arith.constant 0 : i32
        %dma_start3A_167 = tpu.memref_slice %arg6[%dma_start3A_162, %dma_start3A_166] : memref<40x32xi32, #tpu.memory_space<vmem>> -> memref<1x32xi32, #tpu.memory_space<vmem>>
        %dma_start3A_168 = tpu.memref_squeeze %dma_start3A_167 : memref<1x32xi32, #tpu.memory_space<vmem>> -> memref<32xi32, #tpu.memory_space<vmem>>
        %dma_start3A_169 = arith.constant 0 : i32
        %dma_start3A_170 = arith.constant 0 : i32
        %dma_start3A_171 = tpu.memref_slice %arg2[%dma_start3A_169, %dma_start3A_170] : memref<50000x16xf32, #tpu.memory_space<hbm>> -> memref<50000x16xf32, #tpu.memory_space<hbm>>
        tpu.enqueue_indirect_dma source(%dma_start3A_171 : memref<50000x16xf32, #tpu.memory_space<hbm>>) target(%dma_start3A_165 : memref<32x16xf32, #tpu.memory_space<vmem>>) offsets(%dma_start3A_168 : memref<32xi32, #tpu.memory_space<vmem>>) semaphore(%arg16 : memref<!tpu.dma_semaphore, #tpu.memory_space<semaphore_mem>>)
        %dma_start3A_172 = arith.constant 6 : i32
        %dma_start3A_173 = arith.constant 192 : i32
        %dma_start3A_174 = arith.constant 0 : i32
        %dma_start3A_175 = tpu.memref_slice %arg8[%dma_start3A_173, %dma_start3A_174] : memref<1280x16xf32, #tpu.memory_space<vmem>> -> memref<32x16xf32, #tpu.memory_space<vmem>>
        %dma_start3A_176 = arith.constant 0 : i32
        %dma_start3A_177 = tpu.memref_slice %arg6[%dma_start3A_172, %dma_start3A_176] : memref<40x32xi32, #tpu.memory_space<vmem>> -> memref<1x32xi32, #tpu.memory_space<vmem>>
        %dma_start3A_178 = tpu.memref_squeeze %dma_start3A_177 : memref<1x32xi32, #tpu.memory_space<vmem>> -> memref<32xi32, #tpu.memory_space<vmem>>
        %dma_start3A_179 = arith.constant 0 : i32
        %dma_start3A_180 = arith.constant 0 : i32
        %dma_start3A_181 = tpu.memref_slice %arg2[%dma_start3A_179, %dma_start3A_180] : memref<50000x16xf32, #tpu.memory_space<hbm>> -> memref<50000x16xf32, #tpu.memory_space<hbm>>
        tpu.enqueue_indirect_dma source(%dma_start3A_181 : memref<50000x16xf32, #tpu.memory_space<hbm>>) target(%dma_start3A_175 : memref<32x16xf32, #tpu.memory_space<vmem>>) offsets(%dma_start3A_178 : memref<32xi32, #tpu.memory_space<vmem>>) semaphore(%arg16 : memref<!tpu.dma_semaphore, #tpu.memory_space<semaphore_mem>>)
        %dma_start3A_182 = arith.constant 7 : i32
        %dma_start3A_183 = arith.constant 224 : i32
        %dma_start3A_184 = arith.constant 0 : i32
        %dma_start3A_185 = tpu.memref_slice %arg8[%dma_start3A_183, %dma_start3A_184] : memref<1280x16xf32, #tpu.memory_space<vmem>> -> memref<32x16xf32, #tpu.memory_space<vmem>>
        %dma_start3A_186 = arith.constant 0 : i32
        %dma_start3A_187 = tpu.memref_slice %arg6[%dma_start3A_182, %dma_start3A_186] : memref<40x32xi32, #tpu.memory_space<vmem>> -> memref<1x32xi32, #tpu.memory_space<vmem>>
        %dma_start3A_188 = tpu.memref_squeeze %dma_start3A_187 : memref<1x32xi32, #tpu.memory_space<vmem>> -> memref<32xi32, #tpu.memory_space<vmem>>
        %dma_start3A_189 = arith.constant 0 : i32
        %dma_start3A_190 = arith.constant 0 : i32
        %dma_start3A_191 = tpu.memref_slice %arg2[%dma_start3A_189, %dma_start3A_190] : memref<50000x16xf32, #tpu.memory_space<hbm>> -> memref<50000x16xf32, #tpu.memory_space<hbm>>
        tpu.enqueue_indirect_dma source(%dma_start3A_191 : memref<50000x16xf32, #tpu.memory_space<hbm>>) target(%dma_start3A_185 : memref<32x16xf32, #tpu.memory_space<vmem>>) offsets(%dma_start3A_188 : memref<32xi32, #tpu.memory_space<vmem>>) semaphore(%arg16 : memref<!tpu.dma_semaphore, #tpu.memory_space<semaphore_mem>>)
        %dma_start3A_192 = arith.constant 8 : i32
        %dma_start3A_193 = arith.constant 256 : i32
        %dma_start3A_194 = arith.constant 0 : i32
        %dma_start3A_195 = tpu.memref_slice %arg8[%dma_start3A_193, %dma_start3A_194] : memref<1280x16xf32, #tpu.memory_space<vmem>> -> memref<32x16xf32, #tpu.memory_space<vmem>>
        %dma_start3A_196 = arith.constant 0 : i32
        %dma_start3A_197 = tpu.memref_slice %arg6[%dma_start3A_192, %dma_start3A_196] : memref<40x32xi32, #tpu.memory_space<vmem>> -> memref<1x32xi32, #tpu.memory_space<vmem>>
        %dma_start3A_198 = tpu.memref_squeeze %dma_start3A_197 : memref<1x32xi32, #tpu.memory_space<vmem>> -> memref<32xi32, #tpu.memory_space<vmem>>
        %dma_start3A_199 = arith.constant 0 : i32
        %dma_start3A_200 = arith.constant 0 : i32
        %dma_start3A_201 = tpu.memref_slice %arg2[%dma_start3A_199, %dma_start3A_200] : memref<50000x16xf32, #tpu.memory_space<hbm>> -> memref<50000x16xf32, #tpu.memory_space<hbm>>
        tpu.enqueue_indirect_dma source(%dma_start3A_201 : memref<50000x16xf32, #tpu.memory_space<hbm>>) target(%dma_start3A_195 : memref<32x16xf32, #tpu.memory_space<vmem>>) offsets(%dma_start3A_198 : memref<32xi32, #tpu.memory_space<vmem>>) semaphore(%arg16 : memref<!tpu.dma_semaphore, #tpu.memory_space<semaphore_mem>>)
        %dma_start3A_202 = arith.constant 9 : i32
        %dma_start3A_203 = arith.constant 288 : i32
        %dma_start3A_204 = arith.constant 0 : i32
        %dma_start3A_205 = tpu.memref_slice %arg8[%dma_start3A_203, %dma_start3A_204] : memref<1280x16xf32, #tpu.memory_space<vmem>> -> memref<32x16xf32, #tpu.memory_space<vmem>>
        %dma_start3A_206 = arith.constant 0 : i32
        %dma_start3A_207 = tpu.memref_slice %arg6[%dma_start3A_202, %dma_start3A_206] : memref<40x32xi32, #tpu.memory_space<vmem>> -> memref<1x32xi32, #tpu.memory_space<vmem>>
        %dma_start3A_208 = tpu.memref_squeeze %dma_start3A_207 : memref<1x32xi32, #tpu.memory_space<vmem>> -> memref<32xi32, #tpu.memory_space<vmem>>
        %dma_start3A_209 = arith.constant 0 : i32
        %dma_start3A_210 = arith.constant 0 : i32
        %dma_start3A_211 = tpu.memref_slice %arg2[%dma_start3A_209, %dma_start3A_210] : memref<50000x16xf32, #tpu.memory_space<hbm>> -> memref<50000x16xf32, #tpu.memory_space<hbm>>
        tpu.enqueue_indirect_dma source(%dma_start3A_211 : memref<50000x16xf32, #tpu.memory_space<hbm>>) target(%dma_start3A_205 : memref<32x16xf32, #tpu.memory_space<vmem>>) offsets(%dma_start3A_208 : memref<32xi32, #tpu.memory_space<vmem>>) semaphore(%arg16 : memref<!tpu.dma_semaphore, #tpu.memory_space<semaphore_mem>>)
        %dma_start3A_212 = arith.constant 10 : i32
        %dma_start3A_213 = arith.constant 320 : i32
        %dma_start3A_214 = arith.constant 0 : i32
        %dma_start3A_215 = tpu.memref_slice %arg8[%dma_start3A_213, %dma_start3A_214] : memref<1280x16xf32, #tpu.memory_space<vmem>> -> memref<32x16xf32, #tpu.memory_space<vmem>>
        %dma_start3A_216 = arith.constant 0 : i32
        %dma_start3A_217 = tpu.memref_slice %arg6[%dma_start3A_212, %dma_start3A_216] : memref<40x32xi32, #tpu.memory_space<vmem>> -> memref<1x32xi32, #tpu.memory_space<vmem>>
        %dma_start3A_218 = tpu.memref_squeeze %dma_start3A_217 : memref<1x32xi32, #tpu.memory_space<vmem>> -> memref<32xi32, #tpu.memory_space<vmem>>
        %dma_start3A_219 = arith.constant 0 : i32
        %dma_start3A_220 = arith.constant 0 : i32
        %dma_start3A_221 = tpu.memref_slice %arg2[%dma_start3A_219, %dma_start3A_220] : memref<50000x16xf32, #tpu.memory_space<hbm>> -> memref<50000x16xf32, #tpu.memory_space<hbm>>
        tpu.enqueue_indirect_dma source(%dma_start3A_221 : memref<50000x16xf32, #tpu.memory_space<hbm>>) target(%dma_start3A_215 : memref<32x16xf32, #tpu.memory_space<vmem>>) offsets(%dma_start3A_218 : memref<32xi32, #tpu.memory_space<vmem>>) semaphore(%arg16 : memref<!tpu.dma_semaphore, #tpu.memory_space<semaphore_mem>>)
        %dma_start3A_222 = arith.constant 11 : i32
        %dma_start3A_223 = arith.constant 352 : i32
        %dma_start3A_224 = arith.constant 0 : i32
        %dma_start3A_225 = tpu.memref_slice %arg8[%dma_start3A_223, %dma_start3A_224] : memref<1280x16xf32, #tpu.memory_space<vmem>> -> memref<32x16xf32, #tpu.memory_space<vmem>>
        %dma_start3A_226 = arith.constant 0 : i32
        %dma_start3A_227 = tpu.memref_slice %arg6[%dma_start3A_222, %dma_start3A_226] : memref<40x32xi32, #tpu.memory_space<vmem>> -> memref<1x32xi32, #tpu.memory_space<vmem>>
        %dma_start3A_228 = tpu.memref_squeeze %dma_start3A_227 : memref<1x32xi32, #tpu.memory_space<vmem>> -> memref<32xi32, #tpu.memory_space<vmem>>
        %dma_start3A_229 = arith.constant 0 : i32
        %dma_start3A_230 = arith.constant 0 : i32
        %dma_start3A_231 = tpu.memref_slice %arg2[%dma_start3A_229, %dma_start3A_230] : memref<50000x16xf32, #tpu.memory_space<hbm>> -> memref<50000x16xf32, #tpu.memory_space<hbm>>
        tpu.enqueue_indirect_dma source(%dma_start3A_231 : memref<50000x16xf32, #tpu.memory_space<hbm>>) target(%dma_start3A_225 : memref<32x16xf32, #tpu.memory_space<vmem>>) offsets(%dma_start3A_228 : memref<32xi32, #tpu.memory_space<vmem>>) semaphore(%arg16 : memref<!tpu.dma_semaphore, #tpu.memory_space<semaphore_mem>>)
        %dma_start3A_232 = arith.constant 12 : i32
        %dma_start3A_233 = arith.constant 384 : i32
        %dma_start3A_234 = arith.constant 0 : i32
        %dma_start3A_235 = tpu.memref_slice %arg8[%dma_start3A_233, %dma_start3A_234] : memref<1280x16xf32, #tpu.memory_space<vmem>> -> memref<32x16xf32, #tpu.memory_space<vmem>>
        %dma_start3A_236 = arith.constant 0 : i32
        %dma_start3A_237 = tpu.memref_slice %arg6[%dma_start3A_232, %dma_start3A_236] : memref<40x32xi32, #tpu.memory_space<vmem>> -> memref<1x32xi32, #tpu.memory_space<vmem>>
        %dma_start3A_238 = tpu.memref_squeeze %dma_start3A_237 : memref<1x32xi32, #tpu.memory_space<vmem>> -> memref<32xi32, #tpu.memory_space<vmem>>
        %dma_start3A_239 = arith.constant 0 : i32
        %dma_start3A_240 = arith.constant 0 : i32
        %dma_start3A_241 = tpu.memref_slice %arg2[%dma_start3A_239, %dma_start3A_240] : memref<50000x16xf32, #tpu.memory_space<hbm>> -> memref<50000x16xf32, #tpu.memory_space<hbm>>
        tpu.enqueue_indirect_dma source(%dma_start3A_241 : memref<50000x16xf32, #tpu.memory_space<hbm>>) target(%dma_start3A_235 : memref<32x16xf32, #tpu.memory_space<vmem>>) offsets(%dma_start3A_238 : memref<32xi32, #tpu.memory_space<vmem>>) semaphore(%arg16 : memref<!tpu.dma_semaphore, #tpu.memory_space<semaphore_mem>>)
        %dma_start3A_242 = arith.constant 13 : i32
        %dma_start3A_243 = arith.constant 416 : i32
        %dma_start3A_244 = arith.constant 0 : i32
        %dma_start3A_245 = tpu.memref_slice %arg8[%dma_start3A_243, %dma_start3A_244] : memref<1280x16xf32, #tpu.memory_space<vmem>> -> memref<32x16xf32, #tpu.memory_space<vmem>>
        %dma_start3A_246 = arith.constant 0 : i32
        %dma_start3A_247 = tpu.memref_slice %arg6[%dma_start3A_242, %dma_start3A_246] : memref<40x32xi32, #tpu.memory_space<vmem>> -> memref<1x32xi32, #tpu.memory_space<vmem>>
        %dma_start3A_248 = tpu.memref_squeeze %dma_start3A_247 : memref<1x32xi32, #tpu.memory_space<vmem>> -> memref<32xi32, #tpu.memory_space<vmem>>
        %dma_start3A_249 = arith.constant 0 : i32
        %dma_start3A_250 = arith.constant 0 : i32
        %dma_start3A_251 = tpu.memref_slice %arg2[%dma_start3A_249, %dma_start3A_250] : memref<50000x16xf32, #tpu.memory_space<hbm>> -> memref<50000x16xf32, #tpu.memory_space<hbm>>
        tpu.enqueue_indirect_dma source(%dma_start3A_251 : memref<50000x16xf32, #tpu.memory_space<hbm>>) target(%dma_start3A_245 : memref<32x16xf32, #tpu.memory_space<vmem>>) offsets(%dma_start3A_248 : memref<32xi32, #tpu.memory_space<vmem>>) semaphore(%arg16 : memref<!tpu.dma_semaphore, #tpu.memory_space<semaphore_mem>>)
        %dma_start3A_252 = arith.constant 14 : i32
        %dma_start3A_253 = arith.constant 448 : i32
        %dma_start3A_254 = arith.constant 0 : i32
        %dma_start3A_255 = tpu.memref_slice %arg8[%dma_start3A_253, %dma_start3A_254] : memref<1280x16xf32, #tpu.memory_space<vmem>> -> memref<32x16xf32, #tpu.memory_space<vmem>>
        %dma_start3A_256 = arith.constant 0 : i32
        %dma_start3A_257 = tpu.memref_slice %arg6[%dma_start3A_252, %dma_start3A_256] : memref<40x32xi32, #tpu.memory_space<vmem>> -> memref<1x32xi32, #tpu.memory_space<vmem>>
        %dma_start3A_258 = tpu.memref_squeeze %dma_start3A_257 : memref<1x32xi32, #tpu.memory_space<vmem>> -> memref<32xi32, #tpu.memory_space<vmem>>
        %dma_start3A_259 = arith.constant 0 : i32
        %dma_start3A_260 = arith.constant 0 : i32
        %dma_start3A_261 = tpu.memref_slice %arg2[%dma_start3A_259, %dma_start3A_260] : memref<50000x16xf32, #tpu.memory_space<hbm>> -> memref<50000x16xf32, #tpu.memory_space<hbm>>
        tpu.enqueue_indirect_dma source(%dma_start3A_261 : memref<50000x16xf32, #tpu.memory_space<hbm>>) target(%dma_start3A_255 : memref<32x16xf32, #tpu.memory_space<vmem>>) offsets(%dma_start3A_258 : memref<32xi32, #tpu.memory_space<vmem>>) semaphore(%arg16 : memref<!tpu.dma_semaphore, #tpu.memory_space<semaphore_mem>>)
        %dma_start3A_262 = arith.constant 15 : i32
        %dma_start3A_263 = arith.constant 480 : i32
        %dma_start3A_264 = arith.constant 0 : i32
        %dma_start3A_265 = tpu.memref_slice %arg8[%dma_start3A_263, %dma_start3A_264] : memref<1280x16xf32, #tpu.memory_space<vmem>> -> memref<32x16xf32, #tpu.memory_space<vmem>>
        %dma_start3A_266 = arith.constant 0 : i32
        %dma_start3A_267 = tpu.memref_slice %arg6[%dma_start3A_262, %dma_start3A_266] : memref<40x32xi32, #tpu.memory_space<vmem>> -> memref<1x32xi32, #tpu.memory_space<vmem>>
        %dma_start3A_268 = tpu.memref_squeeze %dma_start3A_267 : memref<1x32xi32, #tpu.memory_space<vmem>> -> memref<32xi32, #tpu.memory_space<vmem>>
        %dma_start3A_269 = arith.constant 0 : i32
        %dma_start3A_270 = arith.constant 0 : i32
        %dma_start3A_271 = tpu.memref_slice %arg2[%dma_start3A_269, %dma_start3A_270] : memref<50000x16xf32, #tpu.memory_space<hbm>> -> memref<50000x16xf32, #tpu.memory_space<hbm>>
        tpu.enqueue_indirect_dma source(%dma_start3A_271 : memref<50000x16xf32, #tpu.memory_space<hbm>>) target(%dma_start3A_265 : memref<32x16xf32, #tpu.memory_space<vmem>>) offsets(%dma_start3A_268 : memref<32xi32, #tpu.memory_space<vmem>>) semaphore(%arg16 : memref<!tpu.dma_semaphore, #tpu.memory_space<semaphore_mem>>)
        %dma_start3A_272 = arith.constant 16 : i32
        %dma_start3A_273 = arith.constant 512 : i32
        %dma_start3A_274 = arith.constant 0 : i32
        %dma_start3A_275 = tpu.memref_slice %arg8[%dma_start3A_273, %dma_start3A_274] : memref<1280x16xf32, #tpu.memory_space<vmem>> -> memref<32x16xf32, #tpu.memory_space<vmem>>
        %dma_start3A_276 = arith.constant 0 : i32
        %dma_start3A_277 = tpu.memref_slice %arg6[%dma_start3A_272, %dma_start3A_276] : memref<40x32xi32, #tpu.memory_space<vmem>> -> memref<1x32xi32, #tpu.memory_space<vmem>>
        %dma_start3A_278 = tpu.memref_squeeze %dma_start3A_277 : memref<1x32xi32, #tpu.memory_space<vmem>> -> memref<32xi32, #tpu.memory_space<vmem>>
        %dma_start3A_279 = arith.constant 0 : i32
        %dma_start3A_280 = arith.constant 0 : i32
        %dma_start3A_281 = tpu.memref_slice %arg2[%dma_start3A_279, %dma_start3A_280] : memref<50000x16xf32, #tpu.memory_space<hbm>> -> memref<50000x16xf32, #tpu.memory_space<hbm>>
        tpu.enqueue_indirect_dma source(%dma_start3A_281 : memref<50000x16xf32, #tpu.memory_space<hbm>>) target(%dma_start3A_275 : memref<32x16xf32, #tpu.memory_space<vmem>>) offsets(%dma_start3A_278 : memref<32xi32, #tpu.memory_space<vmem>>) semaphore(%arg16 : memref<!tpu.dma_semaphore, #tpu.memory_space<semaphore_mem>>)
        %dma_start3A_282 = arith.constant 17 : i32
        %dma_start3A_283 = arith.constant 544 : i32
        %dma_start3A_284 = arith.constant 0 : i32
        %dma_start3A_285 = tpu.memref_slice %arg8[%dma_start3A_283, %dma_start3A_284] : memref<1280x16xf32, #tpu.memory_space<vmem>> -> memref<32x16xf32, #tpu.memory_space<vmem>>
        %dma_start3A_286 = arith.constant 0 : i32
        %dma_start3A_287 = tpu.memref_slice %arg6[%dma_start3A_282, %dma_start3A_286] : memref<40x32xi32, #tpu.memory_space<vmem>> -> memref<1x32xi32, #tpu.memory_space<vmem>>
        %dma_start3A_288 = tpu.memref_squeeze %dma_start3A_287 : memref<1x32xi32, #tpu.memory_space<vmem>> -> memref<32xi32, #tpu.memory_space<vmem>>
        %dma_start3A_289 = arith.constant 0 : i32
        %dma_start3A_290 = arith.constant 0 : i32
        %dma_start3A_291 = tpu.memref_slice %arg2[%dma_start3A_289, %dma_start3A_290] : memref<50000x16xf32, #tpu.memory_space<hbm>> -> memref<50000x16xf32, #tpu.memory_space<hbm>>
        tpu.enqueue_indirect_dma source(%dma_start3A_291 : memref<50000x16xf32, #tpu.memory_space<hbm>>) target(%dma_start3A_285 : memref<32x16xf32, #tpu.memory_space<vmem>>) offsets(%dma_start3A_288 : memref<32xi32, #tpu.memory_space<vmem>>) semaphore(%arg16 : memref<!tpu.dma_semaphore, #tpu.memory_space<semaphore_mem>>)
        %dma_start3A_292 = arith.constant 18 : i32
        %dma_start3A_293 = arith.constant 576 : i32
        %dma_start3A_294 = arith.constant 0 : i32
        %dma_start3A_295 = tpu.memref_slice %arg8[%dma_start3A_293, %dma_start3A_294] : memref<1280x16xf32, #tpu.memory_space<vmem>> -> memref<32x16xf32, #tpu.memory_space<vmem>>
        %dma_start3A_296 = arith.constant 0 : i32
        %dma_start3A_297 = tpu.memref_slice %arg6[%dma_start3A_292, %dma_start3A_296] : memref<40x32xi32, #tpu.memory_space<vmem>> -> memref<1x32xi32, #tpu.memory_space<vmem>>
        %dma_start3A_298 = tpu.memref_squeeze %dma_start3A_297 : memref<1x32xi32, #tpu.memory_space<vmem>> -> memref<32xi32, #tpu.memory_space<vmem>>
        %dma_start3A_299 = arith.constant 0 : i32
        %dma_start3A_300 = arith.constant 0 : i32
        %dma_start3A_301 = tpu.memref_slice %arg2[%dma_start3A_299, %dma_start3A_300] : memref<50000x16xf32, #tpu.memory_space<hbm>> -> memref<50000x16xf32, #tpu.memory_space<hbm>>
        tpu.enqueue_indirect_dma source(%dma_start3A_301 : memref<50000x16xf32, #tpu.memory_space<hbm>>) target(%dma_start3A_295 : memref<32x16xf32, #tpu.memory_space<vmem>>) offsets(%dma_start3A_298 : memref<32xi32, #tpu.memory_space<vmem>>) semaphore(%arg16 : memref<!tpu.dma_semaphore, #tpu.memory_space<semaphore_mem>>)
        %dma_start3A_302 = arith.constant 19 : i32
        %dma_start3A_303 = arith.constant 608 : i32
        %dma_start3A_304 = arith.constant 0 : i32
        %dma_start3A_305 = tpu.memref_slice %arg8[%dma_start3A_303, %dma_start3A_304] : memref<1280x16xf32, #tpu.memory_space<vmem>> -> memref<32x16xf32, #tpu.memory_space<vmem>>
        %dma_start3A_306 = arith.constant 0 : i32
        %dma_start3A_307 = tpu.memref_slice %arg6[%dma_start3A_302, %dma_start3A_306] : memref<40x32xi32, #tpu.memory_space<vmem>> -> memref<1x32xi32, #tpu.memory_space<vmem>>
        %dma_start3A_308 = tpu.memref_squeeze %dma_start3A_307 : memref<1x32xi32, #tpu.memory_space<vmem>> -> memref<32xi32, #tpu.memory_space<vmem>>
        %dma_start3A_309 = arith.constant 0 : i32
        %dma_start3A_310 = arith.constant 0 : i32
        %dma_start3A_311 = tpu.memref_slice %arg2[%dma_start3A_309, %dma_start3A_310] : memref<50000x16xf32, #tpu.memory_space<hbm>> -> memref<50000x16xf32, #tpu.memory_space<hbm>>
        tpu.enqueue_indirect_dma source(%dma_start3A_311 : memref<50000x16xf32, #tpu.memory_space<hbm>>) target(%dma_start3A_305 : memref<32x16xf32, #tpu.memory_space<vmem>>) offsets(%dma_start3A_308 : memref<32xi32, #tpu.memory_space<vmem>>) semaphore(%arg16 : memref<!tpu.dma_semaphore, #tpu.memory_space<semaphore_mem>>)
        %dma_start3A_312 = arith.constant 20 : i32
        %dma_start3A_313 = arith.constant 640 : i32
        %dma_start3A_314 = arith.constant 0 : i32
        %dma_start3A_315 = tpu.memref_slice %arg8[%dma_start3A_313, %dma_start3A_314] : memref<1280x16xf32, #tpu.memory_space<vmem>> -> memref<32x16xf32, #tpu.memory_space<vmem>>
        %dma_start3A_316 = arith.constant 0 : i32
        %dma_start3A_317 = tpu.memref_slice %arg6[%dma_start3A_312, %dma_start3A_316] : memref<40x32xi32, #tpu.memory_space<vmem>> -> memref<1x32xi32, #tpu.memory_space<vmem>>
        %dma_start3A_318 = tpu.memref_squeeze %dma_start3A_317 : memref<1x32xi32, #tpu.memory_space<vmem>> -> memref<32xi32, #tpu.memory_space<vmem>>
        %dma_start3A_319 = arith.constant 0 : i32
        %dma_start3A_320 = arith.constant 0 : i32
        %dma_start3A_321 = tpu.memref_slice %arg2[%dma_start3A_319, %dma_start3A_320] : memref<50000x16xf32, #tpu.memory_space<hbm>> -> memref<50000x16xf32, #tpu.memory_space<hbm>>
        tpu.enqueue_indirect_dma source(%dma_start3A_321 : memref<50000x16xf32, #tpu.memory_space<hbm>>) target(%dma_start3A_315 : memref<32x16xf32, #tpu.memory_space<vmem>>) offsets(%dma_start3A_318 : memref<32xi32, #tpu.memory_space<vmem>>) semaphore(%arg16 : memref<!tpu.dma_semaphore, #tpu.memory_space<semaphore_mem>>)
        %dma_start3A_322 = arith.constant 21 : i32
        %dma_start3A_323 = arith.constant 672 : i32
        %dma_start3A_324 = arith.constant 0 : i32
        %dma_start3A_325 = tpu.memref_slice %arg8[%dma_start3A_323, %dma_start3A_324] : memref<1280x16xf32, #tpu.memory_space<vmem>> -> memref<32x16xf32, #tpu.memory_space<vmem>>
        %dma_start3A_326 = arith.constant 0 : i32
        %dma_start3A_327 = tpu.memref_slice %arg6[%dma_start3A_322, %dma_start3A_326] : memref<40x32xi32, #tpu.memory_space<vmem>> -> memref<1x32xi32, #tpu.memory_space<vmem>>
        %dma_start3A_328 = tpu.memref_squeeze %dma_start3A_327 : memref<1x32xi32, #tpu.memory_space<vmem>> -> memref<32xi32, #tpu.memory_space<vmem>>
        %dma_start3A_329 = arith.constant 0 : i32
        %dma_start3A_330 = arith.constant 0 : i32
        %dma_start3A_331 = tpu.memref_slice %arg2[%dma_start3A_329, %dma_start3A_330] : memref<50000x16xf32, #tpu.memory_space<hbm>> -> memref<50000x16xf32, #tpu.memory_space<hbm>>
        tpu.enqueue_indirect_dma source(%dma_start3A_331 : memref<50000x16xf32, #tpu.memory_space<hbm>>) target(%dma_start3A_325 : memref<32x16xf32, #tpu.memory_space<vmem>>) offsets(%dma_start3A_328 : memref<32xi32, #tpu.memory_space<vmem>>) semaphore(%arg16 : memref<!tpu.dma_semaphore, #tpu.memory_space<semaphore_mem>>)
        %dma_start3A_332 = arith.constant 22 : i32
        %dma_start3A_333 = arith.constant 704 : i32
        %dma_start3A_334 = arith.constant 0 : i32
        %dma_start3A_335 = tpu.memref_slice %arg8[%dma_start3A_333, %dma_start3A_334] : memref<1280x16xf32, #tpu.memory_space<vmem>> -> memref<32x16xf32, #tpu.memory_space<vmem>>
        %dma_start3A_336 = arith.constant 0 : i32
        %dma_start3A_337 = tpu.memref_slice %arg6[%dma_start3A_332, %dma_start3A_336] : memref<40x32xi32, #tpu.memory_space<vmem>> -> memref<1x32xi32, #tpu.memory_space<vmem>>
        %dma_start3A_338 = tpu.memref_squeeze %dma_start3A_337 : memref<1x32xi32, #tpu.memory_space<vmem>> -> memref<32xi32, #tpu.memory_space<vmem>>
        %dma_start3A_339 = arith.constant 0 : i32
        %dma_start3A_340 = arith.constant 0 : i32
        %dma_start3A_341 = tpu.memref_slice %arg2[%dma_start3A_339, %dma_start3A_340] : memref<50000x16xf32, #tpu.memory_space<hbm>> -> memref<50000x16xf32, #tpu.memory_space<hbm>>
        tpu.enqueue_indirect_dma source(%dma_start3A_341 : memref<50000x16xf32, #tpu.memory_space<hbm>>) target(%dma_start3A_335 : memref<32x16xf32, #tpu.memory_space<vmem>>) offsets(%dma_start3A_338 : memref<32xi32, #tpu.memory_space<vmem>>) semaphore(%arg16 : memref<!tpu.dma_semaphore, #tpu.memory_space<semaphore_mem>>)
        %dma_start3A_342 = arith.constant 23 : i32
        %dma_start3A_343 = arith.constant 736 : i32
        %dma_start3A_344 = arith.constant 0 : i32
        %dma_start3A_345 = tpu.memref_slice %arg8[%dma_start3A_343, %dma_start3A_344] : memref<1280x16xf32, #tpu.memory_space<vmem>> -> memref<32x16xf32, #tpu.memory_space<vmem>>
        %dma_start3A_346 = arith.constant 0 : i32
        %dma_start3A_347 = tpu.memref_slice %arg6[%dma_start3A_342, %dma_start3A_346] : memref<40x32xi32, #tpu.memory_space<vmem>> -> memref<1x32xi32, #tpu.memory_space<vmem>>
        %dma_start3A_348 = tpu.memref_squeeze %dma_start3A_347 : memref<1x32xi32, #tpu.memory_space<vmem>> -> memref<32xi32, #tpu.memory_space<vmem>>
        %dma_start3A_349 = arith.constant 0 : i32
        %dma_start3A_350 = arith.constant 0 : i32
        %dma_start3A_351 = tpu.memref_slice %arg2[%dma_start3A_349, %dma_start3A_350] : memref<50000x16xf32, #tpu.memory_space<hbm>> -> memref<50000x16xf32, #tpu.memory_space<hbm>>
        tpu.enqueue_indirect_dma source(%dma_start3A_351 : memref<50000x16xf32, #tpu.memory_space<hbm>>) target(%dma_start3A_345 : memref<32x16xf32, #tpu.memory_space<vmem>>) offsets(%dma_start3A_348 : memref<32xi32, #tpu.memory_space<vmem>>) semaphore(%arg16 : memref<!tpu.dma_semaphore, #tpu.memory_space<semaphore_mem>>)
        %dma_start3A_352 = arith.constant 24 : i32
        %dma_start3A_353 = arith.constant 768 : i32
        %dma_start3A_354 = arith.constant 0 : i32
        %dma_start3A_355 = tpu.memref_slice %arg8[%dma_start3A_353, %dma_start3A_354] : memref<1280x16xf32, #tpu.memory_space<vmem>> -> memref<32x16xf32, #tpu.memory_space<vmem>>
        %dma_start3A_356 = arith.constant 0 : i32
        %dma_start3A_357 = tpu.memref_slice %arg6[%dma_start3A_352, %dma_start3A_356] : memref<40x32xi32, #tpu.memory_space<vmem>> -> memref<1x32xi32, #tpu.memory_space<vmem>>
        %dma_start3A_358 = tpu.memref_squeeze %dma_start3A_357 : memref<1x32xi32, #tpu.memory_space<vmem>> -> memref<32xi32, #tpu.memory_space<vmem>>
        %dma_start3A_359 = arith.constant 0 : i32
        %dma_start3A_360 = arith.constant 0 : i32
        %dma_start3A_361 = tpu.memref_slice %arg2[%dma_start3A_359, %dma_start3A_360] : memref<50000x16xf32, #tpu.memory_space<hbm>> -> memref<50000x16xf32, #tpu.memory_space<hbm>>
        tpu.enqueue_indirect_dma source(%dma_start3A_361 : memref<50000x16xf32, #tpu.memory_space<hbm>>) target(%dma_start3A_355 : memref<32x16xf32, #tpu.memory_space<vmem>>) offsets(%dma_start3A_358 : memref<32xi32, #tpu.memory_space<vmem>>) semaphore(%arg16 : memref<!tpu.dma_semaphore, #tpu.memory_space<semaphore_mem>>)
        %dma_start3A_362 = arith.constant 25 : i32
        %dma_start3A_363 = arith.constant 800 : i32
        %dma_start3A_364 = arith.constant 0 : i32
        %dma_start3A_365 = tpu.memref_slice %arg8[%dma_start3A_363, %dma_start3A_364] : memref<1280x16xf32, #tpu.memory_space<vmem>> -> memref<32x16xf32, #tpu.memory_space<vmem>>
        %dma_start3A_366 = arith.constant 0 : i32
        %dma_start3A_367 = tpu.memref_slice %arg6[%dma_start3A_362, %dma_start3A_366] : memref<40x32xi32, #tpu.memory_space<vmem>> -> memref<1x32xi32, #tpu.memory_space<vmem>>
        %dma_start3A_368 = tpu.memref_squeeze %dma_start3A_367 : memref<1x32xi32, #tpu.memory_space<vmem>> -> memref<32xi32, #tpu.memory_space<vmem>>
        %dma_start3A_369 = arith.constant 0 : i32
        %dma_start3A_370 = arith.constant 0 : i32
        %dma_start3A_371 = tpu.memref_slice %arg2[%dma_start3A_369, %dma_start3A_370] : memref<50000x16xf32, #tpu.memory_space<hbm>> -> memref<50000x16xf32, #tpu.memory_space<hbm>>
        tpu.enqueue_indirect_dma source(%dma_start3A_371 : memref<50000x16xf32, #tpu.memory_space<hbm>>) target(%dma_start3A_365 : memref<32x16xf32, #tpu.memory_space<vmem>>) offsets(%dma_start3A_368 : memref<32xi32, #tpu.memory_space<vmem>>) semaphore(%arg16 : memref<!tpu.dma_semaphore, #tpu.memory_space<semaphore_mem>>)
        %dma_start3A_372 = arith.constant 26 : i32
        %dma_start3A_373 = arith.constant 832 : i32
        %dma_start3A_374 = arith.constant 0 : i32
        %dma_start3A_375 = tpu.memref_slice %arg8[%dma_start3A_373, %dma_start3A_374] : memref<1280x16xf32, #tpu.memory_space<vmem>> -> memref<32x16xf32, #tpu.memory_space<vmem>>
        %dma_start3A_376 = arith.constant 0 : i32
        %dma_start3A_377 = tpu.memref_slice %arg6[%dma_start3A_372, %dma_start3A_376] : memref<40x32xi32, #tpu.memory_space<vmem>> -> memref<1x32xi32, #tpu.memory_space<vmem>>
        %dma_start3A_378 = tpu.memref_squeeze %dma_start3A_377 : memref<1x32xi32, #tpu.memory_space<vmem>> -> memref<32xi32, #tpu.memory_space<vmem>>
        %dma_start3A_379 = arith.constant 0 : i32
        %dma_start3A_380 = arith.constant 0 : i32
        %dma_start3A_381 = tpu.memref_slice %arg2[%dma_start3A_379, %dma_start3A_380] : memref<50000x16xf32, #tpu.memory_space<hbm>> -> memref<50000x16xf32, #tpu.memory_space<hbm>>
        tpu.enqueue_indirect_dma source(%dma_start3A_381 : memref<50000x16xf32, #tpu.memory_space<hbm>>) target(%dma_start3A_375 : memref<32x16xf32, #tpu.memory_space<vmem>>) offsets(%dma_start3A_378 : memref<32xi32, #tpu.memory_space<vmem>>) semaphore(%arg16 : memref<!tpu.dma_semaphore, #tpu.memory_space<semaphore_mem>>)
        %dma_start3A_382 = arith.constant 27 : i32
        %dma_start3A_383 = arith.constant 864 : i32
        %dma_start3A_384 = arith.constant 0 : i32
        %dma_start3A_385 = tpu.memref_slice %arg8[%dma_start3A_383, %dma_start3A_384] : memref<1280x16xf32, #tpu.memory_space<vmem>> -> memref<32x16xf32, #tpu.memory_space<vmem>>
        %dma_start3A_386 = arith.constant 0 : i32
        %dma_start3A_387 = tpu.memref_slice %arg6[%dma_start3A_382, %dma_start3A_386] : memref<40x32xi32, #tpu.memory_space<vmem>> -> memref<1x32xi32, #tpu.memory_space<vmem>>
        %dma_start3A_388 = tpu.memref_squeeze %dma_start3A_387 : memref<1x32xi32, #tpu.memory_space<vmem>> -> memref<32xi32, #tpu.memory_space<vmem>>
        %dma_start3A_389 = arith.constant 0 : i32
        %dma_start3A_390 = arith.constant 0 : i32
        %dma_start3A_391 = tpu.memref_slice %arg2[%dma_start3A_389, %dma_start3A_390] : memref<50000x16xf32, #tpu.memory_space<hbm>> -> memref<50000x16xf32, #tpu.memory_space<hbm>>
        tpu.enqueue_indirect_dma source(%dma_start3A_391 : memref<50000x16xf32, #tpu.memory_space<hbm>>) target(%dma_start3A_385 : memref<32x16xf32, #tpu.memory_space<vmem>>) offsets(%dma_start3A_388 : memref<32xi32, #tpu.memory_space<vmem>>) semaphore(%arg16 : memref<!tpu.dma_semaphore, #tpu.memory_space<semaphore_mem>>)
        %dma_start3A_392 = arith.constant 28 : i32
        %dma_start3A_393 = arith.constant 896 : i32
        %dma_start3A_394 = arith.constant 0 : i32
        %dma_start3A_395 = tpu.memref_slice %arg8[%dma_start3A_393, %dma_start3A_394] : memref<1280x16xf32, #tpu.memory_space<vmem>> -> memref<32x16xf32, #tpu.memory_space<vmem>>
        %dma_start3A_396 = arith.constant 0 : i32
        %dma_start3A_397 = tpu.memref_slice %arg6[%dma_start3A_392, %dma_start3A_396] : memref<40x32xi32, #tpu.memory_space<vmem>> -> memref<1x32xi32, #tpu.memory_space<vmem>>
        %dma_start3A_398 = tpu.memref_squeeze %dma_start3A_397 : memref<1x32xi32, #tpu.memory_space<vmem>> -> memref<32xi32, #tpu.memory_space<vmem>>
        %dma_start3A_399 = arith.constant 0 : i32
        %dma_start3A_400 = arith.constant 0 : i32
        %dma_start3A_401 = tpu.memref_slice %arg2[%dma_start3A_399, %dma_start3A_400] : memref<50000x16xf32, #tpu.memory_space<hbm>> -> memref<50000x16xf32, #tpu.memory_space<hbm>>
        tpu.enqueue_indirect_dma source(%dma_start3A_401 : memref<50000x16xf32, #tpu.memory_space<hbm>>) target(%dma_start3A_395 : memref<32x16xf32, #tpu.memory_space<vmem>>) offsets(%dma_start3A_398 : memref<32xi32, #tpu.memory_space<vmem>>) semaphore(%arg16 : memref<!tpu.dma_semaphore, #tpu.memory_space<semaphore_mem>>)
        %dma_start3A_402 = arith.constant 29 : i32
        %dma_start3A_403 = arith.constant 928 : i32
        %dma_start3A_404 = arith.constant 0 : i32
        %dma_start3A_405 = tpu.memref_slice %arg8[%dma_start3A_403, %dma_start3A_404] : memref<1280x16xf32, #tpu.memory_space<vmem>> -> memref<32x16xf32, #tpu.memory_space<vmem>>
        %dma_start3A_406 = arith.constant 0 : i32
        %dma_start3A_407 = tpu.memref_slice %arg6[%dma_start3A_402, %dma_start3A_406] : memref<40x32xi32, #tpu.memory_space<vmem>> -> memref<1x32xi32, #tpu.memory_space<vmem>>
        %dma_start3A_408 = tpu.memref_squeeze %dma_start3A_407 : memref<1x32xi32, #tpu.memory_space<vmem>> -> memref<32xi32, #tpu.memory_space<vmem>>
        %dma_start3A_409 = arith.constant 0 : i32
        %dma_start3A_410 = arith.constant 0 : i32
        %dma_start3A_411 = tpu.memref_slice %arg2[%dma_start3A_409, %dma_start3A_410] : memref<50000x16xf32, #tpu.memory_space<hbm>> -> memref<50000x16xf32, #tpu.memory_space<hbm>>
        tpu.enqueue_indirect_dma source(%dma_start3A_411 : memref<50000x16xf32, #tpu.memory_space<hbm>>) target(%dma_start3A_405 : memref<32x16xf32, #tpu.memory_space<vmem>>) offsets(%dma_start3A_408 : memref<32xi32, #tpu.memory_space<vmem>>) semaphore(%arg16 : memref<!tpu.dma_semaphore, #tpu.memory_space<semaphore_mem>>)
        %dma_start3A_412 = arith.constant 30 : i32
        %dma_start3A_413 = arith.constant 960 : i32
        %dma_start3A_414 = arith.constant 0 : i32
        %dma_start3A_415 = tpu.memref_slice %arg8[%dma_start3A_413, %dma_start3A_414] : memref<1280x16xf32, #tpu.memory_space<vmem>> -> memref<32x16xf32, #tpu.memory_space<vmem>>
        %dma_start3A_416 = arith.constant 0 : i32
        %dma_start3A_417 = tpu.memref_slice %arg6[%dma_start3A_412, %dma_start3A_416] : memref<40x32xi32, #tpu.memory_space<vmem>> -> memref<1x32xi32, #tpu.memory_space<vmem>>
        %dma_start3A_418 = tpu.memref_squeeze %dma_start3A_417 : memref<1x32xi32, #tpu.memory_space<vmem>> -> memref<32xi32, #tpu.memory_space<vmem>>
        %dma_start3A_419 = arith.constant 0 : i32
        %dma_start3A_420 = arith.constant 0 : i32
        %dma_start3A_421 = tpu.memref_slice %arg2[%dma_start3A_419, %dma_start3A_420] : memref<50000x16xf32, #tpu.memory_space<hbm>> -> memref<50000x16xf32, #tpu.memory_space<hbm>>
        tpu.enqueue_indirect_dma source(%dma_start3A_421 : memref<50000x16xf32, #tpu.memory_space<hbm>>) target(%dma_start3A_415 : memref<32x16xf32, #tpu.memory_space<vmem>>) offsets(%dma_start3A_418 : memref<32xi32, #tpu.memory_space<vmem>>) semaphore(%arg16 : memref<!tpu.dma_semaphore, #tpu.memory_space<semaphore_mem>>)
        %dma_start3A_422 = arith.constant 31 : i32
        %dma_start3A_423 = arith.constant 992 : i32
        %dma_start3A_424 = arith.constant 0 : i32
        %dma_start3A_425 = tpu.memref_slice %arg8[%dma_start3A_423, %dma_start3A_424] : memref<1280x16xf32, #tpu.memory_space<vmem>> -> memref<32x16xf32, #tpu.memory_space<vmem>>
        %dma_start3A_426 = arith.constant 0 : i32
        %dma_start3A_427 = tpu.memref_slice %arg6[%dma_start3A_422, %dma_start3A_426] : memref<40x32xi32, #tpu.memory_space<vmem>> -> memref<1x32xi32, #tpu.memory_space<vmem>>
        %dma_start3A_428 = tpu.memref_squeeze %dma_start3A_427 : memref<1x32xi32, #tpu.memory_space<vmem>> -> memref<32xi32, #tpu.memory_space<vmem>>
        %dma_start3A_429 = arith.constant 0 : i32
        %dma_start3A_430 = arith.constant 0 : i32
        %dma_start3A_431 = tpu.memref_slice %arg2[%dma_start3A_429, %dma_start3A_430] : memref<50000x16xf32, #tpu.memory_space<hbm>> -> memref<50000x16xf32, #tpu.memory_space<hbm>>
        tpu.enqueue_indirect_dma source(%dma_start3A_431 : memref<50000x16xf32, #tpu.memory_space<hbm>>) target(%dma_start3A_425 : memref<32x16xf32, #tpu.memory_space<vmem>>) offsets(%dma_start3A_428 : memref<32xi32, #tpu.memory_space<vmem>>) semaphore(%arg16 : memref<!tpu.dma_semaphore, #tpu.memory_space<semaphore_mem>>)
        %dma_start3A_432 = arith.constant 32 : i32
        %dma_start3A_433 = arith.constant 1024 : i32
        %dma_start3A_434 = arith.constant 0 : i32
        %dma_start3A_435 = tpu.memref_slice %arg8[%dma_start3A_433, %dma_start3A_434] : memref<1280x16xf32, #tpu.memory_space<vmem>> -> memref<32x16xf32, #tpu.memory_space<vmem>>
        %dma_start3A_436 = arith.constant 0 : i32
        %dma_start3A_437 = tpu.memref_slice %arg6[%dma_start3A_432, %dma_start3A_436] : memref<40x32xi32, #tpu.memory_space<vmem>> -> memref<1x32xi32, #tpu.memory_space<vmem>>
        %dma_start3A_438 = tpu.memref_squeeze %dma_start3A_437 : memref<1x32xi32, #tpu.memory_space<vmem>> -> memref<32xi32, #tpu.memory_space<vmem>>
        %dma_start3A_439 = arith.constant 0 : i32
        %dma_start3A_440 = arith.constant 0 : i32
        %dma_start3A_441 = tpu.memref_slice %arg2[%dma_start3A_439, %dma_start3A_440] : memref<50000x16xf32, #tpu.memory_space<hbm>> -> memref<50000x16xf32, #tpu.memory_space<hbm>>
        tpu.enqueue_indirect_dma source(%dma_start3A_441 : memref<50000x16xf32, #tpu.memory_space<hbm>>) target(%dma_start3A_435 : memref<32x16xf32, #tpu.memory_space<vmem>>) offsets(%dma_start3A_438 : memref<32xi32, #tpu.memory_space<vmem>>) semaphore(%arg16 : memref<!tpu.dma_semaphore, #tpu.memory_space<semaphore_mem>>)
        %dma_start3A_442 = arith.constant 33 : i32
        %dma_start3A_443 = arith.constant 1056 : i32
        %dma_start3A_444 = arith.constant 0 : i32
        %dma_start3A_445 = tpu.memref_slice %arg8[%dma_start3A_443, %dma_start3A_444] : memref<1280x16xf32, #tpu.memory_space<vmem>> -> memref<32x16xf32, #tpu.memory_space<vmem>>
        %dma_start3A_446 = arith.constant 0 : i32
        %dma_start3A_447 = tpu.memref_slice %arg6[%dma_start3A_442, %dma_start3A_446] : memref<40x32xi32, #tpu.memory_space<vmem>> -> memref<1x32xi32, #tpu.memory_space<vmem>>
        %dma_start3A_448 = tpu.memref_squeeze %dma_start3A_447 : memref<1x32xi32, #tpu.memory_space<vmem>> -> memref<32xi32, #tpu.memory_space<vmem>>
        %dma_start3A_449 = arith.constant 0 : i32
        %dma_start3A_450 = arith.constant 0 : i32
        %dma_start3A_451 = tpu.memref_slice %arg2[%dma_start3A_449, %dma_start3A_450] : memref<50000x16xf32, #tpu.memory_space<hbm>> -> memref<50000x16xf32, #tpu.memory_space<hbm>>
        tpu.enqueue_indirect_dma source(%dma_start3A_451 : memref<50000x16xf32, #tpu.memory_space<hbm>>) target(%dma_start3A_445 : memref<32x16xf32, #tpu.memory_space<vmem>>) offsets(%dma_start3A_448 : memref<32xi32, #tpu.memory_space<vmem>>) semaphore(%arg16 : memref<!tpu.dma_semaphore, #tpu.memory_space<semaphore_mem>>)
        %dma_start3A_452 = arith.constant 34 : i32
        %dma_start3A_453 = arith.constant 1088 : i32
        %dma_start3A_454 = arith.constant 0 : i32
        %dma_start3A_455 = tpu.memref_slice %arg8[%dma_start3A_453, %dma_start3A_454] : memref<1280x16xf32, #tpu.memory_space<vmem>> -> memref<32x16xf32, #tpu.memory_space<vmem>>
        %dma_start3A_456 = arith.constant 0 : i32
        %dma_start3A_457 = tpu.memref_slice %arg6[%dma_start3A_452, %dma_start3A_456] : memref<40x32xi32, #tpu.memory_space<vmem>> -> memref<1x32xi32, #tpu.memory_space<vmem>>
        %dma_start3A_458 = tpu.memref_squeeze %dma_start3A_457 : memref<1x32xi32, #tpu.memory_space<vmem>> -> memref<32xi32, #tpu.memory_space<vmem>>
        %dma_start3A_459 = arith.constant 0 : i32
        %dma_start3A_460 = arith.constant 0 : i32
        %dma_start3A_461 = tpu.memref_slice %arg2[%dma_start3A_459, %dma_start3A_460] : memref<50000x16xf32, #tpu.memory_space<hbm>> -> memref<50000x16xf32, #tpu.memory_space<hbm>>
        tpu.enqueue_indirect_dma source(%dma_start3A_461 : memref<50000x16xf32, #tpu.memory_space<hbm>>) target(%dma_start3A_455 : memref<32x16xf32, #tpu.memory_space<vmem>>) offsets(%dma_start3A_458 : memref<32xi32, #tpu.memory_space<vmem>>) semaphore(%arg16 : memref<!tpu.dma_semaphore, #tpu.memory_space<semaphore_mem>>)
        %dma_start3A_462 = arith.constant 35 : i32
        %dma_start3A_463 = arith.constant 1120 : i32
        %dma_start3A_464 = arith.constant 0 : i32
        %dma_start3A_465 = tpu.memref_slice %arg8[%dma_start3A_463, %dma_start3A_464] : memref<1280x16xf32, #tpu.memory_space<vmem>> -> memref<32x16xf32, #tpu.memory_space<vmem>>
        %dma_start3A_466 = arith.constant 0 : i32
        %dma_start3A_467 = tpu.memref_slice %arg6[%dma_start3A_462, %dma_start3A_466] : memref<40x32xi32, #tpu.memory_space<vmem>> -> memref<1x32xi32, #tpu.memory_space<vmem>>
        %dma_start3A_468 = tpu.memref_squeeze %dma_start3A_467 : memref<1x32xi32, #tpu.memory_space<vmem>> -> memref<32xi32, #tpu.memory_space<vmem>>
        %dma_start3A_469 = arith.constant 0 : i32
        %dma_start3A_470 = arith.constant 0 : i32
        %dma_start3A_471 = tpu.memref_slice %arg2[%dma_start3A_469, %dma_start3A_470] : memref<50000x16xf32, #tpu.memory_space<hbm>> -> memref<50000x16xf32, #tpu.memory_space<hbm>>
        tpu.enqueue_indirect_dma source(%dma_start3A_471 : memref<50000x16xf32, #tpu.memory_space<hbm>>) target(%dma_start3A_465 : memref<32x16xf32, #tpu.memory_space<vmem>>) offsets(%dma_start3A_468 : memref<32xi32, #tpu.memory_space<vmem>>) semaphore(%arg16 : memref<!tpu.dma_semaphore, #tpu.memory_space<semaphore_mem>>)
        %dma_start3A_472 = arith.constant 36 : i32
        %dma_start3A_473 = arith.constant 1152 : i32
        %dma_start3A_474 = arith.constant 0 : i32
        %dma_start3A_475 = tpu.memref_slice %arg8[%dma_start3A_473, %dma_start3A_474] : memref<1280x16xf32, #tpu.memory_space<vmem>> -> memref<32x16xf32, #tpu.memory_space<vmem>>
        %dma_start3A_476 = arith.constant 0 : i32
        %dma_start3A_477 = tpu.memref_slice %arg6[%dma_start3A_472, %dma_start3A_476] : memref<40x32xi32, #tpu.memory_space<vmem>> -> memref<1x32xi32, #tpu.memory_space<vmem>>
        %dma_start3A_478 = tpu.memref_squeeze %dma_start3A_477 : memref<1x32xi32, #tpu.memory_space<vmem>> -> memref<32xi32, #tpu.memory_space<vmem>>
        %dma_start3A_479 = arith.constant 0 : i32
        %dma_start3A_480 = arith.constant 0 : i32
        %dma_start3A_481 = tpu.memref_slice %arg2[%dma_start3A_479, %dma_start3A_480] : memref<50000x16xf32, #tpu.memory_space<hbm>> -> memref<50000x16xf32, #tpu.memory_space<hbm>>
        tpu.enqueue_indirect_dma source(%dma_start3A_481 : memref<50000x16xf32, #tpu.memory_space<hbm>>) target(%dma_start3A_475 : memref<32x16xf32, #tpu.memory_space<vmem>>) offsets(%dma_start3A_478 : memref<32xi32, #tpu.memory_space<vmem>>) semaphore(%arg16 : memref<!tpu.dma_semaphore, #tpu.memory_space<semaphore_mem>>)
        %dma_start3A_482 = arith.constant 37 : i32
        %dma_start3A_483 = arith.constant 1184 : i32
        %dma_start3A_484 = arith.constant 0 : i32
        %dma_start3A_485 = tpu.memref_slice %arg8[%dma_start3A_483, %dma_start3A_484] : memref<1280x16xf32, #tpu.memory_space<vmem>> -> memref<32x16xf32, #tpu.memory_space<vmem>>
        %dma_start3A_486 = arith.constant 0 : i32
        %dma_start3A_487 = tpu.memref_slice %arg6[%dma_start3A_482, %dma_start3A_486] : memref<40x32xi32, #tpu.memory_space<vmem>> -> memref<1x32xi32, #tpu.memory_space<vmem>>
        %dma_start3A_488 = tpu.memref_squeeze %dma_start3A_487 : memref<1x32xi32, #tpu.memory_space<vmem>> -> memref<32xi32, #tpu.memory_space<vmem>>
        %dma_start3A_489 = arith.constant 0 : i32
        %dma_start3A_490 = arith.constant 0 : i32
        %dma_start3A_491 = tpu.memref_slice %arg2[%dma_start3A_489, %dma_start3A_490] : memref<50000x16xf32, #tpu.memory_space<hbm>> -> memref<50000x16xf32, #tpu.memory_space<hbm>>
        tpu.enqueue_indirect_dma source(%dma_start3A_491 : memref<50000x16xf32, #tpu.memory_space<hbm>>) target(%dma_start3A_485 : memref<32x16xf32, #tpu.memory_space<vmem>>) offsets(%dma_start3A_488 : memref<32xi32, #tpu.memory_space<vmem>>) semaphore(%arg16 : memref<!tpu.dma_semaphore, #tpu.memory_space<semaphore_mem>>)
        %dma_start3A_492 = arith.constant 38 : i32
        %dma_start3A_493 = arith.constant 1216 : i32
        %dma_start3A_494 = arith.constant 0 : i32
        %dma_start3A_495 = tpu.memref_slice %arg8[%dma_start3A_493, %dma_start3A_494] : memref<1280x16xf32, #tpu.memory_space<vmem>> -> memref<32x16xf32, #tpu.memory_space<vmem>>
        %dma_start3A_496 = arith.constant 0 : i32
        %dma_start3A_497 = tpu.memref_slice %arg6[%dma_start3A_492, %dma_start3A_496] : memref<40x32xi32, #tpu.memory_space<vmem>> -> memref<1x32xi32, #tpu.memory_space<vmem>>
        %dma_start3A_498 = tpu.memref_squeeze %dma_start3A_497 : memref<1x32xi32, #tpu.memory_space<vmem>> -> memref<32xi32, #tpu.memory_space<vmem>>
        %dma_start3A_499 = arith.constant 0 : i32
        %dma_start3A_500 = arith.constant 0 : i32
        %dma_start3A_501 = tpu.memref_slice %arg2[%dma_start3A_499, %dma_start3A_500] : memref<50000x16xf32, #tpu.memory_space<hbm>> -> memref<50000x16xf32, #tpu.memory_space<hbm>>
        tpu.enqueue_indirect_dma source(%dma_start3A_501 : memref<50000x16xf32, #tpu.memory_space<hbm>>) target(%dma_start3A_495 : memref<32x16xf32, #tpu.memory_space<vmem>>) offsets(%dma_start3A_498 : memref<32xi32, #tpu.memory_space<vmem>>) semaphore(%arg16 : memref<!tpu.dma_semaphore, #tpu.memory_space<semaphore_mem>>)
        %dma_start3A_502 = arith.constant 39 : i32
        %dma_start3A_503 = arith.constant 1248 : i32
        %dma_start3A_504 = arith.constant 0 : i32
        %dma_start3A_505 = tpu.memref_slice %arg8[%dma_start3A_503, %dma_start3A_504] : memref<1280x16xf32, #tpu.memory_space<vmem>> -> memref<32x16xf32, #tpu.memory_space<vmem>>
        %dma_start3A_506 = arith.constant 0 : i32
        %dma_start3A_507 = tpu.memref_slice %arg6[%dma_start3A_502, %dma_start3A_506] : memref<40x32xi32, #tpu.memory_space<vmem>> -> memref<1x32xi32, #tpu.memory_space<vmem>>
        %dma_start3A_508 = tpu.memref_squeeze %dma_start3A_507 : memref<1x32xi32, #tpu.memory_space<vmem>> -> memref<32xi32, #tpu.memory_space<vmem>>
        %dma_start3A_509 = arith.constant 0 : i32
        %dma_start3A_510 = arith.constant 0 : i32
        %dma_start3A_511 = tpu.memref_slice %arg2[%dma_start3A_509, %dma_start3A_510] : memref<50000x16xf32, #tpu.memory_space<hbm>> -> memref<50000x16xf32, #tpu.memory_space<hbm>>
        tpu.enqueue_indirect_dma source(%dma_start3A_511 : memref<50000x16xf32, #tpu.memory_space<hbm>>) target(%dma_start3A_505 : memref<32x16xf32, #tpu.memory_space<vmem>>) offsets(%dma_start3A_508 : memref<32xi32, #tpu.memory_space<vmem>>) semaphore(%arg16 : memref<!tpu.dma_semaphore, #tpu.memory_space<semaphore_mem>>)
      } else {
      }
      %mul3A_53 = arith.constant 32 : i32
      %mul3A_54 = arith.muli %mul3A_42, %mul3A_53 : i32
      %add3A_55 = arith.addi %add3A, %mul3A_54 : i32
      %lt3A_56 = arith.constant 1250 : i32
      %lt3A_57 = arith.cmpi slt, %add3A_55, %lt3A_56 : i32
      %convert_element_type3A_58 = arith.extui %lt3A_57 : i1 to i32
      %cond3A_59 = arith.constant 0 : i32
      %cond3A_60 = arith.cmpi ne, %convert_element_type3A_58, %cond3A_59 : i32
      scf.if %cond3A_60 {
        %dma_wait3A = arith.constant 0 : i32
        %dma_wait3A_102 = arith.constant 0 : i32
        %dma_wait3A_103 = tpu.memref_slice %arg2[%dma_wait3A, %dma_wait3A_102] : memref<50000x16xf32, #tpu.memory_space<hbm>> -> memref<1280x16xf32, #tpu.memory_space<hbm>>
        %dma_wait3A_104 = arith.constant 0 : i32
        %dma_wait3A_105 = arith.constant 0 : i32
        %dma_wait3A_106 = tpu.memref_slice %arg2[%dma_wait3A_104, %dma_wait3A_105] : memref<50000x16xf32, #tpu.memory_space<hbm>> -> memref<1280x16xf32, #tpu.memory_space<hbm>>
        tpu.wait_dma2 semaphore(%arg15 : memref<!tpu.dma_semaphore, #tpu.memory_space<semaphore_mem>>) src(%dma_wait3A_106 : memref<1280x16xf32, #tpu.memory_space<hbm>>) dst(%arg7 : memref<1280x16xf32, #tpu.memory_space<vmem>>)
        %ge3A = arith.constant 2 : i32
        %ge3A_107 = arith.cmpi sge, %mul3A_42, %ge3A : i32
        %convert_element_type3A_108 = arith.extui %ge3A_107 : i1 to i32
        %cond3A_109 = arith.constant 0 : i32
        %cond3A_110 = arith.cmpi ne, %convert_element_type3A_108, %cond3A_109 : i32
        scf.if %cond3A_110 {
          %dma_wait3A_123 = arith.constant 0 : i32
          %dma_wait3A_124 = arith.constant 0 : i32
          %dma_wait3A_125 = tpu.memref_slice %arg4[%dma_wait3A_123, %dma_wait3A_124] : memref<50000x32xf32, #tpu.memory_space<hbm>> -> memref<40x32xf32, #tpu.memory_space<hbm>>
          %dma_wait3A_126 = arith.constant 0 : i32
          %dma_wait3A_127 = arith.constant 0 : i32
          %dma_wait3A_128 = tpu.memref_slice %arg4[%dma_wait3A_126, %dma_wait3A_127] : memref<50000x32xf32, #tpu.memory_space<hbm>> -> memref<40x32xf32, #tpu.memory_space<hbm>>
          tpu.wait_dma2 semaphore(%arg17 : memref<!tpu.dma_semaphore, #tpu.memory_space<semaphore_mem>>) src(%arg11 : memref<40x32xf32, #tpu.memory_space<vmem>>) dst(%dma_wait3A_128 : memref<40x32xf32, #tpu.memory_space<hbm>>)
        } else {
        }
        %scan3A_111 = arith.constant 0 : i32
        %scan3A_112 = arith.constant 0 : i32
        %scan3A_113 = arith.constant 40 : i32
        %scan3A_114 = arith.addi %scan3A_112, %scan3A_113 : i32
        %scan3A_115 = arith.constant 1 : i32
        %scan3A_116 = scf.for %scan3A_123 = %scan3A_112 to %scan3A_114 step %scan3A_115 iter_args(%scan3A_124 = %scan3A_111) -> (i32)  : i32 {
          %mul3A_125 = arith.constant 32 : i32
          %mul3A_126 = arith.muli %scan3A_123, %mul3A_125 : i32
          %get3A = arith.index_cast %scan3A_123 : i32 to index
          %get3A_127 = arith.constant 0 : index
          %get3A_128 = tpu.vector_load %arg9[%get3A, %get3A_127] {strides = array<i32>} : memref<40x16xf32, #tpu.memory_space<vmem>>, vector<16xf32>,
          %add3A_129 = arith.constant 0 : i32
          %add3A_130 = arith.addi %mul3A_126, %add3A_129 : i32
          %broadcast_in_dim3A = arith.constant 0 : i32
          %broadcast_in_dim3A_131 = vector.broadcast %broadcast_in_dim3A : i32 to vector<16xi32>
          %gather3A = arith.constant 0 : i32
          %gather3A_132 = tpu.memref_slice %arg7[%add3A_130, %gather3A] : memref<1280x16xf32, #tpu.memory_space<vmem>> -> memref<16x16xf32, #tpu.memory_space<vmem>>
          %gather3A_133 = tpu.vector_load_idx %gather3A_132[%iota3A, %broadcast_in_dim3A_131] : memref<16x16xf32, #tpu.memory_space<vmem>>[vector<16xi32>, vector<16xi32>], vector<16xf32>,
          %slice3A = vector.extract_strided_slice %get3A_128 {offsets = [0], sizes = [1], strides = [1]} : vector<16xf32> to vector<1xf32>
          %squeeze3A = vector.extract %slice3A[0] : f32 from vector<1xf32>
          %sub3A = vector.broadcast %squeeze3A : f32 to vector<16xf32>
          %sub3A_134 = arith.subf %gather3A_133, %sub3A : vector<16xf32>
          %mul3A_135 = arith.mulf %sub3A_134, %sub3A_134 : vector<16xf32>
          %broadcast_in_dim3A_136 = arith.constant 1 : i32
          %broadcast_in_dim3A_137 = vector.broadcast %broadcast_in_dim3A_136 : i32 to vector<16xi32>
          %gather3A_138 = arith.constant 0 : i32
          %gather3A_139 = tpu.memref_slice %arg7[%add3A_130, %gather3A_138] : memref<1280x16xf32, #tpu.memory_space<vmem>> -> memref<16x16xf32, #tpu.memory_space<vmem>>
          %gather3A_140 = tpu.vector_load_idx %gather3A_139[%iota3A, %broadcast_in_dim3A_137] : memref<16x16xf32, #tpu.memory_space<vmem>>[vector<16xi32>, vector<16xi32>], vector<16xf32>,
          %slice3A_141 = vector.extract_strided_slice %get3A_128 {offsets = [1], sizes = [1], strides = [1]} : vector<16xf32> to vector<1xf32>
          %squeeze3A_142 = vector.extract %slice3A_141[0] : f32 from vector<1xf32>
          %sub3A_143 = vector.broadcast %squeeze3A_142 : f32 to vector<16xf32>
          %sub3A_144 = arith.subf %gather3A_140, %sub3A_143 : vector<16xf32>
          %mul3A_145 = arith.mulf %sub3A_144, %sub3A_144 : vector<16xf32>
          %add3A_146 = arith.addf %mul3A_135, %mul3A_145 : vector<16xf32>
          %broadcast_in_dim3A_147 = arith.constant 2 : i32
          %broadcast_in_dim3A_148 = vector.broadcast %broadcast_in_dim3A_147 : i32 to vector<16xi32>
          %gather3A_149 = arith.constant 0 : i32
          %gather3A_150 = tpu.memref_slice %arg7[%add3A_130, %gather3A_149] : memref<1280x16xf32, #tpu.memory_space<vmem>> -> memref<16x16xf32, #tpu.memory_space<vmem>>
          %gather3A_151 = tpu.vector_load_idx %gather3A_150[%iota3A, %broadcast_in_dim3A_148] : memref<16x16xf32, #tpu.memory_space<vmem>>[vector<16xi32>, vector<16xi32>], vector<16xf32>,
          %slice3A_152 = vector.extract_strided_slice %get3A_128 {offsets = [2], sizes = [1], strides = [1]} : vector<16xf32> to vector<1xf32>
          %squeeze3A_153 = vector.extract %slice3A_152[0] : f32 from vector<1xf32>
          %sub3A_154 = vector.broadcast %squeeze3A_153 : f32 to vector<16xf32>
          %sub3A_155 = arith.subf %gather3A_151, %sub3A_154 : vector<16xf32>
          %mul3A_156 = arith.mulf %sub3A_155, %sub3A_155 : vector<16xf32>
          %add3A_157 = arith.addf %add3A_146, %mul3A_156 : vector<16xf32>
          %neg3A = arith.constant 0.000000e+00 : f32
          %neg3A_158 = vector.broadcast %neg3A : f32 to vector<16xf32>
          %neg3A_159 = arith.subf %neg3A_158, %add3A_157 : vector<16xf32>
          %exp3A = math.exp %neg3A_159 : vector<16xf32>
          %broadcast_in_dim3A_160 = arith.constant 3 : i32
          %broadcast_in_dim3A_161 = vector.broadcast %broadcast_in_dim3A_160 : i32 to vector<16xi32>
          %gather3A_162 = arith.constant 0 : i32
          %gather3A_163 = tpu.memref_slice %arg7[%add3A_130, %gather3A_162] : memref<1280x16xf32, #tpu.memory_space<vmem>> -> memref<16x16xf32, #tpu.memory_space<vmem>>
          %gather3A_164 = tpu.vector_load_idx %gather3A_163[%iota3A, %broadcast_in_dim3A_161] : memref<16x16xf32, #tpu.memory_space<vmem>>[vector<16xi32>, vector<16xi32>], vector<16xf32>,
          %slice3A_165 = vector.extract_strided_slice %get3A_128 {offsets = [3], sizes = [1], strides = [1]} : vector<16xf32> to vector<1xf32>
          %squeeze3A_166 = vector.extract %slice3A_165[0] : f32 from vector<1xf32>
          %sub3A_167 = vector.broadcast %squeeze3A_166 : f32 to vector<16xf32>
          %sub3A_168 = arith.subf %gather3A_164, %sub3A_167 : vector<16xf32>
          %mul3A_169 = arith.mulf %sub3A_168, %sub3A_168 : vector<16xf32>
          %broadcast_in_dim3A_170 = arith.constant 4 : i32
          %broadcast_in_dim3A_171 = vector.broadcast %broadcast_in_dim3A_170 : i32 to vector<16xi32>
          %gather3A_172 = arith.constant 0 : i32
          %gather3A_173 = tpu.memref_slice %arg7[%add3A_130, %gather3A_172] : memref<1280x16xf32, #tpu.memory_space<vmem>> -> memref<16x16xf32, #tpu.memory_space<vmem>>
          %gather3A_174 = tpu.vector_load_idx %gather3A_173[%iota3A, %broadcast_in_dim3A_171] : memref<16x16xf32, #tpu.memory_space<vmem>>[vector<16xi32>, vector<16xi32>], vector<16xf32>,
          %slice3A_175 = vector.extract_strided_slice %get3A_128 {offsets = [4], sizes = [1], strides = [1]} : vector<16xf32> to vector<1xf32>
          %squeeze3A_176 = vector.extract %slice3A_175[0] : f32 from vector<1xf32>
          %sub3A_177 = vector.broadcast %squeeze3A_176 : f32 to vector<16xf32>
          %sub3A_178 = arith.subf %gather3A_174, %sub3A_177 : vector<16xf32>
          %mul3A_179 = arith.mulf %sub3A_178, %sub3A_178 : vector<16xf32>
          %add3A_180 = arith.addf %mul3A_169, %mul3A_179 : vector<16xf32>
          %broadcast_in_dim3A_181 = arith.constant 5 : i32
          %broadcast_in_dim3A_182 = vector.broadcast %broadcast_in_dim3A_181 : i32 to vector<16xi32>
          %gather3A_183 = arith.constant 0 : i32
          %gather3A_184 = tpu.memref_slice %arg7[%add3A_130, %gather3A_183] : memref<1280x16xf32, #tpu.memory_space<vmem>> -> memref<16x16xf32, #tpu.memory_space<vmem>>
          %gather3A_185 = tpu.vector_load_idx %gather3A_184[%iota3A, %broadcast_in_dim3A_182] : memref<16x16xf32, #tpu.memory_space<vmem>>[vector<16xi32>, vector<16xi32>], vector<16xf32>,
          %slice3A_186 = vector.extract_strided_slice %get3A_128 {offsets = [5], sizes = [1], strides = [1]} : vector<16xf32> to vector<1xf32>
          %squeeze3A_187 = vector.extract %slice3A_186[0] : f32 from vector<1xf32>
          %sub3A_188 = vector.broadcast %squeeze3A_187 : f32 to vector<16xf32>
          %sub3A_189 = arith.subf %gather3A_185, %sub3A_188 : vector<16xf32>
          %mul3A_190 = arith.mulf %sub3A_189, %sub3A_189 : vector<16xf32>
          %add3A_191 = arith.addf %add3A_180, %mul3A_190 : vector<16xf32>
          %neg3A_192 = arith.constant 0.000000e+00 : f32
          %neg3A_193 = vector.broadcast %neg3A_192 : f32 to vector<16xf32>
          %neg3A_194 = arith.subf %neg3A_193, %add3A_191 : vector<16xf32>
          %exp3A_195 = math.exp %neg3A_194 : vector<16xf32>
          %add3A_196 = arith.addf %exp3A, %exp3A_195 : vector<16xf32>
          %broadcast_in_dim3A_197 = arith.constant 6 : i32
          %broadcast_in_dim3A_198 = vector.broadcast %broadcast_in_dim3A_197 : i32 to vector<16xi32>
          %gather3A_199 = arith.constant 0 : i32
          %gather3A_200 = tpu.memref_slice %arg7[%add3A_130, %gather3A_199] : memref<1280x16xf32, #tpu.memory_space<vmem>> -> memref<16x16xf32, #tpu.memory_space<vmem>>
          %gather3A_201 = tpu.vector_load_idx %gather3A_200[%iota3A, %broadcast_in_dim3A_198] : memref<16x16xf32, #tpu.memory_space<vmem>>[vector<16xi32>, vector<16xi32>], vector<16xf32>,
          %slice3A_202 = vector.extract_strided_slice %get3A_128 {offsets = [6], sizes = [1], strides = [1]} : vector<16xf32> to vector<1xf32>
          %squeeze3A_203 = vector.extract %slice3A_202[0] : f32 from vector<1xf32>
          %sub3A_204 = vector.broadcast %squeeze3A_203 : f32 to vector<16xf32>
          %sub3A_205 = arith.subf %gather3A_201, %sub3A_204 : vector<16xf32>
          %mul3A_206 = arith.mulf %sub3A_205, %sub3A_205 : vector<16xf32>
          %broadcast_in_dim3A_207 = arith.constant 7 : i32
          %broadcast_in_dim3A_208 = vector.broadcast %broadcast_in_dim3A_207 : i32 to vector<16xi32>
          %gather3A_209 = arith.constant 0 : i32
          %gather3A_210 = tpu.memref_slice %arg7[%add3A_130, %gather3A_209] : memref<1280x16xf32, #tpu.memory_space<vmem>> -> memref<16x16xf32, #tpu.memory_space<vmem>>
          %gather3A_211 = tpu.vector_load_idx %gather3A_210[%iota3A, %broadcast_in_dim3A_208] : memref<16x16xf32, #tpu.memory_space<vmem>>[vector<16xi32>, vector<16xi32>], vector<16xf32>,
          %slice3A_212 = vector.extract_strided_slice %get3A_128 {offsets = [7], sizes = [1], strides = [1]} : vector<16xf32> to vector<1xf32>
          %squeeze3A_213 = vector.extract %slice3A_212[0] : f32 from vector<1xf32>
          %sub3A_214 = vector.broadcast %squeeze3A_213 : f32 to vector<16xf32>
          %sub3A_215 = arith.subf %gather3A_211, %sub3A_214 : vector<16xf32>
          %mul3A_216 = arith.mulf %sub3A_215, %sub3A_215 : vector<16xf32>
          %add3A_217 = arith.addf %mul3A_206, %mul3A_216 : vector<16xf32>
          %broadcast_in_dim3A_218 = arith.constant 8 : i32
          %broadcast_in_dim3A_219 = vector.broadcast %broadcast_in_dim3A_218 : i32 to vector<16xi32>
          %gather3A_220 = arith.constant 0 : i32
          %gather3A_221 = tpu.memref_slice %arg7[%add3A_130, %gather3A_220] : memref<1280x16xf32, #tpu.memory_space<vmem>> -> memref<16x16xf32, #tpu.memory_space<vmem>>
          %gather3A_222 = tpu.vector_load_idx %gather3A_221[%iota3A, %broadcast_in_dim3A_219] : memref<16x16xf32, #tpu.memory_space<vmem>>[vector<16xi32>, vector<16xi32>], vector<16xf32>,
          %slice3A_223 = vector.extract_strided_slice %get3A_128 {offsets = [8], sizes = [1], strides = [1]} : vector<16xf32> to vector<1xf32>
          %squeeze3A_224 = vector.extract %slice3A_223[0] : f32 from vector<1xf32>
          %sub3A_225 = vector.broadcast %squeeze3A_224 : f32 to vector<16xf32>
          %sub3A_226 = arith.subf %gather3A_222, %sub3A_225 : vector<16xf32>
          %mul3A_227 = arith.mulf %sub3A_226, %sub3A_226 : vector<16xf32>
          %add3A_228 = arith.addf %add3A_217, %mul3A_227 : vector<16xf32>
          %neg3A_229 = arith.constant 0.000000e+00 : f32
          %neg3A_230 = vector.broadcast %neg3A_229 : f32 to vector<16xf32>
          %neg3A_231 = arith.subf %neg3A_230, %add3A_228 : vector<16xf32>
          %exp3A_232 = math.exp %neg3A_231 : vector<16xf32>
          %add3A_233 = arith.addf %add3A_196, %exp3A_232 : vector<16xf32>
          %broadcast_in_dim3A_234 = arith.constant 9 : i32
          %broadcast_in_dim3A_235 = vector.broadcast %broadcast_in_dim3A_234 : i32 to vector<16xi32>
          %gather3A_236 = arith.constant 0 : i32
          %gather3A_237 = tpu.memref_slice %arg7[%add3A_130, %gather3A_236] : memref<1280x16xf32, #tpu.memory_space<vmem>> -> memref<16x16xf32, #tpu.memory_space<vmem>>
          %gather3A_238 = tpu.vector_load_idx %gather3A_237[%iota3A, %broadcast_in_dim3A_235] : memref<16x16xf32, #tpu.memory_space<vmem>>[vector<16xi32>, vector<16xi32>], vector<16xf32>,
          %slice3A_239 = vector.extract_strided_slice %get3A_128 {offsets = [9], sizes = [1], strides = [1]} : vector<16xf32> to vector<1xf32>
          %squeeze3A_240 = vector.extract %slice3A_239[0] : f32 from vector<1xf32>
          %sub3A_241 = vector.broadcast %squeeze3A_240 : f32 to vector<16xf32>
          %sub3A_242 = arith.subf %gather3A_238, %sub3A_241 : vector<16xf32>
          %mul3A_243 = arith.mulf %sub3A_242, %sub3A_242 : vector<16xf32>
          %broadcast_in_dim3A_244 = arith.constant 10 : i32
          %broadcast_in_dim3A_245 = vector.broadcast %broadcast_in_dim3A_244 : i32 to vector<16xi32>
          %gather3A_246 = arith.constant 0 : i32
          %gather3A_247 = tpu.memref_slice %arg7[%add3A_130, %gather3A_246] : memref<1280x16xf32, #tpu.memory_space<vmem>> -> memref<16x16xf32, #tpu.memory_space<vmem>>
          %gather3A_248 = tpu.vector_load_idx %gather3A_247[%iota3A, %broadcast_in_dim3A_245] : memref<16x16xf32, #tpu.memory_space<vmem>>[vector<16xi32>, vector<16xi32>], vector<16xf32>,
          %slice3A_249 = vector.extract_strided_slice %get3A_128 {offsets = [10], sizes = [1], strides = [1]} : vector<16xf32> to vector<1xf32>
          %squeeze3A_250 = vector.extract %slice3A_249[0] : f32 from vector<1xf32>
          %sub3A_251 = vector.broadcast %squeeze3A_250 : f32 to vector<16xf32>
          %sub3A_252 = arith.subf %gather3A_248, %sub3A_251 : vector<16xf32>
          %mul3A_253 = arith.mulf %sub3A_252, %sub3A_252 : vector<16xf32>
          %add3A_254 = arith.addf %mul3A_243, %mul3A_253 : vector<16xf32>
          %broadcast_in_dim3A_255 = arith.constant 11 : i32
          %broadcast_in_dim3A_256 = vector.broadcast %broadcast_in_dim3A_255 : i32 to vector<16xi32>
          %gather3A_257 = arith.constant 0 : i32
          %gather3A_258 = tpu.memref_slice %arg7[%add3A_130, %gather3A_257] : memref<1280x16xf32, #tpu.memory_space<vmem>> -> memref<16x16xf32, #tpu.memory_space<vmem>>
          %gather3A_259 = tpu.vector_load_idx %gather3A_258[%iota3A, %broadcast_in_dim3A_256] : memref<16x16xf32, #tpu.memory_space<vmem>>[vector<16xi32>, vector<16xi32>], vector<16xf32>,
          %slice3A_260 = vector.extract_strided_slice %get3A_128 {offsets = [11], sizes = [1], strides = [1]} : vector<16xf32> to vector<1xf32>
          %squeeze3A_261 = vector.extract %slice3A_260[0] : f32 from vector<1xf32>
          %sub3A_262 = vector.broadcast %squeeze3A_261 : f32 to vector<16xf32>
          %sub3A_263 = arith.subf %gather3A_259, %sub3A_262 : vector<16xf32>
          %mul3A_264 = arith.mulf %sub3A_263, %sub3A_263 : vector<16xf32>
          %add3A_265 = arith.addf %add3A_254, %mul3A_264 : vector<16xf32>
          %neg3A_266 = arith.constant 0.000000e+00 : f32
          %neg3A_267 = vector.broadcast %neg3A_266 : f32 to vector<16xf32>
          %neg3A_268 = arith.subf %neg3A_267, %add3A_265 : vector<16xf32>
          %exp3A_269 = math.exp %neg3A_268 : vector<16xf32>
          %add3A_270 = arith.addf %add3A_233, %exp3A_269 : vector<16xf32>
          %mul3A_271 = arith.constant 2.500000e-01 : f32
          %mul3A_272 = vector.broadcast %mul3A_271 : f32 to vector<16xf32>
          %mul3A_273 = arith.mulf %add3A_270, %mul3A_272 : vector<16xf32>
          %swap3A = arith.index_cast %scan3A_123 : i32 to index
          %swap3A_274 = arith.constant 0 : index
          %swap3A_275 = tpu.vector_load %arg11[%swap3A, %swap3A_274] {strides = array<i32>} : memref<40x32xf32, #tpu.memory_space<vmem>>, vector<16xf32>,
          tpu.vector_store %arg11[%swap3A, %swap3A_274], %mul3A_273 {strides = array<i32>} : memref<40x32xf32, #tpu.memory_space<vmem>>, vector<16xf32>,
          %add3A_276 = arith.constant 16 : i32
          %add3A_277 = arith.addi %mul3A_126, %add3A_276 : i32
          %broadcast_in_dim3A_278 = arith.constant 0 : i32
          %broadcast_in_dim3A_279 = vector.broadcast %broadcast_in_dim3A_278 : i32 to vector<16xi32>
          %gather3A_280 = arith.constant 0 : i32
          %gather3A_281 = tpu.memref_slice %arg7[%add3A_277, %gather3A_280] : memref<1280x16xf32, #tpu.memory_space<vmem>> -> memref<16x16xf32, #tpu.memory_space<vmem>>
          %gather3A_282 = tpu.vector_load_idx %gather3A_281[%iota3A, %broadcast_in_dim3A_279] : memref<16x16xf32, #tpu.memory_space<vmem>>[vector<16xi32>, vector<16xi32>], vector<16xf32>,
          %slice3A_283 = vector.extract_strided_slice %get3A_128 {offsets = [0], sizes = [1], strides = [1]} : vector<16xf32> to vector<1xf32>
          %squeeze3A_284 = vector.extract %slice3A_283[0] : f32 from vector<1xf32>
          %sub3A_285 = vector.broadcast %squeeze3A_284 : f32 to vector<16xf32>
          %sub3A_286 = arith.subf %gather3A_282, %sub3A_285 : vector<16xf32>
          %mul3A_287 = arith.mulf %sub3A_286, %sub3A_286 : vector<16xf32>
          %broadcast_in_dim3A_288 = arith.constant 1 : i32
          %broadcast_in_dim3A_289 = vector.broadcast %broadcast_in_dim3A_288 : i32 to vector<16xi32>
          %gather3A_290 = arith.constant 0 : i32
          %gather3A_291 = tpu.memref_slice %arg7[%add3A_277, %gather3A_290] : memref<1280x16xf32, #tpu.memory_space<vmem>> -> memref<16x16xf32, #tpu.memory_space<vmem>>
          %gather3A_292 = tpu.vector_load_idx %gather3A_291[%iota3A, %broadcast_in_dim3A_289] : memref<16x16xf32, #tpu.memory_space<vmem>>[vector<16xi32>, vector<16xi32>], vector<16xf32>,
          %slice3A_293 = vector.extract_strided_slice %get3A_128 {offsets = [1], sizes = [1], strides = [1]} : vector<16xf32> to vector<1xf32>
          %squeeze3A_294 = vector.extract %slice3A_293[0] : f32 from vector<1xf32>
          %sub3A_295 = vector.broadcast %squeeze3A_294 : f32 to vector<16xf32>
          %sub3A_296 = arith.subf %gather3A_292, %sub3A_295 : vector<16xf32>
          %mul3A_297 = arith.mulf %sub3A_296, %sub3A_296 : vector<16xf32>
          %add3A_298 = arith.addf %mul3A_287, %mul3A_297 : vector<16xf32>
          %broadcast_in_dim3A_299 = arith.constant 2 : i32
          %broadcast_in_dim3A_300 = vector.broadcast %broadcast_in_dim3A_299 : i32 to vector<16xi32>
          %gather3A_301 = arith.constant 0 : i32
          %gather3A_302 = tpu.memref_slice %arg7[%add3A_277, %gather3A_301] : memref<1280x16xf32, #tpu.memory_space<vmem>> -> memref<16x16xf32, #tpu.memory_space<vmem>>
          %gather3A_303 = tpu.vector_load_idx %gather3A_302[%iota3A, %broadcast_in_dim3A_300] : memref<16x16xf32, #tpu.memory_space<vmem>>[vector<16xi32>, vector<16xi32>], vector<16xf32>,
          %slice3A_304 = vector.extract_strided_slice %get3A_128 {offsets = [2], sizes = [1], strides = [1]} : vector<16xf32> to vector<1xf32>
          %squeeze3A_305 = vector.extract %slice3A_304[0] : f32 from vector<1xf32>
          %sub3A_306 = vector.broadcast %squeeze3A_305 : f32 to vector<16xf32>
          %sub3A_307 = arith.subf %gather3A_303, %sub3A_306 : vector<16xf32>
          %mul3A_308 = arith.mulf %sub3A_307, %sub3A_307 : vector<16xf32>
          %add3A_309 = arith.addf %add3A_298, %mul3A_308 : vector<16xf32>
          %neg3A_310 = arith.constant 0.000000e+00 : f32
          %neg3A_311 = vector.broadcast %neg3A_310 : f32 to vector<16xf32>
          %neg3A_312 = arith.subf %neg3A_311, %add3A_309 : vector<16xf32>
          %exp3A_313 = math.exp %neg3A_312 : vector<16xf32>
          %broadcast_in_dim3A_314 = arith.constant 3 : i32
          %broadcast_in_dim3A_315 = vector.broadcast %broadcast_in_dim3A_314 : i32 to vector<16xi32>
          %gather3A_316 = arith.constant 0 : i32
          %gather3A_317 = tpu.memref_slice %arg7[%add3A_277, %gather3A_316] : memref<1280x16xf32, #tpu.memory_space<vmem>> -> memref<16x16xf32, #tpu.memory_space<vmem>>
          %gather3A_318 = tpu.vector_load_idx %gather3A_317[%iota3A, %broadcast_in_dim3A_315] : memref<16x16xf32, #tpu.memory_space<vmem>>[vector<16xi32>, vector<16xi32>], vector<16xf32>,
          %slice3A_319 = vector.extract_strided_slice %get3A_128 {offsets = [3], sizes = [1], strides = [1]} : vector<16xf32> to vector<1xf32>
          %squeeze3A_320 = vector.extract %slice3A_319[0] : f32 from vector<1xf32>
          %sub3A_321 = vector.broadcast %squeeze3A_320 : f32 to vector<16xf32>
          %sub3A_322 = arith.subf %gather3A_318, %sub3A_321 : vector<16xf32>
          %mul3A_323 = arith.mulf %sub3A_322, %sub3A_322 : vector<16xf32>
          %broadcast_in_dim3A_324 = arith.constant 4 : i32
          %broadcast_in_dim3A_325 = vector.broadcast %broadcast_in_dim3A_324 : i32 to vector<16xi32>
          %gather3A_326 = arith.constant 0 : i32
          %gather3A_327 = tpu.memref_slice %arg7[%add3A_277, %gather3A_326] : memref<1280x16xf32, #tpu.memory_space<vmem>> -> memref<16x16xf32, #tpu.memory_space<vmem>>
          %gather3A_328 = tpu.vector_load_idx %gather3A_327[%iota3A, %broadcast_in_dim3A_325] : memref<16x16xf32, #tpu.memory_space<vmem>>[vector<16xi32>, vector<16xi32>], vector<16xf32>,
          %slice3A_329 = vector.extract_strided_slice %get3A_128 {offsets = [4], sizes = [1], strides = [1]} : vector<16xf32> to vector<1xf32>
          %squeeze3A_330 = vector.extract %slice3A_329[0] : f32 from vector<1xf32>
          %sub3A_331 = vector.broadcast %squeeze3A_330 : f32 to vector<16xf32>
          %sub3A_332 = arith.subf %gather3A_328, %sub3A_331 : vector<16xf32>
          %mul3A_333 = arith.mulf %sub3A_332, %sub3A_332 : vector<16xf32>
          %add3A_334 = arith.addf %mul3A_323, %mul3A_333 : vector<16xf32>
          %broadcast_in_dim3A_335 = arith.constant 5 : i32
          %broadcast_in_dim3A_336 = vector.broadcast %broadcast_in_dim3A_335 : i32 to vector<16xi32>
          %gather3A_337 = arith.constant 0 : i32
          %gather3A_338 = tpu.memref_slice %arg7[%add3A_277, %gather3A_337] : memref<1280x16xf32, #tpu.memory_space<vmem>> -> memref<16x16xf32, #tpu.memory_space<vmem>>
          %gather3A_339 = tpu.vector_load_idx %gather3A_338[%iota3A, %broadcast_in_dim3A_336] : memref<16x16xf32, #tpu.memory_space<vmem>>[vector<16xi32>, vector<16xi32>], vector<16xf32>,
          %slice3A_340 = vector.extract_strided_slice %get3A_128 {offsets = [5], sizes = [1], strides = [1]} : vector<16xf32> to vector<1xf32>
          %squeeze3A_341 = vector.extract %slice3A_340[0] : f32 from vector<1xf32>
          %sub3A_342 = vector.broadcast %squeeze3A_341 : f32 to vector<16xf32>
          %sub3A_343 = arith.subf %gather3A_339, %sub3A_342 : vector<16xf32>
          %mul3A_344 = arith.mulf %sub3A_343, %sub3A_343 : vector<16xf32>
          %add3A_345 = arith.addf %add3A_334, %mul3A_344 : vector<16xf32>
          %neg3A_346 = arith.constant 0.000000e+00 : f32
          %neg3A_347 = vector.broadcast %neg3A_346 : f32 to vector<16xf32>
          %neg3A_348 = arith.subf %neg3A_347, %add3A_345 : vector<16xf32>
          %exp3A_349 = math.exp %neg3A_348 : vector<16xf32>
          %add3A_350 = arith.addf %exp3A_313, %exp3A_349 : vector<16xf32>
          %broadcast_in_dim3A_351 = arith.constant 6 : i32
          %broadcast_in_dim3A_352 = vector.broadcast %broadcast_in_dim3A_351 : i32 to vector<16xi32>
          %gather3A_353 = arith.constant 0 : i32
          %gather3A_354 = tpu.memref_slice %arg7[%add3A_277, %gather3A_353] : memref<1280x16xf32, #tpu.memory_space<vmem>> -> memref<16x16xf32, #tpu.memory_space<vmem>>
          %gather3A_355 = tpu.vector_load_idx %gather3A_354[%iota3A, %broadcast_in_dim3A_352] : memref<16x16xf32, #tpu.memory_space<vmem>>[vector<16xi32>, vector<16xi32>], vector<16xf32>,
          %slice3A_356 = vector.extract_strided_slice %get3A_128 {offsets = [6], sizes = [1], strides = [1]} : vector<16xf32> to vector<1xf32>
          %squeeze3A_357 = vector.extract %slice3A_356[0] : f32 from vector<1xf32>
          %sub3A_358 = vector.broadcast %squeeze3A_357 : f32 to vector<16xf32>
          %sub3A_359 = arith.subf %gather3A_355, %sub3A_358 : vector<16xf32>
          %mul3A_360 = arith.mulf %sub3A_359, %sub3A_359 : vector<16xf32>
          %broadcast_in_dim3A_361 = arith.constant 7 : i32
          %broadcast_in_dim3A_362 = vector.broadcast %broadcast_in_dim3A_361 : i32 to vector<16xi32>
          %gather3A_363 = arith.constant 0 : i32
          %gather3A_364 = tpu.memref_slice %arg7[%add3A_277, %gather3A_363] : memref<1280x16xf32, #tpu.memory_space<vmem>> -> memref<16x16xf32, #tpu.memory_space<vmem>>
          %gather3A_365 = tpu.vector_load_idx %gather3A_364[%iota3A, %broadcast_in_dim3A_362] : memref<16x16xf32, #tpu.memory_space<vmem>>[vector<16xi32>, vector<16xi32>], vector<16xf32>,
          %slice3A_366 = vector.extract_strided_slice %get3A_128 {offsets = [7], sizes = [1], strides = [1]} : vector<16xf32> to vector<1xf32>
          %squeeze3A_367 = vector.extract %slice3A_366[0] : f32 from vector<1xf32>
          %sub3A_368 = vector.broadcast %squeeze3A_367 : f32 to vector<16xf32>
          %sub3A_369 = arith.subf %gather3A_365, %sub3A_368 : vector<16xf32>
          %mul3A_370 = arith.mulf %sub3A_369, %sub3A_369 : vector<16xf32>
          %add3A_371 = arith.addf %mul3A_360, %mul3A_370 : vector<16xf32>
          %broadcast_in_dim3A_372 = arith.constant 8 : i32
          %broadcast_in_dim3A_373 = vector.broadcast %broadcast_in_dim3A_372 : i32 to vector<16xi32>
          %gather3A_374 = arith.constant 0 : i32
          %gather3A_375 = tpu.memref_slice %arg7[%add3A_277, %gather3A_374] : memref<1280x16xf32, #tpu.memory_space<vmem>> -> memref<16x16xf32, #tpu.memory_space<vmem>>
          %gather3A_376 = tpu.vector_load_idx %gather3A_375[%iota3A, %broadcast_in_dim3A_373] : memref<16x16xf32, #tpu.memory_space<vmem>>[vector<16xi32>, vector<16xi32>], vector<16xf32>,
          %slice3A_377 = vector.extract_strided_slice %get3A_128 {offsets = [8], sizes = [1], strides = [1]} : vector<16xf32> to vector<1xf32>
          %squeeze3A_378 = vector.extract %slice3A_377[0] : f32 from vector<1xf32>
          %sub3A_379 = vector.broadcast %squeeze3A_378 : f32 to vector<16xf32>
          %sub3A_380 = arith.subf %gather3A_376, %sub3A_379 : vector<16xf32>
          %mul3A_381 = arith.mulf %sub3A_380, %sub3A_380 : vector<16xf32>
          %add3A_382 = arith.addf %add3A_371, %mul3A_381 : vector<16xf32>
          %neg3A_383 = arith.constant 0.000000e+00 : f32
          %neg3A_384 = vector.broadcast %neg3A_383 : f32 to vector<16xf32>
          %neg3A_385 = arith.subf %neg3A_384, %add3A_382 : vector<16xf32>
          %exp3A_386 = math.exp %neg3A_385 : vector<16xf32>
          %add3A_387 = arith.addf %add3A_350, %exp3A_386 : vector<16xf32>
          %broadcast_in_dim3A_388 = arith.constant 9 : i32
          %broadcast_in_dim3A_389 = vector.broadcast %broadcast_in_dim3A_388 : i32 to vector<16xi32>
          %gather3A_390 = arith.constant 0 : i32
          %gather3A_391 = tpu.memref_slice %arg7[%add3A_277, %gather3A_390] : memref<1280x16xf32, #tpu.memory_space<vmem>> -> memref<16x16xf32, #tpu.memory_space<vmem>>
          %gather3A_392 = tpu.vector_load_idx %gather3A_391[%iota3A, %broadcast_in_dim3A_389] : memref<16x16xf32, #tpu.memory_space<vmem>>[vector<16xi32>, vector<16xi32>], vector<16xf32>,
          %slice3A_393 = vector.extract_strided_slice %get3A_128 {offsets = [9], sizes = [1], strides = [1]} : vector<16xf32> to vector<1xf32>
          %squeeze3A_394 = vector.extract %slice3A_393[0] : f32 from vector<1xf32>
          %sub3A_395 = vector.broadcast %squeeze3A_394 : f32 to vector<16xf32>
          %sub3A_396 = arith.subf %gather3A_392, %sub3A_395 : vector<16xf32>
          %mul3A_397 = arith.mulf %sub3A_396, %sub3A_396 : vector<16xf32>
          %broadcast_in_dim3A_398 = arith.constant 10 : i32
          %broadcast_in_dim3A_399 = vector.broadcast %broadcast_in_dim3A_398 : i32 to vector<16xi32>
          %gather3A_400 = arith.constant 0 : i32
          %gather3A_401 = tpu.memref_slice %arg7[%add3A_277, %gather3A_400] : memref<1280x16xf32, #tpu.memory_space<vmem>> -> memref<16x16xf32, #tpu.memory_space<vmem>>
          %gather3A_402 = tpu.vector_load_idx %gather3A_401[%iota3A, %broadcast_in_dim3A_399] : memref<16x16xf32, #tpu.memory_space<vmem>>[vector<16xi32>, vector<16xi32>], vector<16xf32>,
          %slice3A_403 = vector.extract_strided_slice %get3A_128 {offsets = [10], sizes = [1], strides = [1]} : vector<16xf32> to vector<1xf32>
          %squeeze3A_404 = vector.extract %slice3A_403[0] : f32 from vector<1xf32>
          %sub3A_405 = vector.broadcast %squeeze3A_404 : f32 to vector<16xf32>
          %sub3A_406 = arith.subf %gather3A_402, %sub3A_405 : vector<16xf32>
          %mul3A_407 = arith.mulf %sub3A_406, %sub3A_406 : vector<16xf32>
          %add3A_408 = arith.addf %mul3A_397, %mul3A_407 : vector<16xf32>
          %broadcast_in_dim3A_409 = arith.constant 11 : i32
          %broadcast_in_dim3A_410 = vector.broadcast %broadcast_in_dim3A_409 : i32 to vector<16xi32>
          %gather3A_411 = arith.constant 0 : i32
          %gather3A_412 = tpu.memref_slice %arg7[%add3A_277, %gather3A_411] : memref<1280x16xf32, #tpu.memory_space<vmem>> -> memref<16x16xf32, #tpu.memory_space<vmem>>
          %gather3A_413 = tpu.vector_load_idx %gather3A_412[%iota3A, %broadcast_in_dim3A_410] : memref<16x16xf32, #tpu.memory_space<vmem>>[vector<16xi32>, vector<16xi32>], vector<16xf32>,
          %slice3A_414 = vector.extract_strided_slice %get3A_128 {offsets = [11], sizes = [1], strides = [1]} : vector<16xf32> to vector<1xf32>
          %squeeze3A_415 = vector.extract %slice3A_414[0] : f32 from vector<1xf32>
          %sub3A_416 = vector.broadcast %squeeze3A_415 : f32 to vector<16xf32>
          %sub3A_417 = arith.subf %gather3A_413, %sub3A_416 : vector<16xf32>
          %mul3A_418 = arith.mulf %sub3A_417, %sub3A_417 : vector<16xf32>
          %add3A_419 = arith.addf %add3A_408, %mul3A_418 : vector<16xf32>
          %neg3A_420 = arith.constant 0.000000e+00 : f32
          %neg3A_421 = vector.broadcast %neg3A_420 : f32 to vector<16xf32>
          %neg3A_422 = arith.subf %neg3A_421, %add3A_419 : vector<16xf32>
          %exp3A_423 = math.exp %neg3A_422 : vector<16xf32>
          %add3A_424 = arith.addf %add3A_387, %exp3A_423 : vector<16xf32>
          %mul3A_425 = arith.constant 2.500000e-01 : f32
          %mul3A_426 = vector.broadcast %mul3A_425 : f32 to vector<16xf32>
          %mul3A_427 = arith.mulf %add3A_424, %mul3A_426 : vector<16xf32>
          %swap3A_428 = arith.index_cast %scan3A_123 : i32 to index
          %swap3A_429 = arith.constant 16 : index
          %swap3A_430 = tpu.vector_load %arg11[%swap3A_428, %swap3A_429] {strides = array<i32>} : memref<40x32xf32, #tpu.memory_space<vmem>>, vector<16xf32>,
          tpu.vector_store %arg11[%swap3A_428, %swap3A_429], %mul3A_427 {strides = array<i32>} : memref<40x32xf32, #tpu.memory_space<vmem>>, vector<16xf32>,
          %scan3A_431 = arith.constant 0 : i32
          scf.yield %scan3A_431 : i32
        }
        %scan3A_117 = arith.constant 40 : i32
        %mul3A_118 = arith.constant 40 : i32
        %mul3A_119 = arith.muli %add3A_55, %mul3A_118 : i32
        %dma_start3A = arith.constant 0 : i32
        %dma_start3A_120 = tpu.memref_slice %arg4[%mul3A_119, %dma_start3A] : memref<50000x32xf32, #tpu.memory_space<hbm>> -> memref<40x32xf32, #tpu.memory_space<hbm>>
        %dma_start3A_121 = arith.constant 0 : i32
        %dma_start3A_122 = tpu.memref_slice %arg4[%mul3A_119, %dma_start3A_121] : memref<50000x32xf32, #tpu.memory_space<hbm>> -> memref<40x32xf32, #tpu.memory_space<hbm>>
        tpu.enqueue_dma source(%arg11 : memref<40x32xf32, #tpu.memory_space<vmem>>) target(%dma_start3A_122 : memref<40x32xf32, #tpu.memory_space<hbm>>) target_semaphore(%arg17 : memref<!tpu.dma_semaphore, #tpu.memory_space<semaphore_mem>>)
      } else {
      }
      %add3A_61 = arith.constant 2 : i32
      %add3A_62 = arith.addi %mul3A_42, %add3A_61 : i32
      %mul3A_63 = arith.constant 32 : i32
      %mul3A_64 = arith.muli %add3A_62, %mul3A_63 : i32
      %add3A_65 = arith.addi %add3A, %mul3A_64 : i32
      %lt3A_66 = arith.constant 1250 : i32
      %lt3A_67 = arith.cmpi slt, %add3A_65, %lt3A_66 : i32
      %convert_element_type3A_68 = arith.extui %lt3A_67 : i1 to i32
      %cond3A_69 = arith.constant 0 : i32
      %cond3A_70 = arith.cmpi ne, %convert_element_type3A_68, %cond3A_69 : i32
      scf.if %cond3A_70 {
        %mul3A_102 = arith.constant 40 : i32
        %mul3A_103 = arith.muli %add3A_65, %mul3A_102 : i32
        %dma_start3A = arith.constant 0 : i32
        %dma_start3A_104 = tpu.memref_slice %arg3[%mul3A_103, %dma_start3A] : memref<50000x32xi32, #tpu.memory_space<hbm>> -> memref<40x32xi32, #tpu.memory_space<hbm>>
        %dma_start3A_105 = arith.constant 0 : i32
        %dma_start3A_106 = tpu.memref_slice %arg3[%mul3A_103, %dma_start3A_105] : memref<50000x32xi32, #tpu.memory_space<hbm>> -> memref<40x32xi32, #tpu.memory_space<hbm>>
        tpu.enqueue_dma source(%dma_start3A_106 : memref<40x32xi32, #tpu.memory_space<hbm>>) target(%arg5 : memref<40x32xi32, #tpu.memory_space<vmem>>) target_semaphore(%arg13 : memref<!tpu.dma_semaphore, #tpu.memory_space<semaphore_mem>>)
        %dma_start3A_107 = arith.constant 0 : i32
        %dma_start3A_108 = tpu.memref_slice %arg2[%mul3A_103, %dma_start3A_107] : memref<50000x16xf32, #tpu.memory_space<hbm>> -> memref<40x16xf32, #tpu.memory_space<hbm>>
        %dma_start3A_109 = arith.constant 0 : i32
        %dma_start3A_110 = tpu.memref_slice %arg2[%mul3A_103, %dma_start3A_109] : memref<50000x16xf32, #tpu.memory_space<hbm>> -> memref<40x16xf32, #tpu.memory_space<hbm>>
        tpu.enqueue_dma source(%dma_start3A_110 : memref<40x16xf32, #tpu.memory_space<hbm>>) target(%arg9 : memref<40x16xf32, #tpu.memory_space<vmem>>) target_semaphore(%arg13 : memref<!tpu.dma_semaphore, #tpu.memory_space<semaphore_mem>>)
      } else {
      }
      %add3A_71 = arith.constant 1 : i32
      %add3A_72 = arith.addi %mul3A_42, %add3A_71 : i32
      %mul3A_73 = arith.constant 32 : i32
      %mul3A_74 = arith.muli %add3A_72, %mul3A_73 : i32
      %add3A_75 = arith.addi %add3A, %mul3A_74 : i32
      %lt3A_76 = arith.constant 1250 : i32
      %lt3A_77 = arith.cmpi slt, %add3A_75, %lt3A_76 : i32
      %convert_element_type3A_78 = arith.extui %lt3A_77 : i1 to i32
      %cond3A_79 = arith.constant 0 : i32
      %cond3A_80 = arith.cmpi ne, %convert_element_type3A_78, %cond3A_79 : i32
      scf.if %cond3A_80 {
        %dma_wait3A = arith.constant 0 : i32
        %dma_wait3A_102 = arith.constant 0 : i32
        %dma_wait3A_103 = tpu.memref_slice %arg2[%dma_wait3A, %dma_wait3A_102] : memref<50000x16xf32, #tpu.memory_space<hbm>> -> memref<1280x16xf32, #tpu.memory_space<hbm>>
        %dma_wait3A_104 = arith.constant 0 : i32
        %dma_wait3A_105 = arith.constant 0 : i32
        %dma_wait3A_106 = tpu.memref_slice %arg2[%dma_wait3A_104, %dma_wait3A_105] : memref<50000x16xf32, #tpu.memory_space<hbm>> -> memref<1280x16xf32, #tpu.memory_space<hbm>>
        tpu.wait_dma2 semaphore(%arg16 : memref<!tpu.dma_semaphore, #tpu.memory_space<semaphore_mem>>) src(%dma_wait3A_106 : memref<1280x16xf32, #tpu.memory_space<hbm>>) dst(%arg8 : memref<1280x16xf32, #tpu.memory_space<vmem>>)
        %ge3A = arith.constant 2 : i32
        %ge3A_107 = arith.cmpi sge, %add3A_72, %ge3A : i32
        %convert_element_type3A_108 = arith.extui %ge3A_107 : i1 to i32
        %cond3A_109 = arith.constant 0 : i32
        %cond3A_110 = arith.cmpi ne, %convert_element_type3A_108, %cond3A_109 : i32
        scf.if %cond3A_110 {
          %dma_wait3A_123 = arith.constant 0 : i32
          %dma_wait3A_124 = arith.constant 0 : i32
          %dma_wait3A_125 = tpu.memref_slice %arg4[%dma_wait3A_123, %dma_wait3A_124] : memref<50000x32xf32, #tpu.memory_space<hbm>> -> memref<40x32xf32, #tpu.memory_space<hbm>>
          %dma_wait3A_126 = arith.constant 0 : i32
          %dma_wait3A_127 = arith.constant 0 : i32
          %dma_wait3A_128 = tpu.memref_slice %arg4[%dma_wait3A_126, %dma_wait3A_127] : memref<50000x32xf32, #tpu.memory_space<hbm>> -> memref<40x32xf32, #tpu.memory_space<hbm>>
          tpu.wait_dma2 semaphore(%arg18 : memref<!tpu.dma_semaphore, #tpu.memory_space<semaphore_mem>>) src(%arg12 : memref<40x32xf32, #tpu.memory_space<vmem>>) dst(%dma_wait3A_128 : memref<40x32xf32, #tpu.memory_space<hbm>>)
        } else {
        }
        %scan3A_111 = arith.constant 0 : i32
        %scan3A_112 = arith.constant 0 : i32
        %scan3A_113 = arith.constant 40 : i32
        %scan3A_114 = arith.addi %scan3A_112, %scan3A_113 : i32
        %scan3A_115 = arith.constant 1 : i32
        %scan3A_116 = scf.for %scan3A_123 = %scan3A_112 to %scan3A_114 step %scan3A_115 iter_args(%scan3A_124 = %scan3A_111) -> (i32)  : i32 {
          %mul3A_125 = arith.constant 32 : i32
          %mul3A_126 = arith.muli %scan3A_123, %mul3A_125 : i32
          %get3A = arith.index_cast %scan3A_123 : i32 to index
          %get3A_127 = arith.constant 0 : index
          %get3A_128 = tpu.vector_load %arg10[%get3A, %get3A_127] {strides = array<i32>} : memref<40x16xf32, #tpu.memory_space<vmem>>, vector<16xf32>,
          %add3A_129 = arith.constant 0 : i32
          %add3A_130 = arith.addi %mul3A_126, %add3A_129 : i32
          %broadcast_in_dim3A = arith.constant 0 : i32
          %broadcast_in_dim3A_131 = vector.broadcast %broadcast_in_dim3A : i32 to vector<16xi32>
          %gather3A = arith.constant 0 : i32
          %gather3A_132 = tpu.memref_slice %arg8[%add3A_130, %gather3A] : memref<1280x16xf32, #tpu.memory_space<vmem>> -> memref<16x16xf32, #tpu.memory_space<vmem>>
          %gather3A_133 = tpu.vector_load_idx %gather3A_132[%iota3A, %broadcast_in_dim3A_131] : memref<16x16xf32, #tpu.memory_space<vmem>>[vector<16xi32>, vector<16xi32>], vector<16xf32>,
          %slice3A = vector.extract_strided_slice %get3A_128 {offsets = [0], sizes = [1], strides = [1]} : vector<16xf32> to vector<1xf32>
          %squeeze3A = vector.extract %slice3A[0] : f32 from vector<1xf32>
          %sub3A = vector.broadcast %squeeze3A : f32 to vector<16xf32>
          %sub3A_134 = arith.subf %gather3A_133, %sub3A : vector<16xf32>
          %mul3A_135 = arith.mulf %sub3A_134, %sub3A_134 : vector<16xf32>
          %broadcast_in_dim3A_136 = arith.constant 1 : i32
          %broadcast_in_dim3A_137 = vector.broadcast %broadcast_in_dim3A_136 : i32 to vector<16xi32>
          %gather3A_138 = arith.constant 0 : i32
          %gather3A_139 = tpu.memref_slice %arg8[%add3A_130, %gather3A_138] : memref<1280x16xf32, #tpu.memory_space<vmem>> -> memref<16x16xf32, #tpu.memory_space<vmem>>
          %gather3A_140 = tpu.vector_load_idx %gather3A_139[%iota3A, %broadcast_in_dim3A_137] : memref<16x16xf32, #tpu.memory_space<vmem>>[vector<16xi32>, vector<16xi32>], vector<16xf32>,
          %slice3A_141 = vector.extract_strided_slice %get3A_128 {offsets = [1], sizes = [1], strides = [1]} : vector<16xf32> to vector<1xf32>
          %squeeze3A_142 = vector.extract %slice3A_141[0] : f32 from vector<1xf32>
          %sub3A_143 = vector.broadcast %squeeze3A_142 : f32 to vector<16xf32>
          %sub3A_144 = arith.subf %gather3A_140, %sub3A_143 : vector<16xf32>
          %mul3A_145 = arith.mulf %sub3A_144, %sub3A_144 : vector<16xf32>
          %add3A_146 = arith.addf %mul3A_135, %mul3A_145 : vector<16xf32>
          %broadcast_in_dim3A_147 = arith.constant 2 : i32
          %broadcast_in_dim3A_148 = vector.broadcast %broadcast_in_dim3A_147 : i32 to vector<16xi32>
          %gather3A_149 = arith.constant 0 : i32
          %gather3A_150 = tpu.memref_slice %arg8[%add3A_130, %gather3A_149] : memref<1280x16xf32, #tpu.memory_space<vmem>> -> memref<16x16xf32, #tpu.memory_space<vmem>>
          %gather3A_151 = tpu.vector_load_idx %gather3A_150[%iota3A, %broadcast_in_dim3A_148] : memref<16x16xf32, #tpu.memory_space<vmem>>[vector<16xi32>, vector<16xi32>], vector<16xf32>,
          %slice3A_152 = vector.extract_strided_slice %get3A_128 {offsets = [2], sizes = [1], strides = [1]} : vector<16xf32> to vector<1xf32>
          %squeeze3A_153 = vector.extract %slice3A_152[0] : f32 from vector<1xf32>
          %sub3A_154 = vector.broadcast %squeeze3A_153 : f32 to vector<16xf32>
          %sub3A_155 = arith.subf %gather3A_151, %sub3A_154 : vector<16xf32>
          %mul3A_156 = arith.mulf %sub3A_155, %sub3A_155 : vector<16xf32>
          %add3A_157 = arith.addf %add3A_146, %mul3A_156 : vector<16xf32>
          %neg3A = arith.constant 0.000000e+00 : f32
          %neg3A_158 = vector.broadcast %neg3A : f32 to vector<16xf32>
          %neg3A_159 = arith.subf %neg3A_158, %add3A_157 : vector<16xf32>
          %exp3A = math.exp %neg3A_159 : vector<16xf32>
          %broadcast_in_dim3A_160 = arith.constant 3 : i32
          %broadcast_in_dim3A_161 = vector.broadcast %broadcast_in_dim3A_160 : i32 to vector<16xi32>
          %gather3A_162 = arith.constant 0 : i32
          %gather3A_163 = tpu.memref_slice %arg8[%add3A_130, %gather3A_162] : memref<1280x16xf32, #tpu.memory_space<vmem>> -> memref<16x16xf32, #tpu.memory_space<vmem>>
          %gather3A_164 = tpu.vector_load_idx %gather3A_163[%iota3A, %broadcast_in_dim3A_161] : memref<16x16xf32, #tpu.memory_space<vmem>>[vector<16xi32>, vector<16xi32>], vector<16xf32>,
          %slice3A_165 = vector.extract_strided_slice %get3A_128 {offsets = [3], sizes = [1], strides = [1]} : vector<16xf32> to vector<1xf32>
          %squeeze3A_166 = vector.extract %slice3A_165[0] : f32 from vector<1xf32>
          %sub3A_167 = vector.broadcast %squeeze3A_166 : f32 to vector<16xf32>
          %sub3A_168 = arith.subf %gather3A_164, %sub3A_167 : vector<16xf32>
          %mul3A_169 = arith.mulf %sub3A_168, %sub3A_168 : vector<16xf32>
          %broadcast_in_dim3A_170 = arith.constant 4 : i32
          %broadcast_in_dim3A_171 = vector.broadcast %broadcast_in_dim3A_170 : i32 to vector<16xi32>
          %gather3A_172 = arith.constant 0 : i32
          %gather3A_173 = tpu.memref_slice %arg8[%add3A_130, %gather3A_172] : memref<1280x16xf32, #tpu.memory_space<vmem>> -> memref<16x16xf32, #tpu.memory_space<vmem>>
          %gather3A_174 = tpu.vector_load_idx %gather3A_173[%iota3A, %broadcast_in_dim3A_171] : memref<16x16xf32, #tpu.memory_space<vmem>>[vector<16xi32>, vector<16xi32>], vector<16xf32>,
          %slice3A_175 = vector.extract_strided_slice %get3A_128 {offsets = [4], sizes = [1], strides = [1]} : vector<16xf32> to vector<1xf32>
          %squeeze3A_176 = vector.extract %slice3A_175[0] : f32 from vector<1xf32>
          %sub3A_177 = vector.broadcast %squeeze3A_176 : f32 to vector<16xf32>
          %sub3A_178 = arith.subf %gather3A_174, %sub3A_177 : vector<16xf32>
          %mul3A_179 = arith.mulf %sub3A_178, %sub3A_178 : vector<16xf32>
          %add3A_180 = arith.addf %mul3A_169, %mul3A_179 : vector<16xf32>
          %broadcast_in_dim3A_181 = arith.constant 5 : i32
          %broadcast_in_dim3A_182 = vector.broadcast %broadcast_in_dim3A_181 : i32 to vector<16xi32>
          %gather3A_183 = arith.constant 0 : i32
          %gather3A_184 = tpu.memref_slice %arg8[%add3A_130, %gather3A_183] : memref<1280x16xf32, #tpu.memory_space<vmem>> -> memref<16x16xf32, #tpu.memory_space<vmem>>
          %gather3A_185 = tpu.vector_load_idx %gather3A_184[%iota3A, %broadcast_in_dim3A_182] : memref<16x16xf32, #tpu.memory_space<vmem>>[vector<16xi32>, vector<16xi32>], vector<16xf32>,
          %slice3A_186 = vector.extract_strided_slice %get3A_128 {offsets = [5], sizes = [1], strides = [1]} : vector<16xf32> to vector<1xf32>
          %squeeze3A_187 = vector.extract %slice3A_186[0] : f32 from vector<1xf32>
          %sub3A_188 = vector.broadcast %squeeze3A_187 : f32 to vector<16xf32>
          %sub3A_189 = arith.subf %gather3A_185, %sub3A_188 : vector<16xf32>
          %mul3A_190 = arith.mulf %sub3A_189, %sub3A_189 : vector<16xf32>
          %add3A_191 = arith.addf %add3A_180, %mul3A_190 : vector<16xf32>
          %neg3A_192 = arith.constant 0.000000e+00 : f32
          %neg3A_193 = vector.broadcast %neg3A_192 : f32 to vector<16xf32>
          %neg3A_194 = arith.subf %neg3A_193, %add3A_191 : vector<16xf32>
          %exp3A_195 = math.exp %neg3A_194 : vector<16xf32>
          %add3A_196 = arith.addf %exp3A, %exp3A_195 : vector<16xf32>
          %broadcast_in_dim3A_197 = arith.constant 6 : i32
          %broadcast_in_dim3A_198 = vector.broadcast %broadcast_in_dim3A_197 : i32 to vector<16xi32>
          %gather3A_199 = arith.constant 0 : i32
          %gather3A_200 = tpu.memref_slice %arg8[%add3A_130, %gather3A_199] : memref<1280x16xf32, #tpu.memory_space<vmem>> -> memref<16x16xf32, #tpu.memory_space<vmem>>
          %gather3A_201 = tpu.vector_load_idx %gather3A_200[%iota3A, %broadcast_in_dim3A_198] : memref<16x16xf32, #tpu.memory_space<vmem>>[vector<16xi32>, vector<16xi32>], vector<16xf32>,
          %slice3A_202 = vector.extract_strided_slice %get3A_128 {offsets = [6], sizes = [1], strides = [1]} : vector<16xf32> to vector<1xf32>
          %squeeze3A_203 = vector.extract %slice3A_202[0] : f32 from vector<1xf32>
          %sub3A_204 = vector.broadcast %squeeze3A_203 : f32 to vector<16xf32>
          %sub3A_205 = arith.subf %gather3A_201, %sub3A_204 : vector<16xf32>
          %mul3A_206 = arith.mulf %sub3A_205, %sub3A_205 : vector<16xf32>
          %broadcast_in_dim3A_207 = arith.constant 7 : i32
          %broadcast_in_dim3A_208 = vector.broadcast %broadcast_in_dim3A_207 : i32 to vector<16xi32>
          %gather3A_209 = arith.constant 0 : i32
          %gather3A_210 = tpu.memref_slice %arg8[%add3A_130, %gather3A_209] : memref<1280x16xf32, #tpu.memory_space<vmem>> -> memref<16x16xf32, #tpu.memory_space<vmem>>
          %gather3A_211 = tpu.vector_load_idx %gather3A_210[%iota3A, %broadcast_in_dim3A_208] : memref<16x16xf32, #tpu.memory_space<vmem>>[vector<16xi32>, vector<16xi32>], vector<16xf32>,
          %slice3A_212 = vector.extract_strided_slice %get3A_128 {offsets = [7], sizes = [1], strides = [1]} : vector<16xf32> to vector<1xf32>
          %squeeze3A_213 = vector.extract %slice3A_212[0] : f32 from vector<1xf32>
          %sub3A_214 = vector.broadcast %squeeze3A_213 : f32 to vector<16xf32>
          %sub3A_215 = arith.subf %gather3A_211, %sub3A_214 : vector<16xf32>
          %mul3A_216 = arith.mulf %sub3A_215, %sub3A_215 : vector<16xf32>
          %add3A_217 = arith.addf %mul3A_206, %mul3A_216 : vector<16xf32>
          %broadcast_in_dim3A_218 = arith.constant 8 : i32
          %broadcast_in_dim3A_219 = vector.broadcast %broadcast_in_dim3A_218 : i32 to vector<16xi32>
          %gather3A_220 = arith.constant 0 : i32
          %gather3A_221 = tpu.memref_slice %arg8[%add3A_130, %gather3A_220] : memref<1280x16xf32, #tpu.memory_space<vmem>> -> memref<16x16xf32, #tpu.memory_space<vmem>>
          %gather3A_222 = tpu.vector_load_idx %gather3A_221[%iota3A, %broadcast_in_dim3A_219] : memref<16x16xf32, #tpu.memory_space<vmem>>[vector<16xi32>, vector<16xi32>], vector<16xf32>,
          %slice3A_223 = vector.extract_strided_slice %get3A_128 {offsets = [8], sizes = [1], strides = [1]} : vector<16xf32> to vector<1xf32>
          %squeeze3A_224 = vector.extract %slice3A_223[0] : f32 from vector<1xf32>
          %sub3A_225 = vector.broadcast %squeeze3A_224 : f32 to vector<16xf32>
          %sub3A_226 = arith.subf %gather3A_222, %sub3A_225 : vector<16xf32>
          %mul3A_227 = arith.mulf %sub3A_226, %sub3A_226 : vector<16xf32>
          %add3A_228 = arith.addf %add3A_217, %mul3A_227 : vector<16xf32>
          %neg3A_229 = arith.constant 0.000000e+00 : f32
          %neg3A_230 = vector.broadcast %neg3A_229 : f32 to vector<16xf32>
          %neg3A_231 = arith.subf %neg3A_230, %add3A_228 : vector<16xf32>
          %exp3A_232 = math.exp %neg3A_231 : vector<16xf32>
          %add3A_233 = arith.addf %add3A_196, %exp3A_232 : vector<16xf32>
          %broadcast_in_dim3A_234 = arith.constant 9 : i32
          %broadcast_in_dim3A_235 = vector.broadcast %broadcast_in_dim3A_234 : i32 to vector<16xi32>
          %gather3A_236 = arith.constant 0 : i32
          %gather3A_237 = tpu.memref_slice %arg8[%add3A_130, %gather3A_236] : memref<1280x16xf32, #tpu.memory_space<vmem>> -> memref<16x16xf32, #tpu.memory_space<vmem>>
          %gather3A_238 = tpu.vector_load_idx %gather3A_237[%iota3A, %broadcast_in_dim3A_235] : memref<16x16xf32, #tpu.memory_space<vmem>>[vector<16xi32>, vector<16xi32>], vector<16xf32>,
          %slice3A_239 = vector.extract_strided_slice %get3A_128 {offsets = [9], sizes = [1], strides = [1]} : vector<16xf32> to vector<1xf32>
          %squeeze3A_240 = vector.extract %slice3A_239[0] : f32 from vector<1xf32>
          %sub3A_241 = vector.broadcast %squeeze3A_240 : f32 to vector<16xf32>
          %sub3A_242 = arith.subf %gather3A_238, %sub3A_241 : vector<16xf32>
          %mul3A_243 = arith.mulf %sub3A_242, %sub3A_242 : vector<16xf32>
          %broadcast_in_dim3A_244 = arith.constant 10 : i32
          %broadcast_in_dim3A_245 = vector.broadcast %broadcast_in_dim3A_244 : i32 to vector<16xi32>
          %gather3A_246 = arith.constant 0 : i32
          %gather3A_247 = tpu.memref_slice %arg8[%add3A_130, %gather3A_246] : memref<1280x16xf32, #tpu.memory_space<vmem>> -> memref<16x16xf32, #tpu.memory_space<vmem>>
          %gather3A_248 = tpu.vector_load_idx %gather3A_247[%iota3A, %broadcast_in_dim3A_245] : memref<16x16xf32, #tpu.memory_space<vmem>>[vector<16xi32>, vector<16xi32>], vector<16xf32>,
          %slice3A_249 = vector.extract_strided_slice %get3A_128 {offsets = [10], sizes = [1], strides = [1]} : vector<16xf32> to vector<1xf32>
          %squeeze3A_250 = vector.extract %slice3A_249[0] : f32 from vector<1xf32>
          %sub3A_251 = vector.broadcast %squeeze3A_250 : f32 to vector<16xf32>
          %sub3A_252 = arith.subf %gather3A_248, %sub3A_251 : vector<16xf32>
          %mul3A_253 = arith.mulf %sub3A_252, %sub3A_252 : vector<16xf32>
          %add3A_254 = arith.addf %mul3A_243, %mul3A_253 : vector<16xf32>
          %broadcast_in_dim3A_255 = arith.constant 11 : i32
          %broadcast_in_dim3A_256 = vector.broadcast %broadcast_in_dim3A_255 : i32 to vector<16xi32>
          %gather3A_257 = arith.constant 0 : i32
          %gather3A_258 = tpu.memref_slice %arg8[%add3A_130, %gather3A_257] : memref<1280x16xf32, #tpu.memory_space<vmem>> -> memref<16x16xf32, #tpu.memory_space<vmem>>
          %gather3A_259 = tpu.vector_load_idx %gather3A_258[%iota3A, %broadcast_in_dim3A_256] : memref<16x16xf32, #tpu.memory_space<vmem>>[vector<16xi32>, vector<16xi32>], vector<16xf32>,
          %slice3A_260 = vector.extract_strided_slice %get3A_128 {offsets = [11], sizes = [1], strides = [1]} : vector<16xf32> to vector<1xf32>
          %squeeze3A_261 = vector.extract %slice3A_260[0] : f32 from vector<1xf32>
          %sub3A_262 = vector.broadcast %squeeze3A_261 : f32 to vector<16xf32>
          %sub3A_263 = arith.subf %gather3A_259, %sub3A_262 : vector<16xf32>
          %mul3A_264 = arith.mulf %sub3A_263, %sub3A_263 : vector<16xf32>
          %add3A_265 = arith.addf %add3A_254, %mul3A_264 : vector<16xf32>
          %neg3A_266 = arith.constant 0.000000e+00 : f32
          %neg3A_267 = vector.broadcast %neg3A_266 : f32 to vector<16xf32>
          %neg3A_268 = arith.subf %neg3A_267, %add3A_265 : vector<16xf32>
          %exp3A_269 = math.exp %neg3A_268 : vector<16xf32>
          %add3A_270 = arith.addf %add3A_233, %exp3A_269 : vector<16xf32>
          %mul3A_271 = arith.constant 2.500000e-01 : f32
          %mul3A_272 = vector.broadcast %mul3A_271 : f32 to vector<16xf32>
          %mul3A_273 = arith.mulf %add3A_270, %mul3A_272 : vector<16xf32>
          %swap3A = arith.index_cast %scan3A_123 : i32 to index
          %swap3A_274 = arith.constant 0 : index
          %swap3A_275 = tpu.vector_load %arg12[%swap3A, %swap3A_274] {strides = array<i32>} : memref<40x32xf32, #tpu.memory_space<vmem>>, vector<16xf32>,
          tpu.vector_store %arg12[%swap3A, %swap3A_274], %mul3A_273 {strides = array<i32>} : memref<40x32xf32, #tpu.memory_space<vmem>>, vector<16xf32>,
          %add3A_276 = arith.constant 16 : i32
          %add3A_277 = arith.addi %mul3A_126, %add3A_276 : i32
          %broadcast_in_dim3A_278 = arith.constant 0 : i32
          %broadcast_in_dim3A_279 = vector.broadcast %broadcast_in_dim3A_278 : i32 to vector<16xi32>
          %gather3A_280 = arith.constant 0 : i32
          %gather3A_281 = tpu.memref_slice %arg8[%add3A_277, %gather3A_280] : memref<1280x16xf32, #tpu.memory_space<vmem>> -> memref<16x16xf32, #tpu.memory_space<vmem>>
          %gather3A_282 = tpu.vector_load_idx %gather3A_281[%iota3A, %broadcast_in_dim3A_279] : memref<16x16xf32, #tpu.memory_space<vmem>>[vector<16xi32>, vector<16xi32>], vector<16xf32>,
          %slice3A_283 = vector.extract_strided_slice %get3A_128 {offsets = [0], sizes = [1], strides = [1]} : vector<16xf32> to vector<1xf32>
          %squeeze3A_284 = vector.extract %slice3A_283[0] : f32 from vector<1xf32>
          %sub3A_285 = vector.broadcast %squeeze3A_284 : f32 to vector<16xf32>
          %sub3A_286 = arith.subf %gather3A_282, %sub3A_285 : vector<16xf32>
          %mul3A_287 = arith.mulf %sub3A_286, %sub3A_286 : vector<16xf32>
          %broadcast_in_dim3A_288 = arith.constant 1 : i32
          %broadcast_in_dim3A_289 = vector.broadcast %broadcast_in_dim3A_288 : i32 to vector<16xi32>
          %gather3A_290 = arith.constant 0 : i32
          %gather3A_291 = tpu.memref_slice %arg8[%add3A_277, %gather3A_290] : memref<1280x16xf32, #tpu.memory_space<vmem>> -> memref<16x16xf32, #tpu.memory_space<vmem>>
          %gather3A_292 = tpu.vector_load_idx %gather3A_291[%iota3A, %broadcast_in_dim3A_289] : memref<16x16xf32, #tpu.memory_space<vmem>>[vector<16xi32>, vector<16xi32>], vector<16xf32>,
          %slice3A_293 = vector.extract_strided_slice %get3A_128 {offsets = [1], sizes = [1], strides = [1]} : vector<16xf32> to vector<1xf32>
          %squeeze3A_294 = vector.extract %slice3A_293[0] : f32 from vector<1xf32>
          %sub3A_295 = vector.broadcast %squeeze3A_294 : f32 to vector<16xf32>
          %sub3A_296 = arith.subf %gather3A_292, %sub3A_295 : vector<16xf32>
          %mul3A_297 = arith.mulf %sub3A_296, %sub3A_296 : vector<16xf32>
          %add3A_298 = arith.addf %mul3A_287, %mul3A_297 : vector<16xf32>
          %broadcast_in_dim3A_299 = arith.constant 2 : i32
          %broadcast_in_dim3A_300 = vector.broadcast %broadcast_in_dim3A_299 : i32 to vector<16xi32>
          %gather3A_301 = arith.constant 0 : i32
          %gather3A_302 = tpu.memref_slice %arg8[%add3A_277, %gather3A_301] : memref<1280x16xf32, #tpu.memory_space<vmem>> -> memref<16x16xf32, #tpu.memory_space<vmem>>
          %gather3A_303 = tpu.vector_load_idx %gather3A_302[%iota3A, %broadcast_in_dim3A_300] : memref<16x16xf32, #tpu.memory_space<vmem>>[vector<16xi32>, vector<16xi32>], vector<16xf32>,
          %slice3A_304 = vector.extract_strided_slice %get3A_128 {offsets = [2], sizes = [1], strides = [1]} : vector<16xf32> to vector<1xf32>
          %squeeze3A_305 = vector.extract %slice3A_304[0] : f32 from vector<1xf32>
          %sub3A_306 = vector.broadcast %squeeze3A_305 : f32 to vector<16xf32>
          %sub3A_307 = arith.subf %gather3A_303, %sub3A_306 : vector<16xf32>
          %mul3A_308 = arith.mulf %sub3A_307, %sub3A_307 : vector<16xf32>
          %add3A_309 = arith.addf %add3A_298, %mul3A_308 : vector<16xf32>
          %neg3A_310 = arith.constant 0.000000e+00 : f32
          %neg3A_311 = vector.broadcast %neg3A_310 : f32 to vector<16xf32>
          %neg3A_312 = arith.subf %neg3A_311, %add3A_309 : vector<16xf32>
          %exp3A_313 = math.exp %neg3A_312 : vector<16xf32>
          %broadcast_in_dim3A_314 = arith.constant 3 : i32
          %broadcast_in_dim3A_315 = vector.broadcast %broadcast_in_dim3A_314 : i32 to vector<16xi32>
          %gather3A_316 = arith.constant 0 : i32
          %gather3A_317 = tpu.memref_slice %arg8[%add3A_277, %gather3A_316] : memref<1280x16xf32, #tpu.memory_space<vmem>> -> memref<16x16xf32, #tpu.memory_space<vmem>>
          %gather3A_318 = tpu.vector_load_idx %gather3A_317[%iota3A, %broadcast_in_dim3A_315] : memref<16x16xf32, #tpu.memory_space<vmem>>[vector<16xi32>, vector<16xi32>], vector<16xf32>,
          %slice3A_319 = vector.extract_strided_slice %get3A_128 {offsets = [3], sizes = [1], strides = [1]} : vector<16xf32> to vector<1xf32>
          %squeeze3A_320 = vector.extract %slice3A_319[0] : f32 from vector<1xf32>
          %sub3A_321 = vector.broadcast %squeeze3A_320 : f32 to vector<16xf32>
          %sub3A_322 = arith.subf %gather3A_318, %sub3A_321 : vector<16xf32>
          %mul3A_323 = arith.mulf %sub3A_322, %sub3A_322 : vector<16xf32>
          %broadcast_in_dim3A_324 = arith.constant 4 : i32
          %broadcast_in_dim3A_325 = vector.broadcast %broadcast_in_dim3A_324 : i32 to vector<16xi32>
          %gather3A_326 = arith.constant 0 : i32
          %gather3A_327 = tpu.memref_slice %arg8[%add3A_277, %gather3A_326] : memref<1280x16xf32, #tpu.memory_space<vmem>> -> memref<16x16xf32, #tpu.memory_space<vmem>>
          %gather3A_328 = tpu.vector_load_idx %gather3A_327[%iota3A, %broadcast_in_dim3A_325] : memref<16x16xf32, #tpu.memory_space<vmem>>[vector<16xi32>, vector<16xi32>], vector<16xf32>,
          %slice3A_329 = vector.extract_strided_slice %get3A_128 {offsets = [4], sizes = [1], strides = [1]} : vector<16xf32> to vector<1xf32>
          %squeeze3A_330 = vector.extract %slice3A_329[0] : f32 from vector<1xf32>
          %sub3A_331 = vector.broadcast %squeeze3A_330 : f32 to vector<16xf32>
          %sub3A_332 = arith.subf %gather3A_328, %sub3A_331 : vector<16xf32>
          %mul3A_333 = arith.mulf %sub3A_332, %sub3A_332 : vector<16xf32>
          %add3A_334 = arith.addf %mul3A_323, %mul3A_333 : vector<16xf32>
          %broadcast_in_dim3A_335 = arith.constant 5 : i32
          %broadcast_in_dim3A_336 = vector.broadcast %broadcast_in_dim3A_335 : i32 to vector<16xi32>
          %gather3A_337 = arith.constant 0 : i32
          %gather3A_338 = tpu.memref_slice %arg8[%add3A_277, %gather3A_337] : memref<1280x16xf32, #tpu.memory_space<vmem>> -> memref<16x16xf32, #tpu.memory_space<vmem>>
          %gather3A_339 = tpu.vector_load_idx %gather3A_338[%iota3A, %broadcast_in_dim3A_336] : memref<16x16xf32, #tpu.memory_space<vmem>>[vector<16xi32>, vector<16xi32>], vector<16xf32>,
          %slice3A_340 = vector.extract_strided_slice %get3A_128 {offsets = [5], sizes = [1], strides = [1]} : vector<16xf32> to vector<1xf32>
          %squeeze3A_341 = vector.extract %slice3A_340[0] : f32 from vector<1xf32>
          %sub3A_342 = vector.broadcast %squeeze3A_341 : f32 to vector<16xf32>
          %sub3A_343 = arith.subf %gather3A_339, %sub3A_342 : vector<16xf32>
          %mul3A_344 = arith.mulf %sub3A_343, %sub3A_343 : vector<16xf32>
          %add3A_345 = arith.addf %add3A_334, %mul3A_344 : vector<16xf32>
          %neg3A_346 = arith.constant 0.000000e+00 : f32
          %neg3A_347 = vector.broadcast %neg3A_346 : f32 to vector<16xf32>
          %neg3A_348 = arith.subf %neg3A_347, %add3A_345 : vector<16xf32>
          %exp3A_349 = math.exp %neg3A_348 : vector<16xf32>
          %add3A_350 = arith.addf %exp3A_313, %exp3A_349 : vector<16xf32>
          %broadcast_in_dim3A_351 = arith.constant 6 : i32
          %broadcast_in_dim3A_352 = vector.broadcast %broadcast_in_dim3A_351 : i32 to vector<16xi32>
          %gather3A_353 = arith.constant 0 : i32
          %gather3A_354 = tpu.memref_slice %arg8[%add3A_277, %gather3A_353] : memref<1280x16xf32, #tpu.memory_space<vmem>> -> memref<16x16xf32, #tpu.memory_space<vmem>>
          %gather3A_355 = tpu.vector_load_idx %gather3A_354[%iota3A, %broadcast_in_dim3A_352] : memref<16x16xf32, #tpu.memory_space<vmem>>[vector<16xi32>, vector<16xi32>], vector<16xf32>,
          %slice3A_356 = vector.extract_strided_slice %get3A_128 {offsets = [6], sizes = [1], strides = [1]} : vector<16xf32> to vector<1xf32>
          %squeeze3A_357 = vector.extract %slice3A_356[0] : f32 from vector<1xf32>
          %sub3A_358 = vector.broadcast %squeeze3A_357 : f32 to vector<16xf32>
          %sub3A_359 = arith.subf %gather3A_355, %sub3A_358 : vector<16xf32>
          %mul3A_360 = arith.mulf %sub3A_359, %sub3A_359 : vector<16xf32>
          %broadcast_in_dim3A_361 = arith.constant 7 : i32
          %broadcast_in_dim3A_362 = vector.broadcast %broadcast_in_dim3A_361 : i32 to vector<16xi32>
          %gather3A_363 = arith.constant 0 : i32
          %gather3A_364 = tpu.memref_slice %arg8[%add3A_277, %gather3A_363] : memref<1280x16xf32, #tpu.memory_space<vmem>> -> memref<16x16xf32, #tpu.memory_space<vmem>>
          %gather3A_365 = tpu.vector_load_idx %gather3A_364[%iota3A, %broadcast_in_dim3A_362] : memref<16x16xf32, #tpu.memory_space<vmem>>[vector<16xi32>, vector<16xi32>], vector<16xf32>,
          %slice3A_366 = vector.extract_strided_slice %get3A_128 {offsets = [7], sizes = [1], strides = [1]} : vector<16xf32> to vector<1xf32>
          %squeeze3A_367 = vector.extract %slice3A_366[0] : f32 from vector<1xf32>
          %sub3A_368 = vector.broadcast %squeeze3A_367 : f32 to vector<16xf32>
          %sub3A_369 = arith.subf %gather3A_365, %sub3A_368 : vector<16xf32>
          %mul3A_370 = arith.mulf %sub3A_369, %sub3A_369 : vector<16xf32>
          %add3A_371 = arith.addf %mul3A_360, %mul3A_370 : vector<16xf32>
          %broadcast_in_dim3A_372 = arith.constant 8 : i32
          %broadcast_in_dim3A_373 = vector.broadcast %broadcast_in_dim3A_372 : i32 to vector<16xi32>
          %gather3A_374 = arith.constant 0 : i32
          %gather3A_375 = tpu.memref_slice %arg8[%add3A_277, %gather3A_374] : memref<1280x16xf32, #tpu.memory_space<vmem>> -> memref<16x16xf32, #tpu.memory_space<vmem>>
          %gather3A_376 = tpu.vector_load_idx %gather3A_375[%iota3A, %broadcast_in_dim3A_373] : memref<16x16xf32, #tpu.memory_space<vmem>>[vector<16xi32>, vector<16xi32>], vector<16xf32>,
          %slice3A_377 = vector.extract_strided_slice %get3A_128 {offsets = [8], sizes = [1], strides = [1]} : vector<16xf32> to vector<1xf32>
          %squeeze3A_378 = vector.extract %slice3A_377[0] : f32 from vector<1xf32>
          %sub3A_379 = vector.broadcast %squeeze3A_378 : f32 to vector<16xf32>
          %sub3A_380 = arith.subf %gather3A_376, %sub3A_379 : vector<16xf32>
          %mul3A_381 = arith.mulf %sub3A_380, %sub3A_380 : vector<16xf32>
          %add3A_382 = arith.addf %add3A_371, %mul3A_381 : vector<16xf32>
          %neg3A_383 = arith.constant 0.000000e+00 : f32
          %neg3A_384 = vector.broadcast %neg3A_383 : f32 to vector<16xf32>
          %neg3A_385 = arith.subf %neg3A_384, %add3A_382 : vector<16xf32>
          %exp3A_386 = math.exp %neg3A_385 : vector<16xf32>
          %add3A_387 = arith.addf %add3A_350, %exp3A_386 : vector<16xf32>
          %broadcast_in_dim3A_388 = arith.constant 9 : i32
          %broadcast_in_dim3A_389 = vector.broadcast %broadcast_in_dim3A_388 : i32 to vector<16xi32>
          %gather3A_390 = arith.constant 0 : i32
          %gather3A_391 = tpu.memref_slice %arg8[%add3A_277, %gather3A_390] : memref<1280x16xf32, #tpu.memory_space<vmem>> -> memref<16x16xf32, #tpu.memory_space<vmem>>
          %gather3A_392 = tpu.vector_load_idx %gather3A_391[%iota3A, %broadcast_in_dim3A_389] : memref<16x16xf32, #tpu.memory_space<vmem>>[vector<16xi32>, vector<16xi32>], vector<16xf32>,
          %slice3A_393 = vector.extract_strided_slice %get3A_128 {offsets = [9], sizes = [1], strides = [1]} : vector<16xf32> to vector<1xf32>
          %squeeze3A_394 = vector.extract %slice3A_393[0] : f32 from vector<1xf32>
          %sub3A_395 = vector.broadcast %squeeze3A_394 : f32 to vector<16xf32>
          %sub3A_396 = arith.subf %gather3A_392, %sub3A_395 : vector<16xf32>
          %mul3A_397 = arith.mulf %sub3A_396, %sub3A_396 : vector<16xf32>
          %broadcast_in_dim3A_398 = arith.constant 10 : i32
          %broadcast_in_dim3A_399 = vector.broadcast %broadcast_in_dim3A_398 : i32 to vector<16xi32>
          %gather3A_400 = arith.constant 0 : i32
          %gather3A_401 = tpu.memref_slice %arg8[%add3A_277, %gather3A_400] : memref<1280x16xf32, #tpu.memory_space<vmem>> -> memref<16x16xf32, #tpu.memory_space<vmem>>
          %gather3A_402 = tpu.vector_load_idx %gather3A_401[%iota3A, %broadcast_in_dim3A_399] : memref<16x16xf32, #tpu.memory_space<vmem>>[vector<16xi32>, vector<16xi32>], vector<16xf32>,
          %slice3A_403 = vector.extract_strided_slice %get3A_128 {offsets = [10], sizes = [1], strides = [1]} : vector<16xf32> to vector<1xf32>
          %squeeze3A_404 = vector.extract %slice3A_403[0] : f32 from vector<1xf32>
          %sub3A_405 = vector.broadcast %squeeze3A_404 : f32 to vector<16xf32>
          %sub3A_406 = arith.subf %gather3A_402, %sub3A_405 : vector<16xf32>
          %mul3A_407 = arith.mulf %sub3A_406, %sub3A_406 : vector<16xf32>
          %add3A_408 = arith.addf %mul3A_397, %mul3A_407 : vector<16xf32>
          %broadcast_in_dim3A_409 = arith.constant 11 : i32
          %broadcast_in_dim3A_410 = vector.broadcast %broadcast_in_dim3A_409 : i32 to vector<16xi32>
          %gather3A_411 = arith.constant 0 : i32
          %gather3A_412 = tpu.memref_slice %arg8[%add3A_277, %gather3A_411] : memref<1280x16xf32, #tpu.memory_space<vmem>> -> memref<16x16xf32, #tpu.memory_space<vmem>>
          %gather3A_413 = tpu.vector_load_idx %gather3A_412[%iota3A, %broadcast_in_dim3A_410] : memref<16x16xf32, #tpu.memory_space<vmem>>[vector<16xi32>, vector<16xi32>], vector<16xf32>,
          %slice3A_414 = vector.extract_strided_slice %get3A_128 {offsets = [11], sizes = [1], strides = [1]} : vector<16xf32> to vector<1xf32>
          %squeeze3A_415 = vector.extract %slice3A_414[0] : f32 from vector<1xf32>
          %sub3A_416 = vector.broadcast %squeeze3A_415 : f32 to vector<16xf32>
          %sub3A_417 = arith.subf %gather3A_413, %sub3A_416 : vector<16xf32>
          %mul3A_418 = arith.mulf %sub3A_417, %sub3A_417 : vector<16xf32>
          %add3A_419 = arith.addf %add3A_408, %mul3A_418 : vector<16xf32>
          %neg3A_420 = arith.constant 0.000000e+00 : f32
          %neg3A_421 = vector.broadcast %neg3A_420 : f32 to vector<16xf32>
          %neg3A_422 = arith.subf %neg3A_421, %add3A_419 : vector<16xf32>
          %exp3A_423 = math.exp %neg3A_422 : vector<16xf32>
          %add3A_424 = arith.addf %add3A_387, %exp3A_423 : vector<16xf32>
          %mul3A_425 = arith.constant 2.500000e-01 : f32
          %mul3A_426 = vector.broadcast %mul3A_425 : f32 to vector<16xf32>
          %mul3A_427 = arith.mulf %add3A_424, %mul3A_426 : vector<16xf32>
          %swap3A_428 = arith.index_cast %scan3A_123 : i32 to index
          %swap3A_429 = arith.constant 16 : index
          %swap3A_430 = tpu.vector_load %arg12[%swap3A_428, %swap3A_429] {strides = array<i32>} : memref<40x32xf32, #tpu.memory_space<vmem>>, vector<16xf32>,
          tpu.vector_store %arg12[%swap3A_428, %swap3A_429], %mul3A_427 {strides = array<i32>} : memref<40x32xf32, #tpu.memory_space<vmem>>, vector<16xf32>,
          %scan3A_431 = arith.constant 0 : i32
          scf.yield %scan3A_431 : i32
        }
        %scan3A_117 = arith.constant 40 : i32
        %mul3A_118 = arith.constant 40 : i32
        %mul3A_119 = arith.muli %add3A_75, %mul3A_118 : i32
        %dma_start3A = arith.constant 0 : i32
        %dma_start3A_120 = tpu.memref_slice %arg4[%mul3A_119, %dma_start3A] : memref<50000x32xf32, #tpu.memory_space<hbm>> -> memref<40x32xf32, #tpu.memory_space<hbm>>
        %dma_start3A_121 = arith.constant 0 : i32
        %dma_start3A_122 = tpu.memref_slice %arg4[%mul3A_119, %dma_start3A_121] : memref<50000x32xf32, #tpu.memory_space<hbm>> -> memref<40x32xf32, #tpu.memory_space<hbm>>
        tpu.enqueue_dma source(%arg12 : memref<40x32xf32, #tpu.memory_space<vmem>>) target(%dma_start3A_122 : memref<40x32xf32, #tpu.memory_space<hbm>>) target_semaphore(%arg18 : memref<!tpu.dma_semaphore, #tpu.memory_space<semaphore_mem>>)
      } else {
      }
      %add3A_81 = arith.constant 2 : i32
      %add3A_82 = arith.addi %mul3A_42, %add3A_81 : i32
      %mul3A_83 = arith.constant 32 : i32
      %mul3A_84 = arith.muli %add3A_82, %mul3A_83 : i32
      %add3A_85 = arith.addi %add3A, %mul3A_84 : i32
      %lt3A_86 = arith.constant 1250 : i32
      %lt3A_87 = arith.cmpi slt, %add3A_85, %lt3A_86 : i32
      %convert_element_type3A_88 = arith.extui %lt3A_87 : i1 to i32
      %cond3A_89 = arith.constant 0 : i32
      %cond3A_90 = arith.cmpi ne, %convert_element_type3A_88, %cond3A_89 : i32
      scf.if %cond3A_90 {
        %dma_wait3A = arith.constant 0 : i32
        %dma_wait3A_102 = arith.constant 0 : i32
        %dma_wait3A_103 = tpu.memref_slice %arg3[%dma_wait3A, %dma_wait3A_102] : memref<50000x32xi32, #tpu.memory_space<hbm>> -> memref<40x32xi32, #tpu.memory_space<hbm>>
        %dma_wait3A_104 = arith.constant 0 : i32
        %dma_wait3A_105 = arith.constant 0 : i32
        %dma_wait3A_106 = tpu.memref_slice %arg3[%dma_wait3A_104, %dma_wait3A_105] : memref<50000x32xi32, #tpu.memory_space<hbm>> -> memref<40x32xi32, #tpu.memory_space<hbm>>
        tpu.wait_dma2 semaphore(%arg13 : memref<!tpu.dma_semaphore, #tpu.memory_space<semaphore_mem>>) src(%dma_wait3A_106 : memref<40x32xi32, #tpu.memory_space<hbm>>) dst(%arg5 : memref<40x32xi32, #tpu.memory_space<vmem>>)
        %dma_wait3A_107 = arith.constant 0 : i32
        %dma_wait3A_108 = arith.constant 0 : i32
        %dma_wait3A_109 = tpu.memref_slice %arg2[%dma_wait3A_107, %dma_wait3A_108] : memref<50000x16xf32, #tpu.memory_space<hbm>> -> memref<40x16xf32, #tpu.memory_space<hbm>>
        %dma_wait3A_110 = arith.constant 0 : i32
        %dma_wait3A_111 = arith.constant 0 : i32
        %dma_wait3A_112 = tpu.memref_slice %arg2[%dma_wait3A_110, %dma_wait3A_111] : memref<50000x16xf32, #tpu.memory_space<hbm>> -> memref<40x16xf32, #tpu.memory_space<hbm>>
        tpu.wait_dma2 semaphore(%arg13 : memref<!tpu.dma_semaphore, #tpu.memory_space<semaphore_mem>>) src(%dma_wait3A_112 : memref<40x16xf32, #tpu.memory_space<hbm>>) dst(%arg9 : memref<40x16xf32, #tpu.memory_space<vmem>>)
        %dma_start3A = arith.constant 0 : i32
        %dma_start3A_113 = arith.constant 0 : i32
        %dma_start3A_114 = arith.constant 0 : i32
        %dma_start3A_115 = tpu.memref_slice %arg7[%dma_start3A_113, %dma_start3A_114] : memref<1280x16xf32, #tpu.memory_space<vmem>> -> memref<32x16xf32, #tpu.memory_space<vmem>>
        %dma_start3A_116 = arith.constant 0 : i32
        %dma_start3A_117 = tpu.memref_slice %arg5[%dma_start3A, %dma_start3A_116] : memref<40x32xi32, #tpu.memory_space<vmem>> -> memref<1x32xi32, #tpu.memory_space<vmem>>
        %dma_start3A_118 = tpu.memref_squeeze %dma_start3A_117 : memref<1x32xi32, #tpu.memory_space<vmem>> -> memref<32xi32, #tpu.memory_space<vmem>>
        %dma_start3A_119 = arith.constant 0 : i32
        %dma_start3A_120 = arith.constant 0 : i32
        %dma_start3A_121 = tpu.memref_slice %arg2[%dma_start3A_119, %dma_start3A_120] : memref<50000x16xf32, #tpu.memory_space<hbm>> -> memref<50000x16xf32, #tpu.memory_space<hbm>>
        tpu.enqueue_indirect_dma source(%dma_start3A_121 : memref<50000x16xf32, #tpu.memory_space<hbm>>) target(%dma_start3A_115 : memref<32x16xf32, #tpu.memory_space<vmem>>) offsets(%dma_start3A_118 : memref<32xi32, #tpu.memory_space<vmem>>) semaphore(%arg15 : memref<!tpu.dma_semaphore, #tpu.memory_space<semaphore_mem>>)
        %dma_start3A_122 = arith.constant 1 : i32
        %dma_start3A_123 = arith.constant 32 : i32
        %dma_start3A_124 = arith.constant 0 : i32
        %dma_start3A_125 = tpu.memref_slice %arg7[%dma_start3A_123, %dma_start3A_124] : memref<1280x16xf32, #tpu.memory_space<vmem>> -> memref<32x16xf32, #tpu.memory_space<vmem>>
        %dma_start3A_126 = arith.constant 0 : i32
        %dma_start3A_127 = tpu.memref_slice %arg5[%dma_start3A_122, %dma_start3A_126] : memref<40x32xi32, #tpu.memory_space<vmem>> -> memref<1x32xi32, #tpu.memory_space<vmem>>
        %dma_start3A_128 = tpu.memref_squeeze %dma_start3A_127 : memref<1x32xi32, #tpu.memory_space<vmem>> -> memref<32xi32, #tpu.memory_space<vmem>>
        %dma_start3A_129 = arith.constant 0 : i32
        %dma_start3A_130 = arith.constant 0 : i32
        %dma_start3A_131 = tpu.memref_slice %arg2[%dma_start3A_129, %dma_start3A_130] : memref<50000x16xf32, #tpu.memory_space<hbm>> -> memref<50000x16xf32, #tpu.memory_space<hbm>>
        tpu.enqueue_indirect_dma source(%dma_start3A_131 : memref<50000x16xf32, #tpu.memory_space<hbm>>) target(%dma_start3A_125 : memref<32x16xf32, #tpu.memory_space<vmem>>) offsets(%dma_start3A_128 : memref<32xi32, #tpu.memory_space<vmem>>) semaphore(%arg15 : memref<!tpu.dma_semaphore, #tpu.memory_space<semaphore_mem>>)
        %dma_start3A_132 = arith.constant 2 : i32
        %dma_start3A_133 = arith.constant 64 : i32
        %dma_start3A_134 = arith.constant 0 : i32
        %dma_start3A_135 = tpu.memref_slice %arg7[%dma_start3A_133, %dma_start3A_134] : memref<1280x16xf32, #tpu.memory_space<vmem>> -> memref<32x16xf32, #tpu.memory_space<vmem>>
        %dma_start3A_136 = arith.constant 0 : i32
        %dma_start3A_137 = tpu.memref_slice %arg5[%dma_start3A_132, %dma_start3A_136] : memref<40x32xi32, #tpu.memory_space<vmem>> -> memref<1x32xi32, #tpu.memory_space<vmem>>
        %dma_start3A_138 = tpu.memref_squeeze %dma_start3A_137 : memref<1x32xi32, #tpu.memory_space<vmem>> -> memref<32xi32, #tpu.memory_space<vmem>>
        %dma_start3A_139 = arith.constant 0 : i32
        %dma_start3A_140 = arith.constant 0 : i32
        %dma_start3A_141 = tpu.memref_slice %arg2[%dma_start3A_139, %dma_start3A_140] : memref<50000x16xf32, #tpu.memory_space<hbm>> -> memref<50000x16xf32, #tpu.memory_space<hbm>>
        tpu.enqueue_indirect_dma source(%dma_start3A_141 : memref<50000x16xf32, #tpu.memory_space<hbm>>) target(%dma_start3A_135 : memref<32x16xf32, #tpu.memory_space<vmem>>) offsets(%dma_start3A_138 : memref<32xi32, #tpu.memory_space<vmem>>) semaphore(%arg15 : memref<!tpu.dma_semaphore, #tpu.memory_space<semaphore_mem>>)
        %dma_start3A_142 = arith.constant 3 : i32
        %dma_start3A_143 = arith.constant 96 : i32
        %dma_start3A_144 = arith.constant 0 : i32
        %dma_start3A_145 = tpu.memref_slice %arg7[%dma_start3A_143, %dma_start3A_144] : memref<1280x16xf32, #tpu.memory_space<vmem>> -> memref<32x16xf32, #tpu.memory_space<vmem>>
        %dma_start3A_146 = arith.constant 0 : i32
        %dma_start3A_147 = tpu.memref_slice %arg5[%dma_start3A_142, %dma_start3A_146] : memref<40x32xi32, #tpu.memory_space<vmem>> -> memref<1x32xi32, #tpu.memory_space<vmem>>
        %dma_start3A_148 = tpu.memref_squeeze %dma_start3A_147 : memref<1x32xi32, #tpu.memory_space<vmem>> -> memref<32xi32, #tpu.memory_space<vmem>>
        %dma_start3A_149 = arith.constant 0 : i32
        %dma_start3A_150 = arith.constant 0 : i32
        %dma_start3A_151 = tpu.memref_slice %arg2[%dma_start3A_149, %dma_start3A_150] : memref<50000x16xf32, #tpu.memory_space<hbm>> -> memref<50000x16xf32, #tpu.memory_space<hbm>>
        tpu.enqueue_indirect_dma source(%dma_start3A_151 : memref<50000x16xf32, #tpu.memory_space<hbm>>) target(%dma_start3A_145 : memref<32x16xf32, #tpu.memory_space<vmem>>) offsets(%dma_start3A_148 : memref<32xi32, #tpu.memory_space<vmem>>) semaphore(%arg15 : memref<!tpu.dma_semaphore, #tpu.memory_space<semaphore_mem>>)
        %dma_start3A_152 = arith.constant 4 : i32
        %dma_start3A_153 = arith.constant 128 : i32
        %dma_start3A_154 = arith.constant 0 : i32
        %dma_start3A_155 = tpu.memref_slice %arg7[%dma_start3A_153, %dma_start3A_154] : memref<1280x16xf32, #tpu.memory_space<vmem>> -> memref<32x16xf32, #tpu.memory_space<vmem>>
        %dma_start3A_156 = arith.constant 0 : i32
        %dma_start3A_157 = tpu.memref_slice %arg5[%dma_start3A_152, %dma_start3A_156] : memref<40x32xi32, #tpu.memory_space<vmem>> -> memref<1x32xi32, #tpu.memory_space<vmem>>
        %dma_start3A_158 = tpu.memref_squeeze %dma_start3A_157 : memref<1x32xi32, #tpu.memory_space<vmem>> -> memref<32xi32, #tpu.memory_space<vmem>>
        %dma_start3A_159 = arith.constant 0 : i32
        %dma_start3A_160 = arith.constant 0 : i32
        %dma_start3A_161 = tpu.memref_slice %arg2[%dma_start3A_159, %dma_start3A_160] : memref<50000x16xf32, #tpu.memory_space<hbm>> -> memref<50000x16xf32, #tpu.memory_space<hbm>>
        tpu.enqueue_indirect_dma source(%dma_start3A_161 : memref<50000x16xf32, #tpu.memory_space<hbm>>) target(%dma_start3A_155 : memref<32x16xf32, #tpu.memory_space<vmem>>) offsets(%dma_start3A_158 : memref<32xi32, #tpu.memory_space<vmem>>) semaphore(%arg15 : memref<!tpu.dma_semaphore, #tpu.memory_space<semaphore_mem>>)
        %dma_start3A_162 = arith.constant 5 : i32
        %dma_start3A_163 = arith.constant 160 : i32
        %dma_start3A_164 = arith.constant 0 : i32
        %dma_start3A_165 = tpu.memref_slice %arg7[%dma_start3A_163, %dma_start3A_164] : memref<1280x16xf32, #tpu.memory_space<vmem>> -> memref<32x16xf32, #tpu.memory_space<vmem>>
        %dma_start3A_166 = arith.constant 0 : i32
        %dma_start3A_167 = tpu.memref_slice %arg5[%dma_start3A_162, %dma_start3A_166] : memref<40x32xi32, #tpu.memory_space<vmem>> -> memref<1x32xi32, #tpu.memory_space<vmem>>
        %dma_start3A_168 = tpu.memref_squeeze %dma_start3A_167 : memref<1x32xi32, #tpu.memory_space<vmem>> -> memref<32xi32, #tpu.memory_space<vmem>>
        %dma_start3A_169 = arith.constant 0 : i32
        %dma_start3A_170 = arith.constant 0 : i32
        %dma_start3A_171 = tpu.memref_slice %arg2[%dma_start3A_169, %dma_start3A_170] : memref<50000x16xf32, #tpu.memory_space<hbm>> -> memref<50000x16xf32, #tpu.memory_space<hbm>>
        tpu.enqueue_indirect_dma source(%dma_start3A_171 : memref<50000x16xf32, #tpu.memory_space<hbm>>) target(%dma_start3A_165 : memref<32x16xf32, #tpu.memory_space<vmem>>) offsets(%dma_start3A_168 : memref<32xi32, #tpu.memory_space<vmem>>) semaphore(%arg15 : memref<!tpu.dma_semaphore, #tpu.memory_space<semaphore_mem>>)
        %dma_start3A_172 = arith.constant 6 : i32
        %dma_start3A_173 = arith.constant 192 : i32
        %dma_start3A_174 = arith.constant 0 : i32
        %dma_start3A_175 = tpu.memref_slice %arg7[%dma_start3A_173, %dma_start3A_174] : memref<1280x16xf32, #tpu.memory_space<vmem>> -> memref<32x16xf32, #tpu.memory_space<vmem>>
        %dma_start3A_176 = arith.constant 0 : i32
        %dma_start3A_177 = tpu.memref_slice %arg5[%dma_start3A_172, %dma_start3A_176] : memref<40x32xi32, #tpu.memory_space<vmem>> -> memref<1x32xi32, #tpu.memory_space<vmem>>
        %dma_start3A_178 = tpu.memref_squeeze %dma_start3A_177 : memref<1x32xi32, #tpu.memory_space<vmem>> -> memref<32xi32, #tpu.memory_space<vmem>>
        %dma_start3A_179 = arith.constant 0 : i32
        %dma_start3A_180 = arith.constant 0 : i32
        %dma_start3A_181 = tpu.memref_slice %arg2[%dma_start3A_179, %dma_start3A_180] : memref<50000x16xf32, #tpu.memory_space<hbm>> -> memref<50000x16xf32, #tpu.memory_space<hbm>>
        tpu.enqueue_indirect_dma source(%dma_start3A_181 : memref<50000x16xf32, #tpu.memory_space<hbm>>) target(%dma_start3A_175 : memref<32x16xf32, #tpu.memory_space<vmem>>) offsets(%dma_start3A_178 : memref<32xi32, #tpu.memory_space<vmem>>) semaphore(%arg15 : memref<!tpu.dma_semaphore, #tpu.memory_space<semaphore_mem>>)
        %dma_start3A_182 = arith.constant 7 : i32
        %dma_start3A_183 = arith.constant 224 : i32
        %dma_start3A_184 = arith.constant 0 : i32
        %dma_start3A_185 = tpu.memref_slice %arg7[%dma_start3A_183, %dma_start3A_184] : memref<1280x16xf32, #tpu.memory_space<vmem>> -> memref<32x16xf32, #tpu.memory_space<vmem>>
        %dma_start3A_186 = arith.constant 0 : i32
        %dma_start3A_187 = tpu.memref_slice %arg5[%dma_start3A_182, %dma_start3A_186] : memref<40x32xi32, #tpu.memory_space<vmem>> -> memref<1x32xi32, #tpu.memory_space<vmem>>
        %dma_start3A_188 = tpu.memref_squeeze %dma_start3A_187 : memref<1x32xi32, #tpu.memory_space<vmem>> -> memref<32xi32, #tpu.memory_space<vmem>>
        %dma_start3A_189 = arith.constant 0 : i32
        %dma_start3A_190 = arith.constant 0 : i32
        %dma_start3A_191 = tpu.memref_slice %arg2[%dma_start3A_189, %dma_start3A_190] : memref<50000x16xf32, #tpu.memory_space<hbm>> -> memref<50000x16xf32, #tpu.memory_space<hbm>>
        tpu.enqueue_indirect_dma source(%dma_start3A_191 : memref<50000x16xf32, #tpu.memory_space<hbm>>) target(%dma_start3A_185 : memref<32x16xf32, #tpu.memory_space<vmem>>) offsets(%dma_start3A_188 : memref<32xi32, #tpu.memory_space<vmem>>) semaphore(%arg15 : memref<!tpu.dma_semaphore, #tpu.memory_space<semaphore_mem>>)
        %dma_start3A_192 = arith.constant 8 : i32
        %dma_start3A_193 = arith.constant 256 : i32
        %dma_start3A_194 = arith.constant 0 : i32
        %dma_start3A_195 = tpu.memref_slice %arg7[%dma_start3A_193, %dma_start3A_194] : memref<1280x16xf32, #tpu.memory_space<vmem>> -> memref<32x16xf32, #tpu.memory_space<vmem>>
        %dma_start3A_196 = arith.constant 0 : i32
        %dma_start3A_197 = tpu.memref_slice %arg5[%dma_start3A_192, %dma_start3A_196] : memref<40x32xi32, #tpu.memory_space<vmem>> -> memref<1x32xi32, #tpu.memory_space<vmem>>
        %dma_start3A_198 = tpu.memref_squeeze %dma_start3A_197 : memref<1x32xi32, #tpu.memory_space<vmem>> -> memref<32xi32, #tpu.memory_space<vmem>>
        %dma_start3A_199 = arith.constant 0 : i32
        %dma_start3A_200 = arith.constant 0 : i32
        %dma_start3A_201 = tpu.memref_slice %arg2[%dma_start3A_199, %dma_start3A_200] : memref<50000x16xf32, #tpu.memory_space<hbm>> -> memref<50000x16xf32, #tpu.memory_space<hbm>>
        tpu.enqueue_indirect_dma source(%dma_start3A_201 : memref<50000x16xf32, #tpu.memory_space<hbm>>) target(%dma_start3A_195 : memref<32x16xf32, #tpu.memory_space<vmem>>) offsets(%dma_start3A_198 : memref<32xi32, #tpu.memory_space<vmem>>) semaphore(%arg15 : memref<!tpu.dma_semaphore, #tpu.memory_space<semaphore_mem>>)
        %dma_start3A_202 = arith.constant 9 : i32
        %dma_start3A_203 = arith.constant 288 : i32
        %dma_start3A_204 = arith.constant 0 : i32
        %dma_start3A_205 = tpu.memref_slice %arg7[%dma_start3A_203, %dma_start3A_204] : memref<1280x16xf32, #tpu.memory_space<vmem>> -> memref<32x16xf32, #tpu.memory_space<vmem>>
        %dma_start3A_206 = arith.constant 0 : i32
        %dma_start3A_207 = tpu.memref_slice %arg5[%dma_start3A_202, %dma_start3A_206] : memref<40x32xi32, #tpu.memory_space<vmem>> -> memref<1x32xi32, #tpu.memory_space<vmem>>
        %dma_start3A_208 = tpu.memref_squeeze %dma_start3A_207 : memref<1x32xi32, #tpu.memory_space<vmem>> -> memref<32xi32, #tpu.memory_space<vmem>>
        %dma_start3A_209 = arith.constant 0 : i32
        %dma_start3A_210 = arith.constant 0 : i32
        %dma_start3A_211 = tpu.memref_slice %arg2[%dma_start3A_209, %dma_start3A_210] : memref<50000x16xf32, #tpu.memory_space<hbm>> -> memref<50000x16xf32, #tpu.memory_space<hbm>>
        tpu.enqueue_indirect_dma source(%dma_start3A_211 : memref<50000x16xf32, #tpu.memory_space<hbm>>) target(%dma_start3A_205 : memref<32x16xf32, #tpu.memory_space<vmem>>) offsets(%dma_start3A_208 : memref<32xi32, #tpu.memory_space<vmem>>) semaphore(%arg15 : memref<!tpu.dma_semaphore, #tpu.memory_space<semaphore_mem>>)
        %dma_start3A_212 = arith.constant 10 : i32
        %dma_start3A_213 = arith.constant 320 : i32
        %dma_start3A_214 = arith.constant 0 : i32
        %dma_start3A_215 = tpu.memref_slice %arg7[%dma_start3A_213, %dma_start3A_214] : memref<1280x16xf32, #tpu.memory_space<vmem>> -> memref<32x16xf32, #tpu.memory_space<vmem>>
        %dma_start3A_216 = arith.constant 0 : i32
        %dma_start3A_217 = tpu.memref_slice %arg5[%dma_start3A_212, %dma_start3A_216] : memref<40x32xi32, #tpu.memory_space<vmem>> -> memref<1x32xi32, #tpu.memory_space<vmem>>
        %dma_start3A_218 = tpu.memref_squeeze %dma_start3A_217 : memref<1x32xi32, #tpu.memory_space<vmem>> -> memref<32xi32, #tpu.memory_space<vmem>>
        %dma_start3A_219 = arith.constant 0 : i32
        %dma_start3A_220 = arith.constant 0 : i32
        %dma_start3A_221 = tpu.memref_slice %arg2[%dma_start3A_219, %dma_start3A_220] : memref<50000x16xf32, #tpu.memory_space<hbm>> -> memref<50000x16xf32, #tpu.memory_space<hbm>>
        tpu.enqueue_indirect_dma source(%dma_start3A_221 : memref<50000x16xf32, #tpu.memory_space<hbm>>) target(%dma_start3A_215 : memref<32x16xf32, #tpu.memory_space<vmem>>) offsets(%dma_start3A_218 : memref<32xi32, #tpu.memory_space<vmem>>) semaphore(%arg15 : memref<!tpu.dma_semaphore, #tpu.memory_space<semaphore_mem>>)
        %dma_start3A_222 = arith.constant 11 : i32
        %dma_start3A_223 = arith.constant 352 : i32
        %dma_start3A_224 = arith.constant 0 : i32
        %dma_start3A_225 = tpu.memref_slice %arg7[%dma_start3A_223, %dma_start3A_224] : memref<1280x16xf32, #tpu.memory_space<vmem>> -> memref<32x16xf32, #tpu.memory_space<vmem>>
        %dma_start3A_226 = arith.constant 0 : i32
        %dma_start3A_227 = tpu.memref_slice %arg5[%dma_start3A_222, %dma_start3A_226] : memref<40x32xi32, #tpu.memory_space<vmem>> -> memref<1x32xi32, #tpu.memory_space<vmem>>
        %dma_start3A_228 = tpu.memref_squeeze %dma_start3A_227 : memref<1x32xi32, #tpu.memory_space<vmem>> -> memref<32xi32, #tpu.memory_space<vmem>>
        %dma_start3A_229 = arith.constant 0 : i32
        %dma_start3A_230 = arith.constant 0 : i32
        %dma_start3A_231 = tpu.memref_slice %arg2[%dma_start3A_229, %dma_start3A_230] : memref<50000x16xf32, #tpu.memory_space<hbm>> -> memref<50000x16xf32, #tpu.memory_space<hbm>>
        tpu.enqueue_indirect_dma source(%dma_start3A_231 : memref<50000x16xf32, #tpu.memory_space<hbm>>) target(%dma_start3A_225 : memref<32x16xf32, #tpu.memory_space<vmem>>) offsets(%dma_start3A_228 : memref<32xi32, #tpu.memory_space<vmem>>) semaphore(%arg15 : memref<!tpu.dma_semaphore, #tpu.memory_space<semaphore_mem>>)
        %dma_start3A_232 = arith.constant 12 : i32
        %dma_start3A_233 = arith.constant 384 : i32
        %dma_start3A_234 = arith.constant 0 : i32
        %dma_start3A_235 = tpu.memref_slice %arg7[%dma_start3A_233, %dma_start3A_234] : memref<1280x16xf32, #tpu.memory_space<vmem>> -> memref<32x16xf32, #tpu.memory_space<vmem>>
        %dma_start3A_236 = arith.constant 0 : i32
        %dma_start3A_237 = tpu.memref_slice %arg5[%dma_start3A_232, %dma_start3A_236] : memref<40x32xi32, #tpu.memory_space<vmem>> -> memref<1x32xi32, #tpu.memory_space<vmem>>
        %dma_start3A_238 = tpu.memref_squeeze %dma_start3A_237 : memref<1x32xi32, #tpu.memory_space<vmem>> -> memref<32xi32, #tpu.memory_space<vmem>>
        %dma_start3A_239 = arith.constant 0 : i32
        %dma_start3A_240 = arith.constant 0 : i32
        %dma_start3A_241 = tpu.memref_slice %arg2[%dma_start3A_239, %dma_start3A_240] : memref<50000x16xf32, #tpu.memory_space<hbm>> -> memref<50000x16xf32, #tpu.memory_space<hbm>>
        tpu.enqueue_indirect_dma source(%dma_start3A_241 : memref<50000x16xf32, #tpu.memory_space<hbm>>) target(%dma_start3A_235 : memref<32x16xf32, #tpu.memory_space<vmem>>) offsets(%dma_start3A_238 : memref<32xi32, #tpu.memory_space<vmem>>) semaphore(%arg15 : memref<!tpu.dma_semaphore, #tpu.memory_space<semaphore_mem>>)
        %dma_start3A_242 = arith.constant 13 : i32
        %dma_start3A_243 = arith.constant 416 : i32
        %dma_start3A_244 = arith.constant 0 : i32
        %dma_start3A_245 = tpu.memref_slice %arg7[%dma_start3A_243, %dma_start3A_244] : memref<1280x16xf32, #tpu.memory_space<vmem>> -> memref<32x16xf32, #tpu.memory_space<vmem>>
        %dma_start3A_246 = arith.constant 0 : i32
        %dma_start3A_247 = tpu.memref_slice %arg5[%dma_start3A_242, %dma_start3A_246] : memref<40x32xi32, #tpu.memory_space<vmem>> -> memref<1x32xi32, #tpu.memory_space<vmem>>
        %dma_start3A_248 = tpu.memref_squeeze %dma_start3A_247 : memref<1x32xi32, #tpu.memory_space<vmem>> -> memref<32xi32, #tpu.memory_space<vmem>>
        %dma_start3A_249 = arith.constant 0 : i32
        %dma_start3A_250 = arith.constant 0 : i32
        %dma_start3A_251 = tpu.memref_slice %arg2[%dma_start3A_249, %dma_start3A_250] : memref<50000x16xf32, #tpu.memory_space<hbm>> -> memref<50000x16xf32, #tpu.memory_space<hbm>>
        tpu.enqueue_indirect_dma source(%dma_start3A_251 : memref<50000x16xf32, #tpu.memory_space<hbm>>) target(%dma_start3A_245 : memref<32x16xf32, #tpu.memory_space<vmem>>) offsets(%dma_start3A_248 : memref<32xi32, #tpu.memory_space<vmem>>) semaphore(%arg15 : memref<!tpu.dma_semaphore, #tpu.memory_space<semaphore_mem>>)
        %dma_start3A_252 = arith.constant 14 : i32
        %dma_start3A_253 = arith.constant 448 : i32
        %dma_start3A_254 = arith.constant 0 : i32
        %dma_start3A_255 = tpu.memref_slice %arg7[%dma_start3A_253, %dma_start3A_254] : memref<1280x16xf32, #tpu.memory_space<vmem>> -> memref<32x16xf32, #tpu.memory_space<vmem>>
        %dma_start3A_256 = arith.constant 0 : i32
        %dma_start3A_257 = tpu.memref_slice %arg5[%dma_start3A_252, %dma_start3A_256] : memref<40x32xi32, #tpu.memory_space<vmem>> -> memref<1x32xi32, #tpu.memory_space<vmem>>
        %dma_start3A_258 = tpu.memref_squeeze %dma_start3A_257 : memref<1x32xi32, #tpu.memory_space<vmem>> -> memref<32xi32, #tpu.memory_space<vmem>>
        %dma_start3A_259 = arith.constant 0 : i32
        %dma_start3A_260 = arith.constant 0 : i32
        %dma_start3A_261 = tpu.memref_slice %arg2[%dma_start3A_259, %dma_start3A_260] : memref<50000x16xf32, #tpu.memory_space<hbm>> -> memref<50000x16xf32, #tpu.memory_space<hbm>>
        tpu.enqueue_indirect_dma source(%dma_start3A_261 : memref<50000x16xf32, #tpu.memory_space<hbm>>) target(%dma_start3A_255 : memref<32x16xf32, #tpu.memory_space<vmem>>) offsets(%dma_start3A_258 : memref<32xi32, #tpu.memory_space<vmem>>) semaphore(%arg15 : memref<!tpu.dma_semaphore, #tpu.memory_space<semaphore_mem>>)
        %dma_start3A_262 = arith.constant 15 : i32
        %dma_start3A_263 = arith.constant 480 : i32
        %dma_start3A_264 = arith.constant 0 : i32
        %dma_start3A_265 = tpu.memref_slice %arg7[%dma_start3A_263, %dma_start3A_264] : memref<1280x16xf32, #tpu.memory_space<vmem>> -> memref<32x16xf32, #tpu.memory_space<vmem>>
        %dma_start3A_266 = arith.constant 0 : i32
        %dma_start3A_267 = tpu.memref_slice %arg5[%dma_start3A_262, %dma_start3A_266] : memref<40x32xi32, #tpu.memory_space<vmem>> -> memref<1x32xi32, #tpu.memory_space<vmem>>
        %dma_start3A_268 = tpu.memref_squeeze %dma_start3A_267 : memref<1x32xi32, #tpu.memory_space<vmem>> -> memref<32xi32, #tpu.memory_space<vmem>>
        %dma_start3A_269 = arith.constant 0 : i32
        %dma_start3A_270 = arith.constant 0 : i32
        %dma_start3A_271 = tpu.memref_slice %arg2[%dma_start3A_269, %dma_start3A_270] : memref<50000x16xf32, #tpu.memory_space<hbm>> -> memref<50000x16xf32, #tpu.memory_space<hbm>>
        tpu.enqueue_indirect_dma source(%dma_start3A_271 : memref<50000x16xf32, #tpu.memory_space<hbm>>) target(%dma_start3A_265 : memref<32x16xf32, #tpu.memory_space<vmem>>) offsets(%dma_start3A_268 : memref<32xi32, #tpu.memory_space<vmem>>) semaphore(%arg15 : memref<!tpu.dma_semaphore, #tpu.memory_space<semaphore_mem>>)
        %dma_start3A_272 = arith.constant 16 : i32
        %dma_start3A_273 = arith.constant 512 : i32
        %dma_start3A_274 = arith.constant 0 : i32
        %dma_start3A_275 = tpu.memref_slice %arg7[%dma_start3A_273, %dma_start3A_274] : memref<1280x16xf32, #tpu.memory_space<vmem>> -> memref<32x16xf32, #tpu.memory_space<vmem>>
        %dma_start3A_276 = arith.constant 0 : i32
        %dma_start3A_277 = tpu.memref_slice %arg5[%dma_start3A_272, %dma_start3A_276] : memref<40x32xi32, #tpu.memory_space<vmem>> -> memref<1x32xi32, #tpu.memory_space<vmem>>
        %dma_start3A_278 = tpu.memref_squeeze %dma_start3A_277 : memref<1x32xi32, #tpu.memory_space<vmem>> -> memref<32xi32, #tpu.memory_space<vmem>>
        %dma_start3A_279 = arith.constant 0 : i32
        %dma_start3A_280 = arith.constant 0 : i32
        %dma_start3A_281 = tpu.memref_slice %arg2[%dma_start3A_279, %dma_start3A_280] : memref<50000x16xf32, #tpu.memory_space<hbm>> -> memref<50000x16xf32, #tpu.memory_space<hbm>>
        tpu.enqueue_indirect_dma source(%dma_start3A_281 : memref<50000x16xf32, #tpu.memory_space<hbm>>) target(%dma_start3A_275 : memref<32x16xf32, #tpu.memory_space<vmem>>) offsets(%dma_start3A_278 : memref<32xi32, #tpu.memory_space<vmem>>) semaphore(%arg15 : memref<!tpu.dma_semaphore, #tpu.memory_space<semaphore_mem>>)
        %dma_start3A_282 = arith.constant 17 : i32
        %dma_start3A_283 = arith.constant 544 : i32
        %dma_start3A_284 = arith.constant 0 : i32
        %dma_start3A_285 = tpu.memref_slice %arg7[%dma_start3A_283, %dma_start3A_284] : memref<1280x16xf32, #tpu.memory_space<vmem>> -> memref<32x16xf32, #tpu.memory_space<vmem>>
        %dma_start3A_286 = arith.constant 0 : i32
        %dma_start3A_287 = tpu.memref_slice %arg5[%dma_start3A_282, %dma_start3A_286] : memref<40x32xi32, #tpu.memory_space<vmem>> -> memref<1x32xi32, #tpu.memory_space<vmem>>
        %dma_start3A_288 = tpu.memref_squeeze %dma_start3A_287 : memref<1x32xi32, #tpu.memory_space<vmem>> -> memref<32xi32, #tpu.memory_space<vmem>>
        %dma_start3A_289 = arith.constant 0 : i32
        %dma_start3A_290 = arith.constant 0 : i32
        %dma_start3A_291 = tpu.memref_slice %arg2[%dma_start3A_289, %dma_start3A_290] : memref<50000x16xf32, #tpu.memory_space<hbm>> -> memref<50000x16xf32, #tpu.memory_space<hbm>>
        tpu.enqueue_indirect_dma source(%dma_start3A_291 : memref<50000x16xf32, #tpu.memory_space<hbm>>) target(%dma_start3A_285 : memref<32x16xf32, #tpu.memory_space<vmem>>) offsets(%dma_start3A_288 : memref<32xi32, #tpu.memory_space<vmem>>) semaphore(%arg15 : memref<!tpu.dma_semaphore, #tpu.memory_space<semaphore_mem>>)
        %dma_start3A_292 = arith.constant 18 : i32
        %dma_start3A_293 = arith.constant 576 : i32
        %dma_start3A_294 = arith.constant 0 : i32
        %dma_start3A_295 = tpu.memref_slice %arg7[%dma_start3A_293, %dma_start3A_294] : memref<1280x16xf32, #tpu.memory_space<vmem>> -> memref<32x16xf32, #tpu.memory_space<vmem>>
        %dma_start3A_296 = arith.constant 0 : i32
        %dma_start3A_297 = tpu.memref_slice %arg5[%dma_start3A_292, %dma_start3A_296] : memref<40x32xi32, #tpu.memory_space<vmem>> -> memref<1x32xi32, #tpu.memory_space<vmem>>
        %dma_start3A_298 = tpu.memref_squeeze %dma_start3A_297 : memref<1x32xi32, #tpu.memory_space<vmem>> -> memref<32xi32, #tpu.memory_space<vmem>>
        %dma_start3A_299 = arith.constant 0 : i32
        %dma_start3A_300 = arith.constant 0 : i32
        %dma_start3A_301 = tpu.memref_slice %arg2[%dma_start3A_299, %dma_start3A_300] : memref<50000x16xf32, #tpu.memory_space<hbm>> -> memref<50000x16xf32, #tpu.memory_space<hbm>>
        tpu.enqueue_indirect_dma source(%dma_start3A_301 : memref<50000x16xf32, #tpu.memory_space<hbm>>) target(%dma_start3A_295 : memref<32x16xf32, #tpu.memory_space<vmem>>) offsets(%dma_start3A_298 : memref<32xi32, #tpu.memory_space<vmem>>) semaphore(%arg15 : memref<!tpu.dma_semaphore, #tpu.memory_space<semaphore_mem>>)
        %dma_start3A_302 = arith.constant 19 : i32
        %dma_start3A_303 = arith.constant 608 : i32
        %dma_start3A_304 = arith.constant 0 : i32
        %dma_start3A_305 = tpu.memref_slice %arg7[%dma_start3A_303, %dma_start3A_304] : memref<1280x16xf32, #tpu.memory_space<vmem>> -> memref<32x16xf32, #tpu.memory_space<vmem>>
        %dma_start3A_306 = arith.constant 0 : i32
        %dma_start3A_307 = tpu.memref_slice %arg5[%dma_start3A_302, %dma_start3A_306] : memref<40x32xi32, #tpu.memory_space<vmem>> -> memref<1x32xi32, #tpu.memory_space<vmem>>
        %dma_start3A_308 = tpu.memref_squeeze %dma_start3A_307 : memref<1x32xi32, #tpu.memory_space<vmem>> -> memref<32xi32, #tpu.memory_space<vmem>>
        %dma_start3A_309 = arith.constant 0 : i32
        %dma_start3A_310 = arith.constant 0 : i32
        %dma_start3A_311 = tpu.memref_slice %arg2[%dma_start3A_309, %dma_start3A_310] : memref<50000x16xf32, #tpu.memory_space<hbm>> -> memref<50000x16xf32, #tpu.memory_space<hbm>>
        tpu.enqueue_indirect_dma source(%dma_start3A_311 : memref<50000x16xf32, #tpu.memory_space<hbm>>) target(%dma_start3A_305 : memref<32x16xf32, #tpu.memory_space<vmem>>) offsets(%dma_start3A_308 : memref<32xi32, #tpu.memory_space<vmem>>) semaphore(%arg15 : memref<!tpu.dma_semaphore, #tpu.memory_space<semaphore_mem>>)
        %dma_start3A_312 = arith.constant 20 : i32
        %dma_start3A_313 = arith.constant 640 : i32
        %dma_start3A_314 = arith.constant 0 : i32
        %dma_start3A_315 = tpu.memref_slice %arg7[%dma_start3A_313, %dma_start3A_314] : memref<1280x16xf32, #tpu.memory_space<vmem>> -> memref<32x16xf32, #tpu.memory_space<vmem>>
        %dma_start3A_316 = arith.constant 0 : i32
        %dma_start3A_317 = tpu.memref_slice %arg5[%dma_start3A_312, %dma_start3A_316] : memref<40x32xi32, #tpu.memory_space<vmem>> -> memref<1x32xi32, #tpu.memory_space<vmem>>
        %dma_start3A_318 = tpu.memref_squeeze %dma_start3A_317 : memref<1x32xi32, #tpu.memory_space<vmem>> -> memref<32xi32, #tpu.memory_space<vmem>>
        %dma_start3A_319 = arith.constant 0 : i32
        %dma_start3A_320 = arith.constant 0 : i32
        %dma_start3A_321 = tpu.memref_slice %arg2[%dma_start3A_319, %dma_start3A_320] : memref<50000x16xf32, #tpu.memory_space<hbm>> -> memref<50000x16xf32, #tpu.memory_space<hbm>>
        tpu.enqueue_indirect_dma source(%dma_start3A_321 : memref<50000x16xf32, #tpu.memory_space<hbm>>) target(%dma_start3A_315 : memref<32x16xf32, #tpu.memory_space<vmem>>) offsets(%dma_start3A_318 : memref<32xi32, #tpu.memory_space<vmem>>) semaphore(%arg15 : memref<!tpu.dma_semaphore, #tpu.memory_space<semaphore_mem>>)
        %dma_start3A_322 = arith.constant 21 : i32
        %dma_start3A_323 = arith.constant 672 : i32
        %dma_start3A_324 = arith.constant 0 : i32
        %dma_start3A_325 = tpu.memref_slice %arg7[%dma_start3A_323, %dma_start3A_324] : memref<1280x16xf32, #tpu.memory_space<vmem>> -> memref<32x16xf32, #tpu.memory_space<vmem>>
        %dma_start3A_326 = arith.constant 0 : i32
        %dma_start3A_327 = tpu.memref_slice %arg5[%dma_start3A_322, %dma_start3A_326] : memref<40x32xi32, #tpu.memory_space<vmem>> -> memref<1x32xi32, #tpu.memory_space<vmem>>
        %dma_start3A_328 = tpu.memref_squeeze %dma_start3A_327 : memref<1x32xi32, #tpu.memory_space<vmem>> -> memref<32xi32, #tpu.memory_space<vmem>>
        %dma_start3A_329 = arith.constant 0 : i32
        %dma_start3A_330 = arith.constant 0 : i32
        %dma_start3A_331 = tpu.memref_slice %arg2[%dma_start3A_329, %dma_start3A_330] : memref<50000x16xf32, #tpu.memory_space<hbm>> -> memref<50000x16xf32, #tpu.memory_space<hbm>>
        tpu.enqueue_indirect_dma source(%dma_start3A_331 : memref<50000x16xf32, #tpu.memory_space<hbm>>) target(%dma_start3A_325 : memref<32x16xf32, #tpu.memory_space<vmem>>) offsets(%dma_start3A_328 : memref<32xi32, #tpu.memory_space<vmem>>) semaphore(%arg15 : memref<!tpu.dma_semaphore, #tpu.memory_space<semaphore_mem>>)
        %dma_start3A_332 = arith.constant 22 : i32
        %dma_start3A_333 = arith.constant 704 : i32
        %dma_start3A_334 = arith.constant 0 : i32
        %dma_start3A_335 = tpu.memref_slice %arg7[%dma_start3A_333, %dma_start3A_334] : memref<1280x16xf32, #tpu.memory_space<vmem>> -> memref<32x16xf32, #tpu.memory_space<vmem>>
        %dma_start3A_336 = arith.constant 0 : i32
        %dma_start3A_337 = tpu.memref_slice %arg5[%dma_start3A_332, %dma_start3A_336] : memref<40x32xi32, #tpu.memory_space<vmem>> -> memref<1x32xi32, #tpu.memory_space<vmem>>
        %dma_start3A_338 = tpu.memref_squeeze %dma_start3A_337 : memref<1x32xi32, #tpu.memory_space<vmem>> -> memref<32xi32, #tpu.memory_space<vmem>>
        %dma_start3A_339 = arith.constant 0 : i32
        %dma_start3A_340 = arith.constant 0 : i32
        %dma_start3A_341 = tpu.memref_slice %arg2[%dma_start3A_339, %dma_start3A_340] : memref<50000x16xf32, #tpu.memory_space<hbm>> -> memref<50000x16xf32, #tpu.memory_space<hbm>>
        tpu.enqueue_indirect_dma source(%dma_start3A_341 : memref<50000x16xf32, #tpu.memory_space<hbm>>) target(%dma_start3A_335 : memref<32x16xf32, #tpu.memory_space<vmem>>) offsets(%dma_start3A_338 : memref<32xi32, #tpu.memory_space<vmem>>) semaphore(%arg15 : memref<!tpu.dma_semaphore, #tpu.memory_space<semaphore_mem>>)
        %dma_start3A_342 = arith.constant 23 : i32
        %dma_start3A_343 = arith.constant 736 : i32
        %dma_start3A_344 = arith.constant 0 : i32
        %dma_start3A_345 = tpu.memref_slice %arg7[%dma_start3A_343, %dma_start3A_344] : memref<1280x16xf32, #tpu.memory_space<vmem>> -> memref<32x16xf32, #tpu.memory_space<vmem>>
        %dma_start3A_346 = arith.constant 0 : i32
        %dma_start3A_347 = tpu.memref_slice %arg5[%dma_start3A_342, %dma_start3A_346] : memref<40x32xi32, #tpu.memory_space<vmem>> -> memref<1x32xi32, #tpu.memory_space<vmem>>
        %dma_start3A_348 = tpu.memref_squeeze %dma_start3A_347 : memref<1x32xi32, #tpu.memory_space<vmem>> -> memref<32xi32, #tpu.memory_space<vmem>>
        %dma_start3A_349 = arith.constant 0 : i32
        %dma_start3A_350 = arith.constant 0 : i32
        %dma_start3A_351 = tpu.memref_slice %arg2[%dma_start3A_349, %dma_start3A_350] : memref<50000x16xf32, #tpu.memory_space<hbm>> -> memref<50000x16xf32, #tpu.memory_space<hbm>>
        tpu.enqueue_indirect_dma source(%dma_start3A_351 : memref<50000x16xf32, #tpu.memory_space<hbm>>) target(%dma_start3A_345 : memref<32x16xf32, #tpu.memory_space<vmem>>) offsets(%dma_start3A_348 : memref<32xi32, #tpu.memory_space<vmem>>) semaphore(%arg15 : memref<!tpu.dma_semaphore, #tpu.memory_space<semaphore_mem>>)
        %dma_start3A_352 = arith.constant 24 : i32
        %dma_start3A_353 = arith.constant 768 : i32
        %dma_start3A_354 = arith.constant 0 : i32
        %dma_start3A_355 = tpu.memref_slice %arg7[%dma_start3A_353, %dma_start3A_354] : memref<1280x16xf32, #tpu.memory_space<vmem>> -> memref<32x16xf32, #tpu.memory_space<vmem>>
        %dma_start3A_356 = arith.constant 0 : i32
        %dma_start3A_357 = tpu.memref_slice %arg5[%dma_start3A_352, %dma_start3A_356] : memref<40x32xi32, #tpu.memory_space<vmem>> -> memref<1x32xi32, #tpu.memory_space<vmem>>
        %dma_start3A_358 = tpu.memref_squeeze %dma_start3A_357 : memref<1x32xi32, #tpu.memory_space<vmem>> -> memref<32xi32, #tpu.memory_space<vmem>>
        %dma_start3A_359 = arith.constant 0 : i32
        %dma_start3A_360 = arith.constant 0 : i32
        %dma_start3A_361 = tpu.memref_slice %arg2[%dma_start3A_359, %dma_start3A_360] : memref<50000x16xf32, #tpu.memory_space<hbm>> -> memref<50000x16xf32, #tpu.memory_space<hbm>>
        tpu.enqueue_indirect_dma source(%dma_start3A_361 : memref<50000x16xf32, #tpu.memory_space<hbm>>) target(%dma_start3A_355 : memref<32x16xf32, #tpu.memory_space<vmem>>) offsets(%dma_start3A_358 : memref<32xi32, #tpu.memory_space<vmem>>) semaphore(%arg15 : memref<!tpu.dma_semaphore, #tpu.memory_space<semaphore_mem>>)
        %dma_start3A_362 = arith.constant 25 : i32
        %dma_start3A_363 = arith.constant 800 : i32
        %dma_start3A_364 = arith.constant 0 : i32
        %dma_start3A_365 = tpu.memref_slice %arg7[%dma_start3A_363, %dma_start3A_364] : memref<1280x16xf32, #tpu.memory_space<vmem>> -> memref<32x16xf32, #tpu.memory_space<vmem>>
        %dma_start3A_366 = arith.constant 0 : i32
        %dma_start3A_367 = tpu.memref_slice %arg5[%dma_start3A_362, %dma_start3A_366] : memref<40x32xi32, #tpu.memory_space<vmem>> -> memref<1x32xi32, #tpu.memory_space<vmem>>
        %dma_start3A_368 = tpu.memref_squeeze %dma_start3A_367 : memref<1x32xi32, #tpu.memory_space<vmem>> -> memref<32xi32, #tpu.memory_space<vmem>>
        %dma_start3A_369 = arith.constant 0 : i32
        %dma_start3A_370 = arith.constant 0 : i32
        %dma_start3A_371 = tpu.memref_slice %arg2[%dma_start3A_369, %dma_start3A_370] : memref<50000x16xf32, #tpu.memory_space<hbm>> -> memref<50000x16xf32, #tpu.memory_space<hbm>>
        tpu.enqueue_indirect_dma source(%dma_start3A_371 : memref<50000x16xf32, #tpu.memory_space<hbm>>) target(%dma_start3A_365 : memref<32x16xf32, #tpu.memory_space<vmem>>) offsets(%dma_start3A_368 : memref<32xi32, #tpu.memory_space<vmem>>) semaphore(%arg15 : memref<!tpu.dma_semaphore, #tpu.memory_space<semaphore_mem>>)
        %dma_start3A_372 = arith.constant 26 : i32
        %dma_start3A_373 = arith.constant 832 : i32
        %dma_start3A_374 = arith.constant 0 : i32
        %dma_start3A_375 = tpu.memref_slice %arg7[%dma_start3A_373, %dma_start3A_374] : memref<1280x16xf32, #tpu.memory_space<vmem>> -> memref<32x16xf32, #tpu.memory_space<vmem>>
        %dma_start3A_376 = arith.constant 0 : i32
        %dma_start3A_377 = tpu.memref_slice %arg5[%dma_start3A_372, %dma_start3A_376] : memref<40x32xi32, #tpu.memory_space<vmem>> -> memref<1x32xi32, #tpu.memory_space<vmem>>
        %dma_start3A_378 = tpu.memref_squeeze %dma_start3A_377 : memref<1x32xi32, #tpu.memory_space<vmem>> -> memref<32xi32, #tpu.memory_space<vmem>>
        %dma_start3A_379 = arith.constant 0 : i32
        %dma_start3A_380 = arith.constant 0 : i32
        %dma_start3A_381 = tpu.memref_slice %arg2[%dma_start3A_379, %dma_start3A_380] : memref<50000x16xf32, #tpu.memory_space<hbm>> -> memref<50000x16xf32, #tpu.memory_space<hbm>>
        tpu.enqueue_indirect_dma source(%dma_start3A_381 : memref<50000x16xf32, #tpu.memory_space<hbm>>) target(%dma_start3A_375 : memref<32x16xf32, #tpu.memory_space<vmem>>) offsets(%dma_start3A_378 : memref<32xi32, #tpu.memory_space<vmem>>) semaphore(%arg15 : memref<!tpu.dma_semaphore, #tpu.memory_space<semaphore_mem>>)
        %dma_start3A_382 = arith.constant 27 : i32
        %dma_start3A_383 = arith.constant 864 : i32
        %dma_start3A_384 = arith.constant 0 : i32
        %dma_start3A_385 = tpu.memref_slice %arg7[%dma_start3A_383, %dma_start3A_384] : memref<1280x16xf32, #tpu.memory_space<vmem>> -> memref<32x16xf32, #tpu.memory_space<vmem>>
        %dma_start3A_386 = arith.constant 0 : i32
        %dma_start3A_387 = tpu.memref_slice %arg5[%dma_start3A_382, %dma_start3A_386] : memref<40x32xi32, #tpu.memory_space<vmem>> -> memref<1x32xi32, #tpu.memory_space<vmem>>
        %dma_start3A_388 = tpu.memref_squeeze %dma_start3A_387 : memref<1x32xi32, #tpu.memory_space<vmem>> -> memref<32xi32, #tpu.memory_space<vmem>>
        %dma_start3A_389 = arith.constant 0 : i32
        %dma_start3A_390 = arith.constant 0 : i32
        %dma_start3A_391 = tpu.memref_slice %arg2[%dma_start3A_389, %dma_start3A_390] : memref<50000x16xf32, #tpu.memory_space<hbm>> -> memref<50000x16xf32, #tpu.memory_space<hbm>>
        tpu.enqueue_indirect_dma source(%dma_start3A_391 : memref<50000x16xf32, #tpu.memory_space<hbm>>) target(%dma_start3A_385 : memref<32x16xf32, #tpu.memory_space<vmem>>) offsets(%dma_start3A_388 : memref<32xi32, #tpu.memory_space<vmem>>) semaphore(%arg15 : memref<!tpu.dma_semaphore, #tpu.memory_space<semaphore_mem>>)
        %dma_start3A_392 = arith.constant 28 : i32
        %dma_start3A_393 = arith.constant 896 : i32
        %dma_start3A_394 = arith.constant 0 : i32
        %dma_start3A_395 = tpu.memref_slice %arg7[%dma_start3A_393, %dma_start3A_394] : memref<1280x16xf32, #tpu.memory_space<vmem>> -> memref<32x16xf32, #tpu.memory_space<vmem>>
        %dma_start3A_396 = arith.constant 0 : i32
        %dma_start3A_397 = tpu.memref_slice %arg5[%dma_start3A_392, %dma_start3A_396] : memref<40x32xi32, #tpu.memory_space<vmem>> -> memref<1x32xi32, #tpu.memory_space<vmem>>
        %dma_start3A_398 = tpu.memref_squeeze %dma_start3A_397 : memref<1x32xi32, #tpu.memory_space<vmem>> -> memref<32xi32, #tpu.memory_space<vmem>>
        %dma_start3A_399 = arith.constant 0 : i32
        %dma_start3A_400 = arith.constant 0 : i32
        %dma_start3A_401 = tpu.memref_slice %arg2[%dma_start3A_399, %dma_start3A_400] : memref<50000x16xf32, #tpu.memory_space<hbm>> -> memref<50000x16xf32, #tpu.memory_space<hbm>>
        tpu.enqueue_indirect_dma source(%dma_start3A_401 : memref<50000x16xf32, #tpu.memory_space<hbm>>) target(%dma_start3A_395 : memref<32x16xf32, #tpu.memory_space<vmem>>) offsets(%dma_start3A_398 : memref<32xi32, #tpu.memory_space<vmem>>) semaphore(%arg15 : memref<!tpu.dma_semaphore, #tpu.memory_space<semaphore_mem>>)
        %dma_start3A_402 = arith.constant 29 : i32
        %dma_start3A_403 = arith.constant 928 : i32
        %dma_start3A_404 = arith.constant 0 : i32
        %dma_start3A_405 = tpu.memref_slice %arg7[%dma_start3A_403, %dma_start3A_404] : memref<1280x16xf32, #tpu.memory_space<vmem>> -> memref<32x16xf32, #tpu.memory_space<vmem>>
        %dma_start3A_406 = arith.constant 0 : i32
        %dma_start3A_407 = tpu.memref_slice %arg5[%dma_start3A_402, %dma_start3A_406] : memref<40x32xi32, #tpu.memory_space<vmem>> -> memref<1x32xi32, #tpu.memory_space<vmem>>
        %dma_start3A_408 = tpu.memref_squeeze %dma_start3A_407 : memref<1x32xi32, #tpu.memory_space<vmem>> -> memref<32xi32, #tpu.memory_space<vmem>>
        %dma_start3A_409 = arith.constant 0 : i32
        %dma_start3A_410 = arith.constant 0 : i32
        %dma_start3A_411 = tpu.memref_slice %arg2[%dma_start3A_409, %dma_start3A_410] : memref<50000x16xf32, #tpu.memory_space<hbm>> -> memref<50000x16xf32, #tpu.memory_space<hbm>>
        tpu.enqueue_indirect_dma source(%dma_start3A_411 : memref<50000x16xf32, #tpu.memory_space<hbm>>) target(%dma_start3A_405 : memref<32x16xf32, #tpu.memory_space<vmem>>) offsets(%dma_start3A_408 : memref<32xi32, #tpu.memory_space<vmem>>) semaphore(%arg15 : memref<!tpu.dma_semaphore, #tpu.memory_space<semaphore_mem>>)
        %dma_start3A_412 = arith.constant 30 : i32
        %dma_start3A_413 = arith.constant 960 : i32
        %dma_start3A_414 = arith.constant 0 : i32
        %dma_start3A_415 = tpu.memref_slice %arg7[%dma_start3A_413, %dma_start3A_414] : memref<1280x16xf32, #tpu.memory_space<vmem>> -> memref<32x16xf32, #tpu.memory_space<vmem>>
        %dma_start3A_416 = arith.constant 0 : i32
        %dma_start3A_417 = tpu.memref_slice %arg5[%dma_start3A_412, %dma_start3A_416] : memref<40x32xi32, #tpu.memory_space<vmem>> -> memref<1x32xi32, #tpu.memory_space<vmem>>
        %dma_start3A_418 = tpu.memref_squeeze %dma_start3A_417 : memref<1x32xi32, #tpu.memory_space<vmem>> -> memref<32xi32, #tpu.memory_space<vmem>>
        %dma_start3A_419 = arith.constant 0 : i32
        %dma_start3A_420 = arith.constant 0 : i32
        %dma_start3A_421 = tpu.memref_slice %arg2[%dma_start3A_419, %dma_start3A_420] : memref<50000x16xf32, #tpu.memory_space<hbm>> -> memref<50000x16xf32, #tpu.memory_space<hbm>>
        tpu.enqueue_indirect_dma source(%dma_start3A_421 : memref<50000x16xf32, #tpu.memory_space<hbm>>) target(%dma_start3A_415 : memref<32x16xf32, #tpu.memory_space<vmem>>) offsets(%dma_start3A_418 : memref<32xi32, #tpu.memory_space<vmem>>) semaphore(%arg15 : memref<!tpu.dma_semaphore, #tpu.memory_space<semaphore_mem>>)
        %dma_start3A_422 = arith.constant 31 : i32
        %dma_start3A_423 = arith.constant 992 : i32
        %dma_start3A_424 = arith.constant 0 : i32
        %dma_start3A_425 = tpu.memref_slice %arg7[%dma_start3A_423, %dma_start3A_424] : memref<1280x16xf32, #tpu.memory_space<vmem>> -> memref<32x16xf32, #tpu.memory_space<vmem>>
        %dma_start3A_426 = arith.constant 0 : i32
        %dma_start3A_427 = tpu.memref_slice %arg5[%dma_start3A_422, %dma_start3A_426] : memref<40x32xi32, #tpu.memory_space<vmem>> -> memref<1x32xi32, #tpu.memory_space<vmem>>
        %dma_start3A_428 = tpu.memref_squeeze %dma_start3A_427 : memref<1x32xi32, #tpu.memory_space<vmem>> -> memref<32xi32, #tpu.memory_space<vmem>>
        %dma_start3A_429 = arith.constant 0 : i32
        %dma_start3A_430 = arith.constant 0 : i32
        %dma_start3A_431 = tpu.memref_slice %arg2[%dma_start3A_429, %dma_start3A_430] : memref<50000x16xf32, #tpu.memory_space<hbm>> -> memref<50000x16xf32, #tpu.memory_space<hbm>>
        tpu.enqueue_indirect_dma source(%dma_start3A_431 : memref<50000x16xf32, #tpu.memory_space<hbm>>) target(%dma_start3A_425 : memref<32x16xf32, #tpu.memory_space<vmem>>) offsets(%dma_start3A_428 : memref<32xi32, #tpu.memory_space<vmem>>) semaphore(%arg15 : memref<!tpu.dma_semaphore, #tpu.memory_space<semaphore_mem>>)
        %dma_start3A_432 = arith.constant 32 : i32
        %dma_start3A_433 = arith.constant 1024 : i32
        %dma_start3A_434 = arith.constant 0 : i32
        %dma_start3A_435 = tpu.memref_slice %arg7[%dma_start3A_433, %dma_start3A_434] : memref<1280x16xf32, #tpu.memory_space<vmem>> -> memref<32x16xf32, #tpu.memory_space<vmem>>
        %dma_start3A_436 = arith.constant 0 : i32
        %dma_start3A_437 = tpu.memref_slice %arg5[%dma_start3A_432, %dma_start3A_436] : memref<40x32xi32, #tpu.memory_space<vmem>> -> memref<1x32xi32, #tpu.memory_space<vmem>>
        %dma_start3A_438 = tpu.memref_squeeze %dma_start3A_437 : memref<1x32xi32, #tpu.memory_space<vmem>> -> memref<32xi32, #tpu.memory_space<vmem>>
        %dma_start3A_439 = arith.constant 0 : i32
        %dma_start3A_440 = arith.constant 0 : i32
        %dma_start3A_441 = tpu.memref_slice %arg2[%dma_start3A_439, %dma_start3A_440] : memref<50000x16xf32, #tpu.memory_space<hbm>> -> memref<50000x16xf32, #tpu.memory_space<hbm>>
        tpu.enqueue_indirect_dma source(%dma_start3A_441 : memref<50000x16xf32, #tpu.memory_space<hbm>>) target(%dma_start3A_435 : memref<32x16xf32, #tpu.memory_space<vmem>>) offsets(%dma_start3A_438 : memref<32xi32, #tpu.memory_space<vmem>>) semaphore(%arg15 : memref<!tpu.dma_semaphore, #tpu.memory_space<semaphore_mem>>)
        %dma_start3A_442 = arith.constant 33 : i32
        %dma_start3A_443 = arith.constant 1056 : i32
        %dma_start3A_444 = arith.constant 0 : i32
        %dma_start3A_445 = tpu.memref_slice %arg7[%dma_start3A_443, %dma_start3A_444] : memref<1280x16xf32, #tpu.memory_space<vmem>> -> memref<32x16xf32, #tpu.memory_space<vmem>>
        %dma_start3A_446 = arith.constant 0 : i32
        %dma_start3A_447 = tpu.memref_slice %arg5[%dma_start3A_442, %dma_start3A_446] : memref<40x32xi32, #tpu.memory_space<vmem>> -> memref<1x32xi32, #tpu.memory_space<vmem>>
        %dma_start3A_448 = tpu.memref_squeeze %dma_start3A_447 : memref<1x32xi32, #tpu.memory_space<vmem>> -> memref<32xi32, #tpu.memory_space<vmem>>
        %dma_start3A_449 = arith.constant 0 : i32
        %dma_start3A_450 = arith.constant 0 : i32
        %dma_start3A_451 = tpu.memref_slice %arg2[%dma_start3A_449, %dma_start3A_450] : memref<50000x16xf32, #tpu.memory_space<hbm>> -> memref<50000x16xf32, #tpu.memory_space<hbm>>
        tpu.enqueue_indirect_dma source(%dma_start3A_451 : memref<50000x16xf32, #tpu.memory_space<hbm>>) target(%dma_start3A_445 : memref<32x16xf32, #tpu.memory_space<vmem>>) offsets(%dma_start3A_448 : memref<32xi32, #tpu.memory_space<vmem>>) semaphore(%arg15 : memref<!tpu.dma_semaphore, #tpu.memory_space<semaphore_mem>>)
        %dma_start3A_452 = arith.constant 34 : i32
        %dma_start3A_453 = arith.constant 1088 : i32
        %dma_start3A_454 = arith.constant 0 : i32
        %dma_start3A_455 = tpu.memref_slice %arg7[%dma_start3A_453, %dma_start3A_454] : memref<1280x16xf32, #tpu.memory_space<vmem>> -> memref<32x16xf32, #tpu.memory_space<vmem>>
        %dma_start3A_456 = arith.constant 0 : i32
        %dma_start3A_457 = tpu.memref_slice %arg5[%dma_start3A_452, %dma_start3A_456] : memref<40x32xi32, #tpu.memory_space<vmem>> -> memref<1x32xi32, #tpu.memory_space<vmem>>
        %dma_start3A_458 = tpu.memref_squeeze %dma_start3A_457 : memref<1x32xi32, #tpu.memory_space<vmem>> -> memref<32xi32, #tpu.memory_space<vmem>>
        %dma_start3A_459 = arith.constant 0 : i32
        %dma_start3A_460 = arith.constant 0 : i32
        %dma_start3A_461 = tpu.memref_slice %arg2[%dma_start3A_459, %dma_start3A_460] : memref<50000x16xf32, #tpu.memory_space<hbm>> -> memref<50000x16xf32, #tpu.memory_space<hbm>>
        tpu.enqueue_indirect_dma source(%dma_start3A_461 : memref<50000x16xf32, #tpu.memory_space<hbm>>) target(%dma_start3A_455 : memref<32x16xf32, #tpu.memory_space<vmem>>) offsets(%dma_start3A_458 : memref<32xi32, #tpu.memory_space<vmem>>) semaphore(%arg15 : memref<!tpu.dma_semaphore, #tpu.memory_space<semaphore_mem>>)
        %dma_start3A_462 = arith.constant 35 : i32
        %dma_start3A_463 = arith.constant 1120 : i32
        %dma_start3A_464 = arith.constant 0 : i32
        %dma_start3A_465 = tpu.memref_slice %arg7[%dma_start3A_463, %dma_start3A_464] : memref<1280x16xf32, #tpu.memory_space<vmem>> -> memref<32x16xf32, #tpu.memory_space<vmem>>
        %dma_start3A_466 = arith.constant 0 : i32
        %dma_start3A_467 = tpu.memref_slice %arg5[%dma_start3A_462, %dma_start3A_466] : memref<40x32xi32, #tpu.memory_space<vmem>> -> memref<1x32xi32, #tpu.memory_space<vmem>>
        %dma_start3A_468 = tpu.memref_squeeze %dma_start3A_467 : memref<1x32xi32, #tpu.memory_space<vmem>> -> memref<32xi32, #tpu.memory_space<vmem>>
        %dma_start3A_469 = arith.constant 0 : i32
        %dma_start3A_470 = arith.constant 0 : i32
        %dma_start3A_471 = tpu.memref_slice %arg2[%dma_start3A_469, %dma_start3A_470] : memref<50000x16xf32, #tpu.memory_space<hbm>> -> memref<50000x16xf32, #tpu.memory_space<hbm>>
        tpu.enqueue_indirect_dma source(%dma_start3A_471 : memref<50000x16xf32, #tpu.memory_space<hbm>>) target(%dma_start3A_465 : memref<32x16xf32, #tpu.memory_space<vmem>>) offsets(%dma_start3A_468 : memref<32xi32, #tpu.memory_space<vmem>>) semaphore(%arg15 : memref<!tpu.dma_semaphore, #tpu.memory_space<semaphore_mem>>)
        %dma_start3A_472 = arith.constant 36 : i32
        %dma_start3A_473 = arith.constant 1152 : i32
        %dma_start3A_474 = arith.constant 0 : i32
        %dma_start3A_475 = tpu.memref_slice %arg7[%dma_start3A_473, %dma_start3A_474] : memref<1280x16xf32, #tpu.memory_space<vmem>> -> memref<32x16xf32, #tpu.memory_space<vmem>>
        %dma_start3A_476 = arith.constant 0 : i32
        %dma_start3A_477 = tpu.memref_slice %arg5[%dma_start3A_472, %dma_start3A_476] : memref<40x32xi32, #tpu.memory_space<vmem>> -> memref<1x32xi32, #tpu.memory_space<vmem>>
        %dma_start3A_478 = tpu.memref_squeeze %dma_start3A_477 : memref<1x32xi32, #tpu.memory_space<vmem>> -> memref<32xi32, #tpu.memory_space<vmem>>
        %dma_start3A_479 = arith.constant 0 : i32
        %dma_start3A_480 = arith.constant 0 : i32
        %dma_start3A_481 = tpu.memref_slice %arg2[%dma_start3A_479, %dma_start3A_480] : memref<50000x16xf32, #tpu.memory_space<hbm>> -> memref<50000x16xf32, #tpu.memory_space<hbm>>
        tpu.enqueue_indirect_dma source(%dma_start3A_481 : memref<50000x16xf32, #tpu.memory_space<hbm>>) target(%dma_start3A_475 : memref<32x16xf32, #tpu.memory_space<vmem>>) offsets(%dma_start3A_478 : memref<32xi32, #tpu.memory_space<vmem>>) semaphore(%arg15 : memref<!tpu.dma_semaphore, #tpu.memory_space<semaphore_mem>>)
        %dma_start3A_482 = arith.constant 37 : i32
        %dma_start3A_483 = arith.constant 1184 : i32
        %dma_start3A_484 = arith.constant 0 : i32
        %dma_start3A_485 = tpu.memref_slice %arg7[%dma_start3A_483, %dma_start3A_484] : memref<1280x16xf32, #tpu.memory_space<vmem>> -> memref<32x16xf32, #tpu.memory_space<vmem>>
        %dma_start3A_486 = arith.constant 0 : i32
        %dma_start3A_487 = tpu.memref_slice %arg5[%dma_start3A_482, %dma_start3A_486] : memref<40x32xi32, #tpu.memory_space<vmem>> -> memref<1x32xi32, #tpu.memory_space<vmem>>
        %dma_start3A_488 = tpu.memref_squeeze %dma_start3A_487 : memref<1x32xi32, #tpu.memory_space<vmem>> -> memref<32xi32, #tpu.memory_space<vmem>>
        %dma_start3A_489 = arith.constant 0 : i32
        %dma_start3A_490 = arith.constant 0 : i32
        %dma_start3A_491 = tpu.memref_slice %arg2[%dma_start3A_489, %dma_start3A_490] : memref<50000x16xf32, #tpu.memory_space<hbm>> -> memref<50000x16xf32, #tpu.memory_space<hbm>>
        tpu.enqueue_indirect_dma source(%dma_start3A_491 : memref<50000x16xf32, #tpu.memory_space<hbm>>) target(%dma_start3A_485 : memref<32x16xf32, #tpu.memory_space<vmem>>) offsets(%dma_start3A_488 : memref<32xi32, #tpu.memory_space<vmem>>) semaphore(%arg15 : memref<!tpu.dma_semaphore, #tpu.memory_space<semaphore_mem>>)
        %dma_start3A_492 = arith.constant 38 : i32
        %dma_start3A_493 = arith.constant 1216 : i32
        %dma_start3A_494 = arith.constant 0 : i32
        %dma_start3A_495 = tpu.memref_slice %arg7[%dma_start3A_493, %dma_start3A_494] : memref<1280x16xf32, #tpu.memory_space<vmem>> -> memref<32x16xf32, #tpu.memory_space<vmem>>
        %dma_start3A_496 = arith.constant 0 : i32
        %dma_start3A_497 = tpu.memref_slice %arg5[%dma_start3A_492, %dma_start3A_496] : memref<40x32xi32, #tpu.memory_space<vmem>> -> memref<1x32xi32, #tpu.memory_space<vmem>>
        %dma_start3A_498 = tpu.memref_squeeze %dma_start3A_497 : memref<1x32xi32, #tpu.memory_space<vmem>> -> memref<32xi32, #tpu.memory_space<vmem>>
        %dma_start3A_499 = arith.constant 0 : i32
        %dma_start3A_500 = arith.constant 0 : i32
        %dma_start3A_501 = tpu.memref_slice %arg2[%dma_start3A_499, %dma_start3A_500] : memref<50000x16xf32, #tpu.memory_space<hbm>> -> memref<50000x16xf32, #tpu.memory_space<hbm>>
        tpu.enqueue_indirect_dma source(%dma_start3A_501 : memref<50000x16xf32, #tpu.memory_space<hbm>>) target(%dma_start3A_495 : memref<32x16xf32, #tpu.memory_space<vmem>>) offsets(%dma_start3A_498 : memref<32xi32, #tpu.memory_space<vmem>>) semaphore(%arg15 : memref<!tpu.dma_semaphore, #tpu.memory_space<semaphore_mem>>)
        %dma_start3A_502 = arith.constant 39 : i32
        %dma_start3A_503 = arith.constant 1248 : i32
        %dma_start3A_504 = arith.constant 0 : i32
        %dma_start3A_505 = tpu.memref_slice %arg7[%dma_start3A_503, %dma_start3A_504] : memref<1280x16xf32, #tpu.memory_space<vmem>> -> memref<32x16xf32, #tpu.memory_space<vmem>>
        %dma_start3A_506 = arith.constant 0 : i32
        %dma_start3A_507 = tpu.memref_slice %arg5[%dma_start3A_502, %dma_start3A_506] : memref<40x32xi32, #tpu.memory_space<vmem>> -> memref<1x32xi32, #tpu.memory_space<vmem>>
        %dma_start3A_508 = tpu.memref_squeeze %dma_start3A_507 : memref<1x32xi32, #tpu.memory_space<vmem>> -> memref<32xi32, #tpu.memory_space<vmem>>
        %dma_start3A_509 = arith.constant 0 : i32
        %dma_start3A_510 = arith.constant 0 : i32
        %dma_start3A_511 = tpu.memref_slice %arg2[%dma_start3A_509, %dma_start3A_510] : memref<50000x16xf32, #tpu.memory_space<hbm>> -> memref<50000x16xf32, #tpu.memory_space<hbm>>
        tpu.enqueue_indirect_dma source(%dma_start3A_511 : memref<50000x16xf32, #tpu.memory_space<hbm>>) target(%dma_start3A_505 : memref<32x16xf32, #tpu.memory_space<vmem>>) offsets(%dma_start3A_508 : memref<32xi32, #tpu.memory_space<vmem>>) semaphore(%arg15 : memref<!tpu.dma_semaphore, #tpu.memory_space<semaphore_mem>>)
      } else {
      }
      %add3A_91 = arith.constant 3 : i32
      %add3A_92 = arith.addi %mul3A_42, %add3A_91 : i32
      %mul3A_93 = arith.constant 32 : i32
      %mul3A_94 = arith.muli %add3A_92, %mul3A_93 : i32
      %add3A_95 = arith.addi %add3A, %mul3A_94 : i32
      %lt3A_96 = arith.constant 1250 : i32
      %lt3A_97 = arith.cmpi slt, %add3A_95, %lt3A_96 : i32
      %convert_element_type3A_98 = arith.extui %lt3A_97 : i1 to i32
      %cond3A_99 = arith.constant 0 : i32
      %cond3A_100 = arith.cmpi ne, %convert_element_type3A_98, %cond3A_99 : i32
      scf.if %cond3A_100 {
        %mul3A_102 = arith.constant 40 : i32
        %mul3A_103 = arith.muli %add3A_95, %mul3A_102 : i32
        %dma_start3A = arith.constant 0 : i32
        %dma_start3A_104 = tpu.memref_slice %arg3[%mul3A_103, %dma_start3A] : memref<50000x32xi32, #tpu.memory_space<hbm>> -> memref<40x32xi32, #tpu.memory_space<hbm>>
        %dma_start3A_105 = arith.constant 0 : i32
        %dma_start3A_106 = tpu.memref_slice %arg3[%mul3A_103, %dma_start3A_105] : memref<50000x32xi32, #tpu.memory_space<hbm>> -> memref<40x32xi32, #tpu.memory_space<hbm>>
        tpu.enqueue_dma source(%dma_start3A_106 : memref<40x32xi32, #tpu.memory_space<hbm>>) target(%arg6 : memref<40x32xi32, #tpu.memory_space<vmem>>) target_semaphore(%arg14 : memref<!tpu.dma_semaphore, #tpu.memory_space<semaphore_mem>>)
        %dma_start3A_107 = arith.constant 0 : i32
        %dma_start3A_108 = tpu.memref_slice %arg2[%mul3A_103, %dma_start3A_107] : memref<50000x16xf32, #tpu.memory_space<hbm>> -> memref<40x16xf32, #tpu.memory_space<hbm>>
        %dma_start3A_109 = arith.constant 0 : i32
        %dma_start3A_110 = tpu.memref_slice %arg2[%mul3A_103, %dma_start3A_109] : memref<50000x16xf32, #tpu.memory_space<hbm>> -> memref<40x16xf32, #tpu.memory_space<hbm>>
        tpu.enqueue_dma source(%dma_start3A_110 : memref<40x16xf32, #tpu.memory_space<hbm>>) target(%arg10 : memref<40x16xf32, #tpu.memory_space<vmem>>) target_semaphore(%arg14 : memref<!tpu.dma_semaphore, #tpu.memory_space<semaphore_mem>>)
      } else {
      }
      %scan3A_101 = arith.constant 0 : i32
      scf.yield %scan3A_101 : i32
    }
    %scan3A_24 = arith.constant 20 : i32
    %add3A_25 = arith.constant 1216 : i32
    %add3A_26 = arith.addi %add3A, %add3A_25 : i32
    %lt3A_27 = arith.constant 1250 : i32
    %lt3A_28 = arith.cmpi slt, %add3A_26, %lt3A_27 : i32
    %convert_element_type3A_29 = arith.extui %lt3A_28 : i1 to i32
    %cond3A_30 = arith.constant 0 : i32
    %cond3A_31 = arith.cmpi ne, %convert_element_type3A_29, %cond3A_30 : i32
    scf.if %cond3A_31 {
      %dma_wait3A = arith.constant 0 : i32
      %dma_wait3A_39 = arith.constant 0 : i32
      %dma_wait3A_40 = tpu.memref_slice %arg4[%dma_wait3A, %dma_wait3A_39] : memref<50000x32xf32, #tpu.memory_space<hbm>> -> memref<40x32xf32, #tpu.memory_space<hbm>>
      %dma_wait3A_41 = arith.constant 0 : i32
      %dma_wait3A_42 = arith.constant 0 : i32
      %dma_wait3A_43 = tpu.memref_slice %arg4[%dma_wait3A_41, %dma_wait3A_42] : memref<50000x32xf32, #tpu.memory_space<hbm>> -> memref<40x32xf32, #tpu.memory_space<hbm>>
      tpu.wait_dma2 semaphore(%arg17 : memref<!tpu.dma_semaphore, #tpu.memory_space<semaphore_mem>>) src(%arg11 : memref<40x32xf32, #tpu.memory_space<vmem>>) dst(%dma_wait3A_43 : memref<40x32xf32, #tpu.memory_space<hbm>>)
    } else {
    }
    %add3A_32 = arith.constant 1248 : i32
    %add3A_33 = arith.addi %add3A, %add3A_32 : i32
    %lt3A_34 = arith.constant 1250 : i32
    %lt3A_35 = arith.cmpi slt, %add3A_33, %lt3A_34 : i32
    %convert_element_type3A_36 = arith.extui %lt3A_35 : i1 to i32
    %cond3A_37 = arith.constant 0 : i32
    %cond3A_38 = arith.cmpi ne, %convert_element_type3A_36, %cond3A_37 : i32
    scf.if %cond3A_38 {
      %dma_wait3A = arith.constant 0 : i32
      %dma_wait3A_39 = arith.constant 0 : i32
      %dma_wait3A_40 = tpu.memref_slice %arg4[%dma_wait3A, %dma_wait3A_39] : memref<50000x32xf32, #tpu.memory_space<hbm>> -> memref<40x32xf32, #tpu.memory_space<hbm>>
      %dma_wait3A_41 = arith.constant 0 : i32
      %dma_wait3A_42 = arith.constant 0 : i32
      %dma_wait3A_43 = tpu.memref_slice %arg4[%dma_wait3A_41, %dma_wait3A_42] : memref<50000x32xf32, #tpu.memory_space<hbm>> -> memref<40x32xf32, #tpu.memory_space<hbm>>
      tpu.wait_dma2 semaphore(%arg18 : memref<!tpu.dma_semaphore, #tpu.memory_space<semaphore_mem>>) src(%arg12 : memref<40x32xf32, #tpu.memory_space<vmem>>) dst(%dma_wait3A_43 : memref<40x32xf32, #tpu.memory_space<hbm>>)
    } else {
    }
    return
  }
}

module attributes {stable_mosaic.version = 14 : i64} {
  func.func @body(%arg0: i32, %arg1: memref<4x1920xf32, #tpu.memory_space<vmem>>, %arg2: memref<6x1920xf32, #tpu.memory_space<vmem>>, %arg3: memref<3x6xf32, #tpu.memory_space<vmem>>, %arg4: memref<3xf32, #tpu.memory_space<vmem>>, %arg5: memref<1920x16xf32, #tpu.memory_space<vmem>>) attributes {dimension_semantics = [#tpu.dimension_semantics<arbitrary>], iteration_bounds = array<i64: 27>, scalar_prefetch = 0 : i64, scratch_operands = 0 : i64, tpu.core_type = #tpu.core_type<tc>, window_params = [{transform_indices = @transform_0, window_bounds = array<i64: 4, 1920>}, {transform_indices = @transform_1, window_bounds = array<i64: 6, 1920>}, {pipeline_mode = #tpu.pipeline_mode<synchronous>, transform_indices = @transform_2, window_bounds = array<i64: 3, 6>}, {pipeline_mode = #tpu.pipeline_mode<synchronous>, transform_indices = @transform_3, window_bounds = array<i64: 3>}, {transform_indices = @transform_4, window_bounds = array<i64: 1920, 16>}]} {
    %get3A = arith.constant 0 : index
    %get3A_0 = arith.constant 0 : index
    %get3A_1 = vector.load %arg3[%get3A, %get3A_0] : memref<3x6xf32, #tpu.memory_space<vmem>>, vector<3x6xf32>
    %reduce_sum3A = arith.constant dense<0.000000e+00> : vector<3xf32>
    %reduce_sum3A_2 = vector.multi_reduction <add>, %get3A_1, %reduce_sum3A [1] : vector<3x6xf32> to vector<3xf32>
    %broadcast_in_dim3A = arith.constant 0.000000e+00 : f32
    %broadcast_in_dim3A_3 = vector.broadcast %broadcast_in_dim3A : f32 to vector<4xf32>
    %concatenate3A = tpu.concatenate %reduce_sum3A_2, %reduce_sum3A_2, %reduce_sum3A_2, %reduce_sum3A_2, %broadcast_in_dim3A_3 in 0 : vector<3xf32>, vector<3xf32>, vector<3xf32>, vector<3xf32>, vector<4xf32> -> vector<16xf32>
    %iota3A = tpu.iota {dimensions = array<i32: 0>} : vector<4x16xi32>
    %iota3A_4 = tpu.iota {dimensions = array<i32: 1>} : vector<4x16xi32>
    %jit3A = arith.constant 3 : i32
    %div3A = vector.broadcast %jit3A : i32 to vector<4x16xi32>
    %div3A_5 = arith.divsi %iota3A_4, %div3A : vector<4x16xi32>
    %sign3A = arith.constant 0 : i32
    %sign3A_6 = vector.broadcast %sign3A : i32 to vector<4x16xi32>
    %sign3A_7 = arith.cmpi sgt, %iota3A_4, %sign3A_6 : vector<4x16xi32>
    %sign3A_8 = arith.extui %sign3A_7 : vector<4x16xi1> to vector<4x16xi32>
    %sign3A_9 = arith.constant 0 : i32
    %sign3A_10 = vector.broadcast %sign3A_9 : i32 to vector<4x16xi32>
    %sign3A_11 = arith.cmpi slt, %iota3A_4, %sign3A_10 : vector<4x16xi32>
    %sign3A_12 = arith.extui %sign3A_11 : vector<4x16xi1> to vector<4x16xi32>
    %sign3A_13 = arith.subi %sign3A_8, %sign3A_12 : vector<4x16xi32>
    %sign3A_14 = arith.constant 0 : i32
    %sign3A_15 = arith.cmpi sgt, %jit3A, %sign3A_14 : i32
    %sign3A_16 = arith.extui %sign3A_15 : i1 to i32
    %sign3A_17 = arith.constant 0 : i32
    %sign3A_18 = arith.cmpi slt, %jit3A, %sign3A_17 : i32
    %sign3A_19 = arith.extui %sign3A_18 : i1 to i32
    %sign3A_20 = arith.subi %sign3A_16, %sign3A_19 : i32
    %ne3A = vector.broadcast %sign3A_20 : i32 to vector<4x16xi32>
    %ne3A_21 = arith.cmpi ne, %sign3A_13, %ne3A : vector<4x16xi32>
    %rem3A = vector.broadcast %jit3A : i32 to vector<4x16xi32>
    %rem3A_22 = arith.remsi %iota3A_4, %rem3A : vector<4x16xi32>
    %ne3A_23 = arith.constant 0 : i32
    %ne3A_24 = vector.broadcast %ne3A_23 : i32 to vector<4x16xi32>
    %ne3A_25 = arith.cmpi ne, %rem3A_22, %ne3A_24 : vector<4x16xi32>
    %and3A = arith.andi %ne3A_21, %ne3A_25 : vector<4x16xi1>
    %sub3A = arith.constant 1 : i32
    %sub3A_26 = vector.broadcast %sub3A : i32 to vector<4x16xi32>
    %sub3A_27 = arith.subi %div3A_5, %sub3A_26 : vector<4x16xi32>
    %select_n3A = arith.select %and3A, %sub3A_27, %div3A_5 : vector<4x16xi1>, vector<4x16xi32>
    %eq3A = arith.cmpi eq, %select_n3A, %iota3A : vector<4x16xi32>
    %lt3A = arith.constant 12 : i32
    %lt3A_28 = vector.broadcast %lt3A : i32 to vector<4x16xi32>
    %lt3A_29 = arith.cmpi slt, %iota3A_4, %lt3A_28 : vector<4x16xi32>
    %and3A_30 = arith.andi %eq3A, %lt3A_29 : vector<4x16xi1>
    %jit3A_31 = arith.constant 1.000000e+00 : f32
    %jit3A_32 = arith.constant 0.000000e+00 : f32
    %broadcast_in_dim3A_33 = vector.broadcast %jit3A_31 : f32 to vector<4x16xf32>
    %broadcast_in_dim3A_34 = vector.broadcast %jit3A_32 : f32 to vector<4x16xf32>
    %select_n3A_35 = arith.select %and3A_30, %broadcast_in_dim3A_33, %broadcast_in_dim3A_34 : vector<4x16xi1>, vector<4x16xf32>
    %broadcast_in_dim3A_36 = vector.shape_cast %concatenate3A : vector<16xf32> to vector<1x16xf32>
    %mul3A = vector.broadcast %broadcast_in_dim3A_36 : vector<1x16xf32> to vector<4x16xf32>
    %mul3A_37 = arith.mulf %select_n3A_35, %mul3A : vector<4x16xf32>
    %transpose3A = tpu.transpose %get3A_1, [1, 0] : vector<3x6xf32> -> vector<6x3xf32>
    %broadcast_in_dim3A_38 = arith.constant 0.000000e+00 : f32
    %broadcast_in_dim3A_39 = vector.broadcast %broadcast_in_dim3A_38 : f32 to vector<6x4xf32>
    %concatenate3A_40 = tpu.concatenate %transpose3A, %transpose3A, %transpose3A, %transpose3A, %broadcast_in_dim3A_39 in 1 : vector<6x3xf32>, vector<6x3xf32>, vector<6x3xf32>, vector<6x3xf32>, vector<6x4xf32> -> vector<6x16xf32>
    %get3A_41 = arith.constant 0 : index
    %get3A_42 = vector.load %arg4[%get3A_41] : memref<3xf32, #tpu.memory_space<vmem>>, vector<3xf32>
    %broadcast_in_dim3A_43 = arith.constant 0.000000e+00 : f32
    %broadcast_in_dim3A_44 = vector.broadcast %broadcast_in_dim3A_43 : f32 to vector<4xf32>
    %concatenate3A_45 = tpu.concatenate %get3A_42, %get3A_42, %get3A_42, %get3A_42, %broadcast_in_dim3A_44 in 0 : vector<3xf32>, vector<3xf32>, vector<3xf32>, vector<3xf32>, vector<4xf32> -> vector<16xf32>
    %get3A_46 = arith.constant 0 : index
    %get3A_47 = arith.constant 0 : index
    %get3A_48 = vector.load %arg1[%get3A_46, %get3A_47] : memref<4x1920xf32, #tpu.memory_space<vmem>>, vector<4x1920xf32>
    %dot_general3A = arith.constant dense<0.000000e+00> : vector<1920x16xf32>
    %dot_general3A_49 = tpu.matmul %get3A_48, %mul3A_37, %dot_general3A {dimension_numbers = #tpu.dot_dimension_numbers<[0], [0], [1], [1], [0, 1, 1, 1], [], []>, transpose_lhs_hint = false} : vector<4x1920xf32>, vector<4x16xf32>, vector<1920x16xf32> -> vector<1920x16xf32>
    %get3A_50 = arith.constant 0 : index
    %get3A_51 = arith.constant 0 : index
    %get3A_52 = vector.load %arg2[%get3A_50, %get3A_51] : memref<6x1920xf32, #tpu.memory_space<vmem>>, vector<6x1920xf32>
    %dot_general3A_53 = arith.constant dense<0.000000e+00> : vector<1920x16xf32>
    %dot_general3A_54 = tpu.matmul %get3A_52, %concatenate3A_40, %dot_general3A_53 {dimension_numbers = #tpu.dot_dimension_numbers<[0], [0], [1], [1], [0, 1, 1, 1], [], []>, transpose_lhs_hint = false} : vector<6x1920xf32>, vector<6x16xf32>, vector<1920x16xf32> -> vector<1920x16xf32>
    %add3A = arith.addf %dot_general3A_49, %dot_general3A_54 : vector<1920x16xf32>
    %broadcast_in_dim3A_55 = vector.shape_cast %concatenate3A_45 : vector<16xf32> to vector<1x16xf32>
    %add3A_56 = vector.broadcast %broadcast_in_dim3A_55 : vector<1x16xf32> to vector<1920x16xf32>
    %add3A_57 = arith.addf %add3A, %add3A_56 : vector<1920x16xf32>
    %ge3A = arith.constant 0.000000e+00 : f32
    %ge3A_58 = vector.broadcast %ge3A : f32 to vector<1920x16xf32>
    %ge3A_59 = arith.cmpf oge, %add3A_57, %ge3A_58 : vector<1920x16xf32>
    %mul3A_60 = arith.constant 2.000000e-01 : f32
    %mul3A_61 = vector.broadcast %mul3A_60 : f32 to vector<1920x16xf32>
    %mul3A_62 = arith.mulf %mul3A_61, %add3A_57 : vector<1920x16xf32>
    %select_n3A_63 = arith.select %ge3A_59, %add3A_57, %mul3A_62 : vector<1920x16xi1>, vector<1920x16xf32>
    %swap3A = arith.constant 0 : index
    %swap3A_64 = arith.constant 0 : index
    %swap3A_65 = vector.load %arg5[%swap3A, %swap3A_64] : memref<1920x16xf32, #tpu.memory_space<vmem>>, vector<1920x16xf32>
    tpu.vector_store %arg5[%swap3A, %swap3A_64], %select_n3A_63 {strides = array<i32>} : memref<1920x16xf32, #tpu.memory_space<vmem>>, vector<1920x16xf32>,
    return
  }
  func.func @transform_0(%arg0: i32) -> (i32, i32) {
    %c0_i32 = arith.constant 0 : i32
    %c0_i32_0 = arith.constant 0 : i32
    return %c0_i32, %arg0 : i32, i32
  }
  func.func @transform_1(%arg0: i32) -> (i32, i32) {
    %c0_i32 = arith.constant 0 : i32
    %c0_i32_0 = arith.constant 0 : i32
    return %c0_i32, %arg0 : i32, i32
  }
  func.func @transform_2(%arg0: i32) -> (i32, i32) {
    %c0_i32 = arith.constant 0 : i32
    %c0_i32_0 = arith.constant 0 : i32
    %c0_i32_1 = arith.constant 0 : i32
    return %c0_i32, %c0_i32_0 : i32, i32
  }
  func.func @transform_3(%arg0: i32) -> i32 {
    %c0_i32 = arith.constant 0 : i32
    %c0_i32_0 = arith.constant 0 : i32
    return %c0_i32 : i32
  }
  func.func @transform_4(%arg0: i32) -> (i32, i32) {
    %c0_i32 = arith.constant 0 : i32
    %c0_i32_0 = arith.constant 0 : i32
    return %arg0, %c0_i32 : i32, i32
  }
}

</mosaic_0001>

<sc_bundles>
// kernel: kernel.4.cloned.1.call-start
scs
__scs_entry_jumppad:
0x0: {  	(pc) =	sbr.rel $0x88, $3  }
0x1: {  	(tag) =	ssettag $0x0;
	lr =	simm.s32 $0x1  }
0x2: {  	[smem:$0x3F9C] =	sst lr;
	_ =	strace $0xD0000000  }
0x3: {  	_ = 	snop  }
0x4: {  	_ = 	snop  }
0x5: {  	_ = 	snop  }
0x6: {  	_ = 	snop  }
0x7: {  	_ = 	snop  }
__scs_overlays_trampoline_lowered:
0x8: {  	[smem:$0x3FAB] =	sst s0  }
0x9: {  	[smem:$0x3FAC] =	sst s1  }
0xa: {  	[smem:$0x3FAD] =	sst s2  }
0xb: {  	[smem:$0x3FAE] =	sst s3  }
0xc: {  	[smem:$0x3FAF] =	sst s4  }
0xd: {  	[smem:$0x3FB0] =	sst s5  }
0xe: {  	[smem:$0x3FB1] =	sst s6  }
0xf: {  	[smem:$0x3FB2] =	sst s7  }
0x10: {  	[smem:$0x3FB3] =	sst s8  }
0x11: {  	[smem:$0x3FB4] =	sst s9;
	s0 =	simm.s32 @!p0 $0x0  }
0x12: {  	s1 =	sld [smem:$0x3F9A];
	s0 =	simm.s32 @p0 $0x1  }
0x13: {  	[smem:$0x3FB5] =	sst s0;
	s0 =	simm.s32 @!p1 $0x0  }
0x14: {  	s2 =	sld [smem:$0x3F99];
	s0 =	simm.s32 @p1 $0x1  }
0x15: {  	[smem:$0x3FB6] =	sst s0;
	s0 =	simm.s32 @!p2 $0x0  }
0x16: {  	s3 =	sld [smem:$0x3FDB];
	s0 =	simm.s32 @p2 $0x1  }
0x17: {  	s4 =	simm.s32 $0x1BF5;
	[smem:$0x3FB8] =	sst s0  }
0x18: {  	s0 =	sld [smem:$0x3F9B];
	_ =	swait.ge [sflag:s4], $0x0  }
0x19: {  	s7 =	sld [smem:$0x3F9C]  }
0x1a: {  	s8 =	sadd.s32 $0xFFFFE003, lr  }
0x1b: {  	s9 =	sadd.s32 $0xFFFFFEF7, lr;
	s5 =	simm.s32 $0xFFFFFFFF;
	p2 =	slt.u32 s8, $0xFFFFF086  }
0x1c: {  	p1 =	slt.u32 s9, $0xF7A;
	s5 =	simm.s32 @!p2 $0x0  }
0x1d: {  	s5 =	simm.s32 @p1 $0x1;
	p0 =	seq.s32 s7, s2  }
0x1e: {  	s7 =	smul.u32 @!p0 $0xF7A, s2;
	p2 =	seq.s32 @!p0 s5, $0x0  }
0x1f: {  	s9 =	smul.u32 $0xF7A, s1;
	s8 =	simm.s32 @!p0 $0x1BF5;
	p2 =	por !p2, p0  }
0x20: {  	[sflag:s8] =	ssyncset.s32 @!p0 $0xFFFFF086;
	s6 =	sadd.s32 @!p0 s3, s7;
	s7 =	simm.s32 @!p0 $0x108  }
0x21: {  	s3 =	sadd.s32 s3, s9;
	s6 =	sadd.s32 @!p0 $0x88, s6;
	s7 =	simm.s32 @p2 $0x1082  }
0x22: {  	[simem:s7], [sflag:s8] =	dma.local @!p0 [hbm:s6], $0xF7A  }
0x23: {  	s9 =	sor.u32 $0xD0000000, s2;
	s6 =	simm.s32 $0x108;
	_ =	swait.ge @!p0 [sflag:s8], $0x0  }
0x24: {  	s3 =	sadd.s32 $0x88, s3;
	s6 =	simm.s32 @!p1 $0x1082;
	[sflag:s4] =	ssyncset.s32 $0xFFFFF086  }
0x25: {  	[simem:s6], [sflag:s4] =	dma.local [hbm:s3], $0xF7A  }
0x26: {  	[smem:$0x3F9C] =	sst s1;
	(tag) =	ssettag s2;
	_ =	strace s9  }
0x27: {  	s1 =	sld [smem:$0x3FAC]  }
0x28: {  	s2 =	sld [smem:$0x3FAD]  }
0x29: {  	s4 =	sld [smem:$0x3FAF]  }
0x2a: {  	p0 =	seq.s32 s5, $0x0;
	s5 =	sld [smem:$0x3FB0]  }
0x2b: {  	s6 =	sld [smem:$0x3FB1]  }
0x2c: {  	s7 =	sld [smem:$0x3FB2]  }
0x2d: {  	s3 =	simm.s32 $0x108;
	s8 =	sld [smem:$0x3FB3]  }
0x2e: {  	s3 =	simm.s32 @!p0 $0x1082;
	s9 =	sld [smem:$0x3FB4]  }
0x2f: {  	lr =	sadd.s32 s0, s3;
	s0 =	sld [smem:$0x3FAB]  }
0x30: {  	s3 =	sld [smem:$0x3FAE]  }
0x31: {  	[smem:$0x3FB7] =	sst s10  }
0x32: {  	s10 =	sld [smem:$0x3FB5];
	_ =	sdelay $0x3  }
0x33: {  	p0 =	seq.s32 s10, $0x1;
	s10 =	sld [smem:$0x3FB7];
	_ =	sdelay $0x3  }
0x34: {  	[smem:$0x3FB7] =	sst s10  }
0x35: {  	s10 =	sld [smem:$0x3FB6];
	_ =	sdelay $0x3  }
0x36: {  	p1 =	seq.s32 s10, $0x1;
	s10 =	sld [smem:$0x3FB7];
	_ =	sdelay $0x3  }
0x37: {  	[smem:$0x3FB7] =	sst s10  }
0x38: {  	s10 =	sld [smem:$0x3FB8]  }
0x39: {  	_ = 	snop;
	(pc) =	sbr.ind lr, $3  }
0x3a: {  	_ = 	snop  }
0x3b: {  	_ = 	snop  }
0x3c: {  	p2 =	seq.s32 s10, $0x1;
	s10 =	sld [smem:$0x3FB7]  }
0x3d: {  	_ =	shalt  }
0x3e: {  	_ =	shalt  }
0x3f: {  	_ =	shalt  }
0x40: {  	_ =	shalt  }
0x41: {  	_ =	shalt  }
0x42: {  	_ =	shalt  }
0x43: {  	_ =	shalt  }
0x44: {  	_ =	shalt  }
0x45: {  	_ =	shalt  }
0x46: {  	_ =	shalt  }
0x47: {  	_ =	shalt  }
0x48: {  	_ =	shalt  }
0x49: {  	_ =	shalt  }
0x4a: {  	_ =	shalt  }
0x4b: {  	_ =	shalt  }
0x4c: {  	_ =	shalt  }
0x4d: {  	_ =	shalt  }
0x4e: {  	_ =	shalt  }
0x4f: {  	_ =	shalt  }
0x50: {  	_ =	shalt  }
0x51: {  	_ =	shalt  }
0x52: {  	_ =	shalt  }
0x53: {  	_ =	shalt  }
0x54: {  	_ =	shalt  }
0x55: {  	_ =	shalt  }
0x56: {  	_ =	shalt  }
0x57: {  	_ =	shalt  }
0x58: {  	_ =	shalt  }
0x59: {  	_ =	shalt  }
0x5a: {  	_ =	shalt  }
0x5b: {  	_ =	shalt  }
0x5c: {  	_ =	shalt  }
0x5d: {  	_ =	shalt  }
0x5e: {  	_ =	shalt  }
0x5f: {  	_ =	shalt  }
0x60: {  	_ =	shalt  }
0x61: {  	_ =	shalt  }
0x62: {  	_ =	shalt  }
0x63: {  	_ =	shalt  }
0x64: {  	_ =	shalt  }
0x65: {  	_ =	shalt  }
0x66: {  	_ =	shalt  }
0x67: {  	_ =	shalt  }
0x68: {  	_ =	shalt  }
0x69: {  	_ =	shalt  }
0x6a: {  	_ =	shalt  }
0x6b: {  	_ =	shalt  }
0x6c: {  	_ =	shalt  }
0x6d: {  	_ =	shalt  }
0x6e: {  	_ =	shalt  }
0x6f: {  	_ =	shalt  }
0x70: {  	_ =	shalt  }
0x71: {  	_ =	shalt  }
0x72: {  	_ =	shalt  }
0x73: {  	_ =	shalt  }
0x74: {  	_ =	shalt  }
0x75: {  	_ =	shalt  }
0x76: {  	_ =	shalt  }
0x77: {  	_ =	shalt  }
0x78: {  	_ =	shalt  }
0x79: {  	_ =	shalt  }
0x7a: {  	_ =	shalt  }
0x7b: {  	_ =	shalt  }
0x7c: {  	_ =	shalt  }
0x7d: {  	_ =	shalt  }
0x7e: {  	_ =	shalt  }
0x7f: {  	_ =	shalt  }
0x80: {  	_ =	shalt  }
0x81: {  	_ =	shalt  }
0x82: {  	_ =	shalt  }
0x83: {  	_ =	shalt  }
0x84: {  	_ =	shalt  }
0x85: {  	_ =	shalt  }
0x86: {  	_ =	shalt  }
0x87: {  	_ =	shalt  }
.Lfunc_end0:
.L_simem_size_0:
called_computation_lowered:
.L_overlay_start_0:
0x88: {  	s2 =	sld [smem:$0x3FD9]  }
0x89: {  	s3 =	sld [smem:$0x3FFE];
	_ =	sdelay $0x1  }
0x8a: {  	s1 =	srdreg.scid  }
0x8b: {  	s0 =	sand.u32 $0x1, s1  }
0x8c: {  	s17 =	sshll.u32 s0, $0xA;
	s2 =	sadd.s32 s3, s2  }
0x8d: {  	s2 =	sadd.s32 s2, s17  }
0x8e: {  	[smem:$0x3FC3] =	sst s2  }
0x8f: {  	_ = 	snop  }
0x90: {  	s2 =	sld [smem:$0x3FD0];
	(tm) =	ssettm $0x1  }
0x91: {  	s18 =	sld [smem:$0x3FFB];
	_ =	sdelay $0x3  }
0x92: {  	_ =	strace s18  }
0x93: {  	s3 =	sld [smem:$0x3FFC];
	_ =	sdelay $0x3  }
0x94: {  	_ =	strace s3  }
0x95: {  	s3 =	sld [smem:$0x3FFD];
	_ =	sdelay $0x3  }
0x96: {  	_ =	strace s3  }
0x97: {  	_ =	strace $0x8FFFFFFF  }
0x98: {  	s19 =	sld [smem:$0x3FDB];
	_ =	sdelay $0x1  }
0x99: {  	s4 =	simm.s32 $_scs_section_size  }
0x9a: {  	s5 =	simm.s32 $_size__tile_overlayer_lowered;
	s6 =	simm.s32 $_tile_overlayer_lowered  }
0x9b: {  	s22 =	simm.s32 $0x1BFF;
	s21 =	sshll.u32 s6, $0x1;
	s3 =	sadd.s32 s4, s19  }
0x9c: {  	s7 =	simm.s32 $0x0;
	s20 =	sshll.u32 s5, $0x1;
	s5 =	sadd.s32 s21, s3  }
0x9d: {  	[timem:s7], [sflag:s22] =	dma.local [hbm:s5], s20  }
0x9e: {  	_ =	swait.ge [sflag:s22], s20  }
0x9f: {  	s4 =	ssub.s32 $0x0, s20;
	[sflag:s22] =	ssyncset.done $0x0  }
0xa0: {  	[sflag:s22] =	ssyncadd.s32 s4;
	_ =	sdelay $0x1  }
0xa1: {  	s23 =	simm.s32 $0x1B8B  }
0xa2: {  	_ =	swait.ge [sflag:s23], $0x1  }
0xa3: {  	[sflag:s23] =	ssyncset.done $0x0  }
0xa4: {  	s25 =	simm.s32 $0x1B8E;
	s24 =	sld [smem:$0x3FFE];
	[sflag:s23] =	ssyncadd.s32 $0xFFFFFFFF  }
0xa5: {  	s26 =	simm.s32 $execute0_lowered;
	[smem:$0x3FD2] =	sst s25  }
0xa6: {  	s5 =	sshll.u32 s26, $0x1;
	_ =	strace $0x80000046;
	[dreg:$0x1] =	wrdreg $0xFFFFFFFF  }
0xa7: {  	s28 =	simm.s32 $_size_execute0_lowered;
	s3 =	sadd.s32 s3, s5;
	[dreg:$0x0] =	wrdreg $0x0  }
0xa8: {  	s5 =	sshll.u32 s28, $0x1;
	[dreg:$0x2] =	wrdreg s3  }
0xa9: {  	[dreg:$0x3] =	wrdreg s5  }
0xaa: {  	[dreg:$0x4] =	wrdreg $0xC0  }
0xab: {  	_ =	task [dreg:s7], $0x5FFFF  }
0xac: {  	[dreg:$0x1] =	wrdreg $0xFFFFFFFF  }
0xad: {  	[dreg:$0x0] =	wrdreg $0x60  }
0xae: {  	[dreg:$0x2] =	wrdreg s24  }
0xaf: {  	[dreg:$0x3] =	wrdreg s2  }
0xb0: {  	[dreg:$0x4] =	wrdreg $0x9  }
0xb1: {  	_ =	task.clear_ibuf [dreg:s7], $0x5FFFF;
	_ =	strace $0x90000046  }
0xb2: {  	s29 =	simm.s32 $0x9;
	_ =	strace $0x80000048  }
0xb3: {  	_ =	swait.ge [sflag:s29], $0x1  }
0xb4: {  	[sflag:s29] =	ssyncadd.s32 $0xFFFFFFFF  }
0xb5: {  	_ =	strace $0x90000048  }
0xb6: {  	_ =	sfence  }
0xb7: {  	s30 =	sld [smem:$0x0];
	_ =	sdelay $0x2  }
0xb8: {  	s31 =	sshll.u32 s1, $0xD;
	s1 =	sshrl.u32 s1, $0x2  }
0xb9: {  	s3 =	sand.u32 $0x4000, s31;
	s1 =	sadd.s32 s1, s30  }
0xba: {  	s0 =	sor.u32 s3, s0;
	s1 =	sshll.u32 s1, $0x11  }
0xbb: {  	s0 =	sor.u32 s1, s0  }
0xbc: {  	s0 =	sadd.s32 $0x8F2B, s0  }
0xbd: {  	[sflag:s0] =	ssyncadd.remote.s32 $0x1  }
0xbe: {  	_ =	sfence.sel $0xFFFF  }
0xbf: {  	[dreg:$0x0] =	wrdreg $0xFFFFFFFF;
	(pc) =	sbr.abs _section_cstart, $3  }
0xc0: {  	[dreg:$0x1] =	wrdreg $0xFFFFFFFF  }
0xc1: {  	_ =	task.clear_ibuf [dreg:s7], $0x2FFFF;
	_ =	strace $0x9FFFFFFF  }
0xc2: {  	(tm) =	ssettm $0x7FFFFFFF  }
0xc3: {  	_ =	shalt  }
tec
execute0_lowered:
.L_overlay_start_1:
0x0: {  	(tag) =	ssettag $0x1  }
0x1: {  	s0 =	rddreg [dreg:$0x0]  }
0x2: {  	s1 =	rddreg [dreg:$0x1]  }
0x3: {  	s3 =	srdreg.scid;
	s6 =	stileid.u32;
	s2 =	simm.s32 $0x0  }
0x4: {  	s14 =	simm.s32 $0x1;
	s15 =	simm.s32 $0x20;
	s30 =	simm.s32 $0x2  }
0x5: {  	s21 =	simm.s32 $0x980;
	s31 =	simm.s32 $0x9E0;
	s16 =	simm.s32 $0x3  }
0x6: {  	s28 =	simm.s32 $0xB400;
	s4 =	sand.u32 $0x1, s3;
	s22 =	sshll.u32 s6, $0x1  }
0x7: {  	[smem:$0x7FF] =	sst s2;
	s5 =	sadd.s32 $0x1400, s0;
	p0 =	sne.s32 s6, $0x0  }
0x8: {  	s6 =	simm.s32 $0xA200;
	s3 =	sor.u32 s4, s22;
	_ =	strace $0x80000047  }
0x9: {  	s8 =	ssub.s32 $0x2, s4;
	s4 =	sadd.s32 $0xC4A00, s0;
	s7 =	smul.u32 $0xA0, s3  }
0xa: {  	s9 =	smul.u32 $0x50, s3;
	s10 =	sor.u32 $0x20, s3;
	s11 =	sshrl.u32 s8, $0x1  }
0xb: {  	s22 =	simm.s32 $0x9A0;
	s12 =	smul.u32 $0xA0, s10;
	s23 =	ssub.s32 s8, s11  }
0xc: {  	v0 =	vlaneseq.u32;
	s24 =	smul.u32 $0x50, s10;
	s10 =	sor.u32 $0x40, s3;
	s11 =	sor.u32 $0x60, s3  }
0xd: {  	v0 =	vmul.u32 $0x10, v0;
	s7 =	sadd.s32 s1, s7;
	s25 =	sadd.s32 s4, s9;
	s0 =	smax.u32 s23, $0x1  }
.Ltmp0:
0xe: {  	s23 =	simm.s32 $0x9C0;
	[dreg:$0x3] =	wrdreg s7;
	(pc) =	sbr.rel .LBB2_1-.Ltmp0, $4  }
0xf: {  	v1 =	vor.u32 $0x1, v0;
	v2 =	vor.u32 $0x2, v0;
	s9 =	simm.s32 $0x0;
	[dreg:$0x4] =	wrdreg s25;
	s26 =	sadd.s32 s1, s12  }
0x10: {  	v3 =	vor.u32 $0x3, v0;
	v4 =	vor.u32 $0x4, v0;
	v5 =	vor.u32 $0x5, v0;
	s29 =	sadd.s32 s4, s24;
	[dreg:$0x7] =	wrdreg s0;
	s12 =	simm.s32 $0xA400  }
0x11: {  	v6 =	vor.u32 $0x6, v0;
	v7 =	vor.u32 $0x7, v0;
	v8 =	vor.u32 $0x8, v0;
	s24 =	simm.s32 $0xA600;
	s25 =	simm.s32 $0xA800;
	[dreg:$0x5] =	wrdreg s26  }
0x12: {  	v9 =	vor.u32 $0x9, v0;
	v10 =	vor.u32 $0xA, v0;
	v11 =	vor.u32 $0xB, v0;
	s7 =	simm.s32 $0x4;
	[dreg:$0x6] =	wrdreg s29;
	s26 =	simm.s32 $0xAF00  }
.LBB2_13:
0x13: {  	s0 =	simm.s32 $0x5  }
0x14: {  	_ =	swait.ge [sflag:s0], $0x500  }
0x15: {  	[sflag:s0] =	ssyncset.done $0x0  }
0x16: {  	[sflag:s0] =	ssyncadd.s32 $0xFFFFFB00;
	s0 =	simm.s32 @!p0 $0x6  }
0x17: {  	_ =	swait.ge @!p0 [sflag:s0], $0x500  }
0x18: {  	s9 =	rddreg [dreg:$0x8]  }
0x19: {  	s8 =	rddreg [dreg:$0x7];
	s9 =	sadd.s32 $0x1, s9  }
0x1a: {  	p1 =	sne.s32 s9, s8  }
.Ltmp1:
0x1b: {  	_ = 	snop;
	(pc) =	sbr.rel @!p1 .LBB2_14-.Ltmp1, $3  }
0x1c: {  	_ =	sdelay $0x1  }
0x1d: {  	[sflag:s0] =	ssyncset.done @!p0 $0x0  }
0x1e: {  	[sflag:s0] =	ssyncadd.s32 @!p0 $0xFFFFFB00  }
.LBB2_1:
0x1f: {  	[dreg:$0x8] =	wrdreg s9  }
0x20: {  	s0 =	rddreg [dreg:$0x3]  }
0x21: {  	[tilespmem:s2], [sflag:$0x1] =	stream.linear.gather [hbm4b:s0+s2], $0x500, $0x38;
	[tilespmem:$0xB900] =	vst v63  }
0x22: {  	s19 =	rddreg [dreg:$0x4];
	s8 =	simm.s32 $0xAA00  }
0x23: {  	[tilespmem:s8], [sflag:$0x1] =	stream.linear.gather [hbm4b:s19+s2], $0x280, $0x38;
	[tilespmem:$0xB900] =	vst v63  }
0x24: {  	_ =	swait.ge [sflag:s14], $0x500  }
0x25: {  	[sflag:s14] =	ssyncset.done $0x0  }
0x26: {  	[sflag:s14] =	ssyncadd.s32 $0xFFFFFB00  }
0x27: {  	_ =	swait.ge [sflag:s14], $0x280  }
0x28: {  	[sflag:s14] =	ssyncset.done $0x0  }
0x29: {  	s20 =	simm.s32 $0xA00;
	[sflag:s14] =	ssyncadd.s32 $0xFFFFFD80  }
0x2a: {  	[tilespmem:s20], [sflag:$0x3] =	stream.indirect.gather [hbm4b:s4+s15], $0x10, s2, s15, $0xb8;
	[tilespmem:$0xB900] =	vst v63  }
0x2b: {  	s29 =	simm.s32 $0xC00  }
0x2c: {  	[tilespmem:s29], [sflag:$0x3] =	stream.indirect.gather [hbm4b:s4+s15], $0x10, s15, s15, $0xb8;
	[tilespmem:$0xB900] =	vst v63  }
0x2d: {  	s9 =	simm.s32 $0xE00;
	s8 =	simm.s32 $0x40  }
0x2e: {  	[tilespmem:s9], [sflag:$0x3] =	stream.indirect.gather [hbm4b:s4+s15], $0x10, s8, s15, $0xb8;
	[tilespmem:$0xB900] =	vst v63  }
0x2f: {  	s13 =	simm.s32 $0x60;
	s17 =	simm.s32 $0x1000  }
0x30: {  	[tilespmem:s17], [sflag:$0x3] =	stream.indirect.gather [hbm4b:s4+s15], $0x10, s13, s15, $0xb8;
	[tilespmem:$0xB900] =	vst v63  }
0x31: {  	s18 =	simm.s32 $0x80;
	s19 =	simm.s32 $0x1200  }
0x32: {  	[tilespmem:s19], [sflag:$0x3] =	stream.indirect.gather [hbm4b:s4+s15], $0x10, s18, s15, $0xb8;
	[tilespmem:$0xB900] =	vst v63  }
0x33: {  	s20 =	simm.s32 $0xA0;
	s29 =	simm.s32 $0x1400  }
0x34: {  	[tilespmem:s29], [sflag:$0x3] =	stream.indirect.gather [hbm4b:s4+s15], $0x10, s20, s15, $0xb8;
	[tilespmem:$0xB900] =	vst v63  }
0x35: {  	s8 =	simm.s32 $0xC0;
	s9 =	simm.s32 $0x1600  }
0x36: {  	[tilespmem:s9], [sflag:$0x3] =	stream.indirect.gather [hbm4b:s4+s15], $0x10, s8, s15, $0xb8;
	[tilespmem:$0xB900] =	vst v63  }
0x37: {  	s13 =	simm.s32 $0xE0;
	s17 =	simm.s32 $0x1800  }
0x38: {  	[tilespmem:s17], [sflag:$0x3] =	stream.indirect.gather [hbm4b:s4+s15], $0x10, s13, s15, $0xb8;
	[tilespmem:$0xB900] =	vst v63  }
0x39: {  	s18 =	simm.s32 $0x100;
	s19 =	simm.s32 $0x1A00  }
0x3a: {  	[tilespmem:s19], [sflag:$0x3] =	stream.indirect.gather [hbm4b:s4+s15], $0x10, s18, s15, $0xb8;
	[tilespmem:$0xB900] =	vst v63  }
0x3b: {  	s20 =	simm.s32 $0x120;
	s29 =	simm.s32 $0x1C00  }
0x3c: {  	[tilespmem:s29], [sflag:$0x3] =	stream.indirect.gather [hbm4b:s4+s15], $0x10, s20, s15, $0xb8;
	[tilespmem:$0xB900] =	vst v63  }
0x3d: {  	s8 =	simm.s32 $0x140;
	s9 =	simm.s32 $0x1E00  }
0x3e: {  	[tilespmem:s9], [sflag:$0x3] =	stream.indirect.gather [hbm4b:s4+s15], $0x10, s8, s15, $0xb8;
	[tilespmem:$0xB900] =	vst v63  }
0x3f: {  	s13 =	simm.s32 $0x160;
	s17 =	simm.s32 $0x2000  }
0x40: {  	[tilespmem:s17], [sflag:$0x3] =	stream.indirect.gather [hbm4b:s4+s15], $0x10, s13, s15, $0xb8;
	[tilespmem:$0xB900] =	vst v63  }
0x41: {  	s18 =	simm.s32 $0x180;
	s19 =	simm.s32 $0x2200  }
0x42: {  	[tilespmem:s19], [sflag:$0x3] =	stream.indirect.gather [hbm4b:s4+s15], $0x10, s18, s15, $0xb8;
	[tilespmem:$0xB900] =	vst v63  }
0x43: {  	s20 =	simm.s32 $0x1A0;
	s29 =	simm.s32 $0x2400  }
0x44: {  	[tilespmem:s29], [sflag:$0x3] =	stream.indirect.gather [hbm4b:s4+s15], $0x10, s20, s15, $0xb8;
	[tilespmem:$0xB900] =	vst v63  }
0x45: {  	s8 =	simm.s32 $0x1C0;
	s9 =	simm.s32 $0x2600  }
0x46: {  	[tilespmem:s9], [sflag:$0x3] =	stream.indirect.gather [hbm4b:s4+s15], $0x10, s8, s15, $0xb8;
	[tilespmem:$0xB900] =	vst v63  }
0x47: {  	s13 =	simm.s32 $0x1E0;
	s17 =	simm.s32 $0x2800  }
0x48: {  	[tilespmem:s17], [sflag:$0x3] =	stream.indirect.gather [hbm4b:s4+s15], $0x10, s13, s15, $0xb8;
	[tilespmem:$0xB900] =	vst v63  }
0x49: {  	s18 =	simm.s32 $0x200;
	s19 =	simm.s32 $0x2A00  }
0x4a: {  	[tilespmem:s19], [sflag:$0x3] =	stream.indirect.gather [hbm4b:s4+s15], $0x10, s18, s15, $0xb8;
	[tilespmem:$0xB900] =	vst v63  }
0x4b: {  	s20 =	simm.s32 $0x220;
	s29 =	simm.s32 $0x2C00  }
0x4c: {  	[tilespmem:s29], [sflag:$0x3] =	stream.indirect.gather [hbm4b:s4+s15], $0x10, s20, s15, $0xb8;
	[tilespmem:$0xB900] =	vst v63  }
0x4d: {  	s8 =	simm.s32 $0x240;
	s9 =	simm.s32 $0x2E00  }
0x4e: {  	[tilespmem:s9], [sflag:$0x3] =	stream.indirect.gather [hbm4b:s4+s15], $0x10, s8, s15, $0xb8;
	[tilespmem:$0xB900] =	vst v63  }
0x4f: {  	s13 =	simm.s32 $0x260;
	s17 =	simm.s32 $0x3000  }
0x50: {  	[tilespmem:s17], [sflag:$0x3] =	stream.indirect.gather [hbm4b:s4+s15], $0x10, s13, s15, $0xb8;
	[tilespmem:$0xB900] =	vst v63  }
0x51: {  	s18 =	simm.s32 $0x280;
	s19 =	simm.s32 $0x3200  }
0x52: {  	[tilespmem:s19], [sflag:$0x3] =	stream.indirect.gather [hbm4b:s4+s15], $0x10, s18, s15, $0xb8;
	[tilespmem:$0xB900] =	vst v63  }
0x53: {  	s20 =	simm.s32 $0x2A0;
	s29 =	simm.s32 $0x3400  }
0x54: {  	[tilespmem:s29], [sflag:$0x3] =	stream.indirect.gather [hbm4b:s4+s15], $0x10, s20, s15, $0xb8;
	[tilespmem:$0xB900] =	vst v63  }
0x55: {  	s8 =	simm.s32 $0x2C0;
	s9 =	simm.s32 $0x3600  }
0x56: {  	[tilespmem:s9], [sflag:$0x3] =	stream.indirect.gather [hbm4b:s4+s15], $0x10, s8, s15, $0xb8;
	[tilespmem:$0xB900] =	vst v63  }
0x57: {  	s13 =	simm.s32 $0x2E0;
	s17 =	simm.s32 $0x3800  }
0x58: {  	[tilespmem:s17], [sflag:$0x3] =	stream.indirect.gather [hbm4b:s4+s15], $0x10, s13, s15, $0xb8;
	[tilespmem:$0xB900] =	vst v63  }
0x59: {  	s18 =	simm.s32 $0x300;
	s19 =	simm.s32 $0x3A00  }
0x5a: {  	[tilespmem:s19], [sflag:$0x3] =	stream.indirect.gather [hbm4b:s4+s15], $0x10, s18, s15, $0xb8;
	[tilespmem:$0xB900] =	vst v63  }
0x5b: {  	s20 =	simm.s32 $0x320;
	s29 =	simm.s32 $0x3C00  }
0x5c: {  	[tilespmem:s29], [sflag:$0x3] =	stream.indirect.gather [hbm4b:s4+s15], $0x10, s20, s15, $0xb8;
	[tilespmem:$0xB900] =	vst v63  }
0x5d: {  	s8 =	simm.s32 $0x340;
	s9 =	simm.s32 $0x3E00  }
0x5e: {  	[tilespmem:s9], [sflag:$0x3] =	stream.indirect.gather [hbm4b:s4+s15], $0x10, s8, s15, $0xb8;
	[tilespmem:$0xB900] =	vst v63  }
0x5f: {  	s13 =	simm.s32 $0x360;
	s17 =	simm.s32 $0x4000  }
0x60: {  	[tilespmem:s17], [sflag:$0x3] =	stream.indirect.gather [hbm4b:s4+s15], $0x10, s13, s15, $0xb8;
	[tilespmem:$0xB900] =	vst v63  }
0x61: {  	s18 =	simm.s32 $0x380;
	s19 =	simm.s32 $0x4200  }
0x62: {  	[tilespmem:s19], [sflag:$0x3] =	stream.indirect.gather [hbm4b:s4+s15], $0x10, s18, s15, $0xb8;
	[tilespmem:$0xB900] =	vst v63  }
0x63: {  	s20 =	simm.s32 $0x3A0;
	s29 =	simm.s32 $0x4400  }
0x64: {  	[tilespmem:s29], [sflag:$0x3] =	stream.indirect.gather [hbm4b:s4+s15], $0x10, s20, s15, $0xb8;
	[tilespmem:$0xB900] =	vst v63  }
0x65: {  	s8 =	simm.s32 $0x3C0;
	s9 =	simm.s32 $0x4600  }
0x66: {  	[tilespmem:s9], [sflag:$0x3] =	stream.indirect.gather [hbm4b:s4+s15], $0x10, s8, s15, $0xb8;
	[tilespmem:$0xB900] =	vst v63  }
0x67: {  	s13 =	simm.s32 $0x3E0;
	s17 =	simm.s32 $0x4800  }
0x68: {  	[tilespmem:s17], [sflag:$0x3] =	stream.indirect.gather [hbm4b:s4+s15], $0x10, s13, s15, $0xb8;
	[tilespmem:$0xB900] =	vst v63  }
0x69: {  	s18 =	simm.s32 $0x400;
	s19 =	simm.s32 $0x4A00  }
0x6a: {  	[tilespmem:s19], [sflag:$0x3] =	stream.indirect.gather [hbm4b:s4+s15], $0x10, s18, s15, $0xb8;
	[tilespmem:$0xB900] =	vst v63  }
0x6b: {  	s20 =	simm.s32 $0x420;
	s29 =	simm.s32 $0x4C00  }
0x6c: {  	[tilespmem:s29], [sflag:$0x3] =	stream.indirect.gather [hbm4b:s4+s15], $0x10, s20, s15, $0xb8;
	[tilespmem:$0xB900] =	vst v63  }
0x6d: {  	s8 =	simm.s32 $0x440;
	s9 =	simm.s32 $0x4E00  }
0x6e: {  	[tilespmem:s9], [sflag:$0x3] =	stream.indirect.gather [hbm4b:s4+s15], $0x10, s8, s15, $0xb8;
	[tilespmem:$0xB900] =	vst v63  }
0x6f: {  	s13 =	simm.s32 $0x460;
	s17 =	simm.s32 $0x5000  }
0x70: {  	[tilespmem:s17], [sflag:$0x3] =	stream.indirect.gather [hbm4b:s4+s15], $0x10, s13, s15, $0xb8;
	[tilespmem:$0xB900] =	vst v63  }
0x71: {  	s18 =	simm.s32 $0x480;
	s19 =	simm.s32 $0x5200  }
0x72: {  	[tilespmem:s19], [sflag:$0x3] =	stream.indirect.gather [hbm4b:s4+s15], $0x10, s18, s15, $0xb8;
	[tilespmem:$0xB900] =	vst v63  }
0x73: {  	s20 =	simm.s32 $0x4A0;
	s29 =	simm.s32 $0x5400  }
0x74: {  	[tilespmem:s29], [sflag:$0x3] =	stream.indirect.gather [hbm4b:s4+s15], $0x10, s20, s15, $0xb8;
	[tilespmem:$0xB900] =	vst v63  }
0x75: {  	s8 =	simm.s32 $0x4C0;
	s9 =	simm.s32 $0x5600  }
0x76: {  	[tilespmem:s9], [sflag:$0x3] =	stream.indirect.gather [hbm4b:s4+s15], $0x10, s8, s15, $0xb8;
	[tilespmem:$0xB900] =	vst v63  }
0x77: {  	s13 =	simm.s32 $0x4E0;
	s17 =	simm.s32 $0x5800  }
0x78: {  	[tilespmem:s17], [sflag:$0x3] =	stream.indirect.gather [hbm4b:s4+s15], $0x10, s13, s15, $0xb8;
	[tilespmem:$0xB900] =	vst v63  }
.Ltmp2:
0x79: {  	_ = 	snop;
	(pc) =	sbr.rel .LBB2_2-.Ltmp2, $4  }
0x7a: {  	s18 =	rddreg [dreg:$0x5];
	s19 =	simm.s32 $0x500  }
0x7b: {  	[tilespmem:s19], [sflag:$0x2] =	stream.linear.gather [hbm4b:s18+s2], $0x500, $0x38;
	[tilespmem:$0xB900] =	vst v63  }
0x7c: {  	s20 =	rddreg [dreg:$0x6];
	s29 =	simm.s32 $0xAC80;
	s17 =	simm.s32 $0x0  }
0x7d: {  	[tilespmem:s29], [sflag:$0x2] =	stream.linear.gather [hbm4b:s20+s2], $0x280, $0x38;
	[tilespmem:$0xB900] =	vst v63  }
.LBB2_12:
0x7e: {  	s0 =	sadd.s32 s11, s29  }
0x7f: {  	p1 =	sgt.u32 s0, $0x4E1  }
0x80: {  	s8 =	smul.u32 @!p1 $0xA0, s0  }
0x81: {  	s9 =	simm.s32 @!p1 $0x0  }
0x82: {  	s13 =	simm.s32 @!p1 $0x500;
	s0 =	smul.u32 @!p1 $0x50, s0;
	s8 =	sadd.s32 @!p1 s1, s8  }
0x83: {  	[tilespmem:s13], [sflag:$0x2] =	stream.linear.gather @!p1 [hbm4b:s8+s9], $0x500, $0x38;
	[tilespmem:$0xB900] =	vst v63  }
0x84: {  	s17 =	sadd.s32 $0x1, s17;
	s0 =	sadd.s32 @!p1 s4, s0;
	s8 =	simm.s32 @!p1 $0xAC80  }
0x85: {  	[tilespmem:s8], [sflag:$0x2] =	stream.linear.gather @!p1 [hbm4b:s0+s9], $0x280, $0x38;
	[tilespmem:$0xB900] =	vst v63  }
0x86: {  	p1 =	sne.s32 s17, $0x14  }
.Ltmp3:
0x87: {  	_ = 	snop;
	(pc) =	sbr.rel @!p1 .LBB2_13-.Ltmp3, $1  }
0x88: {  	_ =	sdelay $0x3  }
.LBB2_2:
0x89: {  	s29 =	sshll.u32 s17, $0x6  }
0x8a: {  	s18 =	sor.u32 s29, s3  }
0x8b: {  	s13 =	sor.u32 $0x20, s18  }
0x8c: {  	p1 =	sgt.u32 s13, $0x4E1  }
.Ltmp4:
0x8d: {  	_ = 	snop;
	(pc) =	sbr.rel @p1 .LBB2_4-.Ltmp4, $1  }
0x8e: {  	_ =	sdelay $0x3  }
0x8f: {  	_ =	swait.ge [sflag:s30], $0x500  }
0x90: {  	[sflag:s30] =	ssyncset.done $0x0  }
0x91: {  	[sflag:s30] =	ssyncadd.s32 $0xFFFFFB00  }
0x92: {  	_ =	swait.ge [sflag:s30], $0x280  }
0x93: {  	[sflag:s30] =	ssyncset.done $0x0  }
0x94: {  	s0 =	simm.s32 $0x500;
	s8 =	simm.s32 $0x5A00;
	[sflag:s30] =	ssyncadd.s32 $0xFFFFFD80  }
0x95: {  	[tilespmem:s8], [sflag:$0x4] =	stream.indirect.gather [hbm4b:s4+s15], $0x10, s0, s15, $0xb8;
	[tilespmem:$0xB900] =	vst v63  }
0x96: {  	s19 =	simm.s32 $0x520;
	s20 =	simm.s32 $0x5C00  }
0x97: {  	[tilespmem:s20], [sflag:$0x4] =	stream.indirect.gather [hbm4b:s4+s15], $0x10, s19, s15, $0xb8;
	[tilespmem:$0xB900] =	vst v63  }
0x98: {  	s9 =	simm.s32 $0x5E00;
	s8 =	simm.s32 $0x540  }
0x99: {  	[tilespmem:s9], [sflag:$0x4] =	stream.indirect.gather [hbm4b:s4+s15], $0x10, s8, s15, $0xb8;
	[tilespmem:$0xB900] =	vst v63  }
0x9a: {  	s19 =	simm.s32 $0x560;
	s20 =	simm.s32 $0x6000  }
0x9b: {  	[tilespmem:s20], [sflag:$0x4] =	stream.indirect.gather [hbm4b:s4+s15], $0x10, s19, s15, $0xb8;
	[tilespmem:$0xB900] =	vst v63  }
0x9c: {  	s8 =	simm.s32 $0x580;
	s9 =	simm.s32 $0x6200  }
0x9d: {  	[tilespmem:s9], [sflag:$0x4] =	stream.indirect.gather [hbm4b:s4+s15], $0x10, s8, s15, $0xb8;
	[tilespmem:$0xB900] =	vst v63  }
0x9e: {  	s19 =	simm.s32 $0x5A0;
	s20 =	simm.s32 $0x6400  }
0x9f: {  	[tilespmem:s20], [sflag:$0x4] =	stream.indirect.gather [hbm4b:s4+s15], $0x10, s19, s15, $0xb8;
	[tilespmem:$0xB900] =	vst v63  }
0xa0: {  	s8 =	simm.s32 $0x5C0;
	s9 =	simm.s32 $0x6600  }
0xa1: {  	[tilespmem:s9], [sflag:$0x4] =	stream.indirect.gather [hbm4b:s4+s15], $0x10, s8, s15, $0xb8;
	[tilespmem:$0xB900] =	vst v63  }
0xa2: {  	s19 =	simm.s32 $0x5E0;
	s20 =	simm.s32 $0x6800  }
0xa3: {  	[tilespmem:s20], [sflag:$0x4] =	stream.indirect.gather [hbm4b:s4+s15], $0x10, s19, s15, $0xb8;
	[tilespmem:$0xB900] =	vst v63  }
0xa4: {  	s8 =	simm.s32 $0x600;
	s9 =	simm.s32 $0x6A00  }
0xa5: {  	[tilespmem:s9], [sflag:$0x4] =	stream.indirect.gather [hbm4b:s4+s15], $0x10, s8, s15, $0xb8;
	[tilespmem:$0xB900] =	vst v63  }
0xa6: {  	s19 =	simm.s32 $0x620;
	s20 =	simm.s32 $0x6C00  }
0xa7: {  	[tilespmem:s20], [sflag:$0x4] =	stream.indirect.gather [hbm4b:s4+s15], $0x10, s19, s15, $0xb8;
	[tilespmem:$0xB900] =	vst v63  }
0xa8: {  	s8 =	simm.s32 $0x640;
	s9 =	simm.s32 $0x6E00  }
0xa9: {  	[tilespmem:s9], [sflag:$0x4] =	stream.indirect.gather [hbm4b:s4+s15], $0x10, s8, s15, $0xb8;
	[tilespmem:$0xB900] =	vst v63  }
0xaa: {  	s19 =	simm.s32 $0x660;
	s20 =	simm.s32 $0x7000  }
0xab: {  	[tilespmem:s20], [sflag:$0x4] =	stream.indirect.gather [hbm4b:s4+s15], $0x10, s19, s15, $0xb8;
	[tilespmem:$0xB900] =	vst v63  }
0xac: {  	s8 =	simm.s32 $0x680;
	s9 =	simm.s32 $0x7200  }
0xad: {  	[tilespmem:s9], [sflag:$0x4] =	stream.indirect.gather [hbm4b:s4+s15], $0x10, s8, s15, $0xb8;
	[tilespmem:$0xB900] =	vst v63  }
0xae: {  	s19 =	simm.s32 $0x6A0;
	s20 =	simm.s32 $0x7400  }
0xaf: {  	[tilespmem:s20], [sflag:$0x4] =	stream.indirect.gather [hbm4b:s4+s15], $0x10, s19, s15, $0xb8;
	[tilespmem:$0xB900] =	vst v63  }
0xb0: {  	s8 =	simm.s32 $0x6C0;
	s9 =	simm.s32 $0x7600  }
0xb1: {  	[tilespmem:s9], [sflag:$0x4] =	stream.indirect.gather [hbm4b:s4+s15], $0x10, s8, s15, $0xb8;
	[tilespmem:$0xB900] =	vst v63  }
0xb2: {  	s19 =	simm.s32 $0x6E0;
	s20 =	simm.s32 $0x7800  }
0xb3: {  	[tilespmem:s20], [sflag:$0x4] =	stream.indirect.gather [hbm4b:s4+s15], $0x10, s19, s15, $0xb8;
	[tilespmem:$0xB900] =	vst v63  }
0xb4: {  	s8 =	simm.s32 $0x700;
	s9 =	simm.s32 $0x7A00  }
0xb5: {  	[tilespmem:s9], [sflag:$0x4] =	stream.indirect.gather [hbm4b:s4+s15], $0x10, s8, s15, $0xb8;
	[tilespmem:$0xB900] =	vst v63  }
0xb6: {  	s19 =	simm.s32 $0x720;
	s20 =	simm.s32 $0x7C00  }
0xb7: {  	[tilespmem:s20], [sflag:$0x4] =	stream.indirect.gather [hbm4b:s4+s15], $0x10, s19, s15, $0xb8;
	[tilespmem:$0xB900] =	vst v63  }
0xb8: {  	s8 =	simm.s32 $0x740;
	s9 =	simm.s32 $0x7E00  }
0xb9: {  	[tilespmem:s9], [sflag:$0x4] =	stream.indirect.gather [hbm4b:s4+s15], $0x10, s8, s15, $0xb8;
	[tilespmem:$0xB900] =	vst v63  }
0xba: {  	s19 =	simm.s32 $0x760;
	s20 =	simm.s32 $0x8000  }
0xbb: {  	[tilespmem:s20], [sflag:$0x4] =	stream.indirect.gather [hbm4b:s4+s15], $0x10, s19, s15, $0xb8;
	[tilespmem:$0xB900] =	vst v63  }
0xbc: {  	s8 =	simm.s32 $0x780;
	s9 =	simm.s32 $0x8200  }
0xbd: {  	[tilespmem:s9], [sflag:$0x4] =	stream.indirect.gather [hbm4b:s4+s15], $0x10, s8, s15, $0xb8;
	[tilespmem:$0xB900] =	vst v63  }
0xbe: {  	s19 =	simm.s32 $0x7A0;
	s20 =	simm.s32 $0x8400  }
0xbf: {  	[tilespmem:s20], [sflag:$0x4] =	stream.indirect.gather [hbm4b:s4+s15], $0x10, s19, s15, $0xb8;
	[tilespmem:$0xB900] =	vst v63  }
0xc0: {  	s8 =	simm.s32 $0x7C0;
	s9 =	simm.s32 $0x8600  }
0xc1: {  	[tilespmem:s9], [sflag:$0x4] =	stream.indirect.gather [hbm4b:s4+s15], $0x10, s8, s15, $0xb8;
	[tilespmem:$0xB900] =	vst v63  }
0xc2: {  	s19 =	simm.s32 $0x7E0;
	s20 =	simm.s32 $0x8800  }
0xc3: {  	[tilespmem:s20], [sflag:$0x4] =	stream.indirect.gather [hbm4b:s4+s15], $0x10, s19, s15, $0xb8;
	[tilespmem:$0xB900] =	vst v63  }
0xc4: {  	s8 =	simm.s32 $0x800;
	s9 =	simm.s32 $0x8A00  }
0xc5: {  	[tilespmem:s9], [sflag:$0x4] =	stream.indirect.gather [hbm4b:s4+s15], $0x10, s8, s15, $0xb8;
	[tilespmem:$0xB900] =	vst v63  }
0xc6: {  	s19 =	simm.s32 $0x820;
	s20 =	simm.s32 $0x8C00  }
0xc7: {  	[tilespmem:s20], [sflag:$0x4] =	stream.indirect.gather [hbm4b:s4+s15], $0x10, s19, s15, $0xb8;
	[tilespmem:$0xB900] =	vst v63  }
0xc8: {  	s8 =	simm.s32 $0x840;
	s9 =	simm.s32 $0x8E00  }
0xc9: {  	[tilespmem:s9], [sflag:$0x4] =	stream.indirect.gather [hbm4b:s4+s15], $0x10, s8, s15, $0xb8;
	[tilespmem:$0xB900] =	vst v63  }
0xca: {  	s19 =	simm.s32 $0x860;
	s20 =	simm.s32 $0x9000  }
0xcb: {  	[tilespmem:s20], [sflag:$0x4] =	stream.indirect.gather [hbm4b:s4+s15], $0x10, s19, s15, $0xb8;
	[tilespmem:$0xB900] =	vst v63  }
0xcc: {  	s8 =	simm.s32 $0x880;
	s9 =	simm.s32 $0x9200  }
0xcd: {  	[tilespmem:s9], [sflag:$0x4] =	stream.indirect.gather [hbm4b:s4+s15], $0x10, s8, s15, $0xb8;
	[tilespmem:$0xB900] =	vst v63  }
0xce: {  	s19 =	simm.s32 $0x8A0;
	s20 =	simm.s32 $0x9400  }
0xcf: {  	[tilespmem:s20], [sflag:$0x4] =	stream.indirect.gather [hbm4b:s4+s15], $0x10, s19, s15, $0xb8;
	[tilespmem:$0xB900] =	vst v63  }
0xd0: {  	s8 =	simm.s32 $0x8C0;
	s9 =	simm.s32 $0x9600  }
0xd1: {  	[tilespmem:s9], [sflag:$0x4] =	stream.indirect.gather [hbm4b:s4+s15], $0x10, s8, s15, $0xb8;
	[tilespmem:$0xB900] =	vst v63  }
0xd2: {  	s19 =	simm.s32 $0x8E0;
	s20 =	simm.s32 $0x9800  }
0xd3: {  	[tilespmem:s20], [sflag:$0x4] =	stream.indirect.gather [hbm4b:s4+s15], $0x10, s19, s15, $0xb8;
	[tilespmem:$0xB900] =	vst v63  }
0xd4: {  	s8 =	simm.s32 $0x900;
	s9 =	simm.s32 $0x9A00  }
0xd5: {  	[tilespmem:s9], [sflag:$0x4] =	stream.indirect.gather [hbm4b:s4+s15], $0x10, s8, s15, $0xb8;
	[tilespmem:$0xB900] =	vst v63  }
0xd6: {  	s19 =	simm.s32 $0x920;
	s20 =	simm.s32 $0x9C00  }
0xd7: {  	[tilespmem:s20], [sflag:$0x4] =	stream.indirect.gather [hbm4b:s4+s15], $0x10, s19, s15, $0xb8;
	[tilespmem:$0xB900] =	vst v63  }
0xd8: {  	s8 =	simm.s32 $0x940;
	s9 =	simm.s32 $0x9E00  }
0xd9: {  	[tilespmem:s9], [sflag:$0x4] =	stream.indirect.gather [hbm4b:s4+s15], $0x10, s8, s15, $0xb8;
	[tilespmem:$0xB900] =	vst v63  }
0xda: {  	s19 =	simm.s32 $0x960;
	s20 =	simm.s32 $0xA000  }
0xdb: {  	[tilespmem:s20], [sflag:$0x4] =	stream.indirect.gather [hbm4b:s4+s15], $0x10, s19, s15, $0xb8;
	[tilespmem:$0xB900] =	vst v63  }
0xdc: {  	_ = 	snop  }
0xdd: {  	[tilespmem:s6], [sflag:$0x4] =	stream.indirect.gather [hbm4b:s4+s15], $0x10, s21, s15, $0xb8;
	[tilespmem:$0xB900] =	vst v63  }
0xde: {  	_ = 	snop  }
0xdf: {  	[tilespmem:s12], [sflag:$0x4] =	stream.indirect.gather [hbm4b:s4+s15], $0x10, s22, s15, $0xb8;
	[tilespmem:$0xB900] =	vst v63  }
0xe0: {  	_ = 	snop  }
0xe1: {  	[tilespmem:s24], [sflag:$0x4] =	stream.indirect.gather [hbm4b:s4+s15], $0x10, s23, s15, $0xb8;
	[tilespmem:$0xB900] =	vst v63  }
0xe2: {  	_ = 	snop  }
0xe3: {  	[tilespmem:s25], [sflag:$0x4] =	stream.indirect.gather [hbm4b:s4+s15], $0x10, s31, s15, $0xb8;
	[tilespmem:$0xB900] =	vst v63  }
.LBB2_4:
0xe4: {  	_ =	swait.ge [sflag:s16], $0x5000  }
0xe5: {  	p2 =	seq.s32 s17, $0x0;
	[sflag:s16] =	ssyncset.done $0x0  }
0xe6: {  	s0 =	simm.s32 @!p2 $0x5;
	[sflag:s16] =	ssyncadd.s32 $0xFFFFB000  }
0xe7: {  	_ =	swait.ge @!p2 [sflag:s0], $0x500  }
0xe8: {  	[sflag:s0] =	ssyncset.done @!p2 $0x0  }
0xe9: {  	s20 =	simm.s32 $0x0;
	[sflag:s0] =	ssyncadd.s32 @!p2 $0xFFFFFB00  }
0xea: {  	s8 =	simm.s32 $0xA00;
	v12 =	vld [tilespmem:s20+$0xAA00]  }
0xeb: {  	v13 =	vld.idx.msk [tilespmem:v5+s8+$0x0], $0xffff  }
0xec: {  	v14 =	vld.idx.msk [tilespmem:v0+s8+$0x0], $0xffff  }
0xed: {  	v15 =	vld.idx.msk [tilespmem:v3+s8+$0x0], $0xffff  }
0xee: {  	v16 =	vld.idx.msk [tilespmem:v7+s8+$0x0], $0xffff  }
0xef: {  	v17 =	vld.idx.msk [tilespmem:v8+s8+$0x0], $0xffff  }
0xf0: {  	v19 =	vld.idx.msk [tilespmem:v4+s8+$0x0], $0xffff;
	v18 =	vbroadcast v12, $0x0  }
0xf1: {  	v22 =	vld.idx.msk [tilespmem:v2+s8+$0x0], $0xffff;
	v20 =	vbroadcast v12, $0xB;
	v21 =	vbroadcast v12, $0x3  }
0xf2: {  	v25 =	vld.idx.msk [tilespmem:v1+s8+$0x0], $0xffff;
	v23 =	vbroadcast v12, $0x9;
	v24 =	vbroadcast v12, $0x5  }
0xf3: {  	v28 =	vld.idx.msk [tilespmem:v6+s8+$0x0], $0xffff;
	v26 =	vbroadcast v12, $0x7;
	v27 =	vbroadcast v12, $0x2  }
0xf4: {  	v30 =	vld.idx.msk [tilespmem:v10+s8+$0x0], $0xffff;
	v29 =	vbroadcast v12, $0x8;
	v31 =	vbroadcast v12, $0x4  }
0xf5: {  	v34 =	vld.idx.msk [tilespmem:v9+s8+$0x0], $0xffff;
	v32 =	vbroadcast v12, $0x6;
	v14 =	vsub.f32 v14, v18;
	v15 =	vsub.f32 v15, v21  }
0xf6: {  	v35 =	vld.idx.msk [tilespmem:v11+s8+$0x0], $0xffff;
	v33 =	vbroadcast v12, $0x1;
	v16 =	vsub.f32 v16, v26;
	v17 =	vsub.f32 v17, v29  }
0xf7: {  	v12 =	vbroadcast v12, $0xA;
	v19 =	vsub.f32 v19, v31;
	v22 =	vsub.f32 v22, v27  }
0xf8: {  	v25 =	vsub.f32 v25, v33;
	v13 =	vsub.f32 v13, v24  }
0xf9: {  	v28 =	vsub.f32 v28, v32;
	v30 =	vsub.f32 v30, v12  }
0xfa: {  	v50 =	vsub.f32 v34, v23;
	v15 =	vmul.f32 v15, v15;
	v19 =	vmul.f32 v19, v19  }
0xfb: {  	v53 =	vsub.f32 v35, v20;
	v14 =	vmul.f32 v14, v14;
	v25 =	vmul.f32 v25, v25  }
0xfc: {  	v16 =	vmul.f32 v16, v16;
	v13 =	vmul.f32 v13, v13;
	v15 =	vadd.f32 v19, v15  }
0xfd: {  	v49 =	vmul.f32 v28, v28;
	v22 =	vmul.f32 v22, v22;
	v14 =	vadd.f32 v25, v14  }
0xfe: {  	v51 =	vmul.f32 v30, v30;
	v52 =	vmul.f32 v50, v50;
	v13 =	vadd.f32 v13, v15  }
0xff: {  	v17 =	vmul.f32 v17, v17;
	v15 =	vadd.f32 v16, v49;
	v14 =	vadd.f32 v22, v14  }
0x100: {  	v16 =	vadd.f32 v51, v52;
	v13 =	vsub.f32 $0.0e+00, v13  }
0x101: {  	v54 =	vmul.f32 v53, v53;
	v15 =	vadd.f32 v17, v15;
	v14 =	vsub.f32 $0.0e+00, v14  }
0x102: {  	v13 =	vmul.f32 $1.442695020e+00, v13  }
0x103: {  	v16 =	vadd.f32 v54, v16;
	v15 =	vsub.f32 $0.0e+00, v15;
	v14 =	vmul.f32 $1.442695020e+00, v14  }
0x104: {  	(erf) = vpow2.f32 v13  }
0x105: {  	v13 =	vmul.f32 $1.442695020e+00, v15;
	v15 =	vsub.f32 $0.0e+00, v16;
	(erf) = vpow2.f32 v14;
	_ =	sdelay $0x1  }
0x106: {  	v14 =	vmul.f32 $1.442695020e+00, v15;
	(erf) = vpow2.f32 v13;
	_ =	sdelay $0x1  }
0x107: {  	(erf) = vpow2.f32 v14;
	_ =	sdelay $0x3  }
0x108: {  	v13 =	vpop (erf)  }
0x109: {  	v14 =	vpop (erf)  }
0x10a: {  	v13 =	vadd.f32 v13, v14  }
0x10b: {  	v14 =	vpop (erf)  }
0x10c: {  	v13 =	vadd.f32 v14, v13  }
0x10d: {  	v14 =	vpop (erf)  }
0x10e: {  	v13 =	vadd.f32 v14, v13;
	_ =	sdelay $0x1  }
0x10f: {  	v13 =	vmul.f32 $2.500000000e-01, v13  }
0x110: {  	s19 =	simm.s32 $0xAF10  }
0x111: {  	[tilespmem:s19+$0xFFFFFFF0] =	vst v13  }
0x112: {  	v13 =	vld.idx.msk [tilespmem:v0+s8+$0x100], $0xffff  }
0x113: {  	v14 =	vld.idx.msk [tilespmem:v1+s8+$0x100], $0xffff;
	_ =	sdelay $0x1  }
0x114: {  	v15 =	vld.idx.msk [tilespmem:v2+s8+$0x100], $0xffff;
	_ =	sdelay $0x2  }
0x115: {  	v55 =	vld.idx.msk [tilespmem:v3+s8+$0x100], $0xffff;
	v13 =	vsub.f32 v13, v18;
	v14 =	vsub.f32 v14, v33  }
0x116: {  	v56 =	vld.idx.msk [tilespmem:v4+s8+$0x100], $0xffff  }
0x117: {  	v57 =	vld.idx.msk [tilespmem:v6+s8+$0x100], $0xffff;
	v15 =	vsub.f32 v15, v27;
	v13 =	vmul.f32 v13, v13;
	v14 =	vmul.f32 v14, v14  }
0x118: {  	v58 =	vld.idx.msk [tilespmem:v7+s8+$0x100], $0xffff  }
0x119: {  	v59 =	vld.idx.msk [tilespmem:v5+s8+$0x100], $0xffff;
	v13 =	vadd.f32 v14, v13;
	v14 =	vmul.f32 v15, v15  }
0x11a: {  	v60 =	vld.idx.msk [tilespmem:v9+s8+$0x100], $0xffff  }
0x11b: {  	v16 =	vsub.f32 v55, v21;
	v15 =	vld.idx.msk [tilespmem:v8+s8+$0x100], $0xffff;
	v13 =	vadd.f32 v14, v13  }
0x11c: {  	v17 =	vsub.f32 v56, v31;
	v18 =	vsub.f32 v57, v32;
	v14 =	vld.idx.msk [tilespmem:v10+s8+$0x100], $0xffff  }
0x11d: {  	v19 =	vsub.f32 v58, v26;
	v16 =	vmul.f32 v16, v16;
	v13 =	vsub.f32 $0.0e+00, v13  }
0x11e: {  	v61 =	vld.idx.msk [tilespmem:v11+s8+$0x100], $0xffff;
	v22 =	vsub.f32 v59, v24;
	v17 =	vmul.f32 v17, v17;
	v18 =	vmul.f32 v18, v18  }
0x11f: {  	v19 =	vmul.f32 v19, v19;
	v13 =	vmul.f32 $1.442695020e+00, v13  }
0x120: {  	v62 =	vmul.f32 v22, v22;
	v16 =	vadd.f32 v17, v16;
	v15 =	vsub.f32 v15, v29  }
0x121: {  	v12 =	vsub.f32 v14, v12;
	(erf) = vpow2.f32 v13;
	v13 =	vsub.f32 v60, v23  }
0x122: {  	v18 =	vadd.f32 v19, v18;
	v15 =	vmul.f32 v15, v15;
	v14 =	vadd.f32 v62, v16  }
0x123: {  	v63 =	vsub.f32 v61, v20;
	v12 =	vmul.f32 v12, v12;
	v13 =	vmul.f32 v13, v13  }
0x124: {  	v15 =	vadd.f32 v15, v18;
	v14 =	vsub.f32 $0.0e+00, v14  }
0x125: {  	v16 =	vmul.f32 v63, v63;
	v12 =	vadd.f32 v12, v13  }
0x126: {  	v15 =	vsub.f32 $0.0e+00, v15;
	v13 =	vmul.f32 $1.442695020e+00, v14  }
0x127: {  	v12 =	vadd.f32 v16, v12  }
0x128: {  	v14 =	vmul.f32 $1.442695020e+00, v15;
	(erf) = vpow2.f32 v13;
	_ =	sdelay $0x1  }
0x129: {  	(erf) = vpow2.f32 v14;
	v13 =	vsub.f32 $0.0e+00, v12  }
0x12a: {  	s0 =	simm.s32 $0xAF10;
	s20 =	simm.s32 $0x40;
	v12 =	vpop (erf)  }
.LBB2_5:
0x12b: {  	p3 =	sne.s32 s20, $0x9C0;
	v13 =	vmul.f32 $1.442695020e+00, v13;
	s8 =	sadd.s32 $0x200, s8;
	s19 =	sadd.s32 $0x20, s19  }
0x12c: {  	s9 =	smov.u32 s20;
	s20 =	sadd.s32 $0x40, s20  }
0x12d: {  	(erf) = vpow2.f32 v13;
	_ =	sdelay $0x2  }
0x12e: {  	v13 =	vpop (erf)  }
0x12f: {  	v12 =	vadd.f32 v13, v12  }
0x130: {  	v13 =	vpop (erf)  }
0x131: {  	v12 =	vadd.f32 v13, v12;
	_ =	sdelay $0x2  }
0x132: {  	v13 =	vpop (erf)  }
0x133: {  	v12 =	vadd.f32 v13, v12;
	_ =	sdelay $0x1  }
0x134: {  	v12 =	vmul.f32 $2.500000000e-01, v12;
	_ =	sdelay $0x1  }
0x135: {  	[tilespmem:s0+$0x0] =	vst v12;
	s0 =	smov.u32 s19;
	_ =	sdelay $0x1  }
0x136: {  	v17 =	vld.idx.msk [tilespmem:v5+s8+$0x0], $0xffff  }
0x137: {  	s9 =	sshra.s32 s9, $0x2;
	v18 =	vld.idx.msk [tilespmem:v6+s8+$0x0], $0xffff  }
0x138: {  	v19 =	vld [tilespmem:s9+$0xAA00]  }
0x139: {  	v14 =	vld.idx.msk [tilespmem:v0+s8+$0x0], $0xffff  }
0x13a: {  	v15 =	vld.idx.msk [tilespmem:v3+s8+$0x0], $0xffff  }
0x13b: {  	v20 =	vld.idx.msk [tilespmem:v7+s8+$0x0], $0xffff  }
0x13c: {  	v21 =	vld.idx.msk [tilespmem:v8+s8+$0x0], $0xffff  }
0x13d: {  	v22 =	vbroadcast v19, $0x0;
	v23 =	vld.idx.msk [tilespmem:v4+s8+$0x0], $0xffff;
	v12 =	vbroadcast v19, $0xB  }
0x13e: {  	v25 =	vbroadcast v19, $0x3;
	v13 =	vbroadcast v19, $0x9;
	v24 =	vld.idx.msk [tilespmem:v2+s8+$0x0], $0xffff  }
0x13f: {  	v16 =	vbroadcast v19, $0x7;
	v26 =	vsub.f32 v14, v22;
	v27 =	vld.idx.msk [tilespmem:v1+s8+$0x0], $0xffff;
	v14 =	vbroadcast v19, $0x5  }
0x140: {  	v28 =	vbroadcast v19, $0x2;
	v29 =	vsub.f32 v15, v25;
	v15 =	vbroadcast v19, $0x8;
	v30 =	vld.idx.msk [tilespmem:v10+s8+$0x0], $0xffff  }
0x141: {  	v31 =	vbroadcast v19, $0x4;
	v20 =	vsub.f32 v20, v16;
	v26 =	vmul.f32 v26, v26  }
0x142: {  	v32 =	vbroadcast v19, $0x6;
	v29 =	vmul.f32 v29, v29;
	v21 =	vsub.f32 v21, v15;
	v33 =	vld.idx.msk [tilespmem:v9+s8+$0x0], $0xffff  }
0x143: {  	v34 =	vbroadcast v19, $0x1;
	v23 =	vsub.f32 v23, v31;
	v20 =	vmul.f32 v20, v20  }
0x144: {  	v19 =	vbroadcast v19, $0xA;
	v17 =	vsub.f32 v17, v14;
	v24 =	vsub.f32 v24, v28;
	v35 =	vld.idx.msk [tilespmem:v11+s8+$0x0], $0xffff  }
0x145: {  	v21 =	vmul.f32 v21, v21;
	v27 =	vsub.f32 v27, v34;
	v23 =	vmul.f32 v23, v23  }
0x146: {  	v18 =	vsub.f32 v18, v32;
	v24 =	vmul.f32 v24, v24;
	v30 =	vsub.f32 v30, v19  }
0x147: {  	v17 =	vmul.f32 v17, v17;
	v27 =	vmul.f32 v27, v27;
	v23 =	vadd.f32 v23, v29  }
0x148: {  	v18 =	vmul.f32 v18, v18;
	v29 =	vsub.f32 v33, v13;
	v30 =	vmul.f32 v30, v30  }
0x149: {  	v26 =	vadd.f32 v27, v26;
	v17 =	vadd.f32 v17, v23  }
0x14a: {  	v18 =	vadd.f32 v20, v18;
	v20 =	vmul.f32 v29, v29;
	v23 =	vsub.f32 v35, v12  }
0x14b: {  	v24 =	vadd.f32 v24, v26;
	v17 =	vsub.f32 $0.0e+00, v17  }
0x14c: {  	v18 =	vadd.f32 v21, v18;
	v20 =	vadd.f32 v30, v20;
	v21 =	vmul.f32 v23, v23  }
0x14d: {  	v23 =	vsub.f32 $0.0e+00, v24;
	v17 =	vmul.f32 $1.442695020e+00, v17  }
0x14e: {  	v18 =	vsub.f32 $0.0e+00, v18;
	v20 =	vadd.f32 v21, v20  }
0x14f: {  	v21 =	vmul.f32 $1.442695020e+00, v23;
	(erf) = vpow2.f32 v17  }
0x150: {  	v17 =	vmul.f32 $1.442695020e+00, v18;
	v18 =	vsub.f32 $0.0e+00, v20;
	_ =	sdelay $0x1  }
0x151: {  	(erf) = vpow2.f32 v21;
	_ =	sdelay $0x1  }
0x152: {  	v18 =	vmul.f32 $1.442695020e+00, v18;
	(erf) = vpow2.f32 v17;
	_ =	sdelay $0x1  }
0x153: {  	(erf) = vpow2.f32 v18;
	_ =	sdelay $0x1  }
0x154: {  	v17 =	vpop (erf);
	_ =	sdelay $0x2  }
0x155: {  	v18 =	vpop (erf)  }
0x156: {  	v17 =	vadd.f32 v17, v18  }
0x157: {  	v18 =	vpop (erf)  }
0x158: {  	v17 =	vadd.f32 v18, v17  }
0x159: {  	v18 =	vpop (erf)  }
0x15a: {  	v17 =	vadd.f32 v18, v17;
	_ =	sdelay $0x1  }
0x15b: {  	v17 =	vmul.f32 $2.500000000e-01, v17;
	_ =	sdelay $0x1  }
0x15c: {  	[tilespmem:s19+$0xFFFFFFF0] =	vst v17  }
0x15d: {  	v17 =	vld.idx.msk [tilespmem:v0+s8+$0x100], $0xffff  }
0x15e: {  	v18 =	vld.idx.msk [tilespmem:v1+s8+$0x100], $0xffff  }
0x15f: {  	v20 =	vld.idx.msk [tilespmem:v3+s8+$0x100], $0xffff  }
0x160: {  	v21 =	vld.idx.msk [tilespmem:v2+s8+$0x100], $0xffff;
	_ =	sdelay $0x1  }
0x161: {  	v23 =	vld.idx.msk [tilespmem:v10+s8+$0x100], $0xffff  }
0x162: {  	v17 =	vsub.f32 v17, v22;
	v22 =	vld.idx.msk [tilespmem:v7+s8+$0x100], $0xffff  }
0x163: {  	v18 =	vsub.f32 v18, v34;
	v24 =	vld.idx.msk [tilespmem:v4+s8+$0x100], $0xffff  }
0x164: {  	v20 =	vsub.f32 v20, v25;
	v25 =	vld.idx.msk [tilespmem:v6+s8+$0x100], $0xffff  }
0x165: {  	v17 =	vmul.f32 v17, v17;
	v18 =	vmul.f32 v18, v18;
	v21 =	vsub.f32 v21, v28;
	v26 =	vld.idx.msk [tilespmem:v5+s8+$0x100], $0xffff  }
0x166: {  	v27 =	vld.idx.msk [tilespmem:v8+s8+$0x100], $0xffff  }
0x167: {  	v17 =	vadd.f32 v18, v17;
	v18 =	vmul.f32 v21, v21;
	v19 =	vsub.f32 v23, v19;
	v21 =	vld.idx.msk [tilespmem:v9+s8+$0x100], $0xffff  }
0x168: {  	v16 =	vsub.f32 v22, v16  }
0x169: {  	v17 =	vadd.f32 v18, v17;
	v18 =	vsub.f32 v24, v31  }
0x16a: {  	v20 =	vmul.f32 v20, v20;
	v22 =	vsub.f32 v25, v32;
	v23 =	vld.idx.msk [tilespmem:v11+s8+$0x100], $0xffff  }
0x16b: {  	v17 =	vsub.f32 $0.0e+00, v17;
	v18 =	vmul.f32 v18, v18;
	v14 =	vsub.f32 v26, v14  }
0x16c: {  	v16 =	vmul.f32 v16, v16;
	v22 =	vmul.f32 v22, v22;
	v15 =	vsub.f32 v27, v15  }
0x16d: {  	v17 =	vmul.f32 $1.442695020e+00, v17;
	v18 =	vadd.f32 v18, v20;
	v14 =	vmul.f32 v14, v14  }
0x16e: {  	v16 =	vadd.f32 v16, v22;
	v15 =	vmul.f32 v15, v15  }
0x16f: {  	v13 =	vsub.f32 v21, v13;
	v14 =	vadd.f32 v14, v18;
	(erf) = vpow2.f32 v17  }
0x170: {  	v15 =	vadd.f32 v15, v16;
	v16 =	vmul.f32 v19, v19;
	v12 =	vsub.f32 v23, v12  }
0x171: {  	v13 =	vmul.f32 v13, v13;
	v14 =	vsub.f32 $0.0e+00, v14  }
0x172: {  	v15 =	vsub.f32 $0.0e+00, v15;
	v12 =	vmul.f32 v12, v12  }
0x173: {  	v13 =	vadd.f32 v16, v13;
	v14 =	vmul.f32 $1.442695020e+00, v14  }
.Ltmp5:
0x174: {  	v15 =	vmul.f32 $1.442695020e+00, v15;
	(pc) =	sbr.rel @p3 .LBB2_5-.Ltmp5, $3  }
0x175: {  	v16 =	vadd.f32 v12, v13;
	(erf) = vpow2.f32 v14;
	_ =	sdelay $0x1  }
0x176: {  	v13 =	vsub.f32 $0.0e+00, v16;
	(erf) = vpow2.f32 v15  }
0x177: {  	v12 =	vpop (erf)  }
0x178: {  	v13 =	vmul.f32 $1.442695020e+00, v13;
	_ =	sdelay $0x1  }
0x179: {  	(erf) = vpow2.f32 v13;
	_ =	sdelay $0x4  }
0x17a: {  	v61 =	vpop (erf)  }
0x17b: {  	v12 =	vadd.f32 v61, v12  }
0x17c: {  	v62 =	vpop (erf)  }
0x17d: {  	v12 =	vadd.f32 v62, v12  }
0x17e: {  	v63 =	vpop (erf)  }
0x17f: {  	v12 =	vadd.f32 v63, v12;
	_ =	sdelay $0x1  }
0x180: {  	s8 =	smul.u32 $0xA0, s18;
	s9 =	sadd.s32 s10, s29;
	v12 =	vmul.f32 $2.500000000e-01, v12  }
0x181: {  	p3 =	sgt.u32 s9, $0x4E1  }
0x182: {  	s20 =	sadd.s32 s5, s8;
	s8 =	smul.u32 @!p3 $0xA0, s9;
	[tilespmem:s0+$0x0] =	vst v12  }
0x183: {  	[hbm4b:s20+s2] =	stream.linear.scatter [tilespmem:s26], [sflag:$0x5], $0x500, $0x38;
	[tilespmem:$0xB900] =	vst v63  }
.Ltmp6:
0x184: {  	_ = 	snop;
	(pc) =	sbr.rel @p1 .LBB2_10-.Ltmp6, $4  }
0x185: {  	s9 =	smul.u32 @!p3 $0x50, s9;
	s0 =	sadd.s32 @!p3 s1, s8;
	s8 =	simm.s32 @!p3 $0x0  }
0x186: {  	[tilespmem:s8], [sflag:$0x1] =	stream.linear.gather @!p3 [hbm4b:s0+s8], $0x500, $0x38;
	[tilespmem:$0xB900] =	vst v63  }
0x187: {  	s0 =	sadd.s32 @!p3 s4, s9;
	s9 =	simm.s32 @!p3 $0xAA00  }
0x188: {  	[tilespmem:s9], [sflag:$0x1] =	stream.linear.gather @!p3 [hbm4b:s0+s8], $0x280, $0x38;
	[tilespmem:$0xB900] =	vst v63  }
0x189: {  	_ =	swait.ge [sflag:s7], $0x5000  }
0x18a: {  	[sflag:s7] =	ssyncset.done $0x0  }
0x18b: {  	s0 =	simm.s32 @!p2 $0x6;
	[sflag:s7] =	ssyncadd.s32 $0xFFFFB000  }
0x18c: {  	_ =	swait.ge @!p2 [sflag:s0], $0x500  }
0x18d: {  	[sflag:s0] =	ssyncset.done @!p2 $0x0  }
0x18e: {  	s20 =	simm.s32 $0x0;
	[sflag:s0] =	ssyncadd.s32 @!p2 $0xFFFFFB00  }
0x18f: {  	s8 =	simm.s32 $0x5A00;
	v12 =	vld [tilespmem:s20+$0xAC80]  }
0x190: {  	v13 =	vld.idx.msk [tilespmem:v5+s8+$0x0], $0xffff  }
0x191: {  	v14 =	vld.idx.msk [tilespmem:v0+s8+$0x0], $0xffff  }
0x192: {  	v15 =	vld.idx.msk [tilespmem:v3+s8+$0x0], $0xffff  }
0x193: {  	v16 =	vld.idx.msk [tilespmem:v7+s8+$0x0], $0xffff  }
0x194: {  	v17 =	vld.idx.msk [tilespmem:v8+s8+$0x0], $0xffff  }
0x195: {  	v19 =	vld.idx.msk [tilespmem:v4+s8+$0x0], $0xffff;
	v18 =	vbroadcast v12, $0x0  }
0x196: {  	v22 =	vld.idx.msk [tilespmem:v2+s8+$0x0], $0xffff;
	v20 =	vbroadcast v12, $0xB;
	v21 =	vbroadcast v12, $0x3  }
0x197: {  	v25 =	vld.idx.msk [tilespmem:v1+s8+$0x0], $0xffff;
	v23 =	vbroadcast v12, $0x9;
	v24 =	vbroadcast v12, $0x5  }
0x198: {  	v28 =	vld.idx.msk [tilespmem:v6+s8+$0x0], $0xffff;
	v26 =	vbroadcast v12, $0x7;
	v27 =	vbroadcast v12, $0x2  }
0x199: {  	v30 =	vld.idx.msk [tilespmem:v10+s8+$0x0], $0xffff;
	v29 =	vbroadcast v12, $0x8;
	v31 =	vbroadcast v12, $0x4  }
0x19a: {  	v34 =	vld.idx.msk [tilespmem:v9+s8+$0x0], $0xffff;
	v32 =	vbroadcast v12, $0x6;
	v14 =	vsub.f32 v14, v18;
	v15 =	vsub.f32 v15, v21  }
0x19b: {  	v35 =	vld.idx.msk [tilespmem:v11+s8+$0x0], $0xffff;
	v33 =	vbroadcast v12, $0x1;
	v16 =	vsub.f32 v16, v26;
	v17 =	vsub.f32 v17, v29  }
0x19c: {  	v12 =	vbroadcast v12, $0xA;
	v19 =	vsub.f32 v19, v31;
	v22 =	vsub.f32 v22, v27  }
0x19d: {  	v25 =	vsub.f32 v25, v33;
	v13 =	vsub.f32 v13, v24  }
0x19e: {  	v28 =	vsub.f32 v28, v32;
	v30 =	vsub.f32 v30, v12  }
0x19f: {  	v50 =	vsub.f32 v34, v23;
	v15 =	vmul.f32 v15, v15;
	v19 =	vmul.f32 v19, v19  }
0x1a0: {  	v53 =	vsub.f32 v35, v20;
	v14 =	vmul.f32 v14, v14;
	v25 =	vmul.f32 v25, v25  }
0x1a1: {  	v16 =	vmul.f32 v16, v16;
	v13 =	vmul.f32 v13, v13;
	v15 =	vadd.f32 v19, v15  }
0x1a2: {  	v49 =	vmul.f32 v28, v28;
	v22 =	vmul.f32 v22, v22;
	v14 =	vadd.f32 v25, v14  }
0x1a3: {  	v51 =	vmul.f32 v30, v30;
	v52 =	vmul.f32 v50, v50;
	v13 =	vadd.f32 v13, v15  }
0x1a4: {  	v17 =	vmul.f32 v17, v17;
	v15 =	vadd.f32 v16, v49;
	v14 =	vadd.f32 v22, v14  }
0x1a5: {  	v16 =	vadd.f32 v51, v52;
	v13 =	vsub.f32 $0.0e+00, v13  }
0x1a6: {  	v54 =	vmul.f32 v53, v53;
	v15 =	vadd.f32 v17, v15;
	v14 =	vsub.f32 $0.0e+00, v14  }
0x1a7: {  	v13 =	vmul.f32 $1.442695020e+00, v13  }
0x1a8: {  	v16 =	vadd.f32 v54, v16;
	v15 =	vsub.f32 $0.0e+00, v15;
	v14 =	vmul.f32 $1.442695020e+00, v14  }
0x1a9: {  	(erf) = vpow2.f32 v13  }
0x1aa: {  	v13 =	vmul.f32 $1.442695020e+00, v15;
	v15 =	vsub.f32 $0.0e+00, v16;
	(erf) = vpow2.f32 v14;
	_ =	sdelay $0x1  }
0x1ab: {  	v14 =	vmul.f32 $1.442695020e+00, v15;
	(erf) = vpow2.f32 v13;
	_ =	sdelay $0x1  }
0x1ac: {  	(erf) = vpow2.f32 v14;
	_ =	sdelay $0x3  }
0x1ad: {  	v13 =	vpop (erf)  }
0x1ae: {  	v14 =	vpop (erf)  }
0x1af: {  	v13 =	vadd.f32 v13, v14  }
0x1b0: {  	v14 =	vpop (erf)  }
0x1b1: {  	v13 =	vadd.f32 v14, v13  }
0x1b2: {  	v14 =	vpop (erf)  }
0x1b3: {  	v13 =	vadd.f32 v14, v13;
	_ =	sdelay $0x1  }
0x1b4: {  	v13 =	vmul.f32 $2.500000000e-01, v13  }
0x1b5: {  	s18 =	simm.s32 $0xB410  }
0x1b6: {  	[tilespmem:s18+$0xFFFFFFF0] =	vst v13  }
0x1b7: {  	v13 =	vld.idx.msk [tilespmem:v0+s8+$0x100], $0xffff  }
0x1b8: {  	v14 =	vld.idx.msk [tilespmem:v1+s8+$0x100], $0xffff;
	_ =	sdelay $0x1  }
0x1b9: {  	v15 =	vld.idx.msk [tilespmem:v2+s8+$0x100], $0xffff;
	_ =	sdelay $0x2  }
0x1ba: {  	v55 =	vld.idx.msk [tilespmem:v3+s8+$0x100], $0xffff;
	v13 =	vsub.f32 v13, v18;
	v14 =	vsub.f32 v14, v33  }
0x1bb: {  	v56 =	vld.idx.msk [tilespmem:v4+s8+$0x100], $0xffff  }
0x1bc: {  	v57 =	vld.idx.msk [tilespmem:v6+s8+$0x100], $0xffff;
	v15 =	vsub.f32 v15, v27;
	v13 =	vmul.f32 v13, v13;
	v14 =	vmul.f32 v14, v14  }
0x1bd: {  	v58 =	vld.idx.msk [tilespmem:v7+s8+$0x100], $0xffff  }
0x1be: {  	v59 =	vld.idx.msk [tilespmem:v5+s8+$0x100], $0xffff;
	v13 =	vadd.f32 v14, v13;
	v14 =	vmul.f32 v15, v15  }
0x1bf: {  	v60 =	vld.idx.msk [tilespmem:v9+s8+$0x100], $0xffff  }
0x1c0: {  	v16 =	vsub.f32 v55, v21;
	v15 =	vld.idx.msk [tilespmem:v8+s8+$0x100], $0xffff;
	v13 =	vadd.f32 v14, v13  }
0x1c1: {  	v17 =	vsub.f32 v56, v31;
	v18 =	vsub.f32 v57, v32;
	v14 =	vld.idx.msk [tilespmem:v10+s8+$0x100], $0xffff  }
0x1c2: {  	v19 =	vsub.f32 v58, v26;
	v16 =	vmul.f32 v16, v16;
	v13 =	vsub.f32 $0.0e+00, v13  }
0x1c3: {  	v61 =	vld.idx.msk [tilespmem:v11+s8+$0x100], $0xffff;
	v22 =	vsub.f32 v59, v24;
	v17 =	vmul.f32 v17, v17;
	v18 =	vmul.f32 v18, v18  }
0x1c4: {  	v19 =	vmul.f32 v19, v19;
	v13 =	vmul.f32 $1.442695020e+00, v13  }
0x1c5: {  	v62 =	vmul.f32 v22, v22;
	v16 =	vadd.f32 v17, v16;
	v15 =	vsub.f32 v15, v29  }
0x1c6: {  	v12 =	vsub.f32 v14, v12;
	(erf) = vpow2.f32 v13;
	v13 =	vsub.f32 v60, v23  }
0x1c7: {  	v18 =	vadd.f32 v19, v18;
	v15 =	vmul.f32 v15, v15;
	v14 =	vadd.f32 v62, v16  }
0x1c8: {  	v63 =	vsub.f32 v61, v20;
	v12 =	vmul.f32 v12, v12;
	v13 =	vmul.f32 v13, v13  }
0x1c9: {  	v15 =	vadd.f32 v15, v18;
	v14 =	vsub.f32 $0.0e+00, v14  }
0x1ca: {  	v16 =	vmul.f32 v63, v63;
	v12 =	vadd.f32 v12, v13  }
0x1cb: {  	v15 =	vsub.f32 $0.0e+00, v15;
	v13 =	vmul.f32 $1.442695020e+00, v14  }
0x1cc: {  	v12 =	vadd.f32 v16, v12  }
0x1cd: {  	v14 =	vmul.f32 $1.442695020e+00, v15;
	(erf) = vpow2.f32 v13;
	_ =	sdelay $0x1  }
0x1ce: {  	(erf) = vpow2.f32 v14;
	v13 =	vsub.f32 $0.0e+00, v12  }
0x1cf: {  	s19 =	simm.s32 $0x40;
	s0 =	simm.s32 $0xB410;
	v12 =	vpop (erf)  }
.LBB2_8:
0x1d0: {  	p1 =	sne.s32 s19, $0x9C0;
	v13 =	vmul.f32 $1.442695020e+00, v13;
	s8 =	sadd.s32 $0x200, s8;
	s18 =	sadd.s32 $0x20, s18  }
0x1d1: {  	s9 =	smov.u32 s19;
	s19 =	sadd.s32 $0x40, s19  }
0x1d2: {  	(erf) = vpow2.f32 v13;
	_ =	sdelay $0x2  }
0x1d3: {  	v13 =	vpop (erf)  }
0x1d4: {  	v12 =	vadd.f32 v13, v12  }
0x1d5: {  	v13 =	vpop (erf)  }
0x1d6: {  	v12 =	vadd.f32 v13, v12;
	_ =	sdelay $0x2  }
0x1d7: {  	v13 =	vpop (erf)  }
0x1d8: {  	v12 =	vadd.f32 v13, v12;
	_ =	sdelay $0x1  }
0x1d9: {  	v12 =	vmul.f32 $2.500000000e-01, v12;
	_ =	sdelay $0x1  }
0x1da: {  	[tilespmem:s0+$0x0] =	vst v12;
	s0 =	smov.u32 s18;
	_ =	sdelay $0x1  }
0x1db: {  	v17 =	vld.idx.msk [tilespmem:v5+s8+$0x0], $0xffff  }
0x1dc: {  	s9 =	sshra.s32 s9, $0x2;
	v18 =	vld.idx.msk [tilespmem:v6+s8+$0x0], $0xffff  }
0x1dd: {  	v19 =	vld [tilespmem:s9+$0xAC80]  }
0x1de: {  	v14 =	vld.idx.msk [tilespmem:v0+s8+$0x0], $0xffff  }
0x1df: {  	v15 =	vld.idx.msk [tilespmem:v3+s8+$0x0], $0xffff  }
0x1e0: {  	v20 =	vld.idx.msk [tilespmem:v7+s8+$0x0], $0xffff  }
0x1e1: {  	v21 =	vld.idx.msk [tilespmem:v8+s8+$0x0], $0xffff  }
0x1e2: {  	v22 =	vbroadcast v19, $0x0;
	v23 =	vld.idx.msk [tilespmem:v4+s8+$0x0], $0xffff;
	v12 =	vbroadcast v19, $0xB  }
0x1e3: {  	v25 =	vbroadcast v19, $0x3;
	v13 =	vbroadcast v19, $0x9;
	v24 =	vld.idx.msk [tilespmem:v2+s8+$0x0], $0xffff  }
0x1e4: {  	v16 =	vbroadcast v19, $0x7;
	v26 =	vsub.f32 v14, v22;
	v27 =	vld.idx.msk [tilespmem:v1+s8+$0x0], $0xffff;
	v14 =	vbroadcast v19, $0x5  }
0x1e5: {  	v28 =	vbroadcast v19, $0x2;
	v29 =	vsub.f32 v15, v25;
	v15 =	vbroadcast v19, $0x8;
	v30 =	vld.idx.msk [tilespmem:v10+s8+$0x0], $0xffff  }
0x1e6: {  	v31 =	vbroadcast v19, $0x4;
	v20 =	vsub.f32 v20, v16;
	v26 =	vmul.f32 v26, v26  }
0x1e7: {  	v32 =	vbroadcast v19, $0x6;
	v29 =	vmul.f32 v29, v29;
	v21 =	vsub.f32 v21, v15;
	v33 =	vld.idx.msk [tilespmem:v9+s8+$0x0], $0xffff  }
0x1e8: {  	v34 =	vbroadcast v19, $0x1;
	v23 =	vsub.f32 v23, v31;
	v20 =	vmul.f32 v20, v20  }
0x1e9: {  	v19 =	vbroadcast v19, $0xA;
	v17 =	vsub.f32 v17, v14;
	v24 =	vsub.f32 v24, v28;
	v35 =	vld.idx.msk [tilespmem:v11+s8+$0x0], $0xffff  }
0x1ea: {  	v21 =	vmul.f32 v21, v21;
	v27 =	vsub.f32 v27, v34;
	v23 =	vmul.f32 v23, v23  }
0x1eb: {  	v18 =	vsub.f32 v18, v32;
	v24 =	vmul.f32 v24, v24;
	v30 =	vsub.f32 v30, v19  }
0x1ec: {  	v17 =	vmul.f32 v17, v17;
	v27 =	vmul.f32 v27, v27;
	v23 =	vadd.f32 v23, v29  }
0x1ed: {  	v18 =	vmul.f32 v18, v18;
	v29 =	vsub.f32 v33, v13;
	v30 =	vmul.f32 v30, v30  }
0x1ee: {  	v26 =	vadd.f32 v27, v26;
	v17 =	vadd.f32 v17, v23  }
0x1ef: {  	v18 =	vadd.f32 v20, v18;
	v20 =	vmul.f32 v29, v29;
	v23 =	vsub.f32 v35, v12  }
0x1f0: {  	v24 =	vadd.f32 v24, v26;
	v17 =	vsub.f32 $0.0e+00, v17  }
0x1f1: {  	v18 =	vadd.f32 v21, v18;
	v20 =	vadd.f32 v30, v20;
	v21 =	vmul.f32 v23, v23  }
0x1f2: {  	v23 =	vsub.f32 $0.0e+00, v24;
	v17 =	vmul.f32 $1.442695020e+00, v17  }
0x1f3: {  	v18 =	vsub.f32 $0.0e+00, v18;
	v20 =	vadd.f32 v21, v20  }
0x1f4: {  	v21 =	vmul.f32 $1.442695020e+00, v23;
	(erf) = vpow2.f32 v17  }
0x1f5: {  	v17 =	vmul.f32 $1.442695020e+00, v18;
	v18 =	vsub.f32 $0.0e+00, v20;
	_ =	sdelay $0x1  }
0x1f6: {  	(erf) = vpow2.f32 v21;
	_ =	sdelay $0x1  }
0x1f7: {  	v18 =	vmul.f32 $1.442695020e+00, v18;
	(erf) = vpow2.f32 v17;
	_ =	sdelay $0x1  }
0x1f8: {  	(erf) = vpow2.f32 v18;
	_ =	sdelay $0x1  }
0x1f9: {  	v17 =	vpop (erf);
	_ =	sdelay $0x2  }
0x1fa: {  	v18 =	vpop (erf)  }
0x1fb: {  	v17 =	vadd.f32 v17, v18  }
0x1fc: {  	v18 =	vpop (erf)  }
0x1fd: {  	v17 =	vadd.f32 v18, v17  }
0x1fe: {  	v18 =	vpop (erf)  }
0x1ff: {  	v17 =	vadd.f32 v18, v17;
	_ =	sdelay $0x1  }
0x200: {  	v17 =	vmul.f32 $2.500000000e-01, v17;
	_ =	sdelay $0x1  }
0x201: {  	[tilespmem:s18+$0xFFFFFFF0] =	vst v17  }
0x202: {  	v17 =	vld.idx.msk [tilespmem:v0+s8+$0x100], $0xffff  }
0x203: {  	v18 =	vld.idx.msk [tilespmem:v1+s8+$0x100], $0xffff  }
0x204: {  	v20 =	vld.idx.msk [tilespmem:v3+s8+$0x100], $0xffff  }
0x205: {  	v21 =	vld.idx.msk [tilespmem:v2+s8+$0x100], $0xffff;
	_ =	sdelay $0x1  }
0x206: {  	v23 =	vld.idx.msk [tilespmem:v10+s8+$0x100], $0xffff  }
0x207: {  	v17 =	vsub.f32 v17, v22;
	v22 =	vld.idx.msk [tilespmem:v7+s8+$0x100], $0xffff  }
0x208: {  	v18 =	vsub.f32 v18, v34;
	v24 =	vld.idx.msk [tilespmem:v4+s8+$0x100], $0xffff  }
0x209: {  	v20 =	vsub.f32 v20, v25;
	v25 =	vld.idx.msk [tilespmem:v6+s8+$0x100], $0xffff  }
0x20a: {  	v17 =	vmul.f32 v17, v17;
	v18 =	vmul.f32 v18, v18;
	v21 =	vsub.f32 v21, v28;
	v26 =	vld.idx.msk [tilespmem:v5+s8+$0x100], $0xffff  }
0x20b: {  	v27 =	vld.idx.msk [tilespmem:v8+s8+$0x100], $0xffff  }
0x20c: {  	v17 =	vadd.f32 v18, v17;
	v18 =	vmul.f32 v21, v21;
	v19 =	vsub.f32 v23, v19;
	v21 =	vld.idx.msk [tilespmem:v9+s8+$0x100], $0xffff  }
0x20d: {  	v16 =	vsub.f32 v22, v16  }
0x20e: {  	v17 =	vadd.f32 v18, v17;
	v18 =	vsub.f32 v24, v31  }
0x20f: {  	v20 =	vmul.f32 v20, v20;
	v22 =	vsub.f32 v25, v32;
	v23 =	vld.idx.msk [tilespmem:v11+s8+$0x100], $0xffff  }
0x210: {  	v17 =	vsub.f32 $0.0e+00, v17;
	v18 =	vmul.f32 v18, v18;
	v14 =	vsub.f32 v26, v14  }
0x211: {  	v16 =	vmul.f32 v16, v16;
	v22 =	vmul.f32 v22, v22;
	v15 =	vsub.f32 v27, v15  }
0x212: {  	v17 =	vmul.f32 $1.442695020e+00, v17;
	v18 =	vadd.f32 v18, v20;
	v14 =	vmul.f32 v14, v14  }
0x213: {  	v16 =	vadd.f32 v16, v22;
	v15 =	vmul.f32 v15, v15  }
0x214: {  	v13 =	vsub.f32 v21, v13;
	v14 =	vadd.f32 v14, v18;
	(erf) = vpow2.f32 v17  }
0x215: {  	v15 =	vadd.f32 v15, v16;
	v16 =	vmul.f32 v19, v19;
	v12 =	vsub.f32 v23, v12  }
0x216: {  	v13 =	vmul.f32 v13, v13;
	v14 =	vsub.f32 $0.0e+00, v14  }
0x217: {  	v15 =	vsub.f32 $0.0e+00, v15;
	v12 =	vmul.f32 v12, v12  }
0x218: {  	v13 =	vadd.f32 v16, v13;
	v14 =	vmul.f32 $1.442695020e+00, v14  }
.Ltmp7:
0x219: {  	v15 =	vmul.f32 $1.442695020e+00, v15;
	(pc) =	sbr.rel @p1 .LBB2_8-.Ltmp7, $3  }
0x21a: {  	v16 =	vadd.f32 v12, v13;
	(erf) = vpow2.f32 v14;
	_ =	sdelay $0x1  }
0x21b: {  	v13 =	vsub.f32 $0.0e+00, v16;
	(erf) = vpow2.f32 v15  }
0x21c: {  	v12 =	vpop (erf)  }
0x21d: {  	v13 =	vmul.f32 $1.442695020e+00, v13;
	_ =	sdelay $0x1  }
0x21e: {  	(erf) = vpow2.f32 v13;
	_ =	sdelay $0x4  }
0x21f: {  	v61 =	vpop (erf)  }
0x220: {  	v12 =	vadd.f32 v61, v12  }
0x221: {  	v62 =	vpop (erf)  }
0x222: {  	v12 =	vadd.f32 v62, v12  }
0x223: {  	v63 =	vpop (erf)  }
0x224: {  	v12 =	vadd.f32 v63, v12;
	_ =	sdelay $0x1  }
0x225: {  	s8 =	smul.u32 $0xA0, s13;
	v12 =	vmul.f32 $2.500000000e-01, v12;
	_ =	sdelay $0x1  }
0x226: {  	s20 =	sadd.s32 s5, s8;
	[tilespmem:s0+$0x0] =	vst v12  }
0x227: {  	[hbm4b:s20+s2] =	stream.linear.scatter [tilespmem:s28], [sflag:$0x6], $0x500, $0x38;
	[tilespmem:$0xB900] =	vst v63  }
.LBB2_10:
.Ltmp8:
0x228: {  	(pc) =	sbr.rel @p3 .LBB2_12-.Ltmp8, $1  }
0x229: {  	_ =	sdelay $0x3  }
0x22a: {  	_ =	swait.ge [sflag:s14], $0x500  }
0x22b: {  	[sflag:s14] =	ssyncset.done $0x0  }
0x22c: {  	[sflag:s14] =	ssyncadd.s32 $0xFFFFFB00  }
0x22d: {  	_ =	swait.ge [sflag:s14], $0x280  }
0x22e: {  	[sflag:s14] =	ssyncset.done $0x0  }
0x22f: {  	s0 =	simm.s32 $0xA00;
	[sflag:s14] =	ssyncadd.s32 $0xFFFFFD80  }
0x230: {  	[tilespmem:s0], [sflag:$0x3] =	stream.indirect.gather [hbm4b:s4+s15], $0x10, s2, s15, $0xb8;
	[tilespmem:$0xB900] =	vst v63  }
0x231: {  	s13 =	simm.s32 $0xC00  }
0x232: {  	[tilespmem:s13], [sflag:$0x3] =	stream.indirect.gather [hbm4b:s4+s15], $0x10, s15, s15, $0xb8;
	[tilespmem:$0xB900] =	vst v63  }
0x233: {  	s18 =	simm.s32 $0x40;
	s8 =	simm.s32 $0xE00  }
0x234: {  	[tilespmem:s8], [sflag:$0x3] =	stream.indirect.gather [hbm4b:s4+s15], $0x10, s18, s15, $0xb8;
	[tilespmem:$0xB900] =	vst v63  }
0x235: {  	s19 =	simm.s32 $0x60;
	s20 =	simm.s32 $0x1000  }
0x236: {  	[tilespmem:s20], [sflag:$0x3] =	stream.indirect.gather [hbm4b:s4+s15], $0x10, s19, s15, $0xb8;
	[tilespmem:$0xB900] =	vst v63  }
0x237: {  	s9 =	simm.s32 $0x1200;
	s8 =	simm.s32 $0x80  }
0x238: {  	[tilespmem:s9], [sflag:$0x3] =	stream.indirect.gather [hbm4b:s4+s15], $0x10, s8, s15, $0xb8;
	[tilespmem:$0xB900] =	vst v63  }
0x239: {  	s13 =	simm.s32 $0xA0;
	s18 =	simm.s32 $0x1400  }
0x23a: {  	[tilespmem:s18], [sflag:$0x3] =	stream.indirect.gather [hbm4b:s4+s15], $0x10, s13, s15, $0xb8;
	[tilespmem:$0xB900] =	vst v63  }
0x23b: {  	s19 =	simm.s32 $0xC0;
	s20 =	simm.s32 $0x1600  }
0x23c: {  	[tilespmem:s20], [sflag:$0x3] =	stream.indirect.gather [hbm4b:s4+s15], $0x10, s19, s15, $0xb8;
	[tilespmem:$0xB900] =	vst v63  }
0x23d: {  	s8 =	simm.s32 $0xE0;
	s9 =	simm.s32 $0x1800  }
0x23e: {  	[tilespmem:s9], [sflag:$0x3] =	stream.indirect.gather [hbm4b:s4+s15], $0x10, s8, s15, $0xb8;
	[tilespmem:$0xB900] =	vst v63  }
0x23f: {  	s13 =	simm.s32 $0x100;
	s18 =	simm.s32 $0x1A00  }
0x240: {  	[tilespmem:s18], [sflag:$0x3] =	stream.indirect.gather [hbm4b:s4+s15], $0x10, s13, s15, $0xb8;
	[tilespmem:$0xB900] =	vst v63  }
0x241: {  	s19 =	simm.s32 $0x120;
	s20 =	simm.s32 $0x1C00  }
0x242: {  	[tilespmem:s20], [sflag:$0x3] =	stream.indirect.gather [hbm4b:s4+s15], $0x10, s19, s15, $0xb8;
	[tilespmem:$0xB900] =	vst v63  }
0x243: {  	s8 =	simm.s32 $0x140;
	s9 =	simm.s32 $0x1E00  }
0x244: {  	[tilespmem:s9], [sflag:$0x3] =	stream.indirect.gather [hbm4b:s4+s15], $0x10, s8, s15, $0xb8;
	[tilespmem:$0xB900] =	vst v63  }
0x245: {  	s13 =	simm.s32 $0x160;
	s18 =	simm.s32 $0x2000  }
0x246: {  	[tilespmem:s18], [sflag:$0x3] =	stream.indirect.gather [hbm4b:s4+s15], $0x10, s13, s15, $0xb8;
	[tilespmem:$0xB900] =	vst v63  }
0x247: {  	s19 =	simm.s32 $0x180;
	s20 =	simm.s32 $0x2200  }
0x248: {  	[tilespmem:s20], [sflag:$0x3] =	stream.indirect.gather [hbm4b:s4+s15], $0x10, s19, s15, $0xb8;
	[tilespmem:$0xB900] =	vst v63  }
0x249: {  	s8 =	simm.s32 $0x1A0;
	s9 =	simm.s32 $0x2400  }
0x24a: {  	[tilespmem:s9], [sflag:$0x3] =	stream.indirect.gather [hbm4b:s4+s15], $0x10, s8, s15, $0xb8;
	[tilespmem:$0xB900] =	vst v63  }
0x24b: {  	s13 =	simm.s32 $0x1C0;
	s18 =	simm.s32 $0x2600  }
0x24c: {  	[tilespmem:s18], [sflag:$0x3] =	stream.indirect.gather [hbm4b:s4+s15], $0x10, s13, s15, $0xb8;
	[tilespmem:$0xB900] =	vst v63  }
0x24d: {  	s19 =	simm.s32 $0x1E0;
	s20 =	simm.s32 $0x2800  }
0x24e: {  	[tilespmem:s20], [sflag:$0x3] =	stream.indirect.gather [hbm4b:s4+s15], $0x10, s19, s15, $0xb8;
	[tilespmem:$0xB900] =	vst v63  }
0x24f: {  	s8 =	simm.s32 $0x200;
	s9 =	simm.s32 $0x2A00  }
0x250: {  	[tilespmem:s9], [sflag:$0x3] =	stream.indirect.gather [hbm4b:s4+s15], $0x10, s8, s15, $0xb8;
	[tilespmem:$0xB900] =	vst v63  }
0x251: {  	s13 =	simm.s32 $0x220;
	s18 =	simm.s32 $0x2C00  }
0x252: {  	[tilespmem:s18], [sflag:$0x3] =	stream.indirect.gather [hbm4b:s4+s15], $0x10, s13, s15, $0xb8;
	[tilespmem:$0xB900] =	vst v63  }
0x253: {  	s19 =	simm.s32 $0x240;
	s20 =	simm.s32 $0x2E00  }
0x254: {  	[tilespmem:s20], [sflag:$0x3] =	stream.indirect.gather [hbm4b:s4+s15], $0x10, s19, s15, $0xb8;
	[tilespmem:$0xB900] =	vst v63  }
0x255: {  	s8 =	simm.s32 $0x260;
	s9 =	simm.s32 $0x3000  }
0x256: {  	[tilespmem:s9], [sflag:$0x3] =	stream.indirect.gather [hbm4b:s4+s15], $0x10, s8, s15, $0xb8;
	[tilespmem:$0xB900] =	vst v63  }
0x257: {  	s13 =	simm.s32 $0x280;
	s18 =	simm.s32 $0x3200  }
0x258: {  	[tilespmem:s18], [sflag:$0x3] =	stream.indirect.gather [hbm4b:s4+s15], $0x10, s13, s15, $0xb8;
	[tilespmem:$0xB900] =	vst v63  }
0x259: {  	s19 =	simm.s32 $0x2A0;
	s20 =	simm.s32 $0x3400  }
0x25a: {  	[tilespmem:s20], [sflag:$0x3] =	stream.indirect.gather [hbm4b:s4+s15], $0x10, s19, s15, $0xb8;
	[tilespmem:$0xB900] =	vst v63  }
0x25b: {  	s8 =	simm.s32 $0x2C0;
	s9 =	simm.s32 $0x3600  }
0x25c: {  	[tilespmem:s9], [sflag:$0x3] =	stream.indirect.gather [hbm4b:s4+s15], $0x10, s8, s15, $0xb8;
	[tilespmem:$0xB900] =	vst v63  }
0x25d: {  	s13 =	simm.s32 $0x2E0;
	s18 =	simm.s32 $0x3800  }
0x25e: {  	[tilespmem:s18], [sflag:$0x3] =	stream.indirect.gather [hbm4b:s4+s15], $0x10, s13, s15, $0xb8;
	[tilespmem:$0xB900] =	vst v63  }
0x25f: {  	s19 =	simm.s32 $0x300;
	s20 =	simm.s32 $0x3A00  }
0x260: {  	[tilespmem:s20], [sflag:$0x3] =	stream.indirect.gather [hbm4b:s4+s15], $0x10, s19, s15, $0xb8;
	[tilespmem:$0xB900] =	vst v63  }
0x261: {  	s8 =	simm.s32 $0x320;
	s9 =	simm.s32 $0x3C00  }
0x262: {  	[tilespmem:s9], [sflag:$0x3] =	stream.indirect.gather [hbm4b:s4+s15], $0x10, s8, s15, $0xb8;
	[tilespmem:$0xB900] =	vst v63  }
0x263: {  	s13 =	simm.s32 $0x340;
	s18 =	simm.s32 $0x3E00  }
0x264: {  	[tilespmem:s18], [sflag:$0x3] =	stream.indirect.gather [hbm4b:s4+s15], $0x10, s13, s15, $0xb8;
	[tilespmem:$0xB900] =	vst v63  }
0x265: {  	s19 =	simm.s32 $0x360;
	s20 =	simm.s32 $0x4000  }
0x266: {  	[tilespmem:s20], [sflag:$0x3] =	stream.indirect.gather [hbm4b:s4+s15], $0x10, s19, s15, $0xb8;
	[tilespmem:$0xB900] =	vst v63  }
0x267: {  	s8 =	simm.s32 $0x380;
	s9 =	simm.s32 $0x4200  }
0x268: {  	[tilespmem:s9], [sflag:$0x3] =	stream.indirect.gather [hbm4b:s4+s15], $0x10, s8, s15, $0xb8;
	[tilespmem:$0xB900] =	vst v63  }
0x269: {  	s13 =	simm.s32 $0x3A0;
	s18 =	simm.s32 $0x4400  }
0x26a: {  	[tilespmem:s18], [sflag:$0x3] =	stream.indirect.gather [hbm4b:s4+s15], $0x10, s13, s15, $0xb8;
	[tilespmem:$0xB900] =	vst v63  }
0x26b: {  	s19 =	simm.s32 $0x3C0;
	s20 =	simm.s32 $0x4600  }
0x26c: {  	[tilespmem:s20], [sflag:$0x3] =	stream.indirect.gather [hbm4b:s4+s15], $0x10, s19, s15, $0xb8;
	[tilespmem:$0xB900] =	vst v63  }
0x26d: {  	s8 =	simm.s32 $0x3E0;
	s9 =	simm.s32 $0x4800  }
0x26e: {  	[tilespmem:s9], [sflag:$0x3] =	stream.indirect.gather [hbm4b:s4+s15], $0x10, s8, s15, $0xb8;
	[tilespmem:$0xB900] =	vst v63  }
0x26f: {  	s13 =	simm.s32 $0x400;
	s18 =	simm.s32 $0x4A00  }
0x270: {  	[tilespmem:s18], [sflag:$0x3] =	stream.indirect.gather [hbm4b:s4+s15], $0x10, s13, s15, $0xb8;
	[tilespmem:$0xB900] =	vst v63  }
0x271: {  	s19 =	simm.s32 $0x420;
	s20 =	simm.s32 $0x4C00  }
0x272: {  	[tilespmem:s20], [sflag:$0x3] =	stream.indirect.gather [hbm4b:s4+s15], $0x10, s19, s15, $0xb8;
	[tilespmem:$0xB900] =	vst v63  }
0x273: {  	s8 =	simm.s32 $0x440;
	s9 =	simm.s32 $0x4E00  }
0x274: {  	[tilespmem:s9], [sflag:$0x3] =	stream.indirect.gather [hbm4b:s4+s15], $0x10, s8, s15, $0xb8;
	[tilespmem:$0xB900] =	vst v63  }
0x275: {  	s13 =	simm.s32 $0x460;
	s18 =	simm.s32 $0x5000  }
0x276: {  	[tilespmem:s18], [sflag:$0x3] =	stream.indirect.gather [hbm4b:s4+s15], $0x10, s13, s15, $0xb8;
	[tilespmem:$0xB900] =	vst v63  }
0x277: {  	s19 =	simm.s32 $0x480;
	s20 =	simm.s32 $0x5200  }
0x278: {  	[tilespmem:s20], [sflag:$0x3] =	stream.indirect.gather [hbm4b:s4+s15], $0x10, s19, s15, $0xb8;
	[tilespmem:$0xB900] =	vst v63  }
0x279: {  	s8 =	simm.s32 $0x4A0;
	s9 =	simm.s32 $0x5400  }
0x27a: {  	[tilespmem:s9], [sflag:$0x3] =	stream.indirect.gather [hbm4b:s4+s15], $0x10, s8, s15, $0xb8;
	[tilespmem:$0xB900] =	vst v63  }
.Ltmp9:
0x27b: {  	_ = 	snop;
	(pc) =	sbr.rel .LBB2_12-.Ltmp9, $4  }
0x27c: {  	s13 =	simm.s32 $0x4C0;
	s18 =	simm.s32 $0x5600  }
0x27d: {  	[tilespmem:s18], [sflag:$0x3] =	stream.indirect.gather [hbm4b:s4+s15], $0x10, s13, s15, $0xb8;
	[tilespmem:$0xB900] =	vst v63  }
0x27e: {  	s19 =	simm.s32 $0x4E0;
	s20 =	simm.s32 $0x5800  }
0x27f: {  	[tilespmem:s20], [sflag:$0x3] =	stream.indirect.gather [hbm4b:s4+s15], $0x10, s19, s15, $0xb8;
	[tilespmem:$0xB900] =	vst v63  }
.LBB2_14:
0x280: {  	_ =	sfence.sel $0x180000  }
0x281: {  	[bflag:$0x0] =	sbarrier.arrive $0xFFFF  }
0x282: {  	_ =	strace $0x90000047  }
0x283: {  	[bflag:$0x2] =	sbarrier.arrive $0xFFFF  }
0x284: {  	s0 =	rddreg [dreg:$0x2]  }
0x285: {  	s0 =	sadd.s32 @!p0 $0x100000, s0  }
0x286: {  	[sflag:s0] =	ssyncadd.tile.s32 @!p0 $0x1;
	_ =	shalt  }
.Lfunc_end2:
_tile_overlayer_lowered:
.L_overlay_start_2:
0x287: {  	(tag) =	ssettag $0x2  }
0x288: {  	s0 =	rddreg [dreg:$0x0];
	s2 =	stileid.u32  }
0x289: {  	s1 =	rddreg [dreg:$0x1];
	p0 =	sne.s32 s2, $0x0  }
0x28a: {  	s3 =	rddreg [dreg:$0x2];
	[bflag:$0x3] =	sbarrier.arrive $0xFFFF;
	s2 =	simm.s32 @!p0 $0x1C07  }
0x28b: {  	[timem:s3], [sflag:s2] =	dma.local @!p0 [hbm:s0], s1  }
0x28c: {  	s0 =	simm.s32 @!p0 $0x7  }
0x28d: {  	_ =	swait.ge @!p0 [sflag:s0], s1  }
0x28e: {  	s1 =	ssub.s32 @!p0 $0x0, s1;
	[sflag:s0] =	ssyncset.done @!p0 $0x0  }
0x28f: {  	[sflag:s0] =	ssyncadd.s32 @!p0 s1  }
0x290: {  	[bflag:$0x3] =	sbarrier.arrive $0xFFFF  }
0x291: {  	_ =	shalt  }

</sc_bundles>
